<compile_context>
chip_gen: v7x
topology: tpu7x:2x2x1
jax: 0.10.2.dev20260603
libtpu: 0.0.44.dev20260713+nightly
codegen_flags: <defaults>
</compile_context>

<pallas_src>
import functools

import jax
import jax.numpy as jnp
from jax import lax
from jax.experimental import pallas as pl
from jax.experimental.pallas import tpu as pltpu
from jax.experimental.pallas import tpu_sc as plsc

N = 10000
E = 320000
D = 128

NC = 2
NS = 16
NW = NC * NS

K = 72
NCH = 139
E_PAD = NW * NCH * K
N_PAD = 10112
ROWS_PER_SUB = N_PAD // NS
NZC = ROWS_PER_SUB // K
ZTAIL = ROWS_PER_SUB - NZC * K
NB = 5
RB = 8
LA = 6
JUNK_ROW = N_PAD - 1
CW = 16


def _agg_body(h_hbm, src_hbm, dst_hbm, zeros_hbm, agg_out,
              src_r, dst_r, rows_v, agg_sh, sem_i, sem_g, sem_s):
    c = lax.axis_index("c")
    s = lax.axis_index("s")
    wid = c * NS + s

    pltpu.sync_copy(zeros_hbm, rows_v.at[0])
    base = s * ROWS_PER_SUB
    for r in range(NZC):
        pltpu.sync_copy(rows_v.at[0], agg_sh.at[pl.ds(base + r * K, K)])
    pltpu.sync_copy(rows_v.at[0].at[pl.ds(0, ZTAIL)],
                    agg_sh.at[pl.ds(base + NZC * K, ZTAIL)])
    plsc.subcore_barrier()

    def idx_start(j, slot):
        pltpu.async_copy(src_hbm.at[wid].at[j], src_r.at[slot], sem_i)
        pltpu.async_copy(dst_hbm.at[wid].at[j], dst_r.at[slot], sem_i)

    def idx_wait(j, slot):
        pltpu.make_async_copy(src_hbm.at[wid].at[j], src_r.at[slot],
                              sem_i).wait()
        pltpu.make_async_copy(dst_hbm.at[wid].at[j], dst_r.at[slot],
                              sem_i).wait()

    def gath_start(islot, bslot):
        pltpu.async_copy(h_hbm.at[src_r.at[islot]], rows_v.at[bslot], sem_g)

    def gath_wait(islot, bslot):
        pltpu.make_async_copy(h_hbm.at[src_r.at[islot]], rows_v.at[bslot],
                              sem_g).wait()

    def scat_start(islot, bslot):
        pltpu.async_copy(rows_v.at[bslot], agg_sh.at[dst_r.at[islot]], sem_s,
                         add=True)

    def scat_wait(islot, bslot):
        pltpu.make_async_copy(rows_v.at[bslot], agg_sh.at[dst_r.at[islot]],
                              sem_s).wait()

    for p in range(LA):
        idx_start(p, p)
    for p in range(NB - 1):
        idx_wait(p, p)
        gath_start(p, p)

    def body(j, carry):
        ij = lax.rem(j, RB)
        bj = lax.rem(j, NB)
        gath_wait(ij, bj)
        scat_start(ij, bj)

        @pl.when(j + LA < NCH)
        def _():
            idx_start(j + LA, lax.rem(j + LA, RB))

        @pl.when(j >= 1)
        def _():
            scat_wait(lax.rem(j - 1, RB), lax.rem(j - 1, NB))

        @pl.when(j + NB - 1 < NCH)
        def _():
            i2 = lax.rem(j + NB - 1, RB)
            idx_wait(j + NB - 1, i2)
            gath_start(i2, lax.rem(j + NB - 1, NB))

        return carry

    lax.fori_loop(0, NCH, body, 0)
    scat_wait(lax.rem(NCH - 1, RB), lax.rem(NCH - 1, NB))
    plsc.subcore_barrier()

    pltpu.sync_copy(agg_sh.at[pl.ds(base, ROWS_PER_SUB)],
                    agg_out.at[c].at[pl.ds(base, ROWS_PER_SUB)])


@functools.lru_cache(maxsize=None)
def _make_sc_agg():
    mesh = plsc.VectorSubcoreMesh(core_axis_name="c", subcore_axis_name="s",
                                  num_cores=NC, num_subcores=NS)
    return pl.kernel(
        _agg_body,
        out_type=jax.ShapeDtypeStruct((NC, N_PAD, D), jnp.float32),
        mesh=mesh,
        scratch_types=[
            pltpu.VMEM((RB, K), jnp.int32),
            pltpu.VMEM((RB, K), jnp.int32),
            pltpu.VMEM((NB, K, D), jnp.float32),
            pltpu.VMEM_SHARED((N_PAD, D), jnp.float32),
            pltpu.SemaphoreType.DMA,
            pltpu.SemaphoreType.DMA,
            pltpu.SemaphoreType.DMA,
        ],
    )


def _cnt_body(dst_hbm, ones_hbm, cnt_out, dst_v, ones_v, cnt_sh, sem_s):
    c = lax.axis_index("c")
    s = lax.axis_index("s")
    wid = c * NS + s

    pltpu.sync_copy(dst_hbm.at[wid], dst_v)
    pltpu.sync_copy(ones_hbm.at[pl.ds(0, K)], ones_v)
    base = s * ROWS_PER_SUB
    for r in range(NZC):
        pltpu.sync_copy(ones_v, cnt_sh.at[pl.ds(base + r * K, K)])
    pltpu.sync_copy(ones_v.at[pl.ds(0, ZTAIL)],
                    cnt_sh.at[pl.ds(base + NZC * K, ZTAIL)])
    plsc.subcore_barrier()
    pltpu.sync_copy(ones_hbm.at[pl.ds(K, K)], ones_v)

    def chunk(j, carry):
        pltpu.sync_copy(ones_v, cnt_sh.at[dst_v.at[j]], add=True)
        return carry

    lax.fori_loop(0, NCH, chunk, 0)
    plsc.subcore_barrier()

    pltpu.sync_copy(cnt_sh.at[pl.ds(base, ROWS_PER_SUB)],
                    cnt_out.at[c].at[pl.ds(base, ROWS_PER_SUB)])
    _ = sem_s


@functools.lru_cache(maxsize=None)
def _make_sc_cnt():
    mesh = plsc.VectorSubcoreMesh(core_axis_name="c", subcore_axis_name="s",
                                  num_cores=NC, num_subcores=NS)
    return pl.kernel(
        _cnt_body,
        out_type=jax.ShapeDtypeStruct((NC, N_PAD, CW), jnp.float32),
        mesh=mesh,
        scratch_types=[
            pltpu.VMEM((NCH, K), jnp.int32),
            pltpu.VMEM((K, CW), jnp.float32),
            pltpu.VMEM_SHARED((N_PAD, CW), jnp.float32),
            pltpu.SemaphoreType.DMA,
        ],
    )


def _dense_body(relu, agg_ref, cnt_ref, h_ref, wl_ref, wr_ref, b_ref, o_ref):
    agg = agg_ref[0] + agg_ref[1]
    cnt = cnt_ref[0, :, 0:1] + cnt_ref[1, :, 0:1]
    mean = agg / jnp.maximum(cnt, 1.0)
    acc = jnp.dot(mean, wl_ref[...], preferred_element_type=jnp.float32)
    acc = acc + jnp.dot(h_ref[...], wr_ref[...],
                        preferred_element_type=jnp.float32)
    acc = acc + b_ref[...]
    o_ref[...] = jnp.maximum(acc, 0.0) if relu else acc


def _tc_dense(agg2, cnt2, h, wl, wr, b, relu):
    B = N_PAD // 8
    return pl.pallas_call(
        functools.partial(_dense_body, relu),
        out_shape=jax.ShapeDtypeStruct((N_PAD, D), jnp.float32),
        grid=(N_PAD // B,),
        in_specs=[
            pl.BlockSpec((NC, B, D), lambda i: (0, i, 0)),
            pl.BlockSpec((NC, B, CW), lambda i: (0, i, 0)),
            pl.BlockSpec((B, D), lambda i: (i, 0)),
            pl.BlockSpec((D, D), lambda i: (0, 0)),
            pl.BlockSpec((D, D), lambda i: (0, 0)),
            pl.BlockSpec((1, D), lambda i: (0, 0)),
        ],
        out_specs=pl.BlockSpec((B, D), lambda i: (i, 0)),
    )(agg2, cnt2, h, wl, wr, b)


def kernel(x, edge_index, Wl0, Wr0, b0, Wl1, Wr1, b1, Wl2, Wr2, b2):
    src = edge_index[0]
    dst = edge_index[1]
    pad_e = E_PAD - E
    srcp = jnp.concatenate(
        [src, jnp.zeros((pad_e,), jnp.int32)]).reshape(NW, NCH, K)
    dstp = jnp.concatenate(
        [dst, jnp.full((pad_e,), JUNK_ROW, jnp.int32)]).reshape(NW, NCH, K)
    xp = jnp.pad(x, ((0, N_PAD - N), (0, 0)))
    zeros_blk = jnp.zeros((K, D), jnp.float32)
    zeros_ones_blk = jnp.concatenate(
        [jnp.zeros((K, CW), jnp.float32), jnp.ones((K, CW), jnp.float32)])

    cnt2 = _make_sc_cnt()(dstp, zeros_ones_blk)
    agg0 = _make_sc_agg()(xp, srcp, dstp, zeros_blk)
    h1 = _tc_dense(agg0, cnt2, xp, Wl0, Wr0, b0.reshape(1, D), relu=True)
    agg1 = _make_sc_agg()(h1, srcp, dstp, zeros_blk)
    h2 = _tc_dense(agg1, cnt2, h1, Wl1, Wr1, b1.reshape(1, D), relu=True)
    agg2 = _make_sc_agg()(h2, srcp, dstp, zeros_blk)
    h3 = _tc_dense(agg2, cnt2, h2, Wl2, Wr2, b2.reshape(1, D), relu=False)
    return h3[:N]

# --- scband reference (transcript-rebuilt; emitter-appended) ---
"""Pipeline reference for scband-flexible-graph-sage-4028679324281 (READ-ONLY COPY).

The authoritative reference and input builder live on the scoring server;
editing this copy changes nothing except your own understanding.
"""

import jax, jax.numpy as jnp
import numpy as np

N = 10000
E = 320000
D_IN = 128
D_HID = 128
D_OUT = 128

def _glorot(key, shape):
    lim = 1.0 / np.sqrt(shape[0])
    return jax.random.uniform(key, shape, dtype=jnp.float32, minval=-lim, maxval=lim)

def setup_inputs(seed: int = 0):
    key = jax.random.key(seed)
    ks = jax.random.split(key, 12)
    x = jax.random.normal(ks[0], (N, D_IN), dtype=jnp.float32)
    edge_index = jax.random.randint(ks[1], (2, E), 0, N, dtype=jnp.int32)
    dims = [(D_IN, D_HID), (D_HID, D_HID), (D_HID, D_OUT)]
    params = {}
    for i, (din, dout) in enumerate(dims):
        params['Wl%d' % i] = _glorot(ks[2 + 3 * i], (din, dout))
        params['Wr%d' % i] = _glorot(ks[3 + 3 * i], (din, dout))
        params['b%d' % i] = jnp.zeros((dout,), dtype=jnp.float32)
    out = {'x': x, 'edge_index': edge_index}
    out.update(params)
    return out

def _sage_conv(x, edge_index, Wl, Wr, b):
    # PyG SAGEConv (mean aggregation): out = mean_{j in N(i)} x_j @ Wl + x_i @ Wr + b
    src = edge_index[0]
    dst = edge_index[1]
    msgs = jnp.take(x, src, axis=0)
    agg = jax.ops.segment_sum(msgs, dst, num_segments=x.shape[0])
    cnt = jax.ops.segment_sum(jnp.ones((edge_index.shape[1],), dtype=jnp.float32), dst, num_segments=x.shape[0])
    agg = agg / jnp.clip(cnt, 1.0)[:, None]
    return agg @ Wl + x @ Wr + b

def reference(x, edge_index, Wl0, Wr0, b0, Wl1, Wr1, b1, Wl2, Wr2, b2):
    # eval mode: training=False, force_dropout=False -> dropout p=0 (identity)
    h = jax.nn.relu(_sage_conv(x, edge_index, Wl0, Wr0, b0))
    h = jax.nn.relu(_sage_conv(h, edge_index, Wl1, Wr1, b1))
    return _sage_conv(h, edge_index, Wl2, Wr2, b2)

if __name__ == "__main__":
    import jax
    _d = setup_inputs()
    print(jax.jit(kernel)(*tuple(_d.values())))

</pallas_src>

<mosaic_0001>
#map = affine_map<(d0, d1) -> (0, 0)>
#map1 = affine_map<(d0, d1) -> (0, 0, 0)>
module attributes {stable_mosaic.version = 14 : i64} {
  func.func @_agg_body(%arg0: i32, %arg1: i32, %arg2: memref<10112x128xf32, #tpu.memory_space<hbm>>, %arg3: memref<32x139x72xi32, #tpu.memory_space<hbm>>, %arg4: memref<32x139x72xi32, #tpu.memory_space<hbm>>, %arg5: memref<72x128xf32, #tpu.memory_space<hbm>>, %arg6: memref<2x10112x128xf32, #tpu.memory_space<hbm>>, %arg7: memref<8x72xi32, #tpu.memory_space<vmem>>, %arg8: memref<8x72xi32, #tpu.memory_space<vmem>>, %arg9: memref<5x72x128xf32, #tpu.memory_space<vmem>>, %arg10: memref<10112x128xf32, #tpu.memory_space<vmem_shared>>, %arg11: memref<!tpu.dma_semaphore, #tpu.memory_space<semaphore_mem>>, %arg12: memref<!tpu.dma_semaphore, #tpu.memory_space<semaphore_mem>>, %arg13: memref<!tpu.dma_semaphore, #tpu.memory_space<semaphore_mem>>) attributes {dimension_semantics = [#tpu.dimension_semantics<core_parallel>, #tpu.dimension_semantics<subcore_parallel>], iteration_bounds = array<i64: 2, 16>, scalar_prefetch = 0 : i64, scratch_operands = 7 : i64, tpu.core_type = #tpu.core_type<sc_vector_subcore>, window_params = [{transform_indices = #map}, {transform_indices = #map1}, {transform_indices = #map1}, {transform_indices = #map}, {transform_indices = #map1}]} {
    %mul3A = arith.constant 16 : i32
    %mul3A_0 = arith.muli %arg0, %mul3A : i32
    %add3A = arith.addi %mul3A_0, %arg1 : i32
    %run_scoped3A = arith.constant 0 : i32
    "tpu.region"() ({
      %run_scoped3A_537 = tpu.sem_alloc : memref<!tpu.dma_semaphore, #tpu.memory_space<semaphore_mem>>
      %dma_start3A_538 = arith.constant 0 : i32
      %dma_start3A_539 = arith.constant 0 : i32
      %dma_start3A_540 = tpu.memref_slice %arg9[%run_scoped3A, %dma_start3A_538, %dma_start3A_539] : memref<5x72x128xf32, #tpu.memory_space<vmem>> -> memref<1x72x128xf32, #tpu.memory_space<vmem>>
      %dma_start3A_541 = tpu.memref_squeeze %dma_start3A_540 : memref<1x72x128xf32, #tpu.memory_space<vmem>> -> memref<72x128xf32, #tpu.memory_space<vmem>>
      %dma_start3A_542 = arith.constant 0 : i32
      %dma_start3A_543 = arith.constant 0 : i32
      %dma_start3A_544 = tpu.memref_slice %arg9[%run_scoped3A, %dma_start3A_542, %dma_start3A_543] : memref<5x72x128xf32, #tpu.memory_space<vmem>> -> memref<1x72x128xf32, #tpu.memory_space<vmem>>
      %dma_start3A_545 = tpu.memref_squeeze %dma_start3A_544 : memref<1x72x128xf32, #tpu.memory_space<vmem>> -> memref<72x128xf32, #tpu.memory_space<vmem>>
      tpu.enqueue_dma source(%arg5 : memref<72x128xf32, #tpu.memory_space<hbm>>) target(%dma_start3A_545 : memref<72x128xf32, #tpu.memory_space<vmem>>) target_semaphore(%run_scoped3A_537 : memref<!tpu.dma_semaphore, #tpu.memory_space<semaphore_mem>>)
      %dma_wait3A_546 = arith.constant 0 : i32
      %dma_wait3A_547 = arith.constant 0 : i32
      %dma_wait3A_548 = tpu.memref_slice %arg9[%run_scoped3A, %dma_wait3A_546, %dma_wait3A_547] : memref<5x72x128xf32, #tpu.memory_space<vmem>> -> memref<1x72x128xf32, #tpu.memory_space<vmem>>
      %dma_wait3A_549 = tpu.memref_squeeze %dma_wait3A_548 : memref<1x72x128xf32, #tpu.memory_space<vmem>> -> memref<72x128xf32, #tpu.memory_space<vmem>>
      %dma_wait3A_550 = arith.constant 0 : i32
      %dma_wait3A_551 = arith.constant 0 : i32
      %dma_wait3A_552 = tpu.memref_slice %arg9[%run_scoped3A, %dma_wait3A_550, %dma_wait3A_551] : memref<5x72x128xf32, #tpu.memory_space<vmem>> -> memref<1x72x128xf32, #tpu.memory_space<vmem>>
      %dma_wait3A_553 = tpu.memref_squeeze %dma_wait3A_552 : memref<1x72x128xf32, #tpu.memory_space<vmem>> -> memref<72x128xf32, #tpu.memory_space<vmem>>
      tpu.wait_dma2 semaphore(%run_scoped3A_537 : memref<!tpu.dma_semaphore, #tpu.memory_space<semaphore_mem>>) src(%arg5 : memref<72x128xf32, #tpu.memory_space<hbm>>) dst(%dma_wait3A_553 : memref<72x128xf32, #tpu.memory_space<vmem>>)
      tpu.yield
    }) : () -> ()
    %mul3A_1 = arith.constant 632 : i32
    %mul3A_2 = arith.muli %arg1, %mul3A_1 : i32
    %add3A_3 = arith.constant 0 : i32
    %add3A_4 = arith.addi %mul3A_2, %add3A_3 : i32
    %run_scoped3A_5 = arith.constant 0 : i32
    "tpu.region"() ({
      %run_scoped3A_537 = tpu.sem_alloc : memref<!tpu.dma_semaphore, #tpu.memory_space<semaphore_mem>>
      %dma_start3A_538 = arith.constant 0 : i32
      %dma_start3A_539 = arith.constant 0 : i32
      %dma_start3A_540 = tpu.memref_slice %arg9[%run_scoped3A_5, %dma_start3A_538, %dma_start3A_539] : memref<5x72x128xf32, #tpu.memory_space<vmem>> -> memref<1x72x128xf32, #tpu.memory_space<vmem>>
      %dma_start3A_541 = tpu.memref_squeeze %dma_start3A_540 : memref<1x72x128xf32, #tpu.memory_space<vmem>> -> memref<72x128xf32, #tpu.memory_space<vmem>>
      %dma_start3A_542 = arith.constant 0 : i32
      %dma_start3A_543 = tpu.memref_slice %arg10[%add3A_4, %dma_start3A_542] : memref<10112x128xf32, #tpu.memory_space<vmem_shared>> -> memref<72x128xf32, #tpu.memory_space<vmem_shared>>
      %dma_start3A_544 = arith.constant 0 : i32
      %dma_start3A_545 = tpu.memref_slice %arg10[%add3A_4, %dma_start3A_544] : memref<10112x128xf32, #tpu.memory_space<vmem_shared>> -> memref<72x128xf32, #tpu.memory_space<vmem_shared>>
      %dma_start3A_546 = arith.constant 0 : i32
      %dma_start3A_547 = arith.constant 0 : i32
      %dma_start3A_548 = tpu.memref_slice %arg9[%run_scoped3A_5, %dma_start3A_546, %dma_start3A_547] : memref<5x72x128xf32, #tpu.memory_space<vmem>> -> memref<1x72x128xf32, #tpu.memory_space<vmem>>
      %dma_start3A_549 = tpu.memref_squeeze %dma_start3A_548 : memref<1x72x128xf32, #tpu.memory_space<vmem>> -> memref<72x128xf32, #tpu.memory_space<vmem>>
      tpu.enqueue_dma source(%dma_start3A_549 : memref<72x128xf32, #tpu.memory_space<vmem>>) target(%dma_start3A_545 : memref<72x128xf32, #tpu.memory_space<vmem_shared>>) target_semaphore(%run_scoped3A_537 : memref<!tpu.dma_semaphore, #tpu.memory_space<semaphore_mem>>)
      %dma_wait3A_550 = arith.constant 0 : i32
      %dma_wait3A_551 = arith.constant 0 : i32
      %dma_wait3A_552 = tpu.memref_slice %arg9[%run_scoped3A_5, %dma_wait3A_550, %dma_wait3A_551] : memref<5x72x128xf32, #tpu.memory_space<vmem>> -> memref<1x72x128xf32, #tpu.memory_space<vmem>>
      %dma_wait3A_553 = tpu.memref_squeeze %dma_wait3A_552 : memref<1x72x128xf32, #tpu.memory_space<vmem>> -> memref<72x128xf32, #tpu.memory_space<vmem>>
      %dma_wait3A_554 = arith.constant 0 : i32
      %dma_wait3A_555 = tpu.memref_slice %arg10[%add3A_4, %dma_wait3A_554] : memref<10112x128xf32, #tpu.memory_space<vmem_shared>> -> memref<72x128xf32, #tpu.memory_space<vmem_shared>>
      %dma_wait3A_556 = arith.constant 0 : i32
      %dma_wait3A_557 = tpu.memref_slice %arg10[%add3A_4, %dma_wait3A_556] : memref<10112x128xf32, #tpu.memory_space<vmem_shared>> -> memref<72x128xf32, #tpu.memory_space<vmem_shared>>
      %dma_wait3A_558 = arith.constant 0 : i32
      %dma_wait3A_559 = arith.constant 0 : i32
      %dma_wait3A_560 = tpu.memref_slice %arg9[%run_scoped3A_5, %dma_wait3A_558, %dma_wait3A_559] : memref<5x72x128xf32, #tpu.memory_space<vmem>> -> memref<1x72x128xf32, #tpu.memory_space<vmem>>
      %dma_wait3A_561 = tpu.memref_squeeze %dma_wait3A_560 : memref<1x72x128xf32, #tpu.memory_space<vmem>> -> memref<72x128xf32, #tpu.memory_space<vmem>>
      tpu.wait_dma2 semaphore(%run_scoped3A_537 : memref<!tpu.dma_semaphore, #tpu.memory_space<semaphore_mem>>) src(%dma_wait3A_561 : memref<72x128xf32, #tpu.memory_space<vmem>>) dst(%dma_wait3A_557 : memref<72x128xf32, #tpu.memory_space<vmem_shared>>)
      tpu.yield
    }) : () -> ()
    %add3A_6 = arith.constant 72 : i32
    %add3A_7 = arith.addi %mul3A_2, %add3A_6 : i32
    %run_scoped3A_8 = arith.constant 0 : i32
    "tpu.region"() ({
      %run_scoped3A_537 = tpu.sem_alloc : memref<!tpu.dma_semaphore, #tpu.memory_space<semaphore_mem>>
      %dma_start3A_538 = arith.constant 0 : i32
      %dma_start3A_539 = arith.constant 0 : i32
      %dma_start3A_540 = tpu.memref_slice %arg9[%run_scoped3A_8, %dma_start3A_538, %dma_start3A_539] : memref<5x72x128xf32, #tpu.memory_space<vmem>> -> memref<1x72x128xf32, #tpu.memory_space<vmem>>
      %dma_start3A_541 = tpu.memref_squeeze %dma_start3A_540 : memref<1x72x128xf32, #tpu.memory_space<vmem>> -> memref<72x128xf32, #tpu.memory_space<vmem>>
      %dma_start3A_542 = arith.constant 0 : i32
      %dma_start3A_543 = tpu.memref_slice %arg10[%add3A_7, %dma_start3A_542] : memref<10112x128xf32, #tpu.memory_space<vmem_shared>> -> memref<72x128xf32, #tpu.memory_space<vmem_shared>>
      %dma_start3A_544 = arith.constant 0 : i32
      %dma_start3A_545 = tpu.memref_slice %arg10[%add3A_7, %dma_start3A_544] : memref<10112x128xf32, #tpu.memory_space<vmem_shared>> -> memref<72x128xf32, #tpu.memory_space<vmem_shared>>
      %dma_start3A_546 = arith.constant 0 : i32
      %dma_start3A_547 = arith.constant 0 : i32
      %dma_start3A_548 = tpu.memref_slice %arg9[%run_scoped3A_8, %dma_start3A_546, %dma_start3A_547] : memref<5x72x128xf32, #tpu.memory_space<vmem>> -> memref<1x72x128xf32, #tpu.memory_space<vmem>>
      %dma_start3A_549 = tpu.memref_squeeze %dma_start3A_548 : memref<1x72x128xf32, #tpu.memory_space<vmem>> -> memref<72x128xf32, #tpu.memory_space<vmem>>
      tpu.enqueue_dma source(%dma_start3A_549 : memref<72x128xf32, #tpu.memory_space<vmem>>) target(%dma_start3A_545 : memref<72x128xf32, #tpu.memory_space<vmem_shared>>) target_semaphore(%run_scoped3A_537 : memref<!tpu.dma_semaphore, #tpu.memory_space<semaphore_mem>>)
      %dma_wait3A_550 = arith.constant 0 : i32
      %dma_wait3A_551 = arith.constant 0 : i32
      %dma_wait3A_552 = tpu.memref_slice %arg9[%run_scoped3A_8, %dma_wait3A_550, %dma_wait3A_551] : memref<5x72x128xf32, #tpu.memory_space<vmem>> -> memref<1x72x128xf32, #tpu.memory_space<vmem>>
      %dma_wait3A_553 = tpu.memref_squeeze %dma_wait3A_552 : memref<1x72x128xf32, #tpu.memory_space<vmem>> -> memref<72x128xf32, #tpu.memory_space<vmem>>
      %dma_wait3A_554 = arith.constant 0 : i32
      %dma_wait3A_555 = tpu.memref_slice %arg10[%add3A_7, %dma_wait3A_554] : memref<10112x128xf32, #tpu.memory_space<vmem_shared>> -> memref<72x128xf32, #tpu.memory_space<vmem_shared>>
      %dma_wait3A_556 = arith.constant 0 : i32
      %dma_wait3A_557 = tpu.memref_slice %arg10[%add3A_7, %dma_wait3A_556] : memref<10112x128xf32, #tpu.memory_space<vmem_shared>> -> memref<72x128xf32, #tpu.memory_space<vmem_shared>>
      %dma_wait3A_558 = arith.constant 0 : i32
      %dma_wait3A_559 = arith.constant 0 : i32
      %dma_wait3A_560 = tpu.memref_slice %arg9[%run_scoped3A_8, %dma_wait3A_558, %dma_wait3A_559] : memref<5x72x128xf32, #tpu.memory_space<vmem>> -> memref<1x72x128xf32, #tpu.memory_space<vmem>>
      %dma_wait3A_561 = tpu.memref_squeeze %dma_wait3A_560 : memref<1x72x128xf32, #tpu.memory_space<vmem>> -> memref<72x128xf32, #tpu.memory_space<vmem>>
      tpu.wait_dma2 semaphore(%run_scoped3A_537 : memref<!tpu.dma_semaphore, #tpu.memory_space<semaphore_mem>>) src(%dma_wait3A_561 : memref<72x128xf32, #tpu.memory_space<vmem>>) dst(%dma_wait3A_557 : memref<72x128xf32, #tpu.memory_space<vmem_shared>>)
      tpu.yield
    }) : () -> ()
    %add3A_9 = arith.constant 144 : i32
    %add3A_10 = arith.addi %mul3A_2, %add3A_9 : i32
    %run_scoped3A_11 = arith.constant 0 : i32
    "tpu.region"() ({
      %run_scoped3A_537 = tpu.sem_alloc : memref<!tpu.dma_semaphore, #tpu.memory_space<semaphore_mem>>
      %dma_start3A_538 = arith.constant 0 : i32
      %dma_start3A_539 = arith.constant 0 : i32
      %dma_start3A_540 = tpu.memref_slice %arg9[%run_scoped3A_11, %dma_start3A_538, %dma_start3A_539] : memref<5x72x128xf32, #tpu.memory_space<vmem>> -> memref<1x72x128xf32, #tpu.memory_space<vmem>>
      %dma_start3A_541 = tpu.memref_squeeze %dma_start3A_540 : memref<1x72x128xf32, #tpu.memory_space<vmem>> -> memref<72x128xf32, #tpu.memory_space<vmem>>
      %dma_start3A_542 = arith.constant 0 : i32
      %dma_start3A_543 = tpu.memref_slice %arg10[%add3A_10, %dma_start3A_542] : memref<10112x128xf32, #tpu.memory_space<vmem_shared>> -> memref<72x128xf32, #tpu.memory_space<vmem_shared>>
      %dma_start3A_544 = arith.constant 0 : i32
      %dma_start3A_545 = tpu.memref_slice %arg10[%add3A_10, %dma_start3A_544] : memref<10112x128xf32, #tpu.memory_space<vmem_shared>> -> memref<72x128xf32, #tpu.memory_space<vmem_shared>>
      %dma_start3A_546 = arith.constant 0 : i32
      %dma_start3A_547 = arith.constant 0 : i32
      %dma_start3A_548 = tpu.memref_slice %arg9[%run_scoped3A_11, %dma_start3A_546, %dma_start3A_547] : memref<5x72x128xf32, #tpu.memory_space<vmem>> -> memref<1x72x128xf32, #tpu.memory_space<vmem>>
      %dma_start3A_549 = tpu.memref_squeeze %dma_start3A_548 : memref<1x72x128xf32, #tpu.memory_space<vmem>> -> memref<72x128xf32, #tpu.memory_space<vmem>>
      tpu.enqueue_dma source(%dma_start3A_549 : memref<72x128xf32, #tpu.memory_space<vmem>>) target(%dma_start3A_545 : memref<72x128xf32, #tpu.memory_space<vmem_shared>>) target_semaphore(%run_scoped3A_537 : memref<!tpu.dma_semaphore, #tpu.memory_space<semaphore_mem>>)
      %dma_wait3A_550 = arith.constant 0 : i32
      %dma_wait3A_551 = arith.constant 0 : i32
      %dma_wait3A_552 = tpu.memref_slice %arg9[%run_scoped3A_11, %dma_wait3A_550, %dma_wait3A_551] : memref<5x72x128xf32, #tpu.memory_space<vmem>> -> memref<1x72x128xf32, #tpu.memory_space<vmem>>
      %dma_wait3A_553 = tpu.memref_squeeze %dma_wait3A_552 : memref<1x72x128xf32, #tpu.memory_space<vmem>> -> memref<72x128xf32, #tpu.memory_space<vmem>>
      %dma_wait3A_554 = arith.constant 0 : i32
      %dma_wait3A_555 = tpu.memref_slice %arg10[%add3A_10, %dma_wait3A_554] : memref<10112x128xf32, #tpu.memory_space<vmem_shared>> -> memref<72x128xf32, #tpu.memory_space<vmem_shared>>
      %dma_wait3A_556 = arith.constant 0 : i32
      %dma_wait3A_557 = tpu.memref_slice %arg10[%add3A_10, %dma_wait3A_556] : memref<10112x128xf32, #tpu.memory_space<vmem_shared>> -> memref<72x128xf32, #tpu.memory_space<vmem_shared>>
      %dma_wait3A_558 = arith.constant 0 : i32
      %dma_wait3A_559 = arith.constant 0 : i32
      %dma_wait3A_560 = tpu.memref_slice %arg9[%run_scoped3A_11, %dma_wait3A_558, %dma_wait3A_559] : memref<5x72x128xf32, #tpu.memory_space<vmem>> -> memref<1x72x128xf32, #tpu.memory_space<vmem>>
      %dma_wait3A_561 = tpu.memref_squeeze %dma_wait3A_560 : memref<1x72x128xf32, #tpu.memory_space<vmem>> -> memref<72x128xf32, #tpu.memory_space<vmem>>
      tpu.wait_dma2 semaphore(%run_scoped3A_537 : memref<!tpu.dma_semaphore, #tpu.memory_space<semaphore_mem>>) src(%dma_wait3A_561 : memref<72x128xf32, #tpu.memory_space<vmem>>) dst(%dma_wait3A_557 : memref<72x128xf32, #tpu.memory_space<vmem_shared>>)
      tpu.yield
    }) : () -> ()
    %add3A_12 = arith.constant 216 : i32
    %add3A_13 = arith.addi %mul3A_2, %add3A_12 : i32
    %run_scoped3A_14 = arith.constant 0 : i32
    "tpu.region"() ({
      %run_scoped3A_537 = tpu.sem_alloc : memref<!tpu.dma_semaphore, #tpu.memory_space<semaphore_mem>>
      %dma_start3A_538 = arith.constant 0 : i32
      %dma_start3A_539 = arith.constant 0 : i32
      %dma_start3A_540 = tpu.memref_slice %arg9[%run_scoped3A_14, %dma_start3A_538, %dma_start3A_539] : memref<5x72x128xf32, #tpu.memory_space<vmem>> -> memref<1x72x128xf32, #tpu.memory_space<vmem>>
      %dma_start3A_541 = tpu.memref_squeeze %dma_start3A_540 : memref<1x72x128xf32, #tpu.memory_space<vmem>> -> memref<72x128xf32, #tpu.memory_space<vmem>>
      %dma_start3A_542 = arith.constant 0 : i32
      %dma_start3A_543 = tpu.memref_slice %arg10[%add3A_13, %dma_start3A_542] : memref<10112x128xf32, #tpu.memory_space<vmem_shared>> -> memref<72x128xf32, #tpu.memory_space<vmem_shared>>
      %dma_start3A_544 = arith.constant 0 : i32
      %dma_start3A_545 = tpu.memref_slice %arg10[%add3A_13, %dma_start3A_544] : memref<10112x128xf32, #tpu.memory_space<vmem_shared>> -> memref<72x128xf32, #tpu.memory_space<vmem_shared>>
      %dma_start3A_546 = arith.constant 0 : i32
      %dma_start3A_547 = arith.constant 0 : i32
      %dma_start3A_548 = tpu.memref_slice %arg9[%run_scoped3A_14, %dma_start3A_546, %dma_start3A_547] : memref<5x72x128xf32, #tpu.memory_space<vmem>> -> memref<1x72x128xf32, #tpu.memory_space<vmem>>
      %dma_start3A_549 = tpu.memref_squeeze %dma_start3A_548 : memref<1x72x128xf32, #tpu.memory_space<vmem>> -> memref<72x128xf32, #tpu.memory_space<vmem>>
      tpu.enqueue_dma source(%dma_start3A_549 : memref<72x128xf32, #tpu.memory_space<vmem>>) target(%dma_start3A_545 : memref<72x128xf32, #tpu.memory_space<vmem_shared>>) target_semaphore(%run_scoped3A_537 : memref<!tpu.dma_semaphore, #tpu.memory_space<semaphore_mem>>)
      %dma_wait3A_550 = arith.constant 0 : i32
      %dma_wait3A_551 = arith.constant 0 : i32
      %dma_wait3A_552 = tpu.memref_slice %arg9[%run_scoped3A_14, %dma_wait3A_550, %dma_wait3A_551] : memref<5x72x128xf32, #tpu.memory_space<vmem>> -> memref<1x72x128xf32, #tpu.memory_space<vmem>>
      %dma_wait3A_553 = tpu.memref_squeeze %dma_wait3A_552 : memref<1x72x128xf32, #tpu.memory_space<vmem>> -> memref<72x128xf32, #tpu.memory_space<vmem>>
      %dma_wait3A_554 = arith.constant 0 : i32
      %dma_wait3A_555 = tpu.memref_slice %arg10[%add3A_13, %dma_wait3A_554] : memref<10112x128xf32, #tpu.memory_space<vmem_shared>> -> memref<72x128xf32, #tpu.memory_space<vmem_shared>>
      %dma_wait3A_556 = arith.constant 0 : i32
      %dma_wait3A_557 = tpu.memref_slice %arg10[%add3A_13, %dma_wait3A_556] : memref<10112x128xf32, #tpu.memory_space<vmem_shared>> -> memref<72x128xf32, #tpu.memory_space<vmem_shared>>
      %dma_wait3A_558 = arith.constant 0 : i32
      %dma_wait3A_559 = arith.constant 0 : i32
      %dma_wait3A_560 = tpu.memref_slice %arg9[%run_scoped3A_14, %dma_wait3A_558, %dma_wait3A_559] : memref<5x72x128xf32, #tpu.memory_space<vmem>> -> memref<1x72x128xf32, #tpu.memory_space<vmem>>
      %dma_wait3A_561 = tpu.memref_squeeze %dma_wait3A_560 : memref<1x72x128xf32, #tpu.memory_space<vmem>> -> memref<72x128xf32, #tpu.memory_space<vmem>>
      tpu.wait_dma2 semaphore(%run_scoped3A_537 : memref<!tpu.dma_semaphore, #tpu.memory_space<semaphore_mem>>) src(%dma_wait3A_561 : memref<72x128xf32, #tpu.memory_space<vmem>>) dst(%dma_wait3A_557 : memref<72x128xf32, #tpu.memory_space<vmem_shared>>)
      tpu.yield
    }) : () -> ()
    %add3A_15 = arith.constant 288 : i32
    %add3A_16 = arith.addi %mul3A_2, %add3A_15 : i32
    %run_scoped3A_17 = arith.constant 0 : i32
    "tpu.region"() ({
      %run_scoped3A_537 = tpu.sem_alloc : memref<!tpu.dma_semaphore, #tpu.memory_space<semaphore_mem>>
      %dma_start3A_538 = arith.constant 0 : i32
      %dma_start3A_539 = arith.constant 0 : i32
      %dma_start3A_540 = tpu.memref_slice %arg9[%run_scoped3A_17, %dma_start3A_538, %dma_start3A_539] : memref<5x72x128xf32, #tpu.memory_space<vmem>> -> memref<1x72x128xf32, #tpu.memory_space<vmem>>
      %dma_start3A_541 = tpu.memref_squeeze %dma_start3A_540 : memref<1x72x128xf32, #tpu.memory_space<vmem>> -> memref<72x128xf32, #tpu.memory_space<vmem>>
      %dma_start3A_542 = arith.constant 0 : i32
      %dma_start3A_543 = tpu.memref_slice %arg10[%add3A_16, %dma_start3A_542] : memref<10112x128xf32, #tpu.memory_space<vmem_shared>> -> memref<72x128xf32, #tpu.memory_space<vmem_shared>>
      %dma_start3A_544 = arith.constant 0 : i32
      %dma_start3A_545 = tpu.memref_slice %arg10[%add3A_16, %dma_start3A_544] : memref<10112x128xf32, #tpu.memory_space<vmem_shared>> -> memref<72x128xf32, #tpu.memory_space<vmem_shared>>
      %dma_start3A_546 = arith.constant 0 : i32
      %dma_start3A_547 = arith.constant 0 : i32
      %dma_start3A_548 = tpu.memref_slice %arg9[%run_scoped3A_17, %dma_start3A_546, %dma_start3A_547] : memref<5x72x128xf32, #tpu.memory_space<vmem>> -> memref<1x72x128xf32, #tpu.memory_space<vmem>>
      %dma_start3A_549 = tpu.memref_squeeze %dma_start3A_548 : memref<1x72x128xf32, #tpu.memory_space<vmem>> -> memref<72x128xf32, #tpu.memory_space<vmem>>
      tpu.enqueue_dma source(%dma_start3A_549 : memref<72x128xf32, #tpu.memory_space<vmem>>) target(%dma_start3A_545 : memref<72x128xf32, #tpu.memory_space<vmem_shared>>) target_semaphore(%run_scoped3A_537 : memref<!tpu.dma_semaphore, #tpu.memory_space<semaphore_mem>>)
      %dma_wait3A_550 = arith.constant 0 : i32
      %dma_wait3A_551 = arith.constant 0 : i32
      %dma_wait3A_552 = tpu.memref_slice %arg9[%run_scoped3A_17, %dma_wait3A_550, %dma_wait3A_551] : memref<5x72x128xf32, #tpu.memory_space<vmem>> -> memref<1x72x128xf32, #tpu.memory_space<vmem>>
      %dma_wait3A_553 = tpu.memref_squeeze %dma_wait3A_552 : memref<1x72x128xf32, #tpu.memory_space<vmem>> -> memref<72x128xf32, #tpu.memory_space<vmem>>
      %dma_wait3A_554 = arith.constant 0 : i32
      %dma_wait3A_555 = tpu.memref_slice %arg10[%add3A_16, %dma_wait3A_554] : memref<10112x128xf32, #tpu.memory_space<vmem_shared>> -> memref<72x128xf32, #tpu.memory_space<vmem_shared>>
      %dma_wait3A_556 = arith.constant 0 : i32
      %dma_wait3A_557 = tpu.memref_slice %arg10[%add3A_16, %dma_wait3A_556] : memref<10112x128xf32, #tpu.memory_space<vmem_shared>> -> memref<72x128xf32, #tpu.memory_space<vmem_shared>>
      %dma_wait3A_558 = arith.constant 0 : i32
      %dma_wait3A_559 = arith.constant 0 : i32
      %dma_wait3A_560 = tpu.memref_slice %arg9[%run_scoped3A_17, %dma_wait3A_558, %dma_wait3A_559] : memref<5x72x128xf32, #tpu.memory_space<vmem>> -> memref<1x72x128xf32, #tpu.memory_space<vmem>>
      %dma_wait3A_561 = tpu.memref_squeeze %dma_wait3A_560 : memref<1x72x128xf32, #tpu.memory_space<vmem>> -> memref<72x128xf32, #tpu.memory_space<vmem>>
      tpu.wait_dma2 semaphore(%run_scoped3A_537 : memref<!tpu.dma_semaphore, #tpu.memory_space<semaphore_mem>>) src(%dma_wait3A_561 : memref<72x128xf32, #tpu.memory_space<vmem>>) dst(%dma_wait3A_557 : memref<72x128xf32, #tpu.memory_space<vmem_shared>>)
      tpu.yield
    }) : () -> ()
    %add3A_18 = arith.constant 360 : i32
    %add3A_19 = arith.addi %mul3A_2, %add3A_18 : i32
    %run_scoped3A_20 = arith.constant 0 : i32
    "tpu.region"() ({
      %run_scoped3A_537 = tpu.sem_alloc : memref<!tpu.dma_semaphore, #tpu.memory_space<semaphore_mem>>
      %dma_start3A_538 = arith.constant 0 : i32
      %dma_start3A_539 = arith.constant 0 : i32
      %dma_start3A_540 = tpu.memref_slice %arg9[%run_scoped3A_20, %dma_start3A_538, %dma_start3A_539] : memref<5x72x128xf32, #tpu.memory_space<vmem>> -> memref<1x72x128xf32, #tpu.memory_space<vmem>>
      %dma_start3A_541 = tpu.memref_squeeze %dma_start3A_540 : memref<1x72x128xf32, #tpu.memory_space<vmem>> -> memref<72x128xf32, #tpu.memory_space<vmem>>
      %dma_start3A_542 = arith.constant 0 : i32
      %dma_start3A_543 = tpu.memref_slice %arg10[%add3A_19, %dma_start3A_542] : memref<10112x128xf32, #tpu.memory_space<vmem_shared>> -> memref<72x128xf32, #tpu.memory_space<vmem_shared>>
      %dma_start3A_544 = arith.constant 0 : i32
      %dma_start3A_545 = tpu.memref_slice %arg10[%add3A_19, %dma_start3A_544] : memref<10112x128xf32, #tpu.memory_space<vmem_shared>> -> memref<72x128xf32, #tpu.memory_space<vmem_shared>>
      %dma_start3A_546 = arith.constant 0 : i32
      %dma_start3A_547 = arith.constant 0 : i32
      %dma_start3A_548 = tpu.memref_slice %arg9[%run_scoped3A_20, %dma_start3A_546, %dma_start3A_547] : memref<5x72x128xf32, #tpu.memory_space<vmem>> -> memref<1x72x128xf32, #tpu.memory_space<vmem>>
      %dma_start3A_549 = tpu.memref_squeeze %dma_start3A_548 : memref<1x72x128xf32, #tpu.memory_space<vmem>> -> memref<72x128xf32, #tpu.memory_space<vmem>>
      tpu.enqueue_dma source(%dma_start3A_549 : memref<72x128xf32, #tpu.memory_space<vmem>>) target(%dma_start3A_545 : memref<72x128xf32, #tpu.memory_space<vmem_shared>>) target_semaphore(%run_scoped3A_537 : memref<!tpu.dma_semaphore, #tpu.memory_space<semaphore_mem>>)
      %dma_wait3A_550 = arith.constant 0 : i32
      %dma_wait3A_551 = arith.constant 0 : i32
      %dma_wait3A_552 = tpu.memref_slice %arg9[%run_scoped3A_20, %dma_wait3A_550, %dma_wait3A_551] : memref<5x72x128xf32, #tpu.memory_space<vmem>> -> memref<1x72x128xf32, #tpu.memory_space<vmem>>
      %dma_wait3A_553 = tpu.memref_squeeze %dma_wait3A_552 : memref<1x72x128xf32, #tpu.memory_space<vmem>> -> memref<72x128xf32, #tpu.memory_space<vmem>>
      %dma_wait3A_554 = arith.constant 0 : i32
      %dma_wait3A_555 = tpu.memref_slice %arg10[%add3A_19, %dma_wait3A_554] : memref<10112x128xf32, #tpu.memory_space<vmem_shared>> -> memref<72x128xf32, #tpu.memory_space<vmem_shared>>
      %dma_wait3A_556 = arith.constant 0 : i32
      %dma_wait3A_557 = tpu.memref_slice %arg10[%add3A_19, %dma_wait3A_556] : memref<10112x128xf32, #tpu.memory_space<vmem_shared>> -> memref<72x128xf32, #tpu.memory_space<vmem_shared>>
      %dma_wait3A_558 = arith.constant 0 : i32
      %dma_wait3A_559 = arith.constant 0 : i32
      %dma_wait3A_560 = tpu.memref_slice %arg9[%run_scoped3A_20, %dma_wait3A_558, %dma_wait3A_559] : memref<5x72x128xf32, #tpu.memory_space<vmem>> -> memref<1x72x128xf32, #tpu.memory_space<vmem>>
      %dma_wait3A_561 = tpu.memref_squeeze %dma_wait3A_560 : memref<1x72x128xf32, #tpu.memory_space<vmem>> -> memref<72x128xf32, #tpu.memory_space<vmem>>
      tpu.wait_dma2 semaphore(%run_scoped3A_537 : memref<!tpu.dma_semaphore, #tpu.memory_space<semaphore_mem>>) src(%dma_wait3A_561 : memref<72x128xf32, #tpu.memory_space<vmem>>) dst(%dma_wait3A_557 : memref<72x128xf32, #tpu.memory_space<vmem_shared>>)
      tpu.yield
    }) : () -> ()
    %add3A_21 = arith.constant 432 : i32
    %add3A_22 = arith.addi %mul3A_2, %add3A_21 : i32
    %run_scoped3A_23 = arith.constant 0 : i32
    "tpu.region"() ({
      %run_scoped3A_537 = tpu.sem_alloc : memref<!tpu.dma_semaphore, #tpu.memory_space<semaphore_mem>>
      %dma_start3A_538 = arith.constant 0 : i32
      %dma_start3A_539 = arith.constant 0 : i32
      %dma_start3A_540 = tpu.memref_slice %arg9[%run_scoped3A_23, %dma_start3A_538, %dma_start3A_539] : memref<5x72x128xf32, #tpu.memory_space<vmem>> -> memref<1x72x128xf32, #tpu.memory_space<vmem>>
      %dma_start3A_541 = tpu.memref_squeeze %dma_start3A_540 : memref<1x72x128xf32, #tpu.memory_space<vmem>> -> memref<72x128xf32, #tpu.memory_space<vmem>>
      %dma_start3A_542 = arith.constant 0 : i32
      %dma_start3A_543 = tpu.memref_slice %arg10[%add3A_22, %dma_start3A_542] : memref<10112x128xf32, #tpu.memory_space<vmem_shared>> -> memref<72x128xf32, #tpu.memory_space<vmem_shared>>
      %dma_start3A_544 = arith.constant 0 : i32
      %dma_start3A_545 = tpu.memref_slice %arg10[%add3A_22, %dma_start3A_544] : memref<10112x128xf32, #tpu.memory_space<vmem_shared>> -> memref<72x128xf32, #tpu.memory_space<vmem_shared>>
      %dma_start3A_546 = arith.constant 0 : i32
      %dma_start3A_547 = arith.constant 0 : i32
      %dma_start3A_548 = tpu.memref_slice %arg9[%run_scoped3A_23, %dma_start3A_546, %dma_start3A_547] : memref<5x72x128xf32, #tpu.memory_space<vmem>> -> memref<1x72x128xf32, #tpu.memory_space<vmem>>
      %dma_start3A_549 = tpu.memref_squeeze %dma_start3A_548 : memref<1x72x128xf32, #tpu.memory_space<vmem>> -> memref<72x128xf32, #tpu.memory_space<vmem>>
      tpu.enqueue_dma source(%dma_start3A_549 : memref<72x128xf32, #tpu.memory_space<vmem>>) target(%dma_start3A_545 : memref<72x128xf32, #tpu.memory_space<vmem_shared>>) target_semaphore(%run_scoped3A_537 : memref<!tpu.dma_semaphore, #tpu.memory_space<semaphore_mem>>)
      %dma_wait3A_550 = arith.constant 0 : i32
      %dma_wait3A_551 = arith.constant 0 : i32
      %dma_wait3A_552 = tpu.memref_slice %arg9[%run_scoped3A_23, %dma_wait3A_550, %dma_wait3A_551] : memref<5x72x128xf32, #tpu.memory_space<vmem>> -> memref<1x72x128xf32, #tpu.memory_space<vmem>>
      %dma_wait3A_553 = tpu.memref_squeeze %dma_wait3A_552 : memref<1x72x128xf32, #tpu.memory_space<vmem>> -> memref<72x128xf32, #tpu.memory_space<vmem>>
      %dma_wait3A_554 = arith.constant 0 : i32
      %dma_wait3A_555 = tpu.memref_slice %arg10[%add3A_22, %dma_wait3A_554] : memref<10112x128xf32, #tpu.memory_space<vmem_shared>> -> memref<72x128xf32, #tpu.memory_space<vmem_shared>>
      %dma_wait3A_556 = arith.constant 0 : i32
      %dma_wait3A_557 = tpu.memref_slice %arg10[%add3A_22, %dma_wait3A_556] : memref<10112x128xf32, #tpu.memory_space<vmem_shared>> -> memref<72x128xf32, #tpu.memory_space<vmem_shared>>
      %dma_wait3A_558 = arith.constant 0 : i32
      %dma_wait3A_559 = arith.constant 0 : i32
      %dma_wait3A_560 = tpu.memref_slice %arg9[%run_scoped3A_23, %dma_wait3A_558, %dma_wait3A_559] : memref<5x72x128xf32, #tpu.memory_space<vmem>> -> memref<1x72x128xf32, #tpu.memory_space<vmem>>
      %dma_wait3A_561 = tpu.memref_squeeze %dma_wait3A_560 : memref<1x72x128xf32, #tpu.memory_space<vmem>> -> memref<72x128xf32, #tpu.memory_space<vmem>>
      tpu.wait_dma2 semaphore(%run_scoped3A_537 : memref<!tpu.dma_semaphore, #tpu.memory_space<semaphore_mem>>) src(%dma_wait3A_561 : memref<72x128xf32, #tpu.memory_space<vmem>>) dst(%dma_wait3A_557 : memref<72x128xf32, #tpu.memory_space<vmem_shared>>)
      tpu.yield
    }) : () -> ()
    %add3A_24 = arith.constant 504 : i32
    %add3A_25 = arith.addi %mul3A_2, %add3A_24 : i32
    %run_scoped3A_26 = arith.constant 0 : i32
    "tpu.region"() ({
      %run_scoped3A_537 = tpu.sem_alloc : memref<!tpu.dma_semaphore, #tpu.memory_space<semaphore_mem>>
      %dma_start3A_538 = arith.constant 0 : i32
      %dma_start3A_539 = arith.constant 0 : i32
      %dma_start3A_540 = tpu.memref_slice %arg9[%run_scoped3A_26, %dma_start3A_538, %dma_start3A_539] : memref<5x72x128xf32, #tpu.memory_space<vmem>> -> memref<1x72x128xf32, #tpu.memory_space<vmem>>
      %dma_start3A_541 = tpu.memref_squeeze %dma_start3A_540 : memref<1x72x128xf32, #tpu.memory_space<vmem>> -> memref<72x128xf32, #tpu.memory_space<vmem>>
      %dma_start3A_542 = arith.constant 0 : i32
      %dma_start3A_543 = tpu.memref_slice %arg10[%add3A_25, %dma_start3A_542] : memref<10112x128xf32, #tpu.memory_space<vmem_shared>> -> memref<72x128xf32, #tpu.memory_space<vmem_shared>>
      %dma_start3A_544 = arith.constant 0 : i32
      %dma_start3A_545 = tpu.memref_slice %arg10[%add3A_25, %dma_start3A_544] : memref<10112x128xf32, #tpu.memory_space<vmem_shared>> -> memref<72x128xf32, #tpu.memory_space<vmem_shared>>
      %dma_start3A_546 = arith.constant 0 : i32
      %dma_start3A_547 = arith.constant 0 : i32
      %dma_start3A_548 = tpu.memref_slice %arg9[%run_scoped3A_26, %dma_start3A_546, %dma_start3A_547] : memref<5x72x128xf32, #tpu.memory_space<vmem>> -> memref<1x72x128xf32, #tpu.memory_space<vmem>>
      %dma_start3A_549 = tpu.memref_squeeze %dma_start3A_548 : memref<1x72x128xf32, #tpu.memory_space<vmem>> -> memref<72x128xf32, #tpu.memory_space<vmem>>
      tpu.enqueue_dma source(%dma_start3A_549 : memref<72x128xf32, #tpu.memory_space<vmem>>) target(%dma_start3A_545 : memref<72x128xf32, #tpu.memory_space<vmem_shared>>) target_semaphore(%run_scoped3A_537 : memref<!tpu.dma_semaphore, #tpu.memory_space<semaphore_mem>>)
      %dma_wait3A_550 = arith.constant 0 : i32
      %dma_wait3A_551 = arith.constant 0 : i32
      %dma_wait3A_552 = tpu.memref_slice %arg9[%run_scoped3A_26, %dma_wait3A_550, %dma_wait3A_551] : memref<5x72x128xf32, #tpu.memory_space<vmem>> -> memref<1x72x128xf32, #tpu.memory_space<vmem>>
      %dma_wait3A_553 = tpu.memref_squeeze %dma_wait3A_552 : memref<1x72x128xf32, #tpu.memory_space<vmem>> -> memref<72x128xf32, #tpu.memory_space<vmem>>
      %dma_wait3A_554 = arith.constant 0 : i32
      %dma_wait3A_555 = tpu.memref_slice %arg10[%add3A_25, %dma_wait3A_554] : memref<10112x128xf32, #tpu.memory_space<vmem_shared>> -> memref<72x128xf32, #tpu.memory_space<vmem_shared>>
      %dma_wait3A_556 = arith.constant 0 : i32
      %dma_wait3A_557 = tpu.memref_slice %arg10[%add3A_25, %dma_wait3A_556] : memref<10112x128xf32, #tpu.memory_space<vmem_shared>> -> memref<72x128xf32, #tpu.memory_space<vmem_shared>>
      %dma_wait3A_558 = arith.constant 0 : i32
      %dma_wait3A_559 = arith.constant 0 : i32
      %dma_wait3A_560 = tpu.memref_slice %arg9[%run_scoped3A_26, %dma_wait3A_558, %dma_wait3A_559] : memref<5x72x128xf32, #tpu.memory_space<vmem>> -> memref<1x72x128xf32, #tpu.memory_space<vmem>>
      %dma_wait3A_561 = tpu.memref_squeeze %dma_wait3A_560 : memref<1x72x128xf32, #tpu.memory_space<vmem>> -> memref<72x128xf32, #tpu.memory_space<vmem>>
      tpu.wait_dma2 semaphore(%run_scoped3A_537 : memref<!tpu.dma_semaphore, #tpu.memory_space<semaphore_mem>>) src(%dma_wait3A_561 : memref<72x128xf32, #tpu.memory_space<vmem>>) dst(%dma_wait3A_557 : memref<72x128xf32, #tpu.memory_space<vmem_shared>>)
      tpu.yield
    }) : () -> ()
    %add3A_27 = arith.constant 576 : i32
    %add3A_28 = arith.addi %mul3A_2, %add3A_27 : i32
    %run_scoped3A_29 = arith.constant 0 : i32
    "tpu.region"() ({
      %run_scoped3A_537 = tpu.sem_alloc : memref<!tpu.dma_semaphore, #tpu.memory_space<semaphore_mem>>
      %dma_start3A_538 = arith.constant 0 : i32
      %dma_start3A_539 = arith.constant 0 : i32
      %dma_start3A_540 = tpu.memref_slice %arg9[%run_scoped3A_29, %dma_start3A_538, %dma_start3A_539] : memref<5x72x128xf32, #tpu.memory_space<vmem>> -> memref<1x72x128xf32, #tpu.memory_space<vmem>>
      %dma_start3A_541 = tpu.memref_squeeze %dma_start3A_540 : memref<1x72x128xf32, #tpu.memory_space<vmem>> -> memref<72x128xf32, #tpu.memory_space<vmem>>
      %dma_start3A_542 = arith.constant 0 : i32
      %dma_start3A_543 = arith.constant 0 : i32
      %dma_start3A_544 = tpu.memref_slice %dma_start3A_541[%dma_start3A_542, %dma_start3A_543] : memref<72x128xf32, #tpu.memory_space<vmem>> -> memref<56x128xf32, #tpu.memory_space<vmem>>
      %dma_start3A_545 = arith.constant 0 : i32
      %dma_start3A_546 = tpu.memref_slice %arg10[%add3A_28, %dma_start3A_545] : memref<10112x128xf32, #tpu.memory_space<vmem_shared>> -> memref<56x128xf32, #tpu.memory_space<vmem_shared>>
      %dma_start3A_547 = arith.constant 0 : i32
      %dma_start3A_548 = tpu.memref_slice %arg10[%add3A_28, %dma_start3A_547] : memref<10112x128xf32, #tpu.memory_space<vmem_shared>> -> memref<56x128xf32, #tpu.memory_space<vmem_shared>>
      %dma_start3A_549 = arith.constant 0 : i32
      %dma_start3A_550 = arith.constant 0 : i32
      %dma_start3A_551 = tpu.memref_slice %arg9[%run_scoped3A_29, %dma_start3A_549, %dma_start3A_550] : memref<5x72x128xf32, #tpu.memory_space<vmem>> -> memref<1x72x128xf32, #tpu.memory_space<vmem>>
      %dma_start3A_552 = tpu.memref_squeeze %dma_start3A_551 : memref<1x72x128xf32, #tpu.memory_space<vmem>> -> memref<72x128xf32, #tpu.memory_space<vmem>>
      %dma_start3A_553 = arith.constant 0 : i32
      %dma_start3A_554 = arith.constant 0 : i32
      %dma_start3A_555 = tpu.memref_slice %dma_start3A_552[%dma_start3A_553, %dma_start3A_554] : memref<72x128xf32, #tpu.memory_space<vmem>> -> memref<56x128xf32, #tpu.memory_space<vmem>>
      tpu.enqueue_dma source(%dma_start3A_555 : memref<56x128xf32, #tpu.memory_space<vmem>>) target(%dma_start3A_548 : memref<56x128xf32, #tpu.memory_space<vmem_shared>>) target_semaphore(%run_scoped3A_537 : memref<!tpu.dma_semaphore, #tpu.memory_space<semaphore_mem>>)
      %dma_wait3A_556 = arith.constant 0 : i32
      %dma_wait3A_557 = arith.constant 0 : i32
      %dma_wait3A_558 = tpu.memref_slice %arg9[%run_scoped3A_29, %dma_wait3A_556, %dma_wait3A_557] : memref<5x72x128xf32, #tpu.memory_space<vmem>> -> memref<1x72x128xf32, #tpu.memory_space<vmem>>
      %dma_wait3A_559 = tpu.memref_squeeze %dma_wait3A_558 : memref<1x72x128xf32, #tpu.memory_space<vmem>> -> memref<72x128xf32, #tpu.memory_space<vmem>>
      %dma_wait3A_560 = arith.constant 0 : i32
      %dma_wait3A_561 = arith.constant 0 : i32
      %dma_wait3A_562 = tpu.memref_slice %dma_wait3A_559[%dma_wait3A_560, %dma_wait3A_561] : memref<72x128xf32, #tpu.memory_space<vmem>> -> memref<56x128xf32, #tpu.memory_space<vmem>>
      %dma_wait3A_563 = arith.constant 0 : i32
      %dma_wait3A_564 = tpu.memref_slice %arg10[%add3A_28, %dma_wait3A_563] : memref<10112x128xf32, #tpu.memory_space<vmem_shared>> -> memref<56x128xf32, #tpu.memory_space<vmem_shared>>
      %dma_wait3A_565 = arith.constant 0 : i32
      %dma_wait3A_566 = tpu.memref_slice %arg10[%add3A_28, %dma_wait3A_565] : memref<10112x128xf32, #tpu.memory_space<vmem_shared>> -> memref<56x128xf32, #tpu.memory_space<vmem_shared>>
      %dma_wait3A_567 = arith.constant 0 : i32
      %dma_wait3A_568 = arith.constant 0 : i32
      %dma_wait3A_569 = tpu.memref_slice %arg9[%run_scoped3A_29, %dma_wait3A_567, %dma_wait3A_568] : memref<5x72x128xf32, #tpu.memory_space<vmem>> -> memref<1x72x128xf32, #tpu.memory_space<vmem>>
      %dma_wait3A_570 = tpu.memref_squeeze %dma_wait3A_569 : memref<1x72x128xf32, #tpu.memory_space<vmem>> -> memref<72x128xf32, #tpu.memory_space<vmem>>
      %dma_wait3A_571 = arith.constant 0 : i32
      %dma_wait3A_572 = arith.constant 0 : i32
      %dma_wait3A_573 = tpu.memref_slice %dma_wait3A_570[%dma_wait3A_571, %dma_wait3A_572] : memref<72x128xf32, #tpu.memory_space<vmem>> -> memref<56x128xf32, #tpu.memory_space<vmem>>
      tpu.wait_dma2 semaphore(%run_scoped3A_537 : memref<!tpu.dma_semaphore, #tpu.memory_space<semaphore_mem>>) src(%dma_wait3A_573 : memref<56x128xf32, #tpu.memory_space<vmem>>) dst(%dma_wait3A_566 : memref<56x128xf32, #tpu.memory_space<vmem_shared>>)
      tpu.yield
    }) : () -> ()
    %barrier3A = arith.constant 0 : index
    tpu.barrier barrier_id(%barrier3A)
    %dma_start3A = arith.constant 0 : i32
    %dma_start3A_30 = arith.constant 0 : i32
    %dma_start3A_31 = arith.constant 0 : i32
    %dma_start3A_32 = tpu.memref_slice %arg7[%dma_start3A_30, %dma_start3A_31] : memref<8x72xi32, #tpu.memory_space<vmem>> -> memref<1x72xi32, #tpu.memory_space<vmem>>
    %dma_start3A_33 = tpu.memref_squeeze %dma_start3A_32 : memref<1x72xi32, #tpu.memory_space<vmem>> -> memref<72xi32, #tpu.memory_space<vmem>>
    %dma_start3A_34 = arith.constant 0 : i32
    %dma_start3A_35 = arith.constant 0 : i32
    %dma_start3A_36 = tpu.memref_slice %arg3[%add3A, %dma_start3A_34, %dma_start3A_35] : memref<32x139x72xi32, #tpu.memory_space<hbm>> -> memref<1x139x72xi32, #tpu.memory_space<hbm>>
    %dma_start3A_37 = tpu.memref_squeeze %dma_start3A_36 : memref<1x139x72xi32, #tpu.memory_space<hbm>> -> memref<139x72xi32, #tpu.memory_space<hbm>>
    %dma_start3A_38 = arith.constant 0 : i32
    %dma_start3A_39 = tpu.memref_slice %dma_start3A_37[%dma_start3A, %dma_start3A_38] : memref<139x72xi32, #tpu.memory_space<hbm>> -> memref<1x72xi32, #tpu.memory_space<hbm>>
    %dma_start3A_40 = tpu.memref_squeeze %dma_start3A_39 : memref<1x72xi32, #tpu.memory_space<hbm>> -> memref<72xi32, #tpu.memory_space<hbm>>
    %dma_start3A_41 = arith.constant 0 : i32
    %dma_start3A_42 = tpu.memref_slice %arg7[%dma_start3A_30, %dma_start3A_41] : memref<8x72xi32, #tpu.memory_space<vmem>> -> memref<1x72xi32, #tpu.memory_space<vmem>>
    %dma_start3A_43 = tpu.memref_squeeze %dma_start3A_42 : memref<1x72xi32, #tpu.memory_space<vmem>> -> memref<72xi32, #tpu.memory_space<vmem>>
    %dma_start3A_44 = arith.constant 0 : i32
    %dma_start3A_45 = arith.constant 0 : i32
    %dma_start3A_46 = tpu.memref_slice %arg3[%add3A, %dma_start3A_44, %dma_start3A_45] : memref<32x139x72xi32, #tpu.memory_space<hbm>> -> memref<1x139x72xi32, #tpu.memory_space<hbm>>
    %dma_start3A_47 = tpu.memref_squeeze %dma_start3A_46 : memref<1x139x72xi32, #tpu.memory_space<hbm>> -> memref<139x72xi32, #tpu.memory_space<hbm>>
    %dma_start3A_48 = arith.constant 0 : i32
    %dma_start3A_49 = tpu.memref_slice %dma_start3A_47[%dma_start3A, %dma_start3A_48] : memref<139x72xi32, #tpu.memory_space<hbm>> -> memref<1x72xi32, #tpu.memory_space<hbm>>
    %dma_start3A_50 = tpu.memref_squeeze %dma_start3A_49 : memref<1x72xi32, #tpu.memory_space<hbm>> -> memref<72xi32, #tpu.memory_space<hbm>>
    tpu.enqueue_dma source(%dma_start3A_50 : memref<72xi32, #tpu.memory_space<hbm>>) target(%dma_start3A_43 : memref<72xi32, #tpu.memory_space<vmem>>) target_semaphore(%arg11 : memref<!tpu.dma_semaphore, #tpu.memory_space<semaphore_mem>>)
    %dma_start3A_51 = arith.constant 0 : i32
    %dma_start3A_52 = arith.constant 0 : i32
    %dma_start3A_53 = arith.constant 0 : i32
    %dma_start3A_54 = tpu.memref_slice %arg8[%dma_start3A_52, %dma_start3A_53] : memref<8x72xi32, #tpu.memory_space<vmem>> -> memref<1x72xi32, #tpu.memory_space<vmem>>
    %dma_start3A_55 = tpu.memref_squeeze %dma_start3A_54 : memref<1x72xi32, #tpu.memory_space<vmem>> -> memref<72xi32, #tpu.memory_space<vmem>>
    %dma_start3A_56 = arith.constant 0 : i32
    %dma_start3A_57 = arith.constant 0 : i32
    %dma_start3A_58 = tpu.memref_slice %arg4[%add3A, %dma_start3A_56, %dma_start3A_57] : memref<32x139x72xi32, #tpu.memory_space<hbm>> -> memref<1x139x72xi32, #tpu.memory_space<hbm>>
    %dma_start3A_59 = tpu.memref_squeeze %dma_start3A_58 : memref<1x139x72xi32, #tpu.memory_space<hbm>> -> memref<139x72xi32, #tpu.memory_space<hbm>>
    %dma_start3A_60 = arith.constant 0 : i32
    %dma_start3A_61 = tpu.memref_slice %dma_start3A_59[%dma_start3A_51, %dma_start3A_60] : memref<139x72xi32, #tpu.memory_space<hbm>> -> memref<1x72xi32, #tpu.memory_space<hbm>>
    %dma_start3A_62 = tpu.memref_squeeze %dma_start3A_61 : memref<1x72xi32, #tpu.memory_space<hbm>> -> memref<72xi32, #tpu.memory_space<hbm>>
    %dma_start3A_63 = arith.constant 0 : i32
    %dma_start3A_64 = tpu.memref_slice %arg8[%dma_start3A_52, %dma_start3A_63] : memref<8x72xi32, #tpu.memory_space<vmem>> -> memref<1x72xi32, #tpu.memory_space<vmem>>
    %dma_start3A_65 = tpu.memref_squeeze %dma_start3A_64 : memref<1x72xi32, #tpu.memory_space<vmem>> -> memref<72xi32, #tpu.memory_space<vmem>>
    %dma_start3A_66 = arith.constant 0 : i32
    %dma_start3A_67 = arith.constant 0 : i32
    %dma_start3A_68 = tpu.memref_slice %arg4[%add3A, %dma_start3A_66, %dma_start3A_67] : memref<32x139x72xi32, #tpu.memory_space<hbm>> -> memref<1x139x72xi32, #tpu.memory_space<hbm>>
    %dma_start3A_69 = tpu.memref_squeeze %dma_start3A_68 : memref<1x139x72xi32, #tpu.memory_space<hbm>> -> memref<139x72xi32, #tpu.memory_space<hbm>>
    %dma_start3A_70 = arith.constant 0 : i32
    %dma_start3A_71 = tpu.memref_slice %dma_start3A_69[%dma_start3A_51, %dma_start3A_70] : memref<139x72xi32, #tpu.memory_space<hbm>> -> memref<1x72xi32, #tpu.memory_space<hbm>>
    %dma_start3A_72 = tpu.memref_squeeze %dma_start3A_71 : memref<1x72xi32, #tpu.memory_space<hbm>> -> memref<72xi32, #tpu.memory_space<hbm>>
    tpu.enqueue_dma source(%dma_start3A_72 : memref<72xi32, #tpu.memory_space<hbm>>) target(%dma_start3A_65 : memref<72xi32, #tpu.memory_space<vmem>>) target_semaphore(%arg11 : memref<!tpu.dma_semaphore, #tpu.memory_space<semaphore_mem>>)
    %dma_start3A_73 = arith.constant 1 : i32
    %dma_start3A_74 = arith.constant 1 : i32
    %dma_start3A_75 = arith.constant 0 : i32
    %dma_start3A_76 = tpu.memref_slice %arg7[%dma_start3A_74, %dma_start3A_75] : memref<8x72xi32, #tpu.memory_space<vmem>> -> memref<1x72xi32, #tpu.memory_space<vmem>>
    %dma_start3A_77 = tpu.memref_squeeze %dma_start3A_76 : memref<1x72xi32, #tpu.memory_space<vmem>> -> memref<72xi32, #tpu.memory_space<vmem>>
    %dma_start3A_78 = arith.constant 0 : i32
    %dma_start3A_79 = arith.constant 0 : i32
    %dma_start3A_80 = tpu.memref_slice %arg3[%add3A, %dma_start3A_78, %dma_start3A_79] : memref<32x139x72xi32, #tpu.memory_space<hbm>> -> memref<1x139x72xi32, #tpu.memory_space<hbm>>
    %dma_start3A_81 = tpu.memref_squeeze %dma_start3A_80 : memref<1x139x72xi32, #tpu.memory_space<hbm>> -> memref<139x72xi32, #tpu.memory_space<hbm>>
    %dma_start3A_82 = arith.constant 0 : i32
    %dma_start3A_83 = tpu.memref_slice %dma_start3A_81[%dma_start3A_73, %dma_start3A_82] : memref<139x72xi32, #tpu.memory_space<hbm>> -> memref<1x72xi32, #tpu.memory_space<hbm>>
    %dma_start3A_84 = tpu.memref_squeeze %dma_start3A_83 : memref<1x72xi32, #tpu.memory_space<hbm>> -> memref<72xi32, #tpu.memory_space<hbm>>
    %dma_start3A_85 = arith.constant 0 : i32
    %dma_start3A_86 = tpu.memref_slice %arg7[%dma_start3A_74, %dma_start3A_85] : memref<8x72xi32, #tpu.memory_space<vmem>> -> memref<1x72xi32, #tpu.memory_space<vmem>>
    %dma_start3A_87 = tpu.memref_squeeze %dma_start3A_86 : memref<1x72xi32, #tpu.memory_space<vmem>> -> memref<72xi32, #tpu.memory_space<vmem>>
    %dma_start3A_88 = arith.constant 0 : i32
    %dma_start3A_89 = arith.constant 0 : i32
    %dma_start3A_90 = tpu.memref_slice %arg3[%add3A, %dma_start3A_88, %dma_start3A_89] : memref<32x139x72xi32, #tpu.memory_space<hbm>> -> memref<1x139x72xi32, #tpu.memory_space<hbm>>
    %dma_start3A_91 = tpu.memref_squeeze %dma_start3A_90 : memref<1x139x72xi32, #tpu.memory_space<hbm>> -> memref<139x72xi32, #tpu.memory_space<hbm>>
    %dma_start3A_92 = arith.constant 0 : i32
    %dma_start3A_93 = tpu.memref_slice %dma_start3A_91[%dma_start3A_73, %dma_start3A_92] : memref<139x72xi32, #tpu.memory_space<hbm>> -> memref<1x72xi32, #tpu.memory_space<hbm>>
    %dma_start3A_94 = tpu.memref_squeeze %dma_start3A_93 : memref<1x72xi32, #tpu.memory_space<hbm>> -> memref<72xi32, #tpu.memory_space<hbm>>
    tpu.enqueue_dma source(%dma_start3A_94 : memref<72xi32, #tpu.memory_space<hbm>>) target(%dma_start3A_87 : memref<72xi32, #tpu.memory_space<vmem>>) target_semaphore(%arg11 : memref<!tpu.dma_semaphore, #tpu.memory_space<semaphore_mem>>)
    %dma_start3A_95 = arith.constant 1 : i32
    %dma_start3A_96 = arith.constant 1 : i32
    %dma_start3A_97 = arith.constant 0 : i32
    %dma_start3A_98 = tpu.memref_slice %arg8[%dma_start3A_96, %dma_start3A_97] : memref<8x72xi32, #tpu.memory_space<vmem>> -> memref<1x72xi32, #tpu.memory_space<vmem>>
    %dma_start3A_99 = tpu.memref_squeeze %dma_start3A_98 : memref<1x72xi32, #tpu.memory_space<vmem>> -> memref<72xi32, #tpu.memory_space<vmem>>
    %dma_start3A_100 = arith.constant 0 : i32
    %dma_start3A_101 = arith.constant 0 : i32
    %dma_start3A_102 = tpu.memref_slice %arg4[%add3A, %dma_start3A_100, %dma_start3A_101] : memref<32x139x72xi32, #tpu.memory_space<hbm>> -> memref<1x139x72xi32, #tpu.memory_space<hbm>>
    %dma_start3A_103 = tpu.memref_squeeze %dma_start3A_102 : memref<1x139x72xi32, #tpu.memory_space<hbm>> -> memref<139x72xi32, #tpu.memory_space<hbm>>
    %dma_start3A_104 = arith.constant 0 : i32
    %dma_start3A_105 = tpu.memref_slice %dma_start3A_103[%dma_start3A_95, %dma_start3A_104] : memref<139x72xi32, #tpu.memory_space<hbm>> -> memref<1x72xi32, #tpu.memory_space<hbm>>
    %dma_start3A_106 = tpu.memref_squeeze %dma_start3A_105 : memref<1x72xi32, #tpu.memory_space<hbm>> -> memref<72xi32, #tpu.memory_space<hbm>>
    %dma_start3A_107 = arith.constant 0 : i32
    %dma_start3A_108 = tpu.memref_slice %arg8[%dma_start3A_96, %dma_start3A_107] : memref<8x72xi32, #tpu.memory_space<vmem>> -> memref<1x72xi32, #tpu.memory_space<vmem>>
    %dma_start3A_109 = tpu.memref_squeeze %dma_start3A_108 : memref<1x72xi32, #tpu.memory_space<vmem>> -> memref<72xi32, #tpu.memory_space<vmem>>
    %dma_start3A_110 = arith.constant 0 : i32
    %dma_start3A_111 = arith.constant 0 : i32
    %dma_start3A_112 = tpu.memref_slice %arg4[%add3A, %dma_start3A_110, %dma_start3A_111] : memref<32x139x72xi32, #tpu.memory_space<hbm>> -> memref<1x139x72xi32, #tpu.memory_space<hbm>>
    %dma_start3A_113 = tpu.memref_squeeze %dma_start3A_112 : memref<1x139x72xi32, #tpu.memory_space<hbm>> -> memref<139x72xi32, #tpu.memory_space<hbm>>
    %dma_start3A_114 = arith.constant 0 : i32
    %dma_start3A_115 = tpu.memref_slice %dma_start3A_113[%dma_start3A_95, %dma_start3A_114] : memref<139x72xi32, #tpu.memory_space<hbm>> -> memref<1x72xi32, #tpu.memory_space<hbm>>
    %dma_start3A_116 = tpu.memref_squeeze %dma_start3A_115 : memref<1x72xi32, #tpu.memory_space<hbm>> -> memref<72xi32, #tpu.memory_space<hbm>>
    tpu.enqueue_dma source(%dma_start3A_116 : memref<72xi32, #tpu.memory_space<hbm>>) target(%dma_start3A_109 : memref<72xi32, #tpu.memory_space<vmem>>) target_semaphore(%arg11 : memref<!tpu.dma_semaphore, #tpu.memory_space<semaphore_mem>>)
    %dma_start3A_117 = arith.constant 2 : i32
    %dma_start3A_118 = arith.constant 2 : i32
    %dma_start3A_119 = arith.constant 0 : i32
    %dma_start3A_120 = tpu.memref_slice %arg7[%dma_start3A_118, %dma_start3A_119] : memref<8x72xi32, #tpu.memory_space<vmem>> -> memref<1x72xi32, #tpu.memory_space<vmem>>
    %dma_start3A_121 = tpu.memref_squeeze %dma_start3A_120 : memref<1x72xi32, #tpu.memory_space<vmem>> -> memref<72xi32, #tpu.memory_space<vmem>>
    %dma_start3A_122 = arith.constant 0 : i32
    %dma_start3A_123 = arith.constant 0 : i32
    %dma_start3A_124 = tpu.memref_slice %arg3[%add3A, %dma_start3A_122, %dma_start3A_123] : memref<32x139x72xi32, #tpu.memory_space<hbm>> -> memref<1x139x72xi32, #tpu.memory_space<hbm>>
    %dma_start3A_125 = tpu.memref_squeeze %dma_start3A_124 : memref<1x139x72xi32, #tpu.memory_space<hbm>> -> memref<139x72xi32, #tpu.memory_space<hbm>>
    %dma_start3A_126 = arith.constant 0 : i32
    %dma_start3A_127 = tpu.memref_slice %dma_start3A_125[%dma_start3A_117, %dma_start3A_126] : memref<139x72xi32, #tpu.memory_space<hbm>> -> memref<1x72xi32, #tpu.memory_space<hbm>>
    %dma_start3A_128 = tpu.memref_squeeze %dma_start3A_127 : memref<1x72xi32, #tpu.memory_space<hbm>> -> memref<72xi32, #tpu.memory_space<hbm>>
    %dma_start3A_129 = arith.constant 0 : i32
    %dma_start3A_130 = tpu.memref_slice %arg7[%dma_start3A_118, %dma_start3A_129] : memref<8x72xi32, #tpu.memory_space<vmem>> -> memref<1x72xi32, #tpu.memory_space<vmem>>
    %dma_start3A_131 = tpu.memref_squeeze %dma_start3A_130 : memref<1x72xi32, #tpu.memory_space<vmem>> -> memref<72xi32, #tpu.memory_space<vmem>>
    %dma_start3A_132 = arith.constant 0 : i32
    %dma_start3A_133 = arith.constant 0 : i32
    %dma_start3A_134 = tpu.memref_slice %arg3[%add3A, %dma_start3A_132, %dma_start3A_133] : memref<32x139x72xi32, #tpu.memory_space<hbm>> -> memref<1x139x72xi32, #tpu.memory_space<hbm>>
    %dma_start3A_135 = tpu.memref_squeeze %dma_start3A_134 : memref<1x139x72xi32, #tpu.memory_space<hbm>> -> memref<139x72xi32, #tpu.memory_space<hbm>>
    %dma_start3A_136 = arith.constant 0 : i32
    %dma_start3A_137 = tpu.memref_slice %dma_start3A_135[%dma_start3A_117, %dma_start3A_136] : memref<139x72xi32, #tpu.memory_space<hbm>> -> memref<1x72xi32, #tpu.memory_space<hbm>>
    %dma_start3A_138 = tpu.memref_squeeze %dma_start3A_137 : memref<1x72xi32, #tpu.memory_space<hbm>> -> memref<72xi32, #tpu.memory_space<hbm>>
    tpu.enqueue_dma source(%dma_start3A_138 : memref<72xi32, #tpu.memory_space<hbm>>) target(%dma_start3A_131 : memref<72xi32, #tpu.memory_space<vmem>>) target_semaphore(%arg11 : memref<!tpu.dma_semaphore, #tpu.memory_space<semaphore_mem>>)
    %dma_start3A_139 = arith.constant 2 : i32
    %dma_start3A_140 = arith.constant 2 : i32
    %dma_start3A_141 = arith.constant 0 : i32
    %dma_start3A_142 = tpu.memref_slice %arg8[%dma_start3A_140, %dma_start3A_141] : memref<8x72xi32, #tpu.memory_space<vmem>> -> memref<1x72xi32, #tpu.memory_space<vmem>>
    %dma_start3A_143 = tpu.memref_squeeze %dma_start3A_142 : memref<1x72xi32, #tpu.memory_space<vmem>> -> memref<72xi32, #tpu.memory_space<vmem>>
    %dma_start3A_144 = arith.constant 0 : i32
    %dma_start3A_145 = arith.constant 0 : i32
    %dma_start3A_146 = tpu.memref_slice %arg4[%add3A, %dma_start3A_144, %dma_start3A_145] : memref<32x139x72xi32, #tpu.memory_space<hbm>> -> memref<1x139x72xi32, #tpu.memory_space<hbm>>
    %dma_start3A_147 = tpu.memref_squeeze %dma_start3A_146 : memref<1x139x72xi32, #tpu.memory_space<hbm>> -> memref<139x72xi32, #tpu.memory_space<hbm>>
    %dma_start3A_148 = arith.constant 0 : i32
    %dma_start3A_149 = tpu.memref_slice %dma_start3A_147[%dma_start3A_139, %dma_start3A_148] : memref<139x72xi32, #tpu.memory_space<hbm>> -> memref<1x72xi32, #tpu.memory_space<hbm>>
    %dma_start3A_150 = tpu.memref_squeeze %dma_start3A_149 : memref<1x72xi32, #tpu.memory_space<hbm>> -> memref<72xi32, #tpu.memory_space<hbm>>
    %dma_start3A_151 = arith.constant 0 : i32
    %dma_start3A_152 = tpu.memref_slice %arg8[%dma_start3A_140, %dma_start3A_151] : memref<8x72xi32, #tpu.memory_space<vmem>> -> memref<1x72xi32, #tpu.memory_space<vmem>>
    %dma_start3A_153 = tpu.memref_squeeze %dma_start3A_152 : memref<1x72xi32, #tpu.memory_space<vmem>> -> memref<72xi32, #tpu.memory_space<vmem>>
    %dma_start3A_154 = arith.constant 0 : i32
    %dma_start3A_155 = arith.constant 0 : i32
    %dma_start3A_156 = tpu.memref_slice %arg4[%add3A, %dma_start3A_154, %dma_start3A_155] : memref<32x139x72xi32, #tpu.memory_space<hbm>> -> memref<1x139x72xi32, #tpu.memory_space<hbm>>
    %dma_start3A_157 = tpu.memref_squeeze %dma_start3A_156 : memref<1x139x72xi32, #tpu.memory_space<hbm>> -> memref<139x72xi32, #tpu.memory_space<hbm>>
    %dma_start3A_158 = arith.constant 0 : i32
    %dma_start3A_159 = tpu.memref_slice %dma_start3A_157[%dma_start3A_139, %dma_start3A_158] : memref<139x72xi32, #tpu.memory_space<hbm>> -> memref<1x72xi32, #tpu.memory_space<hbm>>
    %dma_start3A_160 = tpu.memref_squeeze %dma_start3A_159 : memref<1x72xi32, #tpu.memory_space<hbm>> -> memref<72xi32, #tpu.memory_space<hbm>>
    tpu.enqueue_dma source(%dma_start3A_160 : memref<72xi32, #tpu.memory_space<hbm>>) target(%dma_start3A_153 : memref<72xi32, #tpu.memory_space<vmem>>) target_semaphore(%arg11 : memref<!tpu.dma_semaphore, #tpu.memory_space<semaphore_mem>>)
    %dma_start3A_161 = arith.constant 3 : i32
    %dma_start3A_162 = arith.constant 3 : i32
    %dma_start3A_163 = arith.constant 0 : i32
    %dma_start3A_164 = tpu.memref_slice %arg7[%dma_start3A_162, %dma_start3A_163] : memref<8x72xi32, #tpu.memory_space<vmem>> -> memref<1x72xi32, #tpu.memory_space<vmem>>
    %dma_start3A_165 = tpu.memref_squeeze %dma_start3A_164 : memref<1x72xi32, #tpu.memory_space<vmem>> -> memref<72xi32, #tpu.memory_space<vmem>>
    %dma_start3A_166 = arith.constant 0 : i32
    %dma_start3A_167 = arith.constant 0 : i32
    %dma_start3A_168 = tpu.memref_slice %arg3[%add3A, %dma_start3A_166, %dma_start3A_167] : memref<32x139x72xi32, #tpu.memory_space<hbm>> -> memref<1x139x72xi32, #tpu.memory_space<hbm>>
    %dma_start3A_169 = tpu.memref_squeeze %dma_start3A_168 : memref<1x139x72xi32, #tpu.memory_space<hbm>> -> memref<139x72xi32, #tpu.memory_space<hbm>>
    %dma_start3A_170 = arith.constant 0 : i32
    %dma_start3A_171 = tpu.memref_slice %dma_start3A_169[%dma_start3A_161, %dma_start3A_170] : memref<139x72xi32, #tpu.memory_space<hbm>> -> memref<1x72xi32, #tpu.memory_space<hbm>>
    %dma_start3A_172 = tpu.memref_squeeze %dma_start3A_171 : memref<1x72xi32, #tpu.memory_space<hbm>> -> memref<72xi32, #tpu.memory_space<hbm>>
    %dma_start3A_173 = arith.constant 0 : i32
    %dma_start3A_174 = tpu.memref_slice %arg7[%dma_start3A_162, %dma_start3A_173] : memref<8x72xi32, #tpu.memory_space<vmem>> -> memref<1x72xi32, #tpu.memory_space<vmem>>
    %dma_start3A_175 = tpu.memref_squeeze %dma_start3A_174 : memref<1x72xi32, #tpu.memory_space<vmem>> -> memref<72xi32, #tpu.memory_space<vmem>>
    %dma_start3A_176 = arith.constant 0 : i32
    %dma_start3A_177 = arith.constant 0 : i32
    %dma_start3A_178 = tpu.memref_slice %arg3[%add3A, %dma_start3A_176, %dma_start3A_177] : memref<32x139x72xi32, #tpu.memory_space<hbm>> -> memref<1x139x72xi32, #tpu.memory_space<hbm>>
    %dma_start3A_179 = tpu.memref_squeeze %dma_start3A_178 : memref<1x139x72xi32, #tpu.memory_space<hbm>> -> memref<139x72xi32, #tpu.memory_space<hbm>>
    %dma_start3A_180 = arith.constant 0 : i32
    %dma_start3A_181 = tpu.memref_slice %dma_start3A_179[%dma_start3A_161, %dma_start3A_180] : memref<139x72xi32, #tpu.memory_space<hbm>> -> memref<1x72xi32, #tpu.memory_space<hbm>>
    %dma_start3A_182 = tpu.memref_squeeze %dma_start3A_181 : memref<1x72xi32, #tpu.memory_space<hbm>> -> memref<72xi32, #tpu.memory_space<hbm>>
    tpu.enqueue_dma source(%dma_start3A_182 : memref<72xi32, #tpu.memory_space<hbm>>) target(%dma_start3A_175 : memref<72xi32, #tpu.memory_space<vmem>>) target_semaphore(%arg11 : memref<!tpu.dma_semaphore, #tpu.memory_space<semaphore_mem>>)
    %dma_start3A_183 = arith.constant 3 : i32
    %dma_start3A_184 = arith.constant 3 : i32
    %dma_start3A_185 = arith.constant 0 : i32
    %dma_start3A_186 = tpu.memref_slice %arg8[%dma_start3A_184, %dma_start3A_185] : memref<8x72xi32, #tpu.memory_space<vmem>> -> memref<1x72xi32, #tpu.memory_space<vmem>>
    %dma_start3A_187 = tpu.memref_squeeze %dma_start3A_186 : memref<1x72xi32, #tpu.memory_space<vmem>> -> memref<72xi32, #tpu.memory_space<vmem>>
    %dma_start3A_188 = arith.constant 0 : i32
    %dma_start3A_189 = arith.constant 0 : i32
    %dma_start3A_190 = tpu.memref_slice %arg4[%add3A, %dma_start3A_188, %dma_start3A_189] : memref<32x139x72xi32, #tpu.memory_space<hbm>> -> memref<1x139x72xi32, #tpu.memory_space<hbm>>
    %dma_start3A_191 = tpu.memref_squeeze %dma_start3A_190 : memref<1x139x72xi32, #tpu.memory_space<hbm>> -> memref<139x72xi32, #tpu.memory_space<hbm>>
    %dma_start3A_192 = arith.constant 0 : i32
    %dma_start3A_193 = tpu.memref_slice %dma_start3A_191[%dma_start3A_183, %dma_start3A_192] : memref<139x72xi32, #tpu.memory_space<hbm>> -> memref<1x72xi32, #tpu.memory_space<hbm>>
    %dma_start3A_194 = tpu.memref_squeeze %dma_start3A_193 : memref<1x72xi32, #tpu.memory_space<hbm>> -> memref<72xi32, #tpu.memory_space<hbm>>
    %dma_start3A_195 = arith.constant 0 : i32
    %dma_start3A_196 = tpu.memref_slice %arg8[%dma_start3A_184, %dma_start3A_195] : memref<8x72xi32, #tpu.memory_space<vmem>> -> memref<1x72xi32, #tpu.memory_space<vmem>>
    %dma_start3A_197 = tpu.memref_squeeze %dma_start3A_196 : memref<1x72xi32, #tpu.memory_space<vmem>> -> memref<72xi32, #tpu.memory_space<vmem>>
    %dma_start3A_198 = arith.constant 0 : i32
    %dma_start3A_199 = arith.constant 0 : i32
    %dma_start3A_200 = tpu.memref_slice %arg4[%add3A, %dma_start3A_198, %dma_start3A_199] : memref<32x139x72xi32, #tpu.memory_space<hbm>> -> memref<1x139x72xi32, #tpu.memory_space<hbm>>
    %dma_start3A_201 = tpu.memref_squeeze %dma_start3A_200 : memref<1x139x72xi32, #tpu.memory_space<hbm>> -> memref<139x72xi32, #tpu.memory_space<hbm>>
    %dma_start3A_202 = arith.constant 0 : i32
    %dma_start3A_203 = tpu.memref_slice %dma_start3A_201[%dma_start3A_183, %dma_start3A_202] : memref<139x72xi32, #tpu.memory_space<hbm>> -> memref<1x72xi32, #tpu.memory_space<hbm>>
    %dma_start3A_204 = tpu.memref_squeeze %dma_start3A_203 : memref<1x72xi32, #tpu.memory_space<hbm>> -> memref<72xi32, #tpu.memory_space<hbm>>
    tpu.enqueue_dma source(%dma_start3A_204 : memref<72xi32, #tpu.memory_space<hbm>>) target(%dma_start3A_197 : memref<72xi32, #tpu.memory_space<vmem>>) target_semaphore(%arg11 : memref<!tpu.dma_semaphore, #tpu.memory_space<semaphore_mem>>)
    %dma_start3A_205 = arith.constant 4 : i32
    %dma_start3A_206 = arith.constant 4 : i32
    %dma_start3A_207 = arith.constant 0 : i32
    %dma_start3A_208 = tpu.memref_slice %arg7[%dma_start3A_206, %dma_start3A_207] : memref<8x72xi32, #tpu.memory_space<vmem>> -> memref<1x72xi32, #tpu.memory_space<vmem>>
    %dma_start3A_209 = tpu.memref_squeeze %dma_start3A_208 : memref<1x72xi32, #tpu.memory_space<vmem>> -> memref<72xi32, #tpu.memory_space<vmem>>
    %dma_start3A_210 = arith.constant 0 : i32
    %dma_start3A_211 = arith.constant 0 : i32
    %dma_start3A_212 = tpu.memref_slice %arg3[%add3A, %dma_start3A_210, %dma_start3A_211] : memref<32x139x72xi32, #tpu.memory_space<hbm>> -> memref<1x139x72xi32, #tpu.memory_space<hbm>>
    %dma_start3A_213 = tpu.memref_squeeze %dma_start3A_212 : memref<1x139x72xi32, #tpu.memory_space<hbm>> -> memref<139x72xi32, #tpu.memory_space<hbm>>
    %dma_start3A_214 = arith.constant 0 : i32
    %dma_start3A_215 = tpu.memref_slice %dma_start3A_213[%dma_start3A_205, %dma_start3A_214] : memref<139x72xi32, #tpu.memory_space<hbm>> -> memref<1x72xi32, #tpu.memory_space<hbm>>
    %dma_start3A_216 = tpu.memref_squeeze %dma_start3A_215 : memref<1x72xi32, #tpu.memory_space<hbm>> -> memref<72xi32, #tpu.memory_space<hbm>>
    %dma_start3A_217 = arith.constant 0 : i32
    %dma_start3A_218 = tpu.memref_slice %arg7[%dma_start3A_206, %dma_start3A_217] : memref<8x72xi32, #tpu.memory_space<vmem>> -> memref<1x72xi32, #tpu.memory_space<vmem>>
    %dma_start3A_219 = tpu.memref_squeeze %dma_start3A_218 : memref<1x72xi32, #tpu.memory_space<vmem>> -> memref<72xi32, #tpu.memory_space<vmem>>
    %dma_start3A_220 = arith.constant 0 : i32
    %dma_start3A_221 = arith.constant 0 : i32
    %dma_start3A_222 = tpu.memref_slice %arg3[%add3A, %dma_start3A_220, %dma_start3A_221] : memref<32x139x72xi32, #tpu.memory_space<hbm>> -> memref<1x139x72xi32, #tpu.memory_space<hbm>>
    %dma_start3A_223 = tpu.memref_squeeze %dma_start3A_222 : memref<1x139x72xi32, #tpu.memory_space<hbm>> -> memref<139x72xi32, #tpu.memory_space<hbm>>
    %dma_start3A_224 = arith.constant 0 : i32
    %dma_start3A_225 = tpu.memref_slice %dma_start3A_223[%dma_start3A_205, %dma_start3A_224] : memref<139x72xi32, #tpu.memory_space<hbm>> -> memref<1x72xi32, #tpu.memory_space<hbm>>
    %dma_start3A_226 = tpu.memref_squeeze %dma_start3A_225 : memref<1x72xi32, #tpu.memory_space<hbm>> -> memref<72xi32, #tpu.memory_space<hbm>>
    tpu.enqueue_dma source(%dma_start3A_226 : memref<72xi32, #tpu.memory_space<hbm>>) target(%dma_start3A_219 : memref<72xi32, #tpu.memory_space<vmem>>) target_semaphore(%arg11 : memref<!tpu.dma_semaphore, #tpu.memory_space<semaphore_mem>>)
    %dma_start3A_227 = arith.constant 4 : i32
    %dma_start3A_228 = arith.constant 4 : i32
    %dma_start3A_229 = arith.constant 0 : i32
    %dma_start3A_230 = tpu.memref_slice %arg8[%dma_start3A_228, %dma_start3A_229] : memref<8x72xi32, #tpu.memory_space<vmem>> -> memref<1x72xi32, #tpu.memory_space<vmem>>
    %dma_start3A_231 = tpu.memref_squeeze %dma_start3A_230 : memref<1x72xi32, #tpu.memory_space<vmem>> -> memref<72xi32, #tpu.memory_space<vmem>>
    %dma_start3A_232 = arith.constant 0 : i32
    %dma_start3A_233 = arith.constant 0 : i32
    %dma_start3A_234 = tpu.memref_slice %arg4[%add3A, %dma_start3A_232, %dma_start3A_233] : memref<32x139x72xi32, #tpu.memory_space<hbm>> -> memref<1x139x72xi32, #tpu.memory_space<hbm>>
    %dma_start3A_235 = tpu.memref_squeeze %dma_start3A_234 : memref<1x139x72xi32, #tpu.memory_space<hbm>> -> memref<139x72xi32, #tpu.memory_space<hbm>>
    %dma_start3A_236 = arith.constant 0 : i32
    %dma_start3A_237 = tpu.memref_slice %dma_start3A_235[%dma_start3A_227, %dma_start3A_236] : memref<139x72xi32, #tpu.memory_space<hbm>> -> memref<1x72xi32, #tpu.memory_space<hbm>>
    %dma_start3A_238 = tpu.memref_squeeze %dma_start3A_237 : memref<1x72xi32, #tpu.memory_space<hbm>> -> memref<72xi32, #tpu.memory_space<hbm>>
    %dma_start3A_239 = arith.constant 0 : i32
    %dma_start3A_240 = tpu.memref_slice %arg8[%dma_start3A_228, %dma_start3A_239] : memref<8x72xi32, #tpu.memory_space<vmem>> -> memref<1x72xi32, #tpu.memory_space<vmem>>
    %dma_start3A_241 = tpu.memref_squeeze %dma_start3A_240 : memref<1x72xi32, #tpu.memory_space<vmem>> -> memref<72xi32, #tpu.memory_space<vmem>>
    %dma_start3A_242 = arith.constant 0 : i32
    %dma_start3A_243 = arith.constant 0 : i32
    %dma_start3A_244 = tpu.memref_slice %arg4[%add3A, %dma_start3A_242, %dma_start3A_243] : memref<32x139x72xi32, #tpu.memory_space<hbm>> -> memref<1x139x72xi32, #tpu.memory_space<hbm>>
    %dma_start3A_245 = tpu.memref_squeeze %dma_start3A_244 : memref<1x139x72xi32, #tpu.memory_space<hbm>> -> memref<139x72xi32, #tpu.memory_space<hbm>>
    %dma_start3A_246 = arith.constant 0 : i32
    %dma_start3A_247 = tpu.memref_slice %dma_start3A_245[%dma_start3A_227, %dma_start3A_246] : memref<139x72xi32, #tpu.memory_space<hbm>> -> memref<1x72xi32, #tpu.memory_space<hbm>>
    %dma_start3A_248 = tpu.memref_squeeze %dma_start3A_247 : memref<1x72xi32, #tpu.memory_space<hbm>> -> memref<72xi32, #tpu.memory_space<hbm>>
    tpu.enqueue_dma source(%dma_start3A_248 : memref<72xi32, #tpu.memory_space<hbm>>) target(%dma_start3A_241 : memref<72xi32, #tpu.memory_space<vmem>>) target_semaphore(%arg11 : memref<!tpu.dma_semaphore, #tpu.memory_space<semaphore_mem>>)
    %dma_start3A_249 = arith.constant 5 : i32
    %dma_start3A_250 = arith.constant 5 : i32
    %dma_start3A_251 = arith.constant 0 : i32
    %dma_start3A_252 = tpu.memref_slice %arg7[%dma_start3A_250, %dma_start3A_251] : memref<8x72xi32, #tpu.memory_space<vmem>> -> memref<1x72xi32, #tpu.memory_space<vmem>>
    %dma_start3A_253 = tpu.memref_squeeze %dma_start3A_252 : memref<1x72xi32, #tpu.memory_space<vmem>> -> memref<72xi32, #tpu.memory_space<vmem>>
    %dma_start3A_254 = arith.constant 0 : i32
    %dma_start3A_255 = arith.constant 0 : i32
    %dma_start3A_256 = tpu.memref_slice %arg3[%add3A, %dma_start3A_254, %dma_start3A_255] : memref<32x139x72xi32, #tpu.memory_space<hbm>> -> memref<1x139x72xi32, #tpu.memory_space<hbm>>
    %dma_start3A_257 = tpu.memref_squeeze %dma_start3A_256 : memref<1x139x72xi32, #tpu.memory_space<hbm>> -> memref<139x72xi32, #tpu.memory_space<hbm>>
    %dma_start3A_258 = arith.constant 0 : i32
    %dma_start3A_259 = tpu.memref_slice %dma_start3A_257[%dma_start3A_249, %dma_start3A_258] : memref<139x72xi32, #tpu.memory_space<hbm>> -> memref<1x72xi32, #tpu.memory_space<hbm>>
    %dma_start3A_260 = tpu.memref_squeeze %dma_start3A_259 : memref<1x72xi32, #tpu.memory_space<hbm>> -> memref<72xi32, #tpu.memory_space<hbm>>
    %dma_start3A_261 = arith.constant 0 : i32
    %dma_start3A_262 = tpu.memref_slice %arg7[%dma_start3A_250, %dma_start3A_261] : memref<8x72xi32, #tpu.memory_space<vmem>> -> memref<1x72xi32, #tpu.memory_space<vmem>>
    %dma_start3A_263 = tpu.memref_squeeze %dma_start3A_262 : memref<1x72xi32, #tpu.memory_space<vmem>> -> memref<72xi32, #tpu.memory_space<vmem>>
    %dma_start3A_264 = arith.constant 0 : i32
    %dma_start3A_265 = arith.constant 0 : i32
    %dma_start3A_266 = tpu.memref_slice %arg3[%add3A, %dma_start3A_264, %dma_start3A_265] : memref<32x139x72xi32, #tpu.memory_space<hbm>> -> memref<1x139x72xi32, #tpu.memory_space<hbm>>
    %dma_start3A_267 = tpu.memref_squeeze %dma_start3A_266 : memref<1x139x72xi32, #tpu.memory_space<hbm>> -> memref<139x72xi32, #tpu.memory_space<hbm>>
    %dma_start3A_268 = arith.constant 0 : i32
    %dma_start3A_269 = tpu.memref_slice %dma_start3A_267[%dma_start3A_249, %dma_start3A_268] : memref<139x72xi32, #tpu.memory_space<hbm>> -> memref<1x72xi32, #tpu.memory_space<hbm>>
    %dma_start3A_270 = tpu.memref_squeeze %dma_start3A_269 : memref<1x72xi32, #tpu.memory_space<hbm>> -> memref<72xi32, #tpu.memory_space<hbm>>
    tpu.enqueue_dma source(%dma_start3A_270 : memref<72xi32, #tpu.memory_space<hbm>>) target(%dma_start3A_263 : memref<72xi32, #tpu.memory_space<vmem>>) target_semaphore(%arg11 : memref<!tpu.dma_semaphore, #tpu.memory_space<semaphore_mem>>)
    %dma_start3A_271 = arith.constant 5 : i32
    %dma_start3A_272 = arith.constant 5 : i32
    %dma_start3A_273 = arith.constant 0 : i32
    %dma_start3A_274 = tpu.memref_slice %arg8[%dma_start3A_272, %dma_start3A_273] : memref<8x72xi32, #tpu.memory_space<vmem>> -> memref<1x72xi32, #tpu.memory_space<vmem>>
    %dma_start3A_275 = tpu.memref_squeeze %dma_start3A_274 : memref<1x72xi32, #tpu.memory_space<vmem>> -> memref<72xi32, #tpu.memory_space<vmem>>
    %dma_start3A_276 = arith.constant 0 : i32
    %dma_start3A_277 = arith.constant 0 : i32
    %dma_start3A_278 = tpu.memref_slice %arg4[%add3A, %dma_start3A_276, %dma_start3A_277] : memref<32x139x72xi32, #tpu.memory_space<hbm>> -> memref<1x139x72xi32, #tpu.memory_space<hbm>>
    %dma_start3A_279 = tpu.memref_squeeze %dma_start3A_278 : memref<1x139x72xi32, #tpu.memory_space<hbm>> -> memref<139x72xi32, #tpu.memory_space<hbm>>
    %dma_start3A_280 = arith.constant 0 : i32
    %dma_start3A_281 = tpu.memref_slice %dma_start3A_279[%dma_start3A_271, %dma_start3A_280] : memref<139x72xi32, #tpu.memory_space<hbm>> -> memref<1x72xi32, #tpu.memory_space<hbm>>
    %dma_start3A_282 = tpu.memref_squeeze %dma_start3A_281 : memref<1x72xi32, #tpu.memory_space<hbm>> -> memref<72xi32, #tpu.memory_space<hbm>>
    %dma_start3A_283 = arith.constant 0 : i32
    %dma_start3A_284 = tpu.memref_slice %arg8[%dma_start3A_272, %dma_start3A_283] : memref<8x72xi32, #tpu.memory_space<vmem>> -> memref<1x72xi32, #tpu.memory_space<vmem>>
    %dma_start3A_285 = tpu.memref_squeeze %dma_start3A_284 : memref<1x72xi32, #tpu.memory_space<vmem>> -> memref<72xi32, #tpu.memory_space<vmem>>
    %dma_start3A_286 = arith.constant 0 : i32
    %dma_start3A_287 = arith.constant 0 : i32
    %dma_start3A_288 = tpu.memref_slice %arg4[%add3A, %dma_start3A_286, %dma_start3A_287] : memref<32x139x72xi32, #tpu.memory_space<hbm>> -> memref<1x139x72xi32, #tpu.memory_space<hbm>>
    %dma_start3A_289 = tpu.memref_squeeze %dma_start3A_288 : memref<1x139x72xi32, #tpu.memory_space<hbm>> -> memref<139x72xi32, #tpu.memory_space<hbm>>
    %dma_start3A_290 = arith.constant 0 : i32
    %dma_start3A_291 = tpu.memref_slice %dma_start3A_289[%dma_start3A_271, %dma_start3A_290] : memref<139x72xi32, #tpu.memory_space<hbm>> -> memref<1x72xi32, #tpu.memory_space<hbm>>
    %dma_start3A_292 = tpu.memref_squeeze %dma_start3A_291 : memref<1x72xi32, #tpu.memory_space<hbm>> -> memref<72xi32, #tpu.memory_space<hbm>>
    tpu.enqueue_dma source(%dma_start3A_292 : memref<72xi32, #tpu.memory_space<hbm>>) target(%dma_start3A_285 : memref<72xi32, #tpu.memory_space<vmem>>) target_semaphore(%arg11 : memref<!tpu.dma_semaphore, #tpu.memory_space<semaphore_mem>>)
    %dma_wait3A = arith.constant 0 : i32
    %dma_wait3A_293 = arith.constant 0 : i32
    %dma_wait3A_294 = arith.constant 0 : i32
    %dma_wait3A_295 = tpu.memref_slice %arg7[%dma_wait3A_293, %dma_wait3A_294] : memref<8x72xi32, #tpu.memory_space<vmem>> -> memref<1x72xi32, #tpu.memory_space<vmem>>
    %dma_wait3A_296 = tpu.memref_squeeze %dma_wait3A_295 : memref<1x72xi32, #tpu.memory_space<vmem>> -> memref<72xi32, #tpu.memory_space<vmem>>
    %dma_wait3A_297 = arith.constant 0 : i32
    %dma_wait3A_298 = arith.constant 0 : i32
    %dma_wait3A_299 = tpu.memref_slice %arg3[%add3A, %dma_wait3A_297, %dma_wait3A_298] : memref<32x139x72xi32, #tpu.memory_space<hbm>> -> memref<1x139x72xi32, #tpu.memory_space<hbm>>
    %dma_wait3A_300 = tpu.memref_squeeze %dma_wait3A_299 : memref<1x139x72xi32, #tpu.memory_space<hbm>> -> memref<139x72xi32, #tpu.memory_space<hbm>>
    %dma_wait3A_301 = arith.constant 0 : i32
    %dma_wait3A_302 = tpu.memref_slice %dma_wait3A_300[%dma_wait3A, %dma_wait3A_301] : memref<139x72xi32, #tpu.memory_space<hbm>> -> memref<1x72xi32, #tpu.memory_space<hbm>>
    %dma_wait3A_303 = tpu.memref_squeeze %dma_wait3A_302 : memref<1x72xi32, #tpu.memory_space<hbm>> -> memref<72xi32, #tpu.memory_space<hbm>>
    %dma_wait3A_304 = arith.constant 0 : i32
    %dma_wait3A_305 = tpu.memref_slice %arg7[%dma_wait3A_293, %dma_wait3A_304] : memref<8x72xi32, #tpu.memory_space<vmem>> -> memref<1x72xi32, #tpu.memory_space<vmem>>
    %dma_wait3A_306 = tpu.memref_squeeze %dma_wait3A_305 : memref<1x72xi32, #tpu.memory_space<vmem>> -> memref<72xi32, #tpu.memory_space<vmem>>
    %dma_wait3A_307 = arith.constant 0 : i32
    %dma_wait3A_308 = arith.constant 0 : i32
    %dma_wait3A_309 = tpu.memref_slice %arg3[%add3A, %dma_wait3A_307, %dma_wait3A_308] : memref<32x139x72xi32, #tpu.memory_space<hbm>> -> memref<1x139x72xi32, #tpu.memory_space<hbm>>
    %dma_wait3A_310 = tpu.memref_squeeze %dma_wait3A_309 : memref<1x139x72xi32, #tpu.memory_space<hbm>> -> memref<139x72xi32, #tpu.memory_space<hbm>>
    %dma_wait3A_311 = arith.constant 0 : i32
    %dma_wait3A_312 = tpu.memref_slice %dma_wait3A_310[%dma_wait3A, %dma_wait3A_311] : memref<139x72xi32, #tpu.memory_space<hbm>> -> memref<1x72xi32, #tpu.memory_space<hbm>>
    %dma_wait3A_313 = tpu.memref_squeeze %dma_wait3A_312 : memref<1x72xi32, #tpu.memory_space<hbm>> -> memref<72xi32, #tpu.memory_space<hbm>>
    tpu.wait_dma2 semaphore(%arg11 : memref<!tpu.dma_semaphore, #tpu.memory_space<semaphore_mem>>) src(%dma_wait3A_313 : memref<72xi32, #tpu.memory_space<hbm>>) dst(%dma_wait3A_306 : memref<72xi32, #tpu.memory_space<vmem>>)
    %dma_wait3A_314 = arith.constant 0 : i32
    %dma_wait3A_315 = arith.constant 0 : i32
    %dma_wait3A_316 = arith.constant 0 : i32
    %dma_wait3A_317 = tpu.memref_slice %arg8[%dma_wait3A_315, %dma_wait3A_316] : memref<8x72xi32, #tpu.memory_space<vmem>> -> memref<1x72xi32, #tpu.memory_space<vmem>>
    %dma_wait3A_318 = tpu.memref_squeeze %dma_wait3A_317 : memref<1x72xi32, #tpu.memory_space<vmem>> -> memref<72xi32, #tpu.memory_space<vmem>>
    %dma_wait3A_319 = arith.constant 0 : i32
    %dma_wait3A_320 = arith.constant 0 : i32
    %dma_wait3A_321 = tpu.memref_slice %arg4[%add3A, %dma_wait3A_319, %dma_wait3A_320] : memref<32x139x72xi32, #tpu.memory_space<hbm>> -> memref<1x139x72xi32, #tpu.memory_space<hbm>>
    %dma_wait3A_322 = tpu.memref_squeeze %dma_wait3A_321 : memref<1x139x72xi32, #tpu.memory_space<hbm>> -> memref<139x72xi32, #tpu.memory_space<hbm>>
    %dma_wait3A_323 = arith.constant 0 : i32
    %dma_wait3A_324 = tpu.memref_slice %dma_wait3A_322[%dma_wait3A_314, %dma_wait3A_323] : memref<139x72xi32, #tpu.memory_space<hbm>> -> memref<1x72xi32, #tpu.memory_space<hbm>>
    %dma_wait3A_325 = tpu.memref_squeeze %dma_wait3A_324 : memref<1x72xi32, #tpu.memory_space<hbm>> -> memref<72xi32, #tpu.memory_space<hbm>>
    %dma_wait3A_326 = arith.constant 0 : i32
    %dma_wait3A_327 = tpu.memref_slice %arg8[%dma_wait3A_315, %dma_wait3A_326] : memref<8x72xi32, #tpu.memory_space<vmem>> -> memref<1x72xi32, #tpu.memory_space<vmem>>
    %dma_wait3A_328 = tpu.memref_squeeze %dma_wait3A_327 : memref<1x72xi32, #tpu.memory_space<vmem>> -> memref<72xi32, #tpu.memory_space<vmem>>
    %dma_wait3A_329 = arith.constant 0 : i32
    %dma_wait3A_330 = arith.constant 0 : i32
    %dma_wait3A_331 = tpu.memref_slice %arg4[%add3A, %dma_wait3A_329, %dma_wait3A_330] : memref<32x139x72xi32, #tpu.memory_space<hbm>> -> memref<1x139x72xi32, #tpu.memory_space<hbm>>
    %dma_wait3A_332 = tpu.memref_squeeze %dma_wait3A_331 : memref<1x139x72xi32, #tpu.memory_space<hbm>> -> memref<139x72xi32, #tpu.memory_space<hbm>>
    %dma_wait3A_333 = arith.constant 0 : i32
    %dma_wait3A_334 = tpu.memref_slice %dma_wait3A_332[%dma_wait3A_314, %dma_wait3A_333] : memref<139x72xi32, #tpu.memory_space<hbm>> -> memref<1x72xi32, #tpu.memory_space<hbm>>
    %dma_wait3A_335 = tpu.memref_squeeze %dma_wait3A_334 : memref<1x72xi32, #tpu.memory_space<hbm>> -> memref<72xi32, #tpu.memory_space<hbm>>
    tpu.wait_dma2 semaphore(%arg11 : memref<!tpu.dma_semaphore, #tpu.memory_space<semaphore_mem>>) src(%dma_wait3A_335 : memref<72xi32, #tpu.memory_space<hbm>>) dst(%dma_wait3A_328 : memref<72xi32, #tpu.memory_space<vmem>>)
    %dma_start3A_336 = arith.constant 0 : i32
    %dma_start3A_337 = arith.constant 0 : i32
    %dma_start3A_338 = arith.constant 0 : i32
    %dma_start3A_339 = arith.constant 0 : i32
    %dma_start3A_340 = tpu.memref_slice %arg9[%dma_start3A_337, %dma_start3A_338, %dma_start3A_339] : memref<5x72x128xf32, #tpu.memory_space<vmem>> -> memref<1x72x128xf32, #tpu.memory_space<vmem>>
    %dma_start3A_341 = tpu.memref_squeeze %dma_start3A_340 : memref<1x72x128xf32, #tpu.memory_space<vmem>> -> memref<72x128xf32, #tpu.memory_space<vmem>>
    %dma_start3A_342 = arith.constant 0 : i32
    %dma_start3A_343 = tpu.memref_slice %arg7[%dma_start3A_336, %dma_start3A_342] : memref<8x72xi32, #tpu.memory_space<vmem>> -> memref<1x72xi32, #tpu.memory_space<vmem>>
    %dma_start3A_344 = tpu.memref_squeeze %dma_start3A_343 : memref<1x72xi32, #tpu.memory_space<vmem>> -> memref<72xi32, #tpu.memory_space<vmem>>
    %dma_start3A_345 = arith.constant 0 : i32
    %dma_start3A_346 = arith.constant 0 : i32
    %dma_start3A_347 = tpu.memref_slice %arg2[%dma_start3A_345, %dma_start3A_346] : memref<10112x128xf32, #tpu.memory_space<hbm>> -> memref<10112x128xf32, #tpu.memory_space<hbm>>
    tpu.enqueue_indirect_dma source(%dma_start3A_347 : memref<10112x128xf32, #tpu.memory_space<hbm>>) target(%dma_start3A_341 : memref<72x128xf32, #tpu.memory_space<vmem>>) offsets(%dma_start3A_344 : memref<72xi32, #tpu.memory_space<vmem>>) semaphore(%arg12 : memref<!tpu.dma_semaphore, #tpu.memory_space<semaphore_mem>>)
    %dma_wait3A_348 = arith.constant 1 : i32
    %dma_wait3A_349 = arith.constant 1 : i32
    %dma_wait3A_350 = arith.constant 0 : i32
    %dma_wait3A_351 = tpu.memref_slice %arg7[%dma_wait3A_349, %dma_wait3A_350] : memref<8x72xi32, #tpu.memory_space<vmem>> -> memref<1x72xi32, #tpu.memory_space<vmem>>
    %dma_wait3A_352 = tpu.memref_squeeze %dma_wait3A_351 : memref<1x72xi32, #tpu.memory_space<vmem>> -> memref<72xi32, #tpu.memory_space<vmem>>
    %dma_wait3A_353 = arith.constant 0 : i32
    %dma_wait3A_354 = arith.constant 0 : i32
    %dma_wait3A_355 = tpu.memref_slice %arg3[%add3A, %dma_wait3A_353, %dma_wait3A_354] : memref<32x139x72xi32, #tpu.memory_space<hbm>> -> memref<1x139x72xi32, #tpu.memory_space<hbm>>
    %dma_wait3A_356 = tpu.memref_squeeze %dma_wait3A_355 : memref<1x139x72xi32, #tpu.memory_space<hbm>> -> memref<139x72xi32, #tpu.memory_space<hbm>>
    %dma_wait3A_357 = arith.constant 0 : i32
    %dma_wait3A_358 = tpu.memref_slice %dma_wait3A_356[%dma_wait3A_348, %dma_wait3A_357] : memref<139x72xi32, #tpu.memory_space<hbm>> -> memref<1x72xi32, #tpu.memory_space<hbm>>
    %dma_wait3A_359 = tpu.memref_squeeze %dma_wait3A_358 : memref<1x72xi32, #tpu.memory_space<hbm>> -> memref<72xi32, #tpu.memory_space<hbm>>
    %dma_wait3A_360 = arith.constant 0 : i32
    %dma_wait3A_361 = tpu.memref_slice %arg7[%dma_wait3A_349, %dma_wait3A_360] : memref<8x72xi32, #tpu.memory_space<vmem>> -> memref<1x72xi32, #tpu.memory_space<vmem>>
    %dma_wait3A_362 = tpu.memref_squeeze %dma_wait3A_361 : memref<1x72xi32, #tpu.memory_space<vmem>> -> memref<72xi32, #tpu.memory_space<vmem>>
    %dma_wait3A_363 = arith.constant 0 : i32
    %dma_wait3A_364 = arith.constant 0 : i32
    %dma_wait3A_365 = tpu.memref_slice %arg3[%add3A, %dma_wait3A_363, %dma_wait3A_364] : memref<32x139x72xi32, #tpu.memory_space<hbm>> -> memref<1x139x72xi32, #tpu.memory_space<hbm>>
    %dma_wait3A_366 = tpu.memref_squeeze %dma_wait3A_365 : memref<1x139x72xi32, #tpu.memory_space<hbm>> -> memref<139x72xi32, #tpu.memory_space<hbm>>
    %dma_wait3A_367 = arith.constant 0 : i32
    %dma_wait3A_368 = tpu.memref_slice %dma_wait3A_366[%dma_wait3A_348, %dma_wait3A_367] : memref<139x72xi32, #tpu.memory_space<hbm>> -> memref<1x72xi32, #tpu.memory_space<hbm>>
    %dma_wait3A_369 = tpu.memref_squeeze %dma_wait3A_368 : memref<1x72xi32, #tpu.memory_space<hbm>> -> memref<72xi32, #tpu.memory_space<hbm>>
    tpu.wait_dma2 semaphore(%arg11 : memref<!tpu.dma_semaphore, #tpu.memory_space<semaphore_mem>>) src(%dma_wait3A_369 : memref<72xi32, #tpu.memory_space<hbm>>) dst(%dma_wait3A_362 : memref<72xi32, #tpu.memory_space<vmem>>)
    %dma_wait3A_370 = arith.constant 1 : i32
    %dma_wait3A_371 = arith.constant 1 : i32
    %dma_wait3A_372 = arith.constant 0 : i32
    %dma_wait3A_373 = tpu.memref_slice %arg8[%dma_wait3A_371, %dma_wait3A_372] : memref<8x72xi32, #tpu.memory_space<vmem>> -> memref<1x72xi32, #tpu.memory_space<vmem>>
    %dma_wait3A_374 = tpu.memref_squeeze %dma_wait3A_373 : memref<1x72xi32, #tpu.memory_space<vmem>> -> memref<72xi32, #tpu.memory_space<vmem>>
    %dma_wait3A_375 = arith.constant 0 : i32
    %dma_wait3A_376 = arith.constant 0 : i32
    %dma_wait3A_377 = tpu.memref_slice %arg4[%add3A, %dma_wait3A_375, %dma_wait3A_376] : memref<32x139x72xi32, #tpu.memory_space<hbm>> -> memref<1x139x72xi32, #tpu.memory_space<hbm>>
    %dma_wait3A_378 = tpu.memref_squeeze %dma_wait3A_377 : memref<1x139x72xi32, #tpu.memory_space<hbm>> -> memref<139x72xi32, #tpu.memory_space<hbm>>
    %dma_wait3A_379 = arith.constant 0 : i32
    %dma_wait3A_380 = tpu.memref_slice %dma_wait3A_378[%dma_wait3A_370, %dma_wait3A_379] : memref<139x72xi32, #tpu.memory_space<hbm>> -> memref<1x72xi32, #tpu.memory_space<hbm>>
    %dma_wait3A_381 = tpu.memref_squeeze %dma_wait3A_380 : memref<1x72xi32, #tpu.memory_space<hbm>> -> memref<72xi32, #tpu.memory_space<hbm>>
    %dma_wait3A_382 = arith.constant 0 : i32
    %dma_wait3A_383 = tpu.memref_slice %arg8[%dma_wait3A_371, %dma_wait3A_382] : memref<8x72xi32, #tpu.memory_space<vmem>> -> memref<1x72xi32, #tpu.memory_space<vmem>>
    %dma_wait3A_384 = tpu.memref_squeeze %dma_wait3A_383 : memref<1x72xi32, #tpu.memory_space<vmem>> -> memref<72xi32, #tpu.memory_space<vmem>>
    %dma_wait3A_385 = arith.constant 0 : i32
    %dma_wait3A_386 = arith.constant 0 : i32
    %dma_wait3A_387 = tpu.memref_slice %arg4[%add3A, %dma_wait3A_385, %dma_wait3A_386] : memref<32x139x72xi32, #tpu.memory_space<hbm>> -> memref<1x139x72xi32, #tpu.memory_space<hbm>>
    %dma_wait3A_388 = tpu.memref_squeeze %dma_wait3A_387 : memref<1x139x72xi32, #tpu.memory_space<hbm>> -> memref<139x72xi32, #tpu.memory_space<hbm>>
    %dma_wait3A_389 = arith.constant 0 : i32
    %dma_wait3A_390 = tpu.memref_slice %dma_wait3A_388[%dma_wait3A_370, %dma_wait3A_389] : memref<139x72xi32, #tpu.memory_space<hbm>> -> memref<1x72xi32, #tpu.memory_space<hbm>>
    %dma_wait3A_391 = tpu.memref_squeeze %dma_wait3A_390 : memref<1x72xi32, #tpu.memory_space<hbm>> -> memref<72xi32, #tpu.memory_space<hbm>>
    tpu.wait_dma2 semaphore(%arg11 : memref<!tpu.dma_semaphore, #tpu.memory_space<semaphore_mem>>) src(%dma_wait3A_391 : memref<72xi32, #tpu.memory_space<hbm>>) dst(%dma_wait3A_384 : memref<72xi32, #tpu.memory_space<vmem>>)
    %dma_start3A_392 = arith.constant 1 : i32
    %dma_start3A_393 = arith.constant 1 : i32
    %dma_start3A_394 = arith.constant 0 : i32
    %dma_start3A_395 = arith.constant 0 : i32
    %dma_start3A_396 = tpu.memref_slice %arg9[%dma_start3A_393, %dma_start3A_394, %dma_start3A_395] : memref<5x72x128xf32, #tpu.memory_space<vmem>> -> memref<1x72x128xf32, #tpu.memory_space<vmem>>
    %dma_start3A_397 = tpu.memref_squeeze %dma_start3A_396 : memref<1x72x128xf32, #tpu.memory_space<vmem>> -> memref<72x128xf32, #tpu.memory_space<vmem>>
    %dma_start3A_398 = arith.constant 0 : i32
    %dma_start3A_399 = tpu.memref_slice %arg7[%dma_start3A_392, %dma_start3A_398] : memref<8x72xi32, #tpu.memory_space<vmem>> -> memref<1x72xi32, #tpu.memory_space<vmem>>
    %dma_start3A_400 = tpu.memref_squeeze %dma_start3A_399 : memref<1x72xi32, #tpu.memory_space<vmem>> -> memref<72xi32, #tpu.memory_space<vmem>>
    %dma_start3A_401 = arith.constant 0 : i32
    %dma_start3A_402 = arith.constant 0 : i32
    %dma_start3A_403 = tpu.memref_slice %arg2[%dma_start3A_401, %dma_start3A_402] : memref<10112x128xf32, #tpu.memory_space<hbm>> -> memref<10112x128xf32, #tpu.memory_space<hbm>>
    tpu.enqueue_indirect_dma source(%dma_start3A_403 : memref<10112x128xf32, #tpu.memory_space<hbm>>) target(%dma_start3A_397 : memref<72x128xf32, #tpu.memory_space<vmem>>) offsets(%dma_start3A_400 : memref<72xi32, #tpu.memory_space<vmem>>) semaphore(%arg12 : memref<!tpu.dma_semaphore, #tpu.memory_space<semaphore_mem>>)
    %dma_wait3A_404 = arith.constant 2 : i32
    %dma_wait3A_405 = arith.constant 2 : i32
    %dma_wait3A_406 = arith.constant 0 : i32
    %dma_wait3A_407 = tpu.memref_slice %arg7[%dma_wait3A_405, %dma_wait3A_406] : memref<8x72xi32, #tpu.memory_space<vmem>> -> memref<1x72xi32, #tpu.memory_space<vmem>>
    %dma_wait3A_408 = tpu.memref_squeeze %dma_wait3A_407 : memref<1x72xi32, #tpu.memory_space<vmem>> -> memref<72xi32, #tpu.memory_space<vmem>>
    %dma_wait3A_409 = arith.constant 0 : i32
    %dma_wait3A_410 = arith.constant 0 : i32
    %dma_wait3A_411 = tpu.memref_slice %arg3[%add3A, %dma_wait3A_409, %dma_wait3A_410] : memref<32x139x72xi32, #tpu.memory_space<hbm>> -> memref<1x139x72xi32, #tpu.memory_space<hbm>>
    %dma_wait3A_412 = tpu.memref_squeeze %dma_wait3A_411 : memref<1x139x72xi32, #tpu.memory_space<hbm>> -> memref<139x72xi32, #tpu.memory_space<hbm>>
    %dma_wait3A_413 = arith.constant 0 : i32
    %dma_wait3A_414 = tpu.memref_slice %dma_wait3A_412[%dma_wait3A_404, %dma_wait3A_413] : memref<139x72xi32, #tpu.memory_space<hbm>> -> memref<1x72xi32, #tpu.memory_space<hbm>>
    %dma_wait3A_415 = tpu.memref_squeeze %dma_wait3A_414 : memref<1x72xi32, #tpu.memory_space<hbm>> -> memref<72xi32, #tpu.memory_space<hbm>>
    %dma_wait3A_416 = arith.constant 0 : i32
    %dma_wait3A_417 = tpu.memref_slice %arg7[%dma_wait3A_405, %dma_wait3A_416] : memref<8x72xi32, #tpu.memory_space<vmem>> -> memref<1x72xi32, #tpu.memory_space<vmem>>
    %dma_wait3A_418 = tpu.memref_squeeze %dma_wait3A_417 : memref<1x72xi32, #tpu.memory_space<vmem>> -> memref<72xi32, #tpu.memory_space<vmem>>
    %dma_wait3A_419 = arith.constant 0 : i32
    %dma_wait3A_420 = arith.constant 0 : i32
    %dma_wait3A_421 = tpu.memref_slice %arg3[%add3A, %dma_wait3A_419, %dma_wait3A_420] : memref<32x139x72xi32, #tpu.memory_space<hbm>> -> memref<1x139x72xi32, #tpu.memory_space<hbm>>
    %dma_wait3A_422 = tpu.memref_squeeze %dma_wait3A_421 : memref<1x139x72xi32, #tpu.memory_space<hbm>> -> memref<139x72xi32, #tpu.memory_space<hbm>>
    %dma_wait3A_423 = arith.constant 0 : i32
    %dma_wait3A_424 = tpu.memref_slice %dma_wait3A_422[%dma_wait3A_404, %dma_wait3A_423] : memref<139x72xi32, #tpu.memory_space<hbm>> -> memref<1x72xi32, #tpu.memory_space<hbm>>
    %dma_wait3A_425 = tpu.memref_squeeze %dma_wait3A_424 : memref<1x72xi32, #tpu.memory_space<hbm>> -> memref<72xi32, #tpu.memory_space<hbm>>
    tpu.wait_dma2 semaphore(%arg11 : memref<!tpu.dma_semaphore, #tpu.memory_space<semaphore_mem>>) src(%dma_wait3A_425 : memref<72xi32, #tpu.memory_space<hbm>>) dst(%dma_wait3A_418 : memref<72xi32, #tpu.memory_space<vmem>>)
    %dma_wait3A_426 = arith.constant 2 : i32
    %dma_wait3A_427 = arith.constant 2 : i32
    %dma_wait3A_428 = arith.constant 0 : i32
    %dma_wait3A_429 = tpu.memref_slice %arg8[%dma_wait3A_427, %dma_wait3A_428] : memref<8x72xi32, #tpu.memory_space<vmem>> -> memref<1x72xi32, #tpu.memory_space<vmem>>
    %dma_wait3A_430 = tpu.memref_squeeze %dma_wait3A_429 : memref<1x72xi32, #tpu.memory_space<vmem>> -> memref<72xi32, #tpu.memory_space<vmem>>
    %dma_wait3A_431 = arith.constant 0 : i32
    %dma_wait3A_432 = arith.constant 0 : i32
    %dma_wait3A_433 = tpu.memref_slice %arg4[%add3A, %dma_wait3A_431, %dma_wait3A_432] : memref<32x139x72xi32, #tpu.memory_space<hbm>> -> memref<1x139x72xi32, #tpu.memory_space<hbm>>
    %dma_wait3A_434 = tpu.memref_squeeze %dma_wait3A_433 : memref<1x139x72xi32, #tpu.memory_space<hbm>> -> memref<139x72xi32, #tpu.memory_space<hbm>>
    %dma_wait3A_435 = arith.constant 0 : i32
    %dma_wait3A_436 = tpu.memref_slice %dma_wait3A_434[%dma_wait3A_426, %dma_wait3A_435] : memref<139x72xi32, #tpu.memory_space<hbm>> -> memref<1x72xi32, #tpu.memory_space<hbm>>
    %dma_wait3A_437 = tpu.memref_squeeze %dma_wait3A_436 : memref<1x72xi32, #tpu.memory_space<hbm>> -> memref<72xi32, #tpu.memory_space<hbm>>
    %dma_wait3A_438 = arith.constant 0 : i32
    %dma_wait3A_439 = tpu.memref_slice %arg8[%dma_wait3A_427, %dma_wait3A_438] : memref<8x72xi32, #tpu.memory_space<vmem>> -> memref<1x72xi32, #tpu.memory_space<vmem>>
    %dma_wait3A_440 = tpu.memref_squeeze %dma_wait3A_439 : memref<1x72xi32, #tpu.memory_space<vmem>> -> memref<72xi32, #tpu.memory_space<vmem>>
    %dma_wait3A_441 = arith.constant 0 : i32
    %dma_wait3A_442 = arith.constant 0 : i32
    %dma_wait3A_443 = tpu.memref_slice %arg4[%add3A, %dma_wait3A_441, %dma_wait3A_442] : memref<32x139x72xi32, #tpu.memory_space<hbm>> -> memref<1x139x72xi32, #tpu.memory_space<hbm>>
    %dma_wait3A_444 = tpu.memref_squeeze %dma_wait3A_443 : memref<1x139x72xi32, #tpu.memory_space<hbm>> -> memref<139x72xi32, #tpu.memory_space<hbm>>
    %dma_wait3A_445 = arith.constant 0 : i32
    %dma_wait3A_446 = tpu.memref_slice %dma_wait3A_444[%dma_wait3A_426, %dma_wait3A_445] : memref<139x72xi32, #tpu.memory_space<hbm>> -> memref<1x72xi32, #tpu.memory_space<hbm>>
    %dma_wait3A_447 = tpu.memref_squeeze %dma_wait3A_446 : memref<1x72xi32, #tpu.memory_space<hbm>> -> memref<72xi32, #tpu.memory_space<hbm>>
    tpu.wait_dma2 semaphore(%arg11 : memref<!tpu.dma_semaphore, #tpu.memory_space<semaphore_mem>>) src(%dma_wait3A_447 : memref<72xi32, #tpu.memory_space<hbm>>) dst(%dma_wait3A_440 : memref<72xi32, #tpu.memory_space<vmem>>)
    %dma_start3A_448 = arith.constant 2 : i32
    %dma_start3A_449 = arith.constant 2 : i32
    %dma_start3A_450 = arith.constant 0 : i32
    %dma_start3A_451 = arith.constant 0 : i32
    %dma_start3A_452 = tpu.memref_slice %arg9[%dma_start3A_449, %dma_start3A_450, %dma_start3A_451] : memref<5x72x128xf32, #tpu.memory_space<vmem>> -> memref<1x72x128xf32, #tpu.memory_space<vmem>>
    %dma_start3A_453 = tpu.memref_squeeze %dma_start3A_452 : memref<1x72x128xf32, #tpu.memory_space<vmem>> -> memref<72x128xf32, #tpu.memory_space<vmem>>
    %dma_start3A_454 = arith.constant 0 : i32
    %dma_start3A_455 = tpu.memref_slice %arg7[%dma_start3A_448, %dma_start3A_454] : memref<8x72xi32, #tpu.memory_space<vmem>> -> memref<1x72xi32, #tpu.memory_space<vmem>>
    %dma_start3A_456 = tpu.memref_squeeze %dma_start3A_455 : memref<1x72xi32, #tpu.memory_space<vmem>> -> memref<72xi32, #tpu.memory_space<vmem>>
    %dma_start3A_457 = arith.constant 0 : i32
    %dma_start3A_458 = arith.constant 0 : i32
    %dma_start3A_459 = tpu.memref_slice %arg2[%dma_start3A_457, %dma_start3A_458] : memref<10112x128xf32, #tpu.memory_space<hbm>> -> memref<10112x128xf32, #tpu.memory_space<hbm>>
    tpu.enqueue_indirect_dma source(%dma_start3A_459 : memref<10112x128xf32, #tpu.memory_space<hbm>>) target(%dma_start3A_453 : memref<72x128xf32, #tpu.memory_space<vmem>>) offsets(%dma_start3A_456 : memref<72xi32, #tpu.memory_space<vmem>>) semaphore(%arg12 : memref<!tpu.dma_semaphore, #tpu.memory_space<semaphore_mem>>)
    %dma_wait3A_460 = arith.constant 3 : i32
    %dma_wait3A_461 = arith.constant 3 : i32
    %dma_wait3A_462 = arith.constant 0 : i32
    %dma_wait3A_463 = tpu.memref_slice %arg7[%dma_wait3A_461, %dma_wait3A_462] : memref<8x72xi32, #tpu.memory_space<vmem>> -> memref<1x72xi32, #tpu.memory_space<vmem>>
    %dma_wait3A_464 = tpu.memref_squeeze %dma_wait3A_463 : memref<1x72xi32, #tpu.memory_space<vmem>> -> memref<72xi32, #tpu.memory_space<vmem>>
    %dma_wait3A_465 = arith.constant 0 : i32
    %dma_wait3A_466 = arith.constant 0 : i32
    %dma_wait3A_467 = tpu.memref_slice %arg3[%add3A, %dma_wait3A_465, %dma_wait3A_466] : memref<32x139x72xi32, #tpu.memory_space<hbm>> -> memref<1x139x72xi32, #tpu.memory_space<hbm>>
    %dma_wait3A_468 = tpu.memref_squeeze %dma_wait3A_467 : memref<1x139x72xi32, #tpu.memory_space<hbm>> -> memref<139x72xi32, #tpu.memory_space<hbm>>
    %dma_wait3A_469 = arith.constant 0 : i32
    %dma_wait3A_470 = tpu.memref_slice %dma_wait3A_468[%dma_wait3A_460, %dma_wait3A_469] : memref<139x72xi32, #tpu.memory_space<hbm>> -> memref<1x72xi32, #tpu.memory_space<hbm>>
    %dma_wait3A_471 = tpu.memref_squeeze %dma_wait3A_470 : memref<1x72xi32, #tpu.memory_space<hbm>> -> memref<72xi32, #tpu.memory_space<hbm>>
    %dma_wait3A_472 = arith.constant 0 : i32
    %dma_wait3A_473 = tpu.memref_slice %arg7[%dma_wait3A_461, %dma_wait3A_472] : memref<8x72xi32, #tpu.memory_space<vmem>> -> memref<1x72xi32, #tpu.memory_space<vmem>>
    %dma_wait3A_474 = tpu.memref_squeeze %dma_wait3A_473 : memref<1x72xi32, #tpu.memory_space<vmem>> -> memref<72xi32, #tpu.memory_space<vmem>>
    %dma_wait3A_475 = arith.constant 0 : i32
    %dma_wait3A_476 = arith.constant 0 : i32
    %dma_wait3A_477 = tpu.memref_slice %arg3[%add3A, %dma_wait3A_475, %dma_wait3A_476] : memref<32x139x72xi32, #tpu.memory_space<hbm>> -> memref<1x139x72xi32, #tpu.memory_space<hbm>>
    %dma_wait3A_478 = tpu.memref_squeeze %dma_wait3A_477 : memref<1x139x72xi32, #tpu.memory_space<hbm>> -> memref<139x72xi32, #tpu.memory_space<hbm>>
    %dma_wait3A_479 = arith.constant 0 : i32
    %dma_wait3A_480 = tpu.memref_slice %dma_wait3A_478[%dma_wait3A_460, %dma_wait3A_479] : memref<139x72xi32, #tpu.memory_space<hbm>> -> memref<1x72xi32, #tpu.memory_space<hbm>>
    %dma_wait3A_481 = tpu.memref_squeeze %dma_wait3A_480 : memref<1x72xi32, #tpu.memory_space<hbm>> -> memref<72xi32, #tpu.memory_space<hbm>>
    tpu.wait_dma2 semaphore(%arg11 : memref<!tpu.dma_semaphore, #tpu.memory_space<semaphore_mem>>) src(%dma_wait3A_481 : memref<72xi32, #tpu.memory_space<hbm>>) dst(%dma_wait3A_474 : memref<72xi32, #tpu.memory_space<vmem>>)
    %dma_wait3A_482 = arith.constant 3 : i32
    %dma_wait3A_483 = arith.constant 3 : i32
    %dma_wait3A_484 = arith.constant 0 : i32
    %dma_wait3A_485 = tpu.memref_slice %arg8[%dma_wait3A_483, %dma_wait3A_484] : memref<8x72xi32, #tpu.memory_space<vmem>> -> memref<1x72xi32, #tpu.memory_space<vmem>>
    %dma_wait3A_486 = tpu.memref_squeeze %dma_wait3A_485 : memref<1x72xi32, #tpu.memory_space<vmem>> -> memref<72xi32, #tpu.memory_space<vmem>>
    %dma_wait3A_487 = arith.constant 0 : i32
    %dma_wait3A_488 = arith.constant 0 : i32
    %dma_wait3A_489 = tpu.memref_slice %arg4[%add3A, %dma_wait3A_487, %dma_wait3A_488] : memref<32x139x72xi32, #tpu.memory_space<hbm>> -> memref<1x139x72xi32, #tpu.memory_space<hbm>>
    %dma_wait3A_490 = tpu.memref_squeeze %dma_wait3A_489 : memref<1x139x72xi32, #tpu.memory_space<hbm>> -> memref<139x72xi32, #tpu.memory_space<hbm>>
    %dma_wait3A_491 = arith.constant 0 : i32
    %dma_wait3A_492 = tpu.memref_slice %dma_wait3A_490[%dma_wait3A_482, %dma_wait3A_491] : memref<139x72xi32, #tpu.memory_space<hbm>> -> memref<1x72xi32, #tpu.memory_space<hbm>>
    %dma_wait3A_493 = tpu.memref_squeeze %dma_wait3A_492 : memref<1x72xi32, #tpu.memory_space<hbm>> -> memref<72xi32, #tpu.memory_space<hbm>>
    %dma_wait3A_494 = arith.constant 0 : i32
    %dma_wait3A_495 = tpu.memref_slice %arg8[%dma_wait3A_483, %dma_wait3A_494] : memref<8x72xi32, #tpu.memory_space<vmem>> -> memref<1x72xi32, #tpu.memory_space<vmem>>
    %dma_wait3A_496 = tpu.memref_squeeze %dma_wait3A_495 : memref<1x72xi32, #tpu.memory_space<vmem>> -> memref<72xi32, #tpu.memory_space<vmem>>
    %dma_wait3A_497 = arith.constant 0 : i32
    %dma_wait3A_498 = arith.constant 0 : i32
    %dma_wait3A_499 = tpu.memref_slice %arg4[%add3A, %dma_wait3A_497, %dma_wait3A_498] : memref<32x139x72xi32, #tpu.memory_space<hbm>> -> memref<1x139x72xi32, #tpu.memory_space<hbm>>
    %dma_wait3A_500 = tpu.memref_squeeze %dma_wait3A_499 : memref<1x139x72xi32, #tpu.memory_space<hbm>> -> memref<139x72xi32, #tpu.memory_space<hbm>>
    %dma_wait3A_501 = arith.constant 0 : i32
    %dma_wait3A_502 = tpu.memref_slice %dma_wait3A_500[%dma_wait3A_482, %dma_wait3A_501] : memref<139x72xi32, #tpu.memory_space<hbm>> -> memref<1x72xi32, #tpu.memory_space<hbm>>
    %dma_wait3A_503 = tpu.memref_squeeze %dma_wait3A_502 : memref<1x72xi32, #tpu.memory_space<hbm>> -> memref<72xi32, #tpu.memory_space<hbm>>
    tpu.wait_dma2 semaphore(%arg11 : memref<!tpu.dma_semaphore, #tpu.memory_space<semaphore_mem>>) src(%dma_wait3A_503 : memref<72xi32, #tpu.memory_space<hbm>>) dst(%dma_wait3A_496 : memref<72xi32, #tpu.memory_space<vmem>>)
    %dma_start3A_504 = arith.constant 3 : i32
    %dma_start3A_505 = arith.constant 3 : i32
    %dma_start3A_506 = arith.constant 0 : i32
    %dma_start3A_507 = arith.constant 0 : i32
    %dma_start3A_508 = tpu.memref_slice %arg9[%dma_start3A_505, %dma_start3A_506, %dma_start3A_507] : memref<5x72x128xf32, #tpu.memory_space<vmem>> -> memref<1x72x128xf32, #tpu.memory_space<vmem>>
    %dma_start3A_509 = tpu.memref_squeeze %dma_start3A_508 : memref<1x72x128xf32, #tpu.memory_space<vmem>> -> memref<72x128xf32, #tpu.memory_space<vmem>>
    %dma_start3A_510 = arith.constant 0 : i32
    %dma_start3A_511 = tpu.memref_slice %arg7[%dma_start3A_504, %dma_start3A_510] : memref<8x72xi32, #tpu.memory_space<vmem>> -> memref<1x72xi32, #tpu.memory_space<vmem>>
    %dma_start3A_512 = tpu.memref_squeeze %dma_start3A_511 : memref<1x72xi32, #tpu.memory_space<vmem>> -> memref<72xi32, #tpu.memory_space<vmem>>
    %dma_start3A_513 = arith.constant 0 : i32
    %dma_start3A_514 = arith.constant 0 : i32
    %dma_start3A_515 = tpu.memref_slice %arg2[%dma_start3A_513, %dma_start3A_514] : memref<10112x128xf32, #tpu.memory_space<hbm>> -> memref<10112x128xf32, #tpu.memory_space<hbm>>
    tpu.enqueue_indirect_dma source(%dma_start3A_515 : memref<10112x128xf32, #tpu.memory_space<hbm>>) target(%dma_start3A_509 : memref<72x128xf32, #tpu.memory_space<vmem>>) offsets(%dma_start3A_512 : memref<72xi32, #tpu.memory_space<vmem>>) semaphore(%arg12 : memref<!tpu.dma_semaphore, #tpu.memory_space<semaphore_mem>>)
    %scan3A = arith.constant 0 : i32
    %scan3A_516 = arith.constant 0 : i32
    %scan3A_517 = arith.constant 139 : i32
    %scan3A_518 = arith.addi %scan3A_516, %scan3A_517 : i32
    %scan3A_519 = arith.constant 1 : i32
    scf.for %scan3A_537 = %scan3A_516 to %scan3A_518 step %scan3A_519  : i32 {
      %rem3A_538 = arith.constant 8 : i32
      %rem3A_539 = arith.remsi %scan3A_537, %rem3A_538 : i32
      %rem3A_540 = arith.constant 5 : i32
      %rem3A_541 = arith.remsi %scan3A_537, %rem3A_540 : i32
      %dma_wait3A_542 = arith.constant 0 : i32
      %dma_wait3A_543 = arith.constant 0 : i32
      %dma_wait3A_544 = tpu.memref_slice %arg9[%rem3A_541, %dma_wait3A_542, %dma_wait3A_543] : memref<5x72x128xf32, #tpu.memory_space<vmem>> -> memref<1x72x128xf32, #tpu.memory_space<vmem>>
      %dma_wait3A_545 = tpu.memref_squeeze %dma_wait3A_544 : memref<1x72x128xf32, #tpu.memory_space<vmem>> -> memref<72x128xf32, #tpu.memory_space<vmem>>
      %dma_wait3A_546 = arith.constant 0 : i32
      %dma_wait3A_547 = tpu.memref_slice %arg7[%rem3A_539, %dma_wait3A_546] : memref<8x72xi32, #tpu.memory_space<vmem>> -> memref<1x72xi32, #tpu.memory_space<vmem>>
      %dma_wait3A_548 = tpu.memref_squeeze %dma_wait3A_547 : memref<1x72xi32, #tpu.memory_space<vmem>> -> memref<72xi32, #tpu.memory_space<vmem>>
      %dma_wait3A_549 = arith.constant 0 : i32
      %dma_wait3A_550 = arith.constant 0 : i32
      %dma_wait3A_551 = tpu.memref_slice %arg2[%dma_wait3A_549, %dma_wait3A_550] : memref<10112x128xf32, #tpu.memory_space<hbm>> -> memref<10112x128xf32, #tpu.memory_space<hbm>>
      tpu.wait_indirect_dma semaphore(%arg12 : memref<!tpu.dma_semaphore, #tpu.memory_space<semaphore_mem>>) src(%dma_wait3A_551 : memref<10112x128xf32, #tpu.memory_space<hbm>>) dst(%dma_wait3A_545 : memref<72x128xf32, #tpu.memory_space<vmem>>)
      %dma_start3A_552 = arith.constant 0 : i32
      %dma_start3A_553 = arith.constant 0 : i32
      %dma_start3A_554 = tpu.memref_slice %arg9[%rem3A_541, %dma_start3A_552, %dma_start3A_553] : memref<5x72x128xf32, #tpu.memory_space<vmem>> -> memref<1x72x128xf32, #tpu.memory_space<vmem>>
      %dma_start3A_555 = tpu.memref_squeeze %dma_start3A_554 : memref<1x72x128xf32, #tpu.memory_space<vmem>> -> memref<72x128xf32, #tpu.memory_space<vmem>>
      %dma_start3A_556 = arith.constant 0 : i32
      %dma_start3A_557 = tpu.memref_slice %arg8[%rem3A_539, %dma_start3A_556] : memref<8x72xi32, #tpu.memory_space<vmem>> -> memref<1x72xi32, #tpu.memory_space<vmem>>
      %dma_start3A_558 = tpu.memref_squeeze %dma_start3A_557 : memref<1x72xi32, #tpu.memory_space<vmem>> -> memref<72xi32, #tpu.memory_space<vmem>>
      %dma_start3A_559 = arith.constant 0 : i32
      %dma_start3A_560 = arith.constant 0 : i32
      %dma_start3A_561 = tpu.memref_slice %arg10[%dma_start3A_559, %dma_start3A_560] : memref<10112x128xf32, #tpu.memory_space<vmem_shared>> -> memref<10112x128xf32, #tpu.memory_space<vmem_shared>>
      tpu.enqueue_indirect_dma source(%dma_start3A_555 : memref<72x128xf32, #tpu.memory_space<vmem>>) target(%dma_start3A_561 : memref<10112x128xf32, #tpu.memory_space<vmem_shared>>) offsets(%dma_start3A_558 : memref<72xi32, #tpu.memory_space<vmem>>) semaphore(%arg13 : memref<!tpu.dma_semaphore, #tpu.memory_space<semaphore_mem>>) {add = true}
      %add3A_562 = arith.constant 6 : i32
      %add3A_563 = arith.addi %scan3A_537, %add3A_562 : i32
      %lt3A = arith.constant 139 : i32
      %lt3A_564 = arith.cmpi slt, %add3A_563, %lt3A : i32
      %convert_element_type3A = arith.extui %lt3A_564 : i1 to i32
      %cond3A = arith.constant 0 : i32
      %cond3A_565 = arith.cmpi ne, %convert_element_type3A, %cond3A : i32
      scf.if %cond3A_565 {
        %add3A_578 = arith.constant 6 : i32
        %add3A_579 = arith.addi %scan3A_537, %add3A_578 : i32
        %add3A_580 = arith.constant 6 : i32
        %add3A_581 = arith.addi %scan3A_537, %add3A_580 : i32
        %rem3A_582 = arith.constant 8 : i32
        %rem3A_583 = arith.remsi %add3A_581, %rem3A_582 : i32
        %dma_start3A_584 = arith.constant 0 : i32
        %dma_start3A_585 = tpu.memref_slice %arg7[%rem3A_583, %dma_start3A_584] : memref<8x72xi32, #tpu.memory_space<vmem>> -> memref<1x72xi32, #tpu.memory_space<vmem>>
        %dma_start3A_586 = tpu.memref_squeeze %dma_start3A_585 : memref<1x72xi32, #tpu.memory_space<vmem>> -> memref<72xi32, #tpu.memory_space<vmem>>
        %dma_start3A_587 = arith.constant 0 : i32
        %dma_start3A_588 = arith.constant 0 : i32
        %dma_start3A_589 = tpu.memref_slice %arg3[%add3A, %dma_start3A_587, %dma_start3A_588] : memref<32x139x72xi32, #tpu.memory_space<hbm>> -> memref<1x139x72xi32, #tpu.memory_space<hbm>>
        %dma_start3A_590 = tpu.memref_squeeze %dma_start3A_589 : memref<1x139x72xi32, #tpu.memory_space<hbm>> -> memref<139x72xi32, #tpu.memory_space<hbm>>
        %dma_start3A_591 = arith.constant 0 : i32
        %dma_start3A_592 = tpu.memref_slice %dma_start3A_590[%add3A_579, %dma_start3A_591] : memref<139x72xi32, #tpu.memory_space<hbm>> -> memref<1x72xi32, #tpu.memory_space<hbm>>
        %dma_start3A_593 = tpu.memref_squeeze %dma_start3A_592 : memref<1x72xi32, #tpu.memory_space<hbm>> -> memref<72xi32, #tpu.memory_space<hbm>>
        %dma_start3A_594 = arith.constant 0 : i32
        %dma_start3A_595 = tpu.memref_slice %arg7[%rem3A_583, %dma_start3A_594] : memref<8x72xi32, #tpu.memory_space<vmem>> -> memref<1x72xi32, #tpu.memory_space<vmem>>
        %dma_start3A_596 = tpu.memref_squeeze %dma_start3A_595 : memref<1x72xi32, #tpu.memory_space<vmem>> -> memref<72xi32, #tpu.memory_space<vmem>>
        %dma_start3A_597 = arith.constant 0 : i32
        %dma_start3A_598 = arith.constant 0 : i32
        %dma_start3A_599 = tpu.memref_slice %arg3[%add3A, %dma_start3A_597, %dma_start3A_598] : memref<32x139x72xi32, #tpu.memory_space<hbm>> -> memref<1x139x72xi32, #tpu.memory_space<hbm>>
        %dma_start3A_600 = tpu.memref_squeeze %dma_start3A_599 : memref<1x139x72xi32, #tpu.memory_space<hbm>> -> memref<139x72xi32, #tpu.memory_space<hbm>>
        %dma_start3A_601 = arith.constant 0 : i32
        %dma_start3A_602 = tpu.memref_slice %dma_start3A_600[%add3A_579, %dma_start3A_601] : memref<139x72xi32, #tpu.memory_space<hbm>> -> memref<1x72xi32, #tpu.memory_space<hbm>>
        %dma_start3A_603 = tpu.memref_squeeze %dma_start3A_602 : memref<1x72xi32, #tpu.memory_space<hbm>> -> memref<72xi32, #tpu.memory_space<hbm>>
        tpu.enqueue_dma source(%dma_start3A_603 : memref<72xi32, #tpu.memory_space<hbm>>) target(%dma_start3A_596 : memref<72xi32, #tpu.memory_space<vmem>>) target_semaphore(%arg11 : memref<!tpu.dma_semaphore, #tpu.memory_space<semaphore_mem>>)
        %dma_start3A_604 = arith.constant 0 : i32
        %dma_start3A_605 = tpu.memref_slice %arg8[%rem3A_583, %dma_start3A_604] : memref<8x72xi32, #tpu.memory_space<vmem>> -> memref<1x72xi32, #tpu.memory_space<vmem>>
        %dma_start3A_606 = tpu.memref_squeeze %dma_start3A_605 : memref<1x72xi32, #tpu.memory_space<vmem>> -> memref<72xi32, #tpu.memory_space<vmem>>
        %dma_start3A_607 = arith.constant 0 : i32
        %dma_start3A_608 = arith.constant 0 : i32
        %dma_start3A_609 = tpu.memref_slice %arg4[%add3A, %dma_start3A_607, %dma_start3A_608] : memref<32x139x72xi32, #tpu.memory_space<hbm>> -> memref<1x139x72xi32, #tpu.memory_space<hbm>>
        %dma_start3A_610 = tpu.memref_squeeze %dma_start3A_609 : memref<1x139x72xi32, #tpu.memory_space<hbm>> -> memref<139x72xi32, #tpu.memory_space<hbm>>
        %dma_start3A_611 = arith.constant 0 : i32
        %dma_start3A_612 = tpu.memref_slice %dma_start3A_610[%add3A_579, %dma_start3A_611] : memref<139x72xi32, #tpu.memory_space<hbm>> -> memref<1x72xi32, #tpu.memory_space<hbm>>
        %dma_start3A_613 = tpu.memref_squeeze %dma_start3A_612 : memref<1x72xi32, #tpu.memory_space<hbm>> -> memref<72xi32, #tpu.memory_space<hbm>>
        %dma_start3A_614 = arith.constant 0 : i32
        %dma_start3A_615 = tpu.memref_slice %arg8[%rem3A_583, %dma_start3A_614] : memref<8x72xi32, #tpu.memory_space<vmem>> -> memref<1x72xi32, #tpu.memory_space<vmem>>
        %dma_start3A_616 = tpu.memref_squeeze %dma_start3A_615 : memref<1x72xi32, #tpu.memory_space<vmem>> -> memref<72xi32, #tpu.memory_space<vmem>>
        %dma_start3A_617 = arith.constant 0 : i32
        %dma_start3A_618 = arith.constant 0 : i32
        %dma_start3A_619 = tpu.memref_slice %arg4[%add3A, %dma_start3A_617, %dma_start3A_618] : memref<32x139x72xi32, #tpu.memory_space<hbm>> -> memref<1x139x72xi32, #tpu.memory_space<hbm>>
        %dma_start3A_620 = tpu.memref_squeeze %dma_start3A_619 : memref<1x139x72xi32, #tpu.memory_space<hbm>> -> memref<139x72xi32, #tpu.memory_space<hbm>>
        %dma_start3A_621 = arith.constant 0 : i32
        %dma_start3A_622 = tpu.memref_slice %dma_start3A_620[%add3A_579, %dma_start3A_621] : memref<139x72xi32, #tpu.memory_space<hbm>> -> memref<1x72xi32, #tpu.memory_space<hbm>>
        %dma_start3A_623 = tpu.memref_squeeze %dma_start3A_622 : memref<1x72xi32, #tpu.memory_space<hbm>> -> memref<72xi32, #tpu.memory_space<hbm>>
        tpu.enqueue_dma source(%dma_start3A_623 : memref<72xi32, #tpu.memory_space<hbm>>) target(%dma_start3A_616 : memref<72xi32, #tpu.memory_space<vmem>>) target_semaphore(%arg11 : memref<!tpu.dma_semaphore, #tpu.memory_space<semaphore_mem>>)
      } else {
      }
      %ge3A = arith.constant 1 : i32
      %ge3A_566 = arith.cmpi sge, %scan3A_537, %ge3A : i32
      %convert_element_type3A_567 = arith.extui %ge3A_566 : i1 to i32
      %cond3A_568 = arith.constant 0 : i32
      %cond3A_569 = arith.cmpi ne, %convert_element_type3A_567, %cond3A_568 : i32
      scf.if %cond3A_569 {
        %sub3A_578 = arith.constant 1 : i32
        %sub3A_579 = arith.subi %scan3A_537, %sub3A_578 : i32
        %rem3A_580 = arith.constant 8 : i32
        %rem3A_581 = arith.remsi %sub3A_579, %rem3A_580 : i32
        %sub3A_582 = arith.constant 1 : i32
        %sub3A_583 = arith.subi %scan3A_537, %sub3A_582 : i32
        %rem3A_584 = arith.constant 5 : i32
        %rem3A_585 = arith.remsi %sub3A_583, %rem3A_584 : i32
        %dma_wait3A_586 = arith.constant 0 : i32
        %dma_wait3A_587 = arith.constant 0 : i32
        %dma_wait3A_588 = tpu.memref_slice %arg9[%rem3A_585, %dma_wait3A_586, %dma_wait3A_587] : memref<5x72x128xf32, #tpu.memory_space<vmem>> -> memref<1x72x128xf32, #tpu.memory_space<vmem>>
        %dma_wait3A_589 = tpu.memref_squeeze %dma_wait3A_588 : memref<1x72x128xf32, #tpu.memory_space<vmem>> -> memref<72x128xf32, #tpu.memory_space<vmem>>
        %dma_wait3A_590 = arith.constant 0 : i32
        %dma_wait3A_591 = tpu.memref_slice %arg8[%rem3A_581, %dma_wait3A_590] : memref<8x72xi32, #tpu.memory_space<vmem>> -> memref<1x72xi32, #tpu.memory_space<vmem>>
        %dma_wait3A_592 = tpu.memref_squeeze %dma_wait3A_591 : memref<1x72xi32, #tpu.memory_space<vmem>> -> memref<72xi32, #tpu.memory_space<vmem>>
        %dma_wait3A_593 = arith.constant 0 : i32
        %dma_wait3A_594 = arith.constant 0 : i32
        %dma_wait3A_595 = tpu.memref_slice %arg10[%dma_wait3A_593, %dma_wait3A_594] : memref<10112x128xf32, #tpu.memory_space<vmem_shared>> -> memref<10112x128xf32, #tpu.memory_space<vmem_shared>>
        tpu.wait_indirect_dma semaphore(%arg13 : memref<!tpu.dma_semaphore, #tpu.memory_space<semaphore_mem>>) src(%dma_wait3A_589 : memref<72x128xf32, #tpu.memory_space<vmem>>) dst(%dma_wait3A_595 : memref<10112x128xf32, #tpu.memory_space<vmem_shared>>)
      } else {
      }
      %add3A_570 = arith.constant 5 : i32
      %add3A_571 = arith.addi %scan3A_537, %add3A_570 : i32
      %sub3A = arith.constant 1 : i32
      %sub3A_572 = arith.subi %add3A_571, %sub3A : i32
      %lt3A_573 = arith.constant 139 : i32
      %lt3A_574 = arith.cmpi slt, %sub3A_572, %lt3A_573 : i32
      %convert_element_type3A_575 = arith.extui %lt3A_574 : i1 to i32
      %cond3A_576 = arith.constant 0 : i32
      %cond3A_577 = arith.cmpi ne, %convert_element_type3A_575, %cond3A_576 : i32
      scf.if %cond3A_577 {
        %add3A_578 = arith.constant 5 : i32
        %add3A_579 = arith.addi %scan3A_537, %add3A_578 : i32
        %sub3A_580 = arith.constant 1 : i32
        %sub3A_581 = arith.subi %add3A_579, %sub3A_580 : i32
        %rem3A_582 = arith.constant 8 : i32
        %rem3A_583 = arith.remsi %sub3A_581, %rem3A_582 : i32
        %add3A_584 = arith.constant 5 : i32
        %add3A_585 = arith.addi %scan3A_537, %add3A_584 : i32
        %sub3A_586 = arith.constant 1 : i32
        %sub3A_587 = arith.subi %add3A_585, %sub3A_586 : i32
        %dma_wait3A_588 = arith.constant 0 : i32
        %dma_wait3A_589 = tpu.memref_slice %arg7[%rem3A_583, %dma_wait3A_588] : memref<8x72xi32, #tpu.memory_space<vmem>> -> memref<1x72xi32, #tpu.memory_space<vmem>>
        %dma_wait3A_590 = tpu.memref_squeeze %dma_wait3A_589 : memref<1x72xi32, #tpu.memory_space<vmem>> -> memref<72xi32, #tpu.memory_space<vmem>>
        %dma_wait3A_591 = arith.constant 0 : i32
        %dma_wait3A_592 = arith.constant 0 : i32
        %dma_wait3A_593 = tpu.memref_slice %arg3[%add3A, %dma_wait3A_591, %dma_wait3A_592] : memref<32x139x72xi32, #tpu.memory_space<hbm>> -> memref<1x139x72xi32, #tpu.memory_space<hbm>>
        %dma_wait3A_594 = tpu.memref_squeeze %dma_wait3A_593 : memref<1x139x72xi32, #tpu.memory_space<hbm>> -> memref<139x72xi32, #tpu.memory_space<hbm>>
        %dma_wait3A_595 = arith.constant 0 : i32
        %dma_wait3A_596 = tpu.memref_slice %dma_wait3A_594[%sub3A_587, %dma_wait3A_595] : memref<139x72xi32, #tpu.memory_space<hbm>> -> memref<1x72xi32, #tpu.memory_space<hbm>>
        %dma_wait3A_597 = tpu.memref_squeeze %dma_wait3A_596 : memref<1x72xi32, #tpu.memory_space<hbm>> -> memref<72xi32, #tpu.memory_space<hbm>>
        %dma_wait3A_598 = arith.constant 0 : i32
        %dma_wait3A_599 = tpu.memref_slice %arg7[%rem3A_583, %dma_wait3A_598] : memref<8x72xi32, #tpu.memory_space<vmem>> -> memref<1x72xi32, #tpu.memory_space<vmem>>
        %dma_wait3A_600 = tpu.memref_squeeze %dma_wait3A_599 : memref<1x72xi32, #tpu.memory_space<vmem>> -> memref<72xi32, #tpu.memory_space<vmem>>
        %dma_wait3A_601 = arith.constant 0 : i32
        %dma_wait3A_602 = arith.constant 0 : i32
        %dma_wait3A_603 = tpu.memref_slice %arg3[%add3A, %dma_wait3A_601, %dma_wait3A_602] : memref<32x139x72xi32, #tpu.memory_space<hbm>> -> memref<1x139x72xi32, #tpu.memory_space<hbm>>
        %dma_wait3A_604 = tpu.memref_squeeze %dma_wait3A_603 : memref<1x139x72xi32, #tpu.memory_space<hbm>> -> memref<139x72xi32, #tpu.memory_space<hbm>>
        %dma_wait3A_605 = arith.constant 0 : i32
        %dma_wait3A_606 = tpu.memref_slice %dma_wait3A_604[%sub3A_587, %dma_wait3A_605] : memref<139x72xi32, #tpu.memory_space<hbm>> -> memref<1x72xi32, #tpu.memory_space<hbm>>
        %dma_wait3A_607 = tpu.memref_squeeze %dma_wait3A_606 : memref<1x72xi32, #tpu.memory_space<hbm>> -> memref<72xi32, #tpu.memory_space<hbm>>
        tpu.wait_dma2 semaphore(%arg11 : memref<!tpu.dma_semaphore, #tpu.memory_space<semaphore_mem>>) src(%dma_wait3A_607 : memref<72xi32, #tpu.memory_space<hbm>>) dst(%dma_wait3A_600 : memref<72xi32, #tpu.memory_space<vmem>>)
        %dma_wait3A_608 = arith.constant 0 : i32
        %dma_wait3A_609 = tpu.memref_slice %arg8[%rem3A_583, %dma_wait3A_608] : memref<8x72xi32, #tpu.memory_space<vmem>> -> memref<1x72xi32, #tpu.memory_space<vmem>>
        %dma_wait3A_610 = tpu.memref_squeeze %dma_wait3A_609 : memref<1x72xi32, #tpu.memory_space<vmem>> -> memref<72xi32, #tpu.memory_space<vmem>>
        %dma_wait3A_611 = arith.constant 0 : i32
        %dma_wait3A_612 = arith.constant 0 : i32
        %dma_wait3A_613 = tpu.memref_slice %arg4[%add3A, %dma_wait3A_611, %dma_wait3A_612] : memref<32x139x72xi32, #tpu.memory_space<hbm>> -> memref<1x139x72xi32, #tpu.memory_space<hbm>>
        %dma_wait3A_614 = tpu.memref_squeeze %dma_wait3A_613 : memref<1x139x72xi32, #tpu.memory_space<hbm>> -> memref<139x72xi32, #tpu.memory_space<hbm>>
        %dma_wait3A_615 = arith.constant 0 : i32
        %dma_wait3A_616 = tpu.memref_slice %dma_wait3A_614[%sub3A_587, %dma_wait3A_615] : memref<139x72xi32, #tpu.memory_space<hbm>> -> memref<1x72xi32, #tpu.memory_space<hbm>>
        %dma_wait3A_617 = tpu.memref_squeeze %dma_wait3A_616 : memref<1x72xi32, #tpu.memory_space<hbm>> -> memref<72xi32, #tpu.memory_space<hbm>>
        %dma_wait3A_618 = arith.constant 0 : i32
        %dma_wait3A_619 = tpu.memref_slice %arg8[%rem3A_583, %dma_wait3A_618] : memref<8x72xi32, #tpu.memory_space<vmem>> -> memref<1x72xi32, #tpu.memory_space<vmem>>
        %dma_wait3A_620 = tpu.memref_squeeze %dma_wait3A_619 : memref<1x72xi32, #tpu.memory_space<vmem>> -> memref<72xi32, #tpu.memory_space<vmem>>
        %dma_wait3A_621 = arith.constant 0 : i32
        %dma_wait3A_622 = arith.constant 0 : i32
        %dma_wait3A_623 = tpu.memref_slice %arg4[%add3A, %dma_wait3A_621, %dma_wait3A_622] : memref<32x139x72xi32, #tpu.memory_space<hbm>> -> memref<1x139x72xi32, #tpu.memory_space<hbm>>
        %dma_wait3A_624 = tpu.memref_squeeze %dma_wait3A_623 : memref<1x139x72xi32, #tpu.memory_space<hbm>> -> memref<139x72xi32, #tpu.memory_space<hbm>>
        %dma_wait3A_625 = arith.constant 0 : i32
        %dma_wait3A_626 = tpu.memref_slice %dma_wait3A_624[%sub3A_587, %dma_wait3A_625] : memref<139x72xi32, #tpu.memory_space<hbm>> -> memref<1x72xi32, #tpu.memory_space<hbm>>
        %dma_wait3A_627 = tpu.memref_squeeze %dma_wait3A_626 : memref<1x72xi32, #tpu.memory_space<hbm>> -> memref<72xi32, #tpu.memory_space<hbm>>
        tpu.wait_dma2 semaphore(%arg11 : memref<!tpu.dma_semaphore, #tpu.memory_space<semaphore_mem>>) src(%dma_wait3A_627 : memref<72xi32, #tpu.memory_space<hbm>>) dst(%dma_wait3A_620 : memref<72xi32, #tpu.memory_space<vmem>>)
        %add3A_628 = arith.constant 5 : i32
        %add3A_629 = arith.addi %scan3A_537, %add3A_628 : i32
        %sub3A_630 = arith.constant 1 : i32
        %sub3A_631 = arith.subi %add3A_629, %sub3A_630 : i32
        %rem3A_632 = arith.constant 5 : i32
        %rem3A_633 = arith.remsi %sub3A_631, %rem3A_632 : i32
        %dma_start3A_634 = arith.constant 0 : i32
        %dma_start3A_635 = arith.constant 0 : i32
        %dma_start3A_636 = tpu.memref_slice %arg9[%rem3A_633, %dma_start3A_634, %dma_start3A_635] : memref<5x72x128xf32, #tpu.memory_space<vmem>> -> memref<1x72x128xf32, #tpu.memory_space<vmem>>
        %dma_start3A_637 = tpu.memref_squeeze %dma_start3A_636 : memref<1x72x128xf32, #tpu.memory_space<vmem>> -> memref<72x128xf32, #tpu.memory_space<vmem>>
        %dma_start3A_638 = arith.constant 0 : i32
        %dma_start3A_639 = tpu.memref_slice %arg7[%rem3A_583, %dma_start3A_638] : memref<8x72xi32, #tpu.memory_space<vmem>> -> memref<1x72xi32, #tpu.memory_space<vmem>>
        %dma_start3A_640 = tpu.memref_squeeze %dma_start3A_639 : memref<1x72xi32, #tpu.memory_space<vmem>> -> memref<72xi32, #tpu.memory_space<vmem>>
        %dma_start3A_641 = arith.constant 0 : i32
        %dma_start3A_642 = arith.constant 0 : i32
        %dma_start3A_643 = tpu.memref_slice %arg2[%dma_start3A_641, %dma_start3A_642] : memref<10112x128xf32, #tpu.memory_space<hbm>> -> memref<10112x128xf32, #tpu.memory_space<hbm>>
        tpu.enqueue_indirect_dma source(%dma_start3A_643 : memref<10112x128xf32, #tpu.memory_space<hbm>>) target(%dma_start3A_637 : memref<72x128xf32, #tpu.memory_space<vmem>>) offsets(%dma_start3A_640 : memref<72xi32, #tpu.memory_space<vmem>>) semaphore(%arg12 : memref<!tpu.dma_semaphore, #tpu.memory_space<semaphore_mem>>)
      } else {
      }
    }
    %scan3A_520 = arith.constant 139 : i32
    %rem3A = arith.constant 138 : i32
    %rem3A_521 = arith.constant 8 : i32
    %rem3A_522 = arith.remsi %rem3A, %rem3A_521 : i32
    %rem3A_523 = arith.constant 138 : i32
    %rem3A_524 = arith.constant 5 : i32
    %rem3A_525 = arith.remsi %rem3A_523, %rem3A_524 : i32
    %dma_wait3A_526 = arith.constant 0 : i32
    %dma_wait3A_527 = arith.constant 0 : i32
    %dma_wait3A_528 = tpu.memref_slice %arg9[%rem3A_525, %dma_wait3A_526, %dma_wait3A_527] : memref<5x72x128xf32, #tpu.memory_space<vmem>> -> memref<1x72x128xf32, #tpu.memory_space<vmem>>
    %dma_wait3A_529 = tpu.memref_squeeze %dma_wait3A_528 : memref<1x72x128xf32, #tpu.memory_space<vmem>> -> memref<72x128xf32, #tpu.memory_space<vmem>>
    %dma_wait3A_530 = arith.constant 0 : i32
    %dma_wait3A_531 = tpu.memref_slice %arg8[%rem3A_522, %dma_wait3A_530] : memref<8x72xi32, #tpu.memory_space<vmem>> -> memref<1x72xi32, #tpu.memory_space<vmem>>
    %dma_wait3A_532 = tpu.memref_squeeze %dma_wait3A_531 : memref<1x72xi32, #tpu.memory_space<vmem>> -> memref<72xi32, #tpu.memory_space<vmem>>
    %dma_wait3A_533 = arith.constant 0 : i32
    %dma_wait3A_534 = arith.constant 0 : i32
    %dma_wait3A_535 = tpu.memref_slice %arg10[%dma_wait3A_533, %dma_wait3A_534] : memref<10112x128xf32, #tpu.memory_space<vmem_shared>> -> memref<10112x128xf32, #tpu.memory_space<vmem_shared>>
    tpu.wait_indirect_dma semaphore(%arg13 : memref<!tpu.dma_semaphore, #tpu.memory_space<semaphore_mem>>) src(%dma_wait3A_529 : memref<72x128xf32, #tpu.memory_space<vmem>>) dst(%dma_wait3A_535 : memref<10112x128xf32, #tpu.memory_space<vmem_shared>>)
    %barrier3A_536 = arith.constant 0 : index
    tpu.barrier barrier_id(%barrier3A_536)
    "tpu.region"() ({
      %run_scoped3A_537 = tpu.sem_alloc : memref<!tpu.dma_semaphore, #tpu.memory_space<semaphore_mem>>
      %dma_start3A_538 = arith.constant 0 : i32
      %dma_start3A_539 = arith.constant 0 : i32
      %dma_start3A_540 = tpu.memref_slice %arg6[%arg0, %dma_start3A_538, %dma_start3A_539] : memref<2x10112x128xf32, #tpu.memory_space<hbm>> -> memref<1x10112x128xf32, #tpu.memory_space<hbm>>
      %dma_start3A_541 = tpu.memref_squeeze %dma_start3A_540 : memref<1x10112x128xf32, #tpu.memory_space<hbm>> -> memref<10112x128xf32, #tpu.memory_space<hbm>>
      %dma_start3A_542 = arith.constant 0 : i32
      %dma_start3A_543 = tpu.memref_slice %dma_start3A_541[%mul3A_2, %dma_start3A_542] : memref<10112x128xf32, #tpu.memory_space<hbm>> -> memref<632x128xf32, #tpu.memory_space<hbm>>
      %dma_start3A_544 = arith.constant 0 : i32
      %dma_start3A_545 = tpu.memref_slice %arg10[%mul3A_2, %dma_start3A_544] : memref<10112x128xf32, #tpu.memory_space<vmem_shared>> -> memref<632x128xf32, #tpu.memory_space<vmem_shared>>
      tpu.enqueue_dma source(%dma_start3A_545 : memref<632x128xf32, #tpu.memory_space<vmem_shared>>) target(%dma_start3A_543 : memref<632x128xf32, #tpu.memory_space<hbm>>) target_semaphore(%run_scoped3A_537 : memref<!tpu.dma_semaphore, #tpu.memory_space<semaphore_mem>>)
      %dma_wait3A_546 = arith.constant 0 : i32
      %dma_wait3A_547 = arith.constant 0 : i32
      %dma_wait3A_548 = tpu.memref_slice %arg6[%arg0, %dma_wait3A_546, %dma_wait3A_547] : memref<2x10112x128xf32, #tpu.memory_space<hbm>> -> memref<1x10112x128xf32, #tpu.memory_space<hbm>>
      %dma_wait3A_549 = tpu.memref_squeeze %dma_wait3A_548 : memref<1x10112x128xf32, #tpu.memory_space<hbm>> -> memref<10112x128xf32, #tpu.memory_space<hbm>>
      %dma_wait3A_550 = arith.constant 0 : i32
      %dma_wait3A_551 = tpu.memref_slice %dma_wait3A_549[%mul3A_2, %dma_wait3A_550] : memref<10112x128xf32, #tpu.memory_space<hbm>> -> memref<632x128xf32, #tpu.memory_space<hbm>>
      %dma_wait3A_552 = arith.constant 0 : i32
      %dma_wait3A_553 = tpu.memref_slice %arg10[%mul3A_2, %dma_wait3A_552] : memref<10112x128xf32, #tpu.memory_space<vmem_shared>> -> memref<632x128xf32, #tpu.memory_space<vmem_shared>>
      tpu.wait_dma2 semaphore(%run_scoped3A_537 : memref<!tpu.dma_semaphore, #tpu.memory_space<semaphore_mem>>) src(%dma_wait3A_553 : memref<632x128xf32, #tpu.memory_space<vmem_shared>>) dst(%dma_wait3A_551 : memref<632x128xf32, #tpu.memory_space<hbm>>)
      tpu.yield
    }) : () -> ()
    return
  }
}

#map = affine_map<(d0, d1) -> (0, 0)>
#map1 = affine_map<(d0, d1) -> (0, 0, 0)>
module attributes {stable_mosaic.version = 14 : i64} {
  func.func @_agg_body(%arg0: i32, %arg1: i32, %arg2: memref<10112x128xf32, #tpu.memory_space<hbm>>, %arg3: memref<32x139x72xi32, #tpu.memory_space<hbm>>, %arg4: memref<32x139x72xi32, #tpu.memory_space<hbm>>, %arg5: memref<72x128xf32, #tpu.memory_space<hbm>>, %arg6: memref<2x10112x128xf32, #tpu.memory_space<hbm>>, %arg7: memref<8x72xi32, #tpu.memory_space<vmem>>, %arg8: memref<8x72xi32, #tpu.memory_space<vmem>>, %arg9: memref<5x72x128xf32, #tpu.memory_space<vmem>>, %arg10: memref<10112x128xf32, #tpu.memory_space<vmem_shared>>, %arg11: memref<!tpu.dma_semaphore, #tpu.memory_space<semaphore_mem>>, %arg12: memref<!tpu.dma_semaphore, #tpu.memory_space<semaphore_mem>>, %arg13: memref<!tpu.dma_semaphore, #tpu.memory_space<semaphore_mem>>) attributes {dimension_semantics = [#tpu.dimension_semantics<core_parallel>, #tpu.dimension_semantics<subcore_parallel>], iteration_bounds = array<i64: 2, 16>, scalar_prefetch = 0 : i64, scratch_operands = 7 : i64, tpu.core_type = #tpu.core_type<sc_vector_subcore>, window_params = [{transform_indices = #map}, {transform_indices = #map1}, {transform_indices = #map1}, {transform_indices = #map}, {transform_indices = #map1}]} {
    %mul3A = arith.constant 16 : i32
    %mul3A_0 = arith.muli %arg0, %mul3A : i32
    %add3A = arith.addi %mul3A_0, %arg1 : i32
    %run_scoped3A = arith.constant 0 : i32
    "tpu.region"() ({
      %run_scoped3A_537 = tpu.sem_alloc : memref<!tpu.dma_semaphore, #tpu.memory_space<semaphore_mem>>
      %dma_start3A_538 = arith.constant 0 : i32
      %dma_start3A_539 = arith.constant 0 : i32
      %dma_start3A_540 = tpu.memref_slice %arg9[%run_scoped3A, %dma_start3A_538, %dma_start3A_539] : memref<5x72x128xf32, #tpu.memory_space<vmem>> -> memref<1x72x128xf32, #tpu.memory_space<vmem>>
      %dma_start3A_541 = tpu.memref_squeeze %dma_start3A_540 : memref<1x72x128xf32, #tpu.memory_space<vmem>> -> memref<72x128xf32, #tpu.memory_space<vmem>>
      %dma_start3A_542 = arith.constant 0 : i32
      %dma_start3A_543 = arith.constant 0 : i32
      %dma_start3A_544 = tpu.memref_slice %arg9[%run_scoped3A, %dma_start3A_542, %dma_start3A_543] : memref<5x72x128xf32, #tpu.memory_space<vmem>> -> memref<1x72x128xf32, #tpu.memory_space<vmem>>
      %dma_start3A_545 = tpu.memref_squeeze %dma_start3A_544 : memref<1x72x128xf32, #tpu.memory_space<vmem>> -> memref<72x128xf32, #tpu.memory_space<vmem>>
      tpu.enqueue_dma source(%arg5 : memref<72x128xf32, #tpu.memory_space<hbm>>) target(%dma_start3A_545 : memref<72x128xf32, #tpu.memory_space<vmem>>) target_semaphore(%run_scoped3A_537 : memref<!tpu.dma_semaphore, #tpu.memory_space<semaphore_mem>>)
      %dma_wait3A_546 = arith.constant 0 : i32
      %dma_wait3A_547 = arith.constant 0 : i32
      %dma_wait3A_548 = tpu.memref_slice %arg9[%run_scoped3A, %dma_wait3A_546, %dma_wait3A_547] : memref<5x72x128xf32, #tpu.memory_space<vmem>> -> memref<1x72x128xf32, #tpu.memory_space<vmem>>
      %dma_wait3A_549 = tpu.memref_squeeze %dma_wait3A_548 : memref<1x72x128xf32, #tpu.memory_space<vmem>> -> memref<72x128xf32, #tpu.memory_space<vmem>>
      %dma_wait3A_550 = arith.constant 0 : i32
      %dma_wait3A_551 = arith.constant 0 : i32
      %dma_wait3A_552 = tpu.memref_slice %arg9[%run_scoped3A, %dma_wait3A_550, %dma_wait3A_551] : memref<5x72x128xf32, #tpu.memory_space<vmem>> -> memref<1x72x128xf32, #tpu.memory_space<vmem>>
      %dma_wait3A_553 = tpu.memref_squeeze %dma_wait3A_552 : memref<1x72x128xf32, #tpu.memory_space<vmem>> -> memref<72x128xf32, #tpu.memory_space<vmem>>
      tpu.wait_dma2 semaphore(%run_scoped3A_537 : memref<!tpu.dma_semaphore, #tpu.memory_space<semaphore_mem>>) src(%arg5 : memref<72x128xf32, #tpu.memory_space<hbm>>) dst(%dma_wait3A_553 : memref<72x128xf32, #tpu.memory_space<vmem>>)
      tpu.yield
    }) : () -> ()
    %mul3A_1 = arith.constant 632 : i32
    %mul3A_2 = arith.muli %arg1, %mul3A_1 : i32
    %add3A_3 = arith.constant 0 : i32
    %add3A_4 = arith.addi %mul3A_2, %add3A_3 : i32
    %run_scoped3A_5 = arith.constant 0 : i32
    "tpu.region"() ({
      %run_scoped3A_537 = tpu.sem_alloc : memref<!tpu.dma_semaphore, #tpu.memory_space<semaphore_mem>>
      %dma_start3A_538 = arith.constant 0 : i32
      %dma_start3A_539 = arith.constant 0 : i32
      %dma_start3A_540 = tpu.memref_slice %arg9[%run_scoped3A_5, %dma_start3A_538, %dma_start3A_539] : memref<5x72x128xf32, #tpu.memory_space<vmem>> -> memref<1x72x128xf32, #tpu.memory_space<vmem>>
      %dma_start3A_541 = tpu.memref_squeeze %dma_start3A_540 : memref<1x72x128xf32, #tpu.memory_space<vmem>> -> memref<72x128xf32, #tpu.memory_space<vmem>>
      %dma_start3A_542 = arith.constant 0 : i32
      %dma_start3A_543 = tpu.memref_slice %arg10[%add3A_4, %dma_start3A_542] : memref<10112x128xf32, #tpu.memory_space<vmem_shared>> -> memref<72x128xf32, #tpu.memory_space<vmem_shared>>
      %dma_start3A_544 = arith.constant 0 : i32
      %dma_start3A_545 = tpu.memref_slice %arg10[%add3A_4, %dma_start3A_544] : memref<10112x128xf32, #tpu.memory_space<vmem_shared>> -> memref<72x128xf32, #tpu.memory_space<vmem_shared>>
      %dma_start3A_546 = arith.constant 0 : i32
      %dma_start3A_547 = arith.constant 0 : i32
      %dma_start3A_548 = tpu.memref_slice %arg9[%run_scoped3A_5, %dma_start3A_546, %dma_start3A_547] : memref<5x72x128xf32, #tpu.memory_space<vmem>> -> memref<1x72x128xf32, #tpu.memory_space<vmem>>
      %dma_start3A_549 = tpu.memref_squeeze %dma_start3A_548 : memref<1x72x128xf32, #tpu.memory_space<vmem>> -> memref<72x128xf32, #tpu.memory_space<vmem>>
      tpu.enqueue_dma source(%dma_start3A_549 : memref<72x128xf32, #tpu.memory_space<vmem>>) target(%dma_start3A_545 : memref<72x128xf32, #tpu.memory_space<vmem_shared>>) target_semaphore(%run_scoped3A_537 : memref<!tpu.dma_semaphore, #tpu.memory_space<semaphore_mem>>)
      %dma_wait3A_550 = arith.constant 0 : i32
      %dma_wait3A_551 = arith.constant 0 : i32
      %dma_wait3A_552 = tpu.memref_slice %arg9[%run_scoped3A_5, %dma_wait3A_550, %dma_wait3A_551] : memref<5x72x128xf32, #tpu.memory_space<vmem>> -> memref<1x72x128xf32, #tpu.memory_space<vmem>>
      %dma_wait3A_553 = tpu.memref_squeeze %dma_wait3A_552 : memref<1x72x128xf32, #tpu.memory_space<vmem>> -> memref<72x128xf32, #tpu.memory_space<vmem>>
      %dma_wait3A_554 = arith.constant 0 : i32
      %dma_wait3A_555 = tpu.memref_slice %arg10[%add3A_4, %dma_wait3A_554] : memref<10112x128xf32, #tpu.memory_space<vmem_shared>> -> memref<72x128xf32, #tpu.memory_space<vmem_shared>>
      %dma_wait3A_556 = arith.constant 0 : i32
      %dma_wait3A_557 = tpu.memref_slice %arg10[%add3A_4, %dma_wait3A_556] : memref<10112x128xf32, #tpu.memory_space<vmem_shared>> -> memref<72x128xf32, #tpu.memory_space<vmem_shared>>
      %dma_wait3A_558 = arith.constant 0 : i32
      %dma_wait3A_559 = arith.constant 0 : i32
      %dma_wait3A_560 = tpu.memref_slice %arg9[%run_scoped3A_5, %dma_wait3A_558, %dma_wait3A_559] : memref<5x72x128xf32, #tpu.memory_space<vmem>> -> memref<1x72x128xf32, #tpu.memory_space<vmem>>
      %dma_wait3A_561 = tpu.memref_squeeze %dma_wait3A_560 : memref<1x72x128xf32, #tpu.memory_space<vmem>> -> memref<72x128xf32, #tpu.memory_space<vmem>>
      tpu.wait_dma2 semaphore(%run_scoped3A_537 : memref<!tpu.dma_semaphore, #tpu.memory_space<semaphore_mem>>) src(%dma_wait3A_561 : memref<72x128xf32, #tpu.memory_space<vmem>>) dst(%dma_wait3A_557 : memref<72x128xf32, #tpu.memory_space<vmem_shared>>)
      tpu.yield
    }) : () -> ()
    %add3A_6 = arith.constant 72 : i32
    %add3A_7 = arith.addi %mul3A_2, %add3A_6 : i32
    %run_scoped3A_8 = arith.constant 0 : i32
    "tpu.region"() ({
      %run_scoped3A_537 = tpu.sem_alloc : memref<!tpu.dma_semaphore, #tpu.memory_space<semaphore_mem>>
      %dma_start3A_538 = arith.constant 0 : i32
      %dma_start3A_539 = arith.constant 0 : i32
      %dma_start3A_540 = tpu.memref_slice %arg9[%run_scoped3A_8, %dma_start3A_538, %dma_start3A_539] : memref<5x72x128xf32, #tpu.memory_space<vmem>> -> memref<1x72x128xf32, #tpu.memory_space<vmem>>
      %dma_start3A_541 = tpu.memref_squeeze %dma_start3A_540 : memref<1x72x128xf32, #tpu.memory_space<vmem>> -> memref<72x128xf32, #tpu.memory_space<vmem>>
      %dma_start3A_542 = arith.constant 0 : i32
      %dma_start3A_543 = tpu.memref_slice %arg10[%add3A_7, %dma_start3A_542] : memref<10112x128xf32, #tpu.memory_space<vmem_shared>> -> memref<72x128xf32, #tpu.memory_space<vmem_shared>>
      %dma_start3A_544 = arith.constant 0 : i32
      %dma_start3A_545 = tpu.memref_slice %arg10[%add3A_7, %dma_start3A_544] : memref<10112x128xf32, #tpu.memory_space<vmem_shared>> -> memref<72x128xf32, #tpu.memory_space<vmem_shared>>
      %dma_start3A_546 = arith.constant 0 : i32
      %dma_start3A_547 = arith.constant 0 : i32
      %dma_start3A_548 = tpu.memref_slice %arg9[%run_scoped3A_8, %dma_start3A_546, %dma_start3A_547] : memref<5x72x128xf32, #tpu.memory_space<vmem>> -> memref<1x72x128xf32, #tpu.memory_space<vmem>>
      %dma_start3A_549 = tpu.memref_squeeze %dma_start3A_548 : memref<1x72x128xf32, #tpu.memory_space<vmem>> -> memref<72x128xf32, #tpu.memory_space<vmem>>
      tpu.enqueue_dma source(%dma_start3A_549 : memref<72x128xf32, #tpu.memory_space<vmem>>) target(%dma_start3A_545 : memref<72x128xf32, #tpu.memory_space<vmem_shared>>) target_semaphore(%run_scoped3A_537 : memref<!tpu.dma_semaphore, #tpu.memory_space<semaphore_mem>>)
      %dma_wait3A_550 = arith.constant 0 : i32
      %dma_wait3A_551 = arith.constant 0 : i32
      %dma_wait3A_552 = tpu.memref_slice %arg9[%run_scoped3A_8, %dma_wait3A_550, %dma_wait3A_551] : memref<5x72x128xf32, #tpu.memory_space<vmem>> -> memref<1x72x128xf32, #tpu.memory_space<vmem>>
      %dma_wait3A_553 = tpu.memref_squeeze %dma_wait3A_552 : memref<1x72x128xf32, #tpu.memory_space<vmem>> -> memref<72x128xf32, #tpu.memory_space<vmem>>
      %dma_wait3A_554 = arith.constant 0 : i32
      %dma_wait3A_555 = tpu.memref_slice %arg10[%add3A_7, %dma_wait3A_554] : memref<10112x128xf32, #tpu.memory_space<vmem_shared>> -> memref<72x128xf32, #tpu.memory_space<vmem_shared>>
      %dma_wait3A_556 = arith.constant 0 : i32
      %dma_wait3A_557 = tpu.memref_slice %arg10[%add3A_7, %dma_wait3A_556] : memref<10112x128xf32, #tpu.memory_space<vmem_shared>> -> memref<72x128xf32, #tpu.memory_space<vmem_shared>>
      %dma_wait3A_558 = arith.constant 0 : i32
      %dma_wait3A_559 = arith.constant 0 : i32
      %dma_wait3A_560 = tpu.memref_slice %arg9[%run_scoped3A_8, %dma_wait3A_558, %dma_wait3A_559] : memref<5x72x128xf32, #tpu.memory_space<vmem>> -> memref<1x72x128xf32, #tpu.memory_space<vmem>>
      %dma_wait3A_561 = tpu.memref_squeeze %dma_wait3A_560 : memref<1x72x128xf32, #tpu.memory_space<vmem>> -> memref<72x128xf32, #tpu.memory_space<vmem>>
      tpu.wait_dma2 semaphore(%run_scoped3A_537 : memref<!tpu.dma_semaphore, #tpu.memory_space<semaphore_mem>>) src(%dma_wait3A_561 : memref<72x128xf32, #tpu.memory_space<vmem>>) dst(%dma_wait3A_557 : memref<72x128xf32, #tpu.memory_space<vmem_shared>>)
      tpu.yield
    }) : () -> ()
    %add3A_9 = arith.constant 144 : i32
    %add3A_10 = arith.addi %mul3A_2, %add3A_9 : i32
    %run_scoped3A_11 = arith.constant 0 : i32
    "tpu.region"() ({
      %run_scoped3A_537 = tpu.sem_alloc : memref<!tpu.dma_semaphore, #tpu.memory_space<semaphore_mem>>
      %dma_start3A_538 = arith.constant 0 : i32
      %dma_start3A_539 = arith.constant 0 : i32
      %dma_start3A_540 = tpu.memref_slice %arg9[%run_scoped3A_11, %dma_start3A_538, %dma_start3A_539] : memref<5x72x128xf32, #tpu.memory_space<vmem>> -> memref<1x72x128xf32, #tpu.memory_space<vmem>>
      %dma_start3A_541 = tpu.memref_squeeze %dma_start3A_540 : memref<1x72x128xf32, #tpu.memory_space<vmem>> -> memref<72x128xf32, #tpu.memory_space<vmem>>
      %dma_start3A_542 = arith.constant 0 : i32
      %dma_start3A_543 = tpu.memref_slice %arg10[%add3A_10, %dma_start3A_542] : memref<10112x128xf32, #tpu.memory_space<vmem_shared>> -> memref<72x128xf32, #tpu.memory_space<vmem_shared>>
      %dma_start3A_544 = arith.constant 0 : i32
      %dma_start3A_545 = tpu.memref_slice %arg10[%add3A_10, %dma_start3A_544] : memref<10112x128xf32, #tpu.memory_space<vmem_shared>> -> memref<72x128xf32, #tpu.memory_space<vmem_shared>>
      %dma_start3A_546 = arith.constant 0 : i32
      %dma_start3A_547 = arith.constant 0 : i32
      %dma_start3A_548 = tpu.memref_slice %arg9[%run_scoped3A_11, %dma_start3A_546, %dma_start3A_547] : memref<5x72x128xf32, #tpu.memory_space<vmem>> -> memref<1x72x128xf32, #tpu.memory_space<vmem>>
      %dma_start3A_549 = tpu.memref_squeeze %dma_start3A_548 : memref<1x72x128xf32, #tpu.memory_space<vmem>> -> memref<72x128xf32, #tpu.memory_space<vmem>>
      tpu.enqueue_dma source(%dma_start3A_549 : memref<72x128xf32, #tpu.memory_space<vmem>>) target(%dma_start3A_545 : memref<72x128xf32, #tpu.memory_space<vmem_shared>>) target_semaphore(%run_scoped3A_537 : memref<!tpu.dma_semaphore, #tpu.memory_space<semaphore_mem>>)
      %dma_wait3A_550 = arith.constant 0 : i32
      %dma_wait3A_551 = arith.constant 0 : i32
      %dma_wait3A_552 = tpu.memref_slice %arg9[%run_scoped3A_11, %dma_wait3A_550, %dma_wait3A_551] : memref<5x72x128xf32, #tpu.memory_space<vmem>> -> memref<1x72x128xf32, #tpu.memory_space<vmem>>
      %dma_wait3A_553 = tpu.memref_squeeze %dma_wait3A_552 : memref<1x72x128xf32, #tpu.memory_space<vmem>> -> memref<72x128xf32, #tpu.memory_space<vmem>>
      %dma_wait3A_554 = arith.constant 0 : i32
      %dma_wait3A_555 = tpu.memref_slice %arg10[%add3A_10, %dma_wait3A_554] : memref<10112x128xf32, #tpu.memory_space<vmem_shared>> -> memref<72x128xf32, #tpu.memory_space<vmem_shared>>
      %dma_wait3A_556 = arith.constant 0 : i32
      %dma_wait3A_557 = tpu.memref_slice %arg10[%add3A_10, %dma_wait3A_556] : memref<10112x128xf32, #tpu.memory_space<vmem_shared>> -> memref<72x128xf32, #tpu.memory_space<vmem_shared>>
      %dma_wait3A_558 = arith.constant 0 : i32
      %dma_wait3A_559 = arith.constant 0 : i32
      %dma_wait3A_560 = tpu.memref_slice %arg9[%run_scoped3A_11, %dma_wait3A_558, %dma_wait3A_559] : memref<5x72x128xf32, #tpu.memory_space<vmem>> -> memref<1x72x128xf32, #tpu.memory_space<vmem>>
      %dma_wait3A_561 = tpu.memref_squeeze %dma_wait3A_560 : memref<1x72x128xf32, #tpu.memory_space<vmem>> -> memref<72x128xf32, #tpu.memory_space<vmem>>
      tpu.wait_dma2 semaphore(%run_scoped3A_537 : memref<!tpu.dma_semaphore, #tpu.memory_space<semaphore_mem>>) src(%dma_wait3A_561 : memref<72x128xf32, #tpu.memory_space<vmem>>) dst(%dma_wait3A_557 : memref<72x128xf32, #tpu.memory_space<vmem_shared>>)
      tpu.yield
    }) : () -> ()
    %add3A_12 = arith.constant 216 : i32
    %add3A_13 = arith.addi %mul3A_2, %add3A_12 : i32
    %run_scoped3A_14 = arith.constant 0 : i32
    "tpu.region"() ({
      %run_scoped3A_537 = tpu.sem_alloc : memref<!tpu.dma_semaphore, #tpu.memory_space<semaphore_mem>>
      %dma_start3A_538 = arith.constant 0 : i32
      %dma_start3A_539 = arith.constant 0 : i32
      %dma_start3A_540 = tpu.memref_slice %arg9[%run_scoped3A_14, %dma_start3A_538, %dma_start3A_539] : memref<5x72x128xf32, #tpu.memory_space<vmem>> -> memref<1x72x128xf32, #tpu.memory_space<vmem>>
      %dma_start3A_541 = tpu.memref_squeeze %dma_start3A_540 : memref<1x72x128xf32, #tpu.memory_space<vmem>> -> memref<72x128xf32, #tpu.memory_space<vmem>>
      %dma_start3A_542 = arith.constant 0 : i32
      %dma_start3A_543 = tpu.memref_slice %arg10[%add3A_13, %dma_start3A_542] : memref<10112x128xf32, #tpu.memory_space<vmem_shared>> -> memref<72x128xf32, #tpu.memory_space<vmem_shared>>
      %dma_start3A_544 = arith.constant 0 : i32
      %dma_start3A_545 = tpu.memref_slice %arg10[%add3A_13, %dma_start3A_544] : memref<10112x128xf32, #tpu.memory_space<vmem_shared>> -> memref<72x128xf32, #tpu.memory_space<vmem_shared>>
      %dma_start3A_546 = arith.constant 0 : i32
      %dma_start3A_547 = arith.constant 0 : i32
      %dma_start3A_548 = tpu.memref_slice %arg9[%run_scoped3A_14, %dma_start3A_546, %dma_start3A_547] : memref<5x72x128xf32, #tpu.memory_space<vmem>> -> memref<1x72x128xf32, #tpu.memory_space<vmem>>
      %dma_start3A_549 = tpu.memref_squeeze %dma_start3A_548 : memref<1x72x128xf32, #tpu.memory_space<vmem>> -> memref<72x128xf32, #tpu.memory_space<vmem>>
      tpu.enqueue_dma source(%dma_start3A_549 : memref<72x128xf32, #tpu.memory_space<vmem>>) target(%dma_start3A_545 : memref<72x128xf32, #tpu.memory_space<vmem_shared>>) target_semaphore(%run_scoped3A_537 : memref<!tpu.dma_semaphore, #tpu.memory_space<semaphore_mem>>)
      %dma_wait3A_550 = arith.constant 0 : i32
      %dma_wait3A_551 = arith.constant 0 : i32
      %dma_wait3A_552 = tpu.memref_slice %arg9[%run_scoped3A_14, %dma_wait3A_550, %dma_wait3A_551] : memref<5x72x128xf32, #tpu.memory_space<vmem>> -> memref<1x72x128xf32, #tpu.memory_space<vmem>>
      %dma_wait3A_553 = tpu.memref_squeeze %dma_wait3A_552 : memref<1x72x128xf32, #tpu.memory_space<vmem>> -> memref<72x128xf32, #tpu.memory_space<vmem>>
      %dma_wait3A_554 = arith.constant 0 : i32
      %dma_wait3A_555 = tpu.memref_slice %arg10[%add3A_13, %dma_wait3A_554] : memref<10112x128xf32, #tpu.memory_space<vmem_shared>> -> memref<72x128xf32, #tpu.memory_space<vmem_shared>>
      %dma_wait3A_556 = arith.constant 0 : i32
      %dma_wait3A_557 = tpu.memref_slice %arg10[%add3A_13, %dma_wait3A_556] : memref<10112x128xf32, #tpu.memory_space<vmem_shared>> -> memref<72x128xf32, #tpu.memory_space<vmem_shared>>
      %dma_wait3A_558 = arith.constant 0 : i32
      %dma_wait3A_559 = arith.constant 0 : i32
      %dma_wait3A_560 = tpu.memref_slice %arg9[%run_scoped3A_14, %dma_wait3A_558, %dma_wait3A_559] : memref<5x72x128xf32, #tpu.memory_space<vmem>> -> memref<1x72x128xf32, #tpu.memory_space<vmem>>
      %dma_wait3A_561 = tpu.memref_squeeze %dma_wait3A_560 : memref<1x72x128xf32, #tpu.memory_space<vmem>> -> memref<72x128xf32, #tpu.memory_space<vmem>>
      tpu.wait_dma2 semaphore(%run_scoped3A_537 : memref<!tpu.dma_semaphore, #tpu.memory_space<semaphore_mem>>) src(%dma_wait3A_561 : memref<72x128xf32, #tpu.memory_space<vmem>>) dst(%dma_wait3A_557 : memref<72x128xf32, #tpu.memory_space<vmem_shared>>)
      tpu.yield
    }) : () -> ()
    %add3A_15 = arith.constant 288 : i32
    %add3A_16 = arith.addi %mul3A_2, %add3A_15 : i32
    %run_scoped3A_17 = arith.constant 0 : i32
    "tpu.region"() ({
      %run_scoped3A_537 = tpu.sem_alloc : memref<!tpu.dma_semaphore, #tpu.memory_space<semaphore_mem>>
      %dma_start3A_538 = arith.constant 0 : i32
      %dma_start3A_539 = arith.constant 0 : i32
      %dma_start3A_540 = tpu.memref_slice %arg9[%run_scoped3A_17, %dma_start3A_538, %dma_start3A_539] : memref<5x72x128xf32, #tpu.memory_space<vmem>> -> memref<1x72x128xf32, #tpu.memory_space<vmem>>
      %dma_start3A_541 = tpu.memref_squeeze %dma_start3A_540 : memref<1x72x128xf32, #tpu.memory_space<vmem>> -> memref<72x128xf32, #tpu.memory_space<vmem>>
      %dma_start3A_542 = arith.constant 0 : i32
      %dma_start3A_543 = tpu.memref_slice %arg10[%add3A_16, %dma_start3A_542] : memref<10112x128xf32, #tpu.memory_space<vmem_shared>> -> memref<72x128xf32, #tpu.memory_space<vmem_shared>>
      %dma_start3A_544 = arith.constant 0 : i32
      %dma_start3A_545 = tpu.memref_slice %arg10[%add3A_16, %dma_start3A_544] : memref<10112x128xf32, #tpu.memory_space<vmem_shared>> -> memref<72x128xf32, #tpu.memory_space<vmem_shared>>
      %dma_start3A_546 = arith.constant 0 : i32
      %dma_start3A_547 = arith.constant 0 : i32
      %dma_start3A_548 = tpu.memref_slice %arg9[%run_scoped3A_17, %dma_start3A_546, %dma_start3A_547] : memref<5x72x128xf32, #tpu.memory_space<vmem>> -> memref<1x72x128xf32, #tpu.memory_space<vmem>>
      %dma_start3A_549 = tpu.memref_squeeze %dma_start3A_548 : memref<1x72x128xf32, #tpu.memory_space<vmem>> -> memref<72x128xf32, #tpu.memory_space<vmem>>
      tpu.enqueue_dma source(%dma_start3A_549 : memref<72x128xf32, #tpu.memory_space<vmem>>) target(%dma_start3A_545 : memref<72x128xf32, #tpu.memory_space<vmem_shared>>) target_semaphore(%run_scoped3A_537 : memref<!tpu.dma_semaphore, #tpu.memory_space<semaphore_mem>>)
      %dma_wait3A_550 = arith.constant 0 : i32
      %dma_wait3A_551 = arith.constant 0 : i32
      %dma_wait3A_552 = tpu.memref_slice %arg9[%run_scoped3A_17, %dma_wait3A_550, %dma_wait3A_551] : memref<5x72x128xf32, #tpu.memory_space<vmem>> -> memref<1x72x128xf32, #tpu.memory_space<vmem>>
      %dma_wait3A_553 = tpu.memref_squeeze %dma_wait3A_552 : memref<1x72x128xf32, #tpu.memory_space<vmem>> -> memref<72x128xf32, #tpu.memory_space<vmem>>
      %dma_wait3A_554 = arith.constant 0 : i32
      %dma_wait3A_555 = tpu.memref_slice %arg10[%add3A_16, %dma_wait3A_554] : memref<10112x128xf32, #tpu.memory_space<vmem_shared>> -> memref<72x128xf32, #tpu.memory_space<vmem_shared>>
      %dma_wait3A_556 = arith.constant 0 : i32
      %dma_wait3A_557 = tpu.memref_slice %arg10[%add3A_16, %dma_wait3A_556] : memref<10112x128xf32, #tpu.memory_space<vmem_shared>> -> memref<72x128xf32, #tpu.memory_space<vmem_shared>>
      %dma_wait3A_558 = arith.constant 0 : i32
      %dma_wait3A_559 = arith.constant 0 : i32
      %dma_wait3A_560 = tpu.memref_slice %arg9[%run_scoped3A_17, %dma_wait3A_558, %dma_wait3A_559] : memref<5x72x128xf32, #tpu.memory_space<vmem>> -> memref<1x72x128xf32, #tpu.memory_space<vmem>>
      %dma_wait3A_561 = tpu.memref_squeeze %dma_wait3A_560 : memref<1x72x128xf32, #tpu.memory_space<vmem>> -> memref<72x128xf32, #tpu.memory_space<vmem>>
      tpu.wait_dma2 semaphore(%run_scoped3A_537 : memref<!tpu.dma_semaphore, #tpu.memory_space<semaphore_mem>>) src(%dma_wait3A_561 : memref<72x128xf32, #tpu.memory_space<vmem>>) dst(%dma_wait3A_557 : memref<72x128xf32, #tpu.memory_space<vmem_shared>>)
      tpu.yield
    }) : () -> ()
    %add3A_18 = arith.constant 360 : i32
    %add3A_19 = arith.addi %mul3A_2, %add3A_18 : i32
    %run_scoped3A_20 = arith.constant 0 : i32
    "tpu.region"() ({
      %run_scoped3A_537 = tpu.sem_alloc : memref<!tpu.dma_semaphore, #tpu.memory_space<semaphore_mem>>
      %dma_start3A_538 = arith.constant 0 : i32
      %dma_start3A_539 = arith.constant 0 : i32
      %dma_start3A_540 = tpu.memref_slice %arg9[%run_scoped3A_20, %dma_start3A_538, %dma_start3A_539] : memref<5x72x128xf32, #tpu.memory_space<vmem>> -> memref<1x72x128xf32, #tpu.memory_space<vmem>>
      %dma_start3A_541 = tpu.memref_squeeze %dma_start3A_540 : memref<1x72x128xf32, #tpu.memory_space<vmem>> -> memref<72x128xf32, #tpu.memory_space<vmem>>
      %dma_start3A_542 = arith.constant 0 : i32
      %dma_start3A_543 = tpu.memref_slice %arg10[%add3A_19, %dma_start3A_542] : memref<10112x128xf32, #tpu.memory_space<vmem_shared>> -> memref<72x128xf32, #tpu.memory_space<vmem_shared>>
      %dma_start3A_544 = arith.constant 0 : i32
      %dma_start3A_545 = tpu.memref_slice %arg10[%add3A_19, %dma_start3A_544] : memref<10112x128xf32, #tpu.memory_space<vmem_shared>> -> memref<72x128xf32, #tpu.memory_space<vmem_shared>>
      %dma_start3A_546 = arith.constant 0 : i32
      %dma_start3A_547 = arith.constant 0 : i32
      %dma_start3A_548 = tpu.memref_slice %arg9[%run_scoped3A_20, %dma_start3A_546, %dma_start3A_547] : memref<5x72x128xf32, #tpu.memory_space<vmem>> -> memref<1x72x128xf32, #tpu.memory_space<vmem>>
      %dma_start3A_549 = tpu.memref_squeeze %dma_start3A_548 : memref<1x72x128xf32, #tpu.memory_space<vmem>> -> memref<72x128xf32, #tpu.memory_space<vmem>>
      tpu.enqueue_dma source(%dma_start3A_549 : memref<72x128xf32, #tpu.memory_space<vmem>>) target(%dma_start3A_545 : memref<72x128xf32, #tpu.memory_space<vmem_shared>>) target_semaphore(%run_scoped3A_537 : memref<!tpu.dma_semaphore, #tpu.memory_space<semaphore_mem>>)
      %dma_wait3A_550 = arith.constant 0 : i32
      %dma_wait3A_551 = arith.constant 0 : i32
      %dma_wait3A_552 = tpu.memref_slice %arg9[%run_scoped3A_20, %dma_wait3A_550, %dma_wait3A_551] : memref<5x72x128xf32, #tpu.memory_space<vmem>> -> memref<1x72x128xf32, #tpu.memory_space<vmem>>
      %dma_wait3A_553 = tpu.memref_squeeze %dma_wait3A_552 : memref<1x72x128xf32, #tpu.memory_space<vmem>> -> memref<72x128xf32, #tpu.memory_space<vmem>>
      %dma_wait3A_554 = arith.constant 0 : i32
      %dma_wait3A_555 = tpu.memref_slice %arg10[%add3A_19, %dma_wait3A_554] : memref<10112x128xf32, #tpu.memory_space<vmem_shared>> -> memref<72x128xf32, #tpu.memory_space<vmem_shared>>
      %dma_wait3A_556 = arith.constant 0 : i32
      %dma_wait3A_557 = tpu.memref_slice %arg10[%add3A_19, %dma_wait3A_556] : memref<10112x128xf32, #tpu.memory_space<vmem_shared>> -> memref<72x128xf32, #tpu.memory_space<vmem_shared>>
      %dma_wait3A_558 = arith.constant 0 : i32
      %dma_wait3A_559 = arith.constant 0 : i32
      %dma_wait3A_560 = tpu.memref_slice %arg9[%run_scoped3A_20, %dma_wait3A_558, %dma_wait3A_559] : memref<5x72x128xf32, #tpu.memory_space<vmem>> -> memref<1x72x128xf32, #tpu.memory_space<vmem>>
      %dma_wait3A_561 = tpu.memref_squeeze %dma_wait3A_560 : memref<1x72x128xf32, #tpu.memory_space<vmem>> -> memref<72x128xf32, #tpu.memory_space<vmem>>
      tpu.wait_dma2 semaphore(%run_scoped3A_537 : memref<!tpu.dma_semaphore, #tpu.memory_space<semaphore_mem>>) src(%dma_wait3A_561 : memref<72x128xf32, #tpu.memory_space<vmem>>) dst(%dma_wait3A_557 : memref<72x128xf32, #tpu.memory_space<vmem_shared>>)
      tpu.yield
    }) : () -> ()
    %add3A_21 = arith.constant 432 : i32
    %add3A_22 = arith.addi %mul3A_2, %add3A_21 : i32
    %run_scoped3A_23 = arith.constant 0 : i32
    "tpu.region"() ({
      %run_scoped3A_537 = tpu.sem_alloc : memref<!tpu.dma_semaphore, #tpu.memory_space<semaphore_mem>>
      %dma_start3A_538 = arith.constant 0 : i32
      %dma_start3A_539 = arith.constant 0 : i32
      %dma_start3A_540 = tpu.memref_slice %arg9[%run_scoped3A_23, %dma_start3A_538, %dma_start3A_539] : memref<5x72x128xf32, #tpu.memory_space<vmem>> -> memref<1x72x128xf32, #tpu.memory_space<vmem>>
      %dma_start3A_541 = tpu.memref_squeeze %dma_start3A_540 : memref<1x72x128xf32, #tpu.memory_space<vmem>> -> memref<72x128xf32, #tpu.memory_space<vmem>>
      %dma_start3A_542 = arith.constant 0 : i32
      %dma_start3A_543 = tpu.memref_slice %arg10[%add3A_22, %dma_start3A_542] : memref<10112x128xf32, #tpu.memory_space<vmem_shared>> -> memref<72x128xf32, #tpu.memory_space<vmem_shared>>
      %dma_start3A_544 = arith.constant 0 : i32
      %dma_start3A_545 = tpu.memref_slice %arg10[%add3A_22, %dma_start3A_544] : memref<10112x128xf32, #tpu.memory_space<vmem_shared>> -> memref<72x128xf32, #tpu.memory_space<vmem_shared>>
      %dma_start3A_546 = arith.constant 0 : i32
      %dma_start3A_547 = arith.constant 0 : i32
      %dma_start3A_548 = tpu.memref_slice %arg9[%run_scoped3A_23, %dma_start3A_546, %dma_start3A_547] : memref<5x72x128xf32, #tpu.memory_space<vmem>> -> memref<1x72x128xf32, #tpu.memory_space<vmem>>
      %dma_start3A_549 = tpu.memref_squeeze %dma_start3A_548 : memref<1x72x128xf32, #tpu.memory_space<vmem>> -> memref<72x128xf32, #tpu.memory_space<vmem>>
      tpu.enqueue_dma source(%dma_start3A_549 : memref<72x128xf32, #tpu.memory_space<vmem>>) target(%dma_start3A_545 : memref<72x128xf32, #tpu.memory_space<vmem_shared>>) target_semaphore(%run_scoped3A_537 : memref<!tpu.dma_semaphore, #tpu.memory_space<semaphore_mem>>)
      %dma_wait3A_550 = arith.constant 0 : i32
      %dma_wait3A_551 = arith.constant 0 : i32
      %dma_wait3A_552 = tpu.memref_slice %arg9[%run_scoped3A_23, %dma_wait3A_550, %dma_wait3A_551] : memref<5x72x128xf32, #tpu.memory_space<vmem>> -> memref<1x72x128xf32, #tpu.memory_space<vmem>>
      %dma_wait3A_553 = tpu.memref_squeeze %dma_wait3A_552 : memref<1x72x128xf32, #tpu.memory_space<vmem>> -> memref<72x128xf32, #tpu.memory_space<vmem>>
      %dma_wait3A_554 = arith.constant 0 : i32
      %dma_wait3A_555 = tpu.memref_slice %arg10[%add3A_22, %dma_wait3A_554] : memref<10112x128xf32, #tpu.memory_space<vmem_shared>> -> memref<72x128xf32, #tpu.memory_space<vmem_shared>>
      %dma_wait3A_556 = arith.constant 0 : i32
      %dma_wait3A_557 = tpu.memref_slice %arg10[%add3A_22, %dma_wait3A_556] : memref<10112x128xf32, #tpu.memory_space<vmem_shared>> -> memref<72x128xf32, #tpu.memory_space<vmem_shared>>
      %dma_wait3A_558 = arith.constant 0 : i32
      %dma_wait3A_559 = arith.constant 0 : i32
      %dma_wait3A_560 = tpu.memref_slice %arg9[%run_scoped3A_23, %dma_wait3A_558, %dma_wait3A_559] : memref<5x72x128xf32, #tpu.memory_space<vmem>> -> memref<1x72x128xf32, #tpu.memory_space<vmem>>
      %dma_wait3A_561 = tpu.memref_squeeze %dma_wait3A_560 : memref<1x72x128xf32, #tpu.memory_space<vmem>> -> memref<72x128xf32, #tpu.memory_space<vmem>>
      tpu.wait_dma2 semaphore(%run_scoped3A_537 : memref<!tpu.dma_semaphore, #tpu.memory_space<semaphore_mem>>) src(%dma_wait3A_561 : memref<72x128xf32, #tpu.memory_space<vmem>>) dst(%dma_wait3A_557 : memref<72x128xf32, #tpu.memory_space<vmem_shared>>)
      tpu.yield
    }) : () -> ()
    %add3A_24 = arith.constant 504 : i32
    %add3A_25 = arith.addi %mul3A_2, %add3A_24 : i32
    %run_scoped3A_26 = arith.constant 0 : i32
    "tpu.region"() ({
      %run_scoped3A_537 = tpu.sem_alloc : memref<!tpu.dma_semaphore, #tpu.memory_space<semaphore_mem>>
      %dma_start3A_538 = arith.constant 0 : i32
      %dma_start3A_539 = arith.constant 0 : i32
      %dma_start3A_540 = tpu.memref_slice %arg9[%run_scoped3A_26, %dma_start3A_538, %dma_start3A_539] : memref<5x72x128xf32, #tpu.memory_space<vmem>> -> memref<1x72x128xf32, #tpu.memory_space<vmem>>
      %dma_start3A_541 = tpu.memref_squeeze %dma_start3A_540 : memref<1x72x128xf32, #tpu.memory_space<vmem>> -> memref<72x128xf32, #tpu.memory_space<vmem>>
      %dma_start3A_542 = arith.constant 0 : i32
      %dma_start3A_543 = tpu.memref_slice %arg10[%add3A_25, %dma_start3A_542] : memref<10112x128xf32, #tpu.memory_space<vmem_shared>> -> memref<72x128xf32, #tpu.memory_space<vmem_shared>>
      %dma_start3A_544 = arith.constant 0 : i32
      %dma_start3A_545 = tpu.memref_slice %arg10[%add3A_25, %dma_start3A_544] : memref<10112x128xf32, #tpu.memory_space<vmem_shared>> -> memref<72x128xf32, #tpu.memory_space<vmem_shared>>
      %dma_start3A_546 = arith.constant 0 : i32
      %dma_start3A_547 = arith.constant 0 : i32
      %dma_start3A_548 = tpu.memref_slice %arg9[%run_scoped3A_26, %dma_start3A_546, %dma_start3A_547] : memref<5x72x128xf32, #tpu.memory_space<vmem>> -> memref<1x72x128xf32, #tpu.memory_space<vmem>>
      %dma_start3A_549 = tpu.memref_squeeze %dma_start3A_548 : memref<1x72x128xf32, #tpu.memory_space<vmem>> -> memref<72x128xf32, #tpu.memory_space<vmem>>
      tpu.enqueue_dma source(%dma_start3A_549 : memref<72x128xf32, #tpu.memory_space<vmem>>) target(%dma_start3A_545 : memref<72x128xf32, #tpu.memory_space<vmem_shared>>) target_semaphore(%run_scoped3A_537 : memref<!tpu.dma_semaphore, #tpu.memory_space<semaphore_mem>>)
      %dma_wait3A_550 = arith.constant 0 : i32
      %dma_wait3A_551 = arith.constant 0 : i32
      %dma_wait3A_552 = tpu.memref_slice %arg9[%run_scoped3A_26, %dma_wait3A_550, %dma_wait3A_551] : memref<5x72x128xf32, #tpu.memory_space<vmem>> -> memref<1x72x128xf32, #tpu.memory_space<vmem>>
      %dma_wait3A_553 = tpu.memref_squeeze %dma_wait3A_552 : memref<1x72x128xf32, #tpu.memory_space<vmem>> -> memref<72x128xf32, #tpu.memory_space<vmem>>
      %dma_wait3A_554 = arith.constant 0 : i32
      %dma_wait3A_555 = tpu.memref_slice %arg10[%add3A_25, %dma_wait3A_554] : memref<10112x128xf32, #tpu.memory_space<vmem_shared>> -> memref<72x128xf32, #tpu.memory_space<vmem_shared>>
      %dma_wait3A_556 = arith.constant 0 : i32
      %dma_wait3A_557 = tpu.memref_slice %arg10[%add3A_25, %dma_wait3A_556] : memref<10112x128xf32, #tpu.memory_space<vmem_shared>> -> memref<72x128xf32, #tpu.memory_space<vmem_shared>>
      %dma_wait3A_558 = arith.constant 0 : i32
      %dma_wait3A_559 = arith.constant 0 : i32
      %dma_wait3A_560 = tpu.memref_slice %arg9[%run_scoped3A_26, %dma_wait3A_558, %dma_wait3A_559] : memref<5x72x128xf32, #tpu.memory_space<vmem>> -> memref<1x72x128xf32, #tpu.memory_space<vmem>>
      %dma_wait3A_561 = tpu.memref_squeeze %dma_wait3A_560 : memref<1x72x128xf32, #tpu.memory_space<vmem>> -> memref<72x128xf32, #tpu.memory_space<vmem>>
      tpu.wait_dma2 semaphore(%run_scoped3A_537 : memref<!tpu.dma_semaphore, #tpu.memory_space<semaphore_mem>>) src(%dma_wait3A_561 : memref<72x128xf32, #tpu.memory_space<vmem>>) dst(%dma_wait3A_557 : memref<72x128xf32, #tpu.memory_space<vmem_shared>>)
      tpu.yield
    }) : () -> ()
    %add3A_27 = arith.constant 576 : i32
    %add3A_28 = arith.addi %mul3A_2, %add3A_27 : i32
    %run_scoped3A_29 = arith.constant 0 : i32
    "tpu.region"() ({
      %run_scoped3A_537 = tpu.sem_alloc : memref<!tpu.dma_semaphore, #tpu.memory_space<semaphore_mem>>
      %dma_start3A_538 = arith.constant 0 : i32
      %dma_start3A_539 = arith.constant 0 : i32
      %dma_start3A_540 = tpu.memref_slice %arg9[%run_scoped3A_29, %dma_start3A_538, %dma_start3A_539] : memref<5x72x128xf32, #tpu.memory_space<vmem>> -> memref<1x72x128xf32, #tpu.memory_space<vmem>>
      %dma_start3A_541 = tpu.memref_squeeze %dma_start3A_540 : memref<1x72x128xf32, #tpu.memory_space<vmem>> -> memref<72x128xf32, #tpu.memory_space<vmem>>
      %dma_start3A_542 = arith.constant 0 : i32
      %dma_start3A_543 = arith.constant 0 : i32
      %dma_start3A_544 = tpu.memref_slice %dma_start3A_541[%dma_start3A_542, %dma_start3A_543] : memref<72x128xf32, #tpu.memory_space<vmem>> -> memref<56x128xf32, #tpu.memory_space<vmem>>
      %dma_start3A_545 = arith.constant 0 : i32
      %dma_start3A_546 = tpu.memref_slice %arg10[%add3A_28, %dma_start3A_545] : memref<10112x128xf32, #tpu.memory_space<vmem_shared>> -> memref<56x128xf32, #tpu.memory_space<vmem_shared>>
      %dma_start3A_547 = arith.constant 0 : i32
      %dma_start3A_548 = tpu.memref_slice %arg10[%add3A_28, %dma_start3A_547] : memref<10112x128xf32, #tpu.memory_space<vmem_shared>> -> memref<56x128xf32, #tpu.memory_space<vmem_shared>>
      %dma_start3A_549 = arith.constant 0 : i32
      %dma_start3A_550 = arith.constant 0 : i32
      %dma_start3A_551 = tpu.memref_slice %arg9[%run_scoped3A_29, %dma_start3A_549, %dma_start3A_550] : memref<5x72x128xf32, #tpu.memory_space<vmem>> -> memref<1x72x128xf32, #tpu.memory_space<vmem>>
      %dma_start3A_552 = tpu.memref_squeeze %dma_start3A_551 : memref<1x72x128xf32, #tpu.memory_space<vmem>> -> memref<72x128xf32, #tpu.memory_space<vmem>>
      %dma_start3A_553 = arith.constant 0 : i32
      %dma_start3A_554 = arith.constant 0 : i32
      %dma_start3A_555 = tpu.memref_slice %dma_start3A_552[%dma_start3A_553, %dma_start3A_554] : memref<72x128xf32, #tpu.memory_space<vmem>> -> memref<56x128xf32, #tpu.memory_space<vmem>>
      tpu.enqueue_dma source(%dma_start3A_555 : memref<56x128xf32, #tpu.memory_space<vmem>>) target(%dma_start3A_548 : memref<56x128xf32, #tpu.memory_space<vmem_shared>>) target_semaphore(%run_scoped3A_537 : memref<!tpu.dma_semaphore, #tpu.memory_space<semaphore_mem>>)
      %dma_wait3A_556 = arith.constant 0 : i32
      %dma_wait3A_557 = arith.constant 0 : i32
      %dma_wait3A_558 = tpu.memref_slice %arg9[%run_scoped3A_29, %dma_wait3A_556, %dma_wait3A_557] : memref<5x72x128xf32, #tpu.memory_space<vmem>> -> memref<1x72x128xf32, #tpu.memory_space<vmem>>
      %dma_wait3A_559 = tpu.memref_squeeze %dma_wait3A_558 : memref<1x72x128xf32, #tpu.memory_space<vmem>> -> memref<72x128xf32, #tpu.memory_space<vmem>>
      %dma_wait3A_560 = arith.constant 0 : i32
      %dma_wait3A_561 = arith.constant 0 : i32
      %dma_wait3A_562 = tpu.memref_slice %dma_wait3A_559[%dma_wait3A_560, %dma_wait3A_561] : memref<72x128xf32, #tpu.memory_space<vmem>> -> memref<56x128xf32, #tpu.memory_space<vmem>>
      %dma_wait3A_563 = arith.constant 0 : i32
      %dma_wait3A_564 = tpu.memref_slice %arg10[%add3A_28, %dma_wait3A_563] : memref<10112x128xf32, #tpu.memory_space<vmem_shared>> -> memref<56x128xf32, #tpu.memory_space<vmem_shared>>
      %dma_wait3A_565 = arith.constant 0 : i32
      %dma_wait3A_566 = tpu.memref_slice %arg10[%add3A_28, %dma_wait3A_565] : memref<10112x128xf32, #tpu.memory_space<vmem_shared>> -> memref<56x128xf32, #tpu.memory_space<vmem_shared>>
      %dma_wait3A_567 = arith.constant 0 : i32
      %dma_wait3A_568 = arith.constant 0 : i32
      %dma_wait3A_569 = tpu.memref_slice %arg9[%run_scoped3A_29, %dma_wait3A_567, %dma_wait3A_568] : memref<5x72x128xf32, #tpu.memory_space<vmem>> -> memref<1x72x128xf32, #tpu.memory_space<vmem>>
      %dma_wait3A_570 = tpu.memref_squeeze %dma_wait3A_569 : memref<1x72x128xf32, #tpu.memory_space<vmem>> -> memref<72x128xf32, #tpu.memory_space<vmem>>
      %dma_wait3A_571 = arith.constant 0 : i32
      %dma_wait3A_572 = arith.constant 0 : i32
      %dma_wait3A_573 = tpu.memref_slice %dma_wait3A_570[%dma_wait3A_571, %dma_wait3A_572] : memref<72x128xf32, #tpu.memory_space<vmem>> -> memref<56x128xf32, #tpu.memory_space<vmem>>
      tpu.wait_dma2 semaphore(%run_scoped3A_537 : memref<!tpu.dma_semaphore, #tpu.memory_space<semaphore_mem>>) src(%dma_wait3A_573 : memref<56x128xf32, #tpu.memory_space<vmem>>) dst(%dma_wait3A_566 : memref<56x128xf32, #tpu.memory_space<vmem_shared>>)
      tpu.yield
    }) : () -> ()
    %barrier3A = arith.constant 0 : index
    tpu.barrier barrier_id(%barrier3A)
    %dma_start3A = arith.constant 0 : i32
    %dma_start3A_30 = arith.constant 0 : i32
    %dma_start3A_31 = arith.constant 0 : i32
    %dma_start3A_32 = tpu.memref_slice %arg7[%dma_start3A_30, %dma_start3A_31] : memref<8x72xi32, #tpu.memory_space<vmem>> -> memref<1x72xi32, #tpu.memory_space<vmem>>
    %dma_start3A_33 = tpu.memref_squeeze %dma_start3A_32 : memref<1x72xi32, #tpu.memory_space<vmem>> -> memref<72xi32, #tpu.memory_space<vmem>>
    %dma_start3A_34 = arith.constant 0 : i32
    %dma_start3A_35 = arith.constant 0 : i32
    %dma_start3A_36 = tpu.memref_slice %arg3[%add3A, %dma_start3A_34, %dma_start3A_35] : memref<32x139x72xi32, #tpu.memory_space<hbm>> -> memref<1x139x72xi32, #tpu.memory_space<hbm>>
    %dma_start3A_37 = tpu.memref_squeeze %dma_start3A_36 : memref<1x139x72xi32, #tpu.memory_space<hbm>> -> memref<139x72xi32, #tpu.memory_space<hbm>>
    %dma_start3A_38 = arith.constant 0 : i32
    %dma_start3A_39 = tpu.memref_slice %dma_start3A_37[%dma_start3A, %dma_start3A_38] : memref<139x72xi32, #tpu.memory_space<hbm>> -> memref<1x72xi32, #tpu.memory_space<hbm>>
    %dma_start3A_40 = tpu.memref_squeeze %dma_start3A_39 : memref<1x72xi32, #tpu.memory_space<hbm>> -> memref<72xi32, #tpu.memory_space<hbm>>
    %dma_start3A_41 = arith.constant 0 : i32
    %dma_start3A_42 = tpu.memref_slice %arg7[%dma_start3A_30, %dma_start3A_41] : memref<8x72xi32, #tpu.memory_space<vmem>> -> memref<1x72xi32, #tpu.memory_space<vmem>>
    %dma_start3A_43 = tpu.memref_squeeze %dma_start3A_42 : memref<1x72xi32, #tpu.memory_space<vmem>> -> memref<72xi32, #tpu.memory_space<vmem>>
    %dma_start3A_44 = arith.constant 0 : i32
    %dma_start3A_45 = arith.constant 0 : i32
    %dma_start3A_46 = tpu.memref_slice %arg3[%add3A, %dma_start3A_44, %dma_start3A_45] : memref<32x139x72xi32, #tpu.memory_space<hbm>> -> memref<1x139x72xi32, #tpu.memory_space<hbm>>
    %dma_start3A_47 = tpu.memref_squeeze %dma_start3A_46 : memref<1x139x72xi32, #tpu.memory_space<hbm>> -> memref<139x72xi32, #tpu.memory_space<hbm>>
    %dma_start3A_48 = arith.constant 0 : i32
    %dma_start3A_49 = tpu.memref_slice %dma_start3A_47[%dma_start3A, %dma_start3A_48] : memref<139x72xi32, #tpu.memory_space<hbm>> -> memref<1x72xi32, #tpu.memory_space<hbm>>
    %dma_start3A_50 = tpu.memref_squeeze %dma_start3A_49 : memref<1x72xi32, #tpu.memory_space<hbm>> -> memref<72xi32, #tpu.memory_space<hbm>>
    tpu.enqueue_dma source(%dma_start3A_50 : memref<72xi32, #tpu.memory_space<hbm>>) target(%dma_start3A_43 : memref<72xi32, #tpu.memory_space<vmem>>) target_semaphore(%arg11 : memref<!tpu.dma_semaphore, #tpu.memory_space<semaphore_mem>>)
    %dma_start3A_51 = arith.constant 0 : i32
    %dma_start3A_52 = arith.constant 0 : i32
    %dma_start3A_53 = arith.constant 0 : i32
    %dma_start3A_54 = tpu.memref_slice %arg8[%dma_start3A_52, %dma_start3A_53] : memref<8x72xi32, #tpu.memory_space<vmem>> -> memref<1x72xi32, #tpu.memory_space<vmem>>
    %dma_start3A_55 = tpu.memref_squeeze %dma_start3A_54 : memref<1x72xi32, #tpu.memory_space<vmem>> -> memref<72xi32, #tpu.memory_space<vmem>>
    %dma_start3A_56 = arith.constant 0 : i32
    %dma_start3A_57 = arith.constant 0 : i32
    %dma_start3A_58 = tpu.memref_slice %arg4[%add3A, %dma_start3A_56, %dma_start3A_57] : memref<32x139x72xi32, #tpu.memory_space<hbm>> -> memref<1x139x72xi32, #tpu.memory_space<hbm>>
    %dma_start3A_59 = tpu.memref_squeeze %dma_start3A_58 : memref<1x139x72xi32, #tpu.memory_space<hbm>> -> memref<139x72xi32, #tpu.memory_space<hbm>>
    %dma_start3A_60 = arith.constant 0 : i32
    %dma_start3A_61 = tpu.memref_slice %dma_start3A_59[%dma_start3A_51, %dma_start3A_60] : memref<139x72xi32, #tpu.memory_space<hbm>> -> memref<1x72xi32, #tpu.memory_space<hbm>>
    %dma_start3A_62 = tpu.memref_squeeze %dma_start3A_61 : memref<1x72xi32, #tpu.memory_space<hbm>> -> memref<72xi32, #tpu.memory_space<hbm>>
    %dma_start3A_63 = arith.constant 0 : i32
    %dma_start3A_64 = tpu.memref_slice %arg8[%dma_start3A_52, %dma_start3A_63] : memref<8x72xi32, #tpu.memory_space<vmem>> -> memref<1x72xi32, #tpu.memory_space<vmem>>
    %dma_start3A_65 = tpu.memref_squeeze %dma_start3A_64 : memref<1x72xi32, #tpu.memory_space<vmem>> -> memref<72xi32, #tpu.memory_space<vmem>>
    %dma_start3A_66 = arith.constant 0 : i32
    %dma_start3A_67 = arith.constant 0 : i32
    %dma_start3A_68 = tpu.memref_slice %arg4[%add3A, %dma_start3A_66, %dma_start3A_67] : memref<32x139x72xi32, #tpu.memory_space<hbm>> -> memref<1x139x72xi32, #tpu.memory_space<hbm>>
    %dma_start3A_69 = tpu.memref_squeeze %dma_start3A_68 : memref<1x139x72xi32, #tpu.memory_space<hbm>> -> memref<139x72xi32, #tpu.memory_space<hbm>>
    %dma_start3A_70 = arith.constant 0 : i32
    %dma_start3A_71 = tpu.memref_slice %dma_start3A_69[%dma_start3A_51, %dma_start3A_70] : memref<139x72xi32, #tpu.memory_space<hbm>> -> memref<1x72xi32, #tpu.memory_space<hbm>>
    %dma_start3A_72 = tpu.memref_squeeze %dma_start3A_71 : memref<1x72xi32, #tpu.memory_space<hbm>> -> memref<72xi32, #tpu.memory_space<hbm>>
    tpu.enqueue_dma source(%dma_start3A_72 : memref<72xi32, #tpu.memory_space<hbm>>) target(%dma_start3A_65 : memref<72xi32, #tpu.memory_space<vmem>>) target_semaphore(%arg11 : memref<!tpu.dma_semaphore, #tpu.memory_space<semaphore_mem>>)
    %dma_start3A_73 = arith.constant 1 : i32
    %dma_start3A_74 = arith.constant 1 : i32
    %dma_start3A_75 = arith.constant 0 : i32
    %dma_start3A_76 = tpu.memref_slice %arg7[%dma_start3A_74, %dma_start3A_75] : memref<8x72xi32, #tpu.memory_space<vmem>> -> memref<1x72xi32, #tpu.memory_space<vmem>>
    %dma_start3A_77 = tpu.memref_squeeze %dma_start3A_76 : memref<1x72xi32, #tpu.memory_space<vmem>> -> memref<72xi32, #tpu.memory_space<vmem>>
    %dma_start3A_78 = arith.constant 0 : i32
    %dma_start3A_79 = arith.constant 0 : i32
    %dma_start3A_80 = tpu.memref_slice %arg3[%add3A, %dma_start3A_78, %dma_start3A_79] : memref<32x139x72xi32, #tpu.memory_space<hbm>> -> memref<1x139x72xi32, #tpu.memory_space<hbm>>
    %dma_start3A_81 = tpu.memref_squeeze %dma_start3A_80 : memref<1x139x72xi32, #tpu.memory_space<hbm>> -> memref<139x72xi32, #tpu.memory_space<hbm>>
    %dma_start3A_82 = arith.constant 0 : i32
    %dma_start3A_83 = tpu.memref_slice %dma_start3A_81[%dma_start3A_73, %dma_start3A_82] : memref<139x72xi32, #tpu.memory_space<hbm>> -> memref<1x72xi32, #tpu.memory_space<hbm>>
    %dma_start3A_84 = tpu.memref_squeeze %dma_start3A_83 : memref<1x72xi32, #tpu.memory_space<hbm>> -> memref<72xi32, #tpu.memory_space<hbm>>
    %dma_start3A_85 = arith.constant 0 : i32
    %dma_start3A_86 = tpu.memref_slice %arg7[%dma_start3A_74, %dma_start3A_85] : memref<8x72xi32, #tpu.memory_space<vmem>> -> memref<1x72xi32, #tpu.memory_space<vmem>>
    %dma_start3A_87 = tpu.memref_squeeze %dma_start3A_86 : memref<1x72xi32, #tpu.memory_space<vmem>> -> memref<72xi32, #tpu.memory_space<vmem>>
    %dma_start3A_88 = arith.constant 0 : i32
    %dma_start3A_89 = arith.constant 0 : i32
    %dma_start3A_90 = tpu.memref_slice %arg3[%add3A, %dma_start3A_88, %dma_start3A_89] : memref<32x139x72xi32, #tpu.memory_space<hbm>> -> memref<1x139x72xi32, #tpu.memory_space<hbm>>
    %dma_start3A_91 = tpu.memref_squeeze %dma_start3A_90 : memref<1x139x72xi32, #tpu.memory_space<hbm>> -> memref<139x72xi32, #tpu.memory_space<hbm>>
    %dma_start3A_92 = arith.constant 0 : i32
    %dma_start3A_93 = tpu.memref_slice %dma_start3A_91[%dma_start3A_73, %dma_start3A_92] : memref<139x72xi32, #tpu.memory_space<hbm>> -> memref<1x72xi32, #tpu.memory_space<hbm>>
    %dma_start3A_94 = tpu.memref_squeeze %dma_start3A_93 : memref<1x72xi32, #tpu.memory_space<hbm>> -> memref<72xi32, #tpu.memory_space<hbm>>
    tpu.enqueue_dma source(%dma_start3A_94 : memref<72xi32, #tpu.memory_space<hbm>>) target(%dma_start3A_87 : memref<72xi32, #tpu.memory_space<vmem>>) target_semaphore(%arg11 : memref<!tpu.dma_semaphore, #tpu.memory_space<semaphore_mem>>)
    %dma_start3A_95 = arith.constant 1 : i32
    %dma_start3A_96 = arith.constant 1 : i32
    %dma_start3A_97 = arith.constant 0 : i32
    %dma_start3A_98 = tpu.memref_slice %arg8[%dma_start3A_96, %dma_start3A_97] : memref<8x72xi32, #tpu.memory_space<vmem>> -> memref<1x72xi32, #tpu.memory_space<vmem>>
    %dma_start3A_99 = tpu.memref_squeeze %dma_start3A_98 : memref<1x72xi32, #tpu.memory_space<vmem>> -> memref<72xi32, #tpu.memory_space<vmem>>
    %dma_start3A_100 = arith.constant 0 : i32
    %dma_start3A_101 = arith.constant 0 : i32
    %dma_start3A_102 = tpu.memref_slice %arg4[%add3A, %dma_start3A_100, %dma_start3A_101] : memref<32x139x72xi32, #tpu.memory_space<hbm>> -> memref<1x139x72xi32, #tpu.memory_space<hbm>>
    %dma_start3A_103 = tpu.memref_squeeze %dma_start3A_102 : memref<1x139x72xi32, #tpu.memory_space<hbm>> -> memref<139x72xi32, #tpu.memory_space<hbm>>
    %dma_start3A_104 = arith.constant 0 : i32
    %dma_start3A_105 = tpu.memref_slice %dma_start3A_103[%dma_start3A_95, %dma_start3A_104] : memref<139x72xi32, #tpu.memory_space<hbm>> -> memref<1x72xi32, #tpu.memory_space<hbm>>
    %dma_start3A_106 = tpu.memref_squeeze %dma_start3A_105 : memref<1x72xi32, #tpu.memory_space<hbm>> -> memref<72xi32, #tpu.memory_space<hbm>>
    %dma_start3A_107 = arith.constant 0 : i32
    %dma_start3A_108 = tpu.memref_slice %arg8[%dma_start3A_96, %dma_start3A_107] : memref<8x72xi32, #tpu.memory_space<vmem>> -> memref<1x72xi32, #tpu.memory_space<vmem>>
    %dma_start3A_109 = tpu.memref_squeeze %dma_start3A_108 : memref<1x72xi32, #tpu.memory_space<vmem>> -> memref<72xi32, #tpu.memory_space<vmem>>
    %dma_start3A_110 = arith.constant 0 : i32
    %dma_start3A_111 = arith.constant 0 : i32
    %dma_start3A_112 = tpu.memref_slice %arg4[%add3A, %dma_start3A_110, %dma_start3A_111] : memref<32x139x72xi32, #tpu.memory_space<hbm>> -> memref<1x139x72xi32, #tpu.memory_space<hbm>>
    %dma_start3A_113 = tpu.memref_squeeze %dma_start3A_112 : memref<1x139x72xi32, #tpu.memory_space<hbm>> -> memref<139x72xi32, #tpu.memory_space<hbm>>
    %dma_start3A_114 = arith.constant 0 : i32
    %dma_start3A_115 = tpu.memref_slice %dma_start3A_113[%dma_start3A_95, %dma_start3A_114] : memref<139x72xi32, #tpu.memory_space<hbm>> -> memref<1x72xi32, #tpu.memory_space<hbm>>
    %dma_start3A_116 = tpu.memref_squeeze %dma_start3A_115 : memref<1x72xi32, #tpu.memory_space<hbm>> -> memref<72xi32, #tpu.memory_space<hbm>>
    tpu.enqueue_dma source(%dma_start3A_116 : memref<72xi32, #tpu.memory_space<hbm>>) target(%dma_start3A_109 : memref<72xi32, #tpu.memory_space<vmem>>) target_semaphore(%arg11 : memref<!tpu.dma_semaphore, #tpu.memory_space<semaphore_mem>>)
    %dma_start3A_117 = arith.constant 2 : i32
    %dma_start3A_118 = arith.constant 2 : i32
    %dma_start3A_119 = arith.constant 0 : i32
    %dma_start3A_120 = tpu.memref_slice %arg7[%dma_start3A_118, %dma_start3A_119] : memref<8x72xi32, #tpu.memory_space<vmem>> -> memref<1x72xi32, #tpu.memory_space<vmem>>
    %dma_start3A_121 = tpu.memref_squeeze %dma_start3A_120 : memref<1x72xi32, #tpu.memory_space<vmem>> -> memref<72xi32, #tpu.memory_space<vmem>>
    %dma_start3A_122 = arith.constant 0 : i32
    %dma_start3A_123 = arith.constant 0 : i32
    %dma_start3A_124 = tpu.memref_slice %arg3[%add3A, %dma_start3A_122, %dma_start3A_123] : memref<32x139x72xi32, #tpu.memory_space<hbm>> -> memref<1x139x72xi32, #tpu.memory_space<hbm>>
    %dma_start3A_125 = tpu.memref_squeeze %dma_start3A_124 : memref<1x139x72xi32, #tpu.memory_space<hbm>> -> memref<139x72xi32, #tpu.memory_space<hbm>>
    %dma_start3A_126 = arith.constant 0 : i32
    %dma_start3A_127 = tpu.memref_slice %dma_start3A_125[%dma_start3A_117, %dma_start3A_126] : memref<139x72xi32, #tpu.memory_space<hbm>> -> memref<1x72xi32, #tpu.memory_space<hbm>>
    %dma_start3A_128 = tpu.memref_squeeze %dma_start3A_127 : memref<1x72xi32, #tpu.memory_space<hbm>> -> memref<72xi32, #tpu.memory_space<hbm>>
    %dma_start3A_129 = arith.constant 0 : i32
    %dma_start3A_130 = tpu.memref_slice %arg7[%dma_start3A_118, %dma_start3A_129] : memref<8x72xi32, #tpu.memory_space<vmem>> -> memref<1x72xi32, #tpu.memory_space<vmem>>
    %dma_start3A_131 = tpu.memref_squeeze %dma_start3A_130 : memref<1x72xi32, #tpu.memory_space<vmem>> -> memref<72xi32, #tpu.memory_space<vmem>>
    %dma_start3A_132 = arith.constant 0 : i32
    %dma_start3A_133 = arith.constant 0 : i32
    %dma_start3A_134 = tpu.memref_slice %arg3[%add3A, %dma_start3A_132, %dma_start3A_133] : memref<32x139x72xi32, #tpu.memory_space<hbm>> -> memref<1x139x72xi32, #tpu.memory_space<hbm>>
    %dma_start3A_135 = tpu.memref_squeeze %dma_start3A_134 : memref<1x139x72xi32, #tpu.memory_space<hbm>> -> memref<139x72xi32, #tpu.memory_space<hbm>>
    %dma_start3A_136 = arith.constant 0 : i32
    %dma_start3A_137 = tpu.memref_slice %dma_start3A_135[%dma_start3A_117, %dma_start3A_136] : memref<139x72xi32, #tpu.memory_space<hbm>> -> memref<1x72xi32, #tpu.memory_space<hbm>>
    %dma_start3A_138 = tpu.memref_squeeze %dma_start3A_137 : memref<1x72xi32, #tpu.memory_space<hbm>> -> memref<72xi32, #tpu.memory_space<hbm>>
    tpu.enqueue_dma source(%dma_start3A_138 : memref<72xi32, #tpu.memory_space<hbm>>) target(%dma_start3A_131 : memref<72xi32, #tpu.memory_space<vmem>>) target_semaphore(%arg11 : memref<!tpu.dma_semaphore, #tpu.memory_space<semaphore_mem>>)
    %dma_start3A_139 = arith.constant 2 : i32
    %dma_start3A_140 = arith.constant 2 : i32
    %dma_start3A_141 = arith.constant 0 : i32
    %dma_start3A_142 = tpu.memref_slice %arg8[%dma_start3A_140, %dma_start3A_141] : memref<8x72xi32, #tpu.memory_space<vmem>> -> memref<1x72xi32, #tpu.memory_space<vmem>>
    %dma_start3A_143 = tpu.memref_squeeze %dma_start3A_142 : memref<1x72xi32, #tpu.memory_space<vmem>> -> memref<72xi32, #tpu.memory_space<vmem>>
    %dma_start3A_144 = arith.constant 0 : i32
    %dma_start3A_145 = arith.constant 0 : i32
    %dma_start3A_146 = tpu.memref_slice %arg4[%add3A, %dma_start3A_144, %dma_start3A_145] : memref<32x139x72xi32, #tpu.memory_space<hbm>> -> memref<1x139x72xi32, #tpu.memory_space<hbm>>
    %dma_start3A_147 = tpu.memref_squeeze %dma_start3A_146 : memref<1x139x72xi32, #tpu.memory_space<hbm>> -> memref<139x72xi32, #tpu.memory_space<hbm>>
    %dma_start3A_148 = arith.constant 0 : i32
    %dma_start3A_149 = tpu.memref_slice %dma_start3A_147[%dma_start3A_139, %dma_start3A_148] : memref<139x72xi32, #tpu.memory_space<hbm>> -> memref<1x72xi32, #tpu.memory_space<hbm>>
    %dma_start3A_150 = tpu.memref_squeeze %dma_start3A_149 : memref<1x72xi32, #tpu.memory_space<hbm>> -> memref<72xi32, #tpu.memory_space<hbm>>
    %dma_start3A_151 = arith.constant 0 : i32
    %dma_start3A_152 = tpu.memref_slice %arg8[%dma_start3A_140, %dma_start3A_151] : memref<8x72xi32, #tpu.memory_space<vmem>> -> memref<1x72xi32, #tpu.memory_space<vmem>>
    %dma_start3A_153 = tpu.memref_squeeze %dma_start3A_152 : memref<1x72xi32, #tpu.memory_space<vmem>> -> memref<72xi32, #tpu.memory_space<vmem>>
    %dma_start3A_154 = arith.constant 0 : i32
    %dma_start3A_155 = arith.constant 0 : i32
    %dma_start3A_156 = tpu.memref_slice %arg4[%add3A, %dma_start3A_154, %dma_start3A_155] : memref<32x139x72xi32, #tpu.memory_space<hbm>> -> memref<1x139x72xi32, #tpu.memory_space<hbm>>
    %dma_start3A_157 = tpu.memref_squeeze %dma_start3A_156 : memref<1x139x72xi32, #tpu.memory_space<hbm>> -> memref<139x72xi32, #tpu.memory_space<hbm>>
    %dma_start3A_158 = arith.constant 0 : i32
    %dma_start3A_159 = tpu.memref_slice %dma_start3A_157[%dma_start3A_139, %dma_start3A_158] : memref<139x72xi32, #tpu.memory_space<hbm>> -> memref<1x72xi32, #tpu.memory_space<hbm>>
    %dma_start3A_160 = tpu.memref_squeeze %dma_start3A_159 : memref<1x72xi32, #tpu.memory_space<hbm>> -> memref<72xi32, #tpu.memory_space<hbm>>
    tpu.enqueue_dma source(%dma_start3A_160 : memref<72xi32, #tpu.memory_space<hbm>>) target(%dma_start3A_153 : memref<72xi32, #tpu.memory_space<vmem>>) target_semaphore(%arg11 : memref<!tpu.dma_semaphore, #tpu.memory_space<semaphore_mem>>)
    %dma_start3A_161 = arith.constant 3 : i32
    %dma_start3A_162 = arith.constant 3 : i32
    %dma_start3A_163 = arith.constant 0 : i32
    %dma_start3A_164 = tpu.memref_slice %arg7[%dma_start3A_162, %dma_start3A_163] : memref<8x72xi32, #tpu.memory_space<vmem>> -> memref<1x72xi32, #tpu.memory_space<vmem>>
    %dma_start3A_165 = tpu.memref_squeeze %dma_start3A_164 : memref<1x72xi32, #tpu.memory_space<vmem>> -> memref<72xi32, #tpu.memory_space<vmem>>
    %dma_start3A_166 = arith.constant 0 : i32
    %dma_start3A_167 = arith.constant 0 : i32
    %dma_start3A_168 = tpu.memref_slice %arg3[%add3A, %dma_start3A_166, %dma_start3A_167] : memref<32x139x72xi32, #tpu.memory_space<hbm>> -> memref<1x139x72xi32, #tpu.memory_space<hbm>>
    %dma_start3A_169 = tpu.memref_squeeze %dma_start3A_168 : memref<1x139x72xi32, #tpu.memory_space<hbm>> -> memref<139x72xi32, #tpu.memory_space<hbm>>
    %dma_start3A_170 = arith.constant 0 : i32
    %dma_start3A_171 = tpu.memref_slice %dma_start3A_169[%dma_start3A_161, %dma_start3A_170] : memref<139x72xi32, #tpu.memory_space<hbm>> -> memref<1x72xi32, #tpu.memory_space<hbm>>
    %dma_start3A_172 = tpu.memref_squeeze %dma_start3A_171 : memref<1x72xi32, #tpu.memory_space<hbm>> -> memref<72xi32, #tpu.memory_space<hbm>>
    %dma_start3A_173 = arith.constant 0 : i32
    %dma_start3A_174 = tpu.memref_slice %arg7[%dma_start3A_162, %dma_start3A_173] : memref<8x72xi32, #tpu.memory_space<vmem>> -> memref<1x72xi32, #tpu.memory_space<vmem>>
    %dma_start3A_175 = tpu.memref_squeeze %dma_start3A_174 : memref<1x72xi32, #tpu.memory_space<vmem>> -> memref<72xi32, #tpu.memory_space<vmem>>
    %dma_start3A_176 = arith.constant 0 : i32
    %dma_start3A_177 = arith.constant 0 : i32
    %dma_start3A_178 = tpu.memref_slice %arg3[%add3A, %dma_start3A_176, %dma_start3A_177] : memref<32x139x72xi32, #tpu.memory_space<hbm>> -> memref<1x139x72xi32, #tpu.memory_space<hbm>>
    %dma_start3A_179 = tpu.memref_squeeze %dma_start3A_178 : memref<1x139x72xi32, #tpu.memory_space<hbm>> -> memref<139x72xi32, #tpu.memory_space<hbm>>
    %dma_start3A_180 = arith.constant 0 : i32
    %dma_start3A_181 = tpu.memref_slice %dma_start3A_179[%dma_start3A_161, %dma_start3A_180] : memref<139x72xi32, #tpu.memory_space<hbm>> -> memref<1x72xi32, #tpu.memory_space<hbm>>
    %dma_start3A_182 = tpu.memref_squeeze %dma_start3A_181 : memref<1x72xi32, #tpu.memory_space<hbm>> -> memref<72xi32, #tpu.memory_space<hbm>>
    tpu.enqueue_dma source(%dma_start3A_182 : memref<72xi32, #tpu.memory_space<hbm>>) target(%dma_start3A_175 : memref<72xi32, #tpu.memory_space<vmem>>) target_semaphore(%arg11 : memref<!tpu.dma_semaphore, #tpu.memory_space<semaphore_mem>>)
    %dma_start3A_183 = arith.constant 3 : i32
    %dma_start3A_184 = arith.constant 3 : i32
    %dma_start3A_185 = arith.constant 0 : i32
    %dma_start3A_186 = tpu.memref_slice %arg8[%dma_start3A_184, %dma_start3A_185] : memref<8x72xi32, #tpu.memory_space<vmem>> -> memref<1x72xi32, #tpu.memory_space<vmem>>
    %dma_start3A_187 = tpu.memref_squeeze %dma_start3A_186 : memref<1x72xi32, #tpu.memory_space<vmem>> -> memref<72xi32, #tpu.memory_space<vmem>>
    %dma_start3A_188 = arith.constant 0 : i32
    %dma_start3A_189 = arith.constant 0 : i32
    %dma_start3A_190 = tpu.memref_slice %arg4[%add3A, %dma_start3A_188, %dma_start3A_189] : memref<32x139x72xi32, #tpu.memory_space<hbm>> -> memref<1x139x72xi32, #tpu.memory_space<hbm>>
    %dma_start3A_191 = tpu.memref_squeeze %dma_start3A_190 : memref<1x139x72xi32, #tpu.memory_space<hbm>> -> memref<139x72xi32, #tpu.memory_space<hbm>>
    %dma_start3A_192 = arith.constant 0 : i32
    %dma_start3A_193 = tpu.memref_slice %dma_start3A_191[%dma_start3A_183, %dma_start3A_192] : memref<139x72xi32, #tpu.memory_space<hbm>> -> memref<1x72xi32, #tpu.memory_space<hbm>>
    %dma_start3A_194 = tpu.memref_squeeze %dma_start3A_193 : memref<1x72xi32, #tpu.memory_space<hbm>> -> memref<72xi32, #tpu.memory_space<hbm>>
    %dma_start3A_195 = arith.constant 0 : i32
    %dma_start3A_196 = tpu.memref_slice %arg8[%dma_start3A_184, %dma_start3A_195] : memref<8x72xi32, #tpu.memory_space<vmem>> -> memref<1x72xi32, #tpu.memory_space<vmem>>
    %dma_start3A_197 = tpu.memref_squeeze %dma_start3A_196 : memref<1x72xi32, #tpu.memory_space<vmem>> -> memref<72xi32, #tpu.memory_space<vmem>>
    %dma_start3A_198 = arith.constant 0 : i32
    %dma_start3A_199 = arith.constant 0 : i32
    %dma_start3A_200 = tpu.memref_slice %arg4[%add3A, %dma_start3A_198, %dma_start3A_199] : memref<32x139x72xi32, #tpu.memory_space<hbm>> -> memref<1x139x72xi32, #tpu.memory_space<hbm>>
    %dma_start3A_201 = tpu.memref_squeeze %dma_start3A_200 : memref<1x139x72xi32, #tpu.memory_space<hbm>> -> memref<139x72xi32, #tpu.memory_space<hbm>>
    %dma_start3A_202 = arith.constant 0 : i32
    %dma_start3A_203 = tpu.memref_slice %dma_start3A_201[%dma_start3A_183, %dma_start3A_202] : memref<139x72xi32, #tpu.memory_space<hbm>> -> memref<1x72xi32, #tpu.memory_space<hbm>>
    %dma_start3A_204 = tpu.memref_squeeze %dma_start3A_203 : memref<1x72xi32, #tpu.memory_space<hbm>> -> memref<72xi32, #tpu.memory_space<hbm>>
    tpu.enqueue_dma source(%dma_start3A_204 : memref<72xi32, #tpu.memory_space<hbm>>) target(%dma_start3A_197 : memref<72xi32, #tpu.memory_space<vmem>>) target_semaphore(%arg11 : memref<!tpu.dma_semaphore, #tpu.memory_space<semaphore_mem>>)
    %dma_start3A_205 = arith.constant 4 : i32
    %dma_start3A_206 = arith.constant 4 : i32
    %dma_start3A_207 = arith.constant 0 : i32
    %dma_start3A_208 = tpu.memref_slice %arg7[%dma_start3A_206, %dma_start3A_207] : memref<8x72xi32, #tpu.memory_space<vmem>> -> memref<1x72xi32, #tpu.memory_space<vmem>>
    %dma_start3A_209 = tpu.memref_squeeze %dma_start3A_208 : memref<1x72xi32, #tpu.memory_space<vmem>> -> memref<72xi32, #tpu.memory_space<vmem>>
    %dma_start3A_210 = arith.constant 0 : i32
    %dma_start3A_211 = arith.constant 0 : i32
    %dma_start3A_212 = tpu.memref_slice %arg3[%add3A, %dma_start3A_210, %dma_start3A_211] : memref<32x139x72xi32, #tpu.memory_space<hbm>> -> memref<1x139x72xi32, #tpu.memory_space<hbm>>
    %dma_start3A_213 = tpu.memref_squeeze %dma_start3A_212 : memref<1x139x72xi32, #tpu.memory_space<hbm>> -> memref<139x72xi32, #tpu.memory_space<hbm>>
    %dma_start3A_214 = arith.constant 0 : i32
    %dma_start3A_215 = tpu.memref_slice %dma_start3A_213[%dma_start3A_205, %dma_start3A_214] : memref<139x72xi32, #tpu.memory_space<hbm>> -> memref<1x72xi32, #tpu.memory_space<hbm>>
    %dma_start3A_216 = tpu.memref_squeeze %dma_start3A_215 : memref<1x72xi32, #tpu.memory_space<hbm>> -> memref<72xi32, #tpu.memory_space<hbm>>
    %dma_start3A_217 = arith.constant 0 : i32
    %dma_start3A_218 = tpu.memref_slice %arg7[%dma_start3A_206, %dma_start3A_217] : memref<8x72xi32, #tpu.memory_space<vmem>> -> memref<1x72xi32, #tpu.memory_space<vmem>>
    %dma_start3A_219 = tpu.memref_squeeze %dma_start3A_218 : memref<1x72xi32, #tpu.memory_space<vmem>> -> memref<72xi32, #tpu.memory_space<vmem>>
    %dma_start3A_220 = arith.constant 0 : i32
    %dma_start3A_221 = arith.constant 0 : i32
    %dma_start3A_222 = tpu.memref_slice %arg3[%add3A, %dma_start3A_220, %dma_start3A_221] : memref<32x139x72xi32, #tpu.memory_space<hbm>> -> memref<1x139x72xi32, #tpu.memory_space<hbm>>
    %dma_start3A_223 = tpu.memref_squeeze %dma_start3A_222 : memref<1x139x72xi32, #tpu.memory_space<hbm>> -> memref<139x72xi32, #tpu.memory_space<hbm>>
    %dma_start3A_224 = arith.constant 0 : i32
    %dma_start3A_225 = tpu.memref_slice %dma_start3A_223[%dma_start3A_205, %dma_start3A_224] : memref<139x72xi32, #tpu.memory_space<hbm>> -> memref<1x72xi32, #tpu.memory_space<hbm>>
    %dma_start3A_226 = tpu.memref_squeeze %dma_start3A_225 : memref<1x72xi32, #tpu.memory_space<hbm>> -> memref<72xi32, #tpu.memory_space<hbm>>
    tpu.enqueue_dma source(%dma_start3A_226 : memref<72xi32, #tpu.memory_space<hbm>>) target(%dma_start3A_219 : memref<72xi32, #tpu.memory_space<vmem>>) target_semaphore(%arg11 : memref<!tpu.dma_semaphore, #tpu.memory_space<semaphore_mem>>)
    %dma_start3A_227 = arith.constant 4 : i32
    %dma_start3A_228 = arith.constant 4 : i32
    %dma_start3A_229 = arith.constant 0 : i32
    %dma_start3A_230 = tpu.memref_slice %arg8[%dma_start3A_228, %dma_start3A_229] : memref<8x72xi32, #tpu.memory_space<vmem>> -> memref<1x72xi32, #tpu.memory_space<vmem>>
    %dma_start3A_231 = tpu.memref_squeeze %dma_start3A_230 : memref<1x72xi32, #tpu.memory_space<vmem>> -> memref<72xi32, #tpu.memory_space<vmem>>
    %dma_start3A_232 = arith.constant 0 : i32
    %dma_start3A_233 = arith.constant 0 : i32
    %dma_start3A_234 = tpu.memref_slice %arg4[%add3A, %dma_start3A_232, %dma_start3A_233] : memref<32x139x72xi32, #tpu.memory_space<hbm>> -> memref<1x139x72xi32, #tpu.memory_space<hbm>>
    %dma_start3A_235 = tpu.memref_squeeze %dma_start3A_234 : memref<1x139x72xi32, #tpu.memory_space<hbm>> -> memref<139x72xi32, #tpu.memory_space<hbm>>
    %dma_start3A_236 = arith.constant 0 : i32
    %dma_start3A_237 = tpu.memref_slice %dma_start3A_235[%dma_start3A_227, %dma_start3A_236] : memref<139x72xi32, #tpu.memory_space<hbm>> -> memref<1x72xi32, #tpu.memory_space<hbm>>
    %dma_start3A_238 = tpu.memref_squeeze %dma_start3A_237 : memref<1x72xi32, #tpu.memory_space<hbm>> -> memref<72xi32, #tpu.memory_space<hbm>>
    %dma_start3A_239 = arith.constant 0 : i32
    %dma_start3A_240 = tpu.memref_slice %arg8[%dma_start3A_228, %dma_start3A_239] : memref<8x72xi32, #tpu.memory_space<vmem>> -> memref<1x72xi32, #tpu.memory_space<vmem>>
    %dma_start3A_241 = tpu.memref_squeeze %dma_start3A_240 : memref<1x72xi32, #tpu.memory_space<vmem>> -> memref<72xi32, #tpu.memory_space<vmem>>
    %dma_start3A_242 = arith.constant 0 : i32
    %dma_start3A_243 = arith.constant 0 : i32
    %dma_start3A_244 = tpu.memref_slice %arg4[%add3A, %dma_start3A_242, %dma_start3A_243] : memref<32x139x72xi32, #tpu.memory_space<hbm>> -> memref<1x139x72xi32, #tpu.memory_space<hbm>>
    %dma_start3A_245 = tpu.memref_squeeze %dma_start3A_244 : memref<1x139x72xi32, #tpu.memory_space<hbm>> -> memref<139x72xi32, #tpu.memory_space<hbm>>
    %dma_start3A_246 = arith.constant 0 : i32
    %dma_start3A_247 = tpu.memref_slice %dma_start3A_245[%dma_start3A_227, %dma_start3A_246] : memref<139x72xi32, #tpu.memory_space<hbm>> -> memref<1x72xi32, #tpu.memory_space<hbm>>
    %dma_start3A_248 = tpu.memref_squeeze %dma_start3A_247 : memref<1x72xi32, #tpu.memory_space<hbm>> -> memref<72xi32, #tpu.memory_space<hbm>>
    tpu.enqueue_dma source(%dma_start3A_248 : memref<72xi32, #tpu.memory_space<hbm>>) target(%dma_start3A_241 : memref<72xi32, #tpu.memory_space<vmem>>) target_semaphore(%arg11 : memref<!tpu.dma_semaphore, #tpu.memory_space<semaphore_mem>>)
    %dma_start3A_249 = arith.constant 5 : i32
    %dma_start3A_250 = arith.constant 5 : i32
    %dma_start3A_251 = arith.constant 0 : i32
    %dma_start3A_252 = tpu.memref_slice %arg7[%dma_start3A_250, %dma_start3A_251] : memref<8x72xi32, #tpu.memory_space<vmem>> -> memref<1x72xi32, #tpu.memory_space<vmem>>
    %dma_start3A_253 = tpu.memref_squeeze %dma_start3A_252 : memref<1x72xi32, #tpu.memory_space<vmem>> -> memref<72xi32, #tpu.memory_space<vmem>>
    %dma_start3A_254 = arith.constant 0 : i32
    %dma_start3A_255 = arith.constant 0 : i32
    %dma_start3A_256 = tpu.memref_slice %arg3[%add3A, %dma_start3A_254, %dma_start3A_255] : memref<32x139x72xi32, #tpu.memory_space<hbm>> -> memref<1x139x72xi32, #tpu.memory_space<hbm>>
    %dma_start3A_257 = tpu.memref_squeeze %dma_start3A_256 : memref<1x139x72xi32, #tpu.memory_space<hbm>> -> memref<139x72xi32, #tpu.memory_space<hbm>>
    %dma_start3A_258 = arith.constant 0 : i32
    %dma_start3A_259 = tpu.memref_slice %dma_start3A_257[%dma_start3A_249, %dma_start3A_258] : memref<139x72xi32, #tpu.memory_space<hbm>> -> memref<1x72xi32, #tpu.memory_space<hbm>>
    %dma_start3A_260 = tpu.memref_squeeze %dma_start3A_259 : memref<1x72xi32, #tpu.memory_space<hbm>> -> memref<72xi32, #tpu.memory_space<hbm>>
    %dma_start3A_261 = arith.constant 0 : i32
    %dma_start3A_262 = tpu.memref_slice %arg7[%dma_start3A_250, %dma_start3A_261] : memref<8x72xi32, #tpu.memory_space<vmem>> -> memref<1x72xi32, #tpu.memory_space<vmem>>
    %dma_start3A_263 = tpu.memref_squeeze %dma_start3A_262 : memref<1x72xi32, #tpu.memory_space<vmem>> -> memref<72xi32, #tpu.memory_space<vmem>>
    %dma_start3A_264 = arith.constant 0 : i32
    %dma_start3A_265 = arith.constant 0 : i32
    %dma_start3A_266 = tpu.memref_slice %arg3[%add3A, %dma_start3A_264, %dma_start3A_265] : memref<32x139x72xi32, #tpu.memory_space<hbm>> -> memref<1x139x72xi32, #tpu.memory_space<hbm>>
    %dma_start3A_267 = tpu.memref_squeeze %dma_start3A_266 : memref<1x139x72xi32, #tpu.memory_space<hbm>> -> memref<139x72xi32, #tpu.memory_space<hbm>>
    %dma_start3A_268 = arith.constant 0 : i32
    %dma_start3A_269 = tpu.memref_slice %dma_start3A_267[%dma_start3A_249, %dma_start3A_268] : memref<139x72xi32, #tpu.memory_space<hbm>> -> memref<1x72xi32, #tpu.memory_space<hbm>>
    %dma_start3A_270 = tpu.memref_squeeze %dma_start3A_269 : memref<1x72xi32, #tpu.memory_space<hbm>> -> memref<72xi32, #tpu.memory_space<hbm>>
    tpu.enqueue_dma source(%dma_start3A_270 : memref<72xi32, #tpu.memory_space<hbm>>) target(%dma_start3A_263 : memref<72xi32, #tpu.memory_space<vmem>>) target_semaphore(%arg11 : memref<!tpu.dma_semaphore, #tpu.memory_space<semaphore_mem>>)
    %dma_start3A_271 = arith.constant 5 : i32
    %dma_start3A_272 = arith.constant 5 : i32
    %dma_start3A_273 = arith.constant 0 : i32
    %dma_start3A_274 = tpu.memref_slice %arg8[%dma_start3A_272, %dma_start3A_273] : memref<8x72xi32, #tpu.memory_space<vmem>> -> memref<1x72xi32, #tpu.memory_space<vmem>>
    %dma_start3A_275 = tpu.memref_squeeze %dma_start3A_274 : memref<1x72xi32, #tpu.memory_space<vmem>> -> memref<72xi32, #tpu.memory_space<vmem>>
    %dma_start3A_276 = arith.constant 0 : i32
    %dma_start3A_277 = arith.constant 0 : i32
    %dma_start3A_278 = tpu.memref_slice %arg4[%add3A, %dma_start3A_276, %dma_start3A_277] : memref<32x139x72xi32, #tpu.memory_space<hbm>> -> memref<1x139x72xi32, #tpu.memory_space<hbm>>
    %dma_start3A_279 = tpu.memref_squeeze %dma_start3A_278 : memref<1x139x72xi32, #tpu.memory_space<hbm>> -> memref<139x72xi32, #tpu.memory_space<hbm>>
    %dma_start3A_280 = arith.constant 0 : i32
    %dma_start3A_281 = tpu.memref_slice %dma_start3A_279[%dma_start3A_271, %dma_start3A_280] : memref<139x72xi32, #tpu.memory_space<hbm>> -> memref<1x72xi32, #tpu.memory_space<hbm>>
    %dma_start3A_282 = tpu.memref_squeeze %dma_start3A_281 : memref<1x72xi32, #tpu.memory_space<hbm>> -> memref<72xi32, #tpu.memory_space<hbm>>
    %dma_start3A_283 = arith.constant 0 : i32
    %dma_start3A_284 = tpu.memref_slice %arg8[%dma_start3A_272, %dma_start3A_283] : memref<8x72xi32, #tpu.memory_space<vmem>> -> memref<1x72xi32, #tpu.memory_space<vmem>>
    %dma_start3A_285 = tpu.memref_squeeze %dma_start3A_284 : memref<1x72xi32, #tpu.memory_space<vmem>> -> memref<72xi32, #tpu.memory_space<vmem>>
    %dma_start3A_286 = arith.constant 0 : i32
    %dma_start3A_287 = arith.constant 0 : i32
    %dma_start3A_288 = tpu.memref_slice %arg4[%add3A, %dma_start3A_286, %dma_start3A_287] : memref<32x139x72xi32, #tpu.memory_space<hbm>> -> memref<1x139x72xi32, #tpu.memory_space<hbm>>
    %dma_start3A_289 = tpu.memref_squeeze %dma_start3A_288 : memref<1x139x72xi32, #tpu.memory_space<hbm>> -> memref<139x72xi32, #tpu.memory_space<hbm>>
    %dma_start3A_290 = arith.constant 0 : i32
    %dma_start3A_291 = tpu.memref_slice %dma_start3A_289[%dma_start3A_271, %dma_start3A_290] : memref<139x72xi32, #tpu.memory_space<hbm>> -> memref<1x72xi32, #tpu.memory_space<hbm>>
    %dma_start3A_292 = tpu.memref_squeeze %dma_start3A_291 : memref<1x72xi32, #tpu.memory_space<hbm>> -> memref<72xi32, #tpu.memory_space<hbm>>
    tpu.enqueue_dma source(%dma_start3A_292 : memref<72xi32, #tpu.memory_space<hbm>>) target(%dma_start3A_285 : memref<72xi32, #tpu.memory_space<vmem>>) target_semaphore(%arg11 : memref<!tpu.dma_semaphore, #tpu.memory_space<semaphore_mem>>)
    %dma_wait3A = arith.constant 0 : i32
    %dma_wait3A_293 = arith.constant 0 : i32
    %dma_wait3A_294 = arith.constant 0 : i32
    %dma_wait3A_295 = tpu.memref_slice %arg7[%dma_wait3A_293, %dma_wait3A_294] : memref<8x72xi32, #tpu.memory_space<vmem>> -> memref<1x72xi32, #tpu.memory_space<vmem>>
    %dma_wait3A_296 = tpu.memref_squeeze %dma_wait3A_295 : memref<1x72xi32, #tpu.memory_space<vmem>> -> memref<72xi32, #tpu.memory_space<vmem>>
    %dma_wait3A_297 = arith.constant 0 : i32
    %dma_wait3A_298 = arith.constant 0 : i32
    %dma_wait3A_299 = tpu.memref_slice %arg3[%add3A, %dma_wait3A_297, %dma_wait3A_298] : memref<32x139x72xi32, #tpu.memory_space<hbm>> -> memref<1x139x72xi32, #tpu.memory_space<hbm>>
    %dma_wait3A_300 = tpu.memref_squeeze %dma_wait3A_299 : memref<1x139x72xi32, #tpu.memory_space<hbm>> -> memref<139x72xi32, #tpu.memory_space<hbm>>
    %dma_wait3A_301 = arith.constant 0 : i32
    %dma_wait3A_302 = tpu.memref_slice %dma_wait3A_300[%dma_wait3A, %dma_wait3A_301] : memref<139x72xi32, #tpu.memory_space<hbm>> -> memref<1x72xi32, #tpu.memory_space<hbm>>
    %dma_wait3A_303 = tpu.memref_squeeze %dma_wait3A_302 : memref<1x72xi32, #tpu.memory_space<hbm>> -> memref<72xi32, #tpu.memory_space<hbm>>
    %dma_wait3A_304 = arith.constant 0 : i32
    %dma_wait3A_305 = tpu.memref_slice %arg7[%dma_wait3A_293, %dma_wait3A_304] : memref<8x72xi32, #tpu.memory_space<vmem>> -> memref<1x72xi32, #tpu.memory_space<vmem>>
    %dma_wait3A_306 = tpu.memref_squeeze %dma_wait3A_305 : memref<1x72xi32, #tpu.memory_space<vmem>> -> memref<72xi32, #tpu.memory_space<vmem>>
    %dma_wait3A_307 = arith.constant 0 : i32
    %dma_wait3A_308 = arith.constant 0 : i32
    %dma_wait3A_309 = tpu.memref_slice %arg3[%add3A, %dma_wait3A_307, %dma_wait3A_308] : memref<32x139x72xi32, #tpu.memory_space<hbm>> -> memref<1x139x72xi32, #tpu.memory_space<hbm>>
    %dma_wait3A_310 = tpu.memref_squeeze %dma_wait3A_309 : memref<1x139x72xi32, #tpu.memory_space<hbm>> -> memref<139x72xi32, #tpu.memory_space<hbm>>
    %dma_wait3A_311 = arith.constant 0 : i32
    %dma_wait3A_312 = tpu.memref_slice %dma_wait3A_310[%dma_wait3A, %dma_wait3A_311] : memref<139x72xi32, #tpu.memory_space<hbm>> -> memref<1x72xi32, #tpu.memory_space<hbm>>
    %dma_wait3A_313 = tpu.memref_squeeze %dma_wait3A_312 : memref<1x72xi32, #tpu.memory_space<hbm>> -> memref<72xi32, #tpu.memory_space<hbm>>
    tpu.wait_dma2 semaphore(%arg11 : memref<!tpu.dma_semaphore, #tpu.memory_space<semaphore_mem>>) src(%dma_wait3A_313 : memref<72xi32, #tpu.memory_space<hbm>>) dst(%dma_wait3A_306 : memref<72xi32, #tpu.memory_space<vmem>>)
    %dma_wait3A_314 = arith.constant 0 : i32
    %dma_wait3A_315 = arith.constant 0 : i32
    %dma_wait3A_316 = arith.constant 0 : i32
    %dma_wait3A_317 = tpu.memref_slice %arg8[%dma_wait3A_315, %dma_wait3A_316] : memref<8x72xi32, #tpu.memory_space<vmem>> -> memref<1x72xi32, #tpu.memory_space<vmem>>
    %dma_wait3A_318 = tpu.memref_squeeze %dma_wait3A_317 : memref<1x72xi32, #tpu.memory_space<vmem>> -> memref<72xi32, #tpu.memory_space<vmem>>
    %dma_wait3A_319 = arith.constant 0 : i32
    %dma_wait3A_320 = arith.constant 0 : i32
    %dma_wait3A_321 = tpu.memref_slice %arg4[%add3A, %dma_wait3A_319, %dma_wait3A_320] : memref<32x139x72xi32, #tpu.memory_space<hbm>> -> memref<1x139x72xi32, #tpu.memory_space<hbm>>
    %dma_wait3A_322 = tpu.memref_squeeze %dma_wait3A_321 : memref<1x139x72xi32, #tpu.memory_space<hbm>> -> memref<139x72xi32, #tpu.memory_space<hbm>>
    %dma_wait3A_323 = arith.constant 0 : i32
    %dma_wait3A_324 = tpu.memref_slice %dma_wait3A_322[%dma_wait3A_314, %dma_wait3A_323] : memref<139x72xi32, #tpu.memory_space<hbm>> -> memref<1x72xi32, #tpu.memory_space<hbm>>
    %dma_wait3A_325 = tpu.memref_squeeze %dma_wait3A_324 : memref<1x72xi32, #tpu.memory_space<hbm>> -> memref<72xi32, #tpu.memory_space<hbm>>
    %dma_wait3A_326 = arith.constant 0 : i32
    %dma_wait3A_327 = tpu.memref_slice %arg8[%dma_wait3A_315, %dma_wait3A_326] : memref<8x72xi32, #tpu.memory_space<vmem>> -> memref<1x72xi32, #tpu.memory_space<vmem>>
    %dma_wait3A_328 = tpu.memref_squeeze %dma_wait3A_327 : memref<1x72xi32, #tpu.memory_space<vmem>> -> memref<72xi32, #tpu.memory_space<vmem>>
    %dma_wait3A_329 = arith.constant 0 : i32
    %dma_wait3A_330 = arith.constant 0 : i32
    %dma_wait3A_331 = tpu.memref_slice %arg4[%add3A, %dma_wait3A_329, %dma_wait3A_330] : memref<32x139x72xi32, #tpu.memory_space<hbm>> -> memref<1x139x72xi32, #tpu.memory_space<hbm>>
    %dma_wait3A_332 = tpu.memref_squeeze %dma_wait3A_331 : memref<1x139x72xi32, #tpu.memory_space<hbm>> -> memref<139x72xi32, #tpu.memory_space<hbm>>
    %dma_wait3A_333 = arith.constant 0 : i32
    %dma_wait3A_334 = tpu.memref_slice %dma_wait3A_332[%dma_wait3A_314, %dma_wait3A_333] : memref<139x72xi32, #tpu.memory_space<hbm>> -> memref<1x72xi32, #tpu.memory_space<hbm>>
    %dma_wait3A_335 = tpu.memref_squeeze %dma_wait3A_334 : memref<1x72xi32, #tpu.memory_space<hbm>> -> memref<72xi32, #tpu.memory_space<hbm>>
    tpu.wait_dma2 semaphore(%arg11 : memref<!tpu.dma_semaphore, #tpu.memory_space<semaphore_mem>>) src(%dma_wait3A_335 : memref<72xi32, #tpu.memory_space<hbm>>) dst(%dma_wait3A_328 : memref<72xi32, #tpu.memory_space<vmem>>)
    %dma_start3A_336 = arith.constant 0 : i32
    %dma_start3A_337 = arith.constant 0 : i32
    %dma_start3A_338 = arith.constant 0 : i32
    %dma_start3A_339 = arith.constant 0 : i32
    %dma_start3A_340 = tpu.memref_slice %arg9[%dma_start3A_337, %dma_start3A_338, %dma_start3A_339] : memref<5x72x128xf32, #tpu.memory_space<vmem>> -> memref<1x72x128xf32, #tpu.memory_space<vmem>>
    %dma_start3A_341 = tpu.memref_squeeze %dma_start3A_340 : memref<1x72x128xf32, #tpu.memory_space<vmem>> -> memref<72x128xf32, #tpu.memory_space<vmem>>
    %dma_start3A_342 = arith.constant 0 : i32
    %dma_start3A_343 = tpu.memref_slice %arg7[%dma_start3A_336, %dma_start3A_342] : memref<8x72xi32, #tpu.memory_space<vmem>> -> memref<1x72xi32, #tpu.memory_space<vmem>>
    %dma_start3A_344 = tpu.memref_squeeze %dma_start3A_343 : memref<1x72xi32, #tpu.memory_space<vmem>> -> memref<72xi32, #tpu.memory_space<vmem>>
    %dma_start3A_345 = arith.constant 0 : i32
    %dma_start3A_346 = arith.constant 0 : i32
    %dma_start3A_347 = tpu.memref_slice %arg2[%dma_start3A_345, %dma_start3A_346] : memref<10112x128xf32, #tpu.memory_space<hbm>> -> memref<10112x128xf32, #tpu.memory_space<hbm>>
    tpu.enqueue_indirect_dma source(%dma_start3A_347 : memref<10112x128xf32, #tpu.memory_space<hbm>>) target(%dma_start3A_341 : memref<72x128xf32, #tpu.memory_space<vmem>>) offsets(%dma_start3A_344 : memref<72xi32, #tpu.memory_space<vmem>>) semaphore(%arg12 : memref<!tpu.dma_semaphore, #tpu.memory_space<semaphore_mem>>)
    %dma_wait3A_348 = arith.constant 1 : i32
    %dma_wait3A_349 = arith.constant 1 : i32
    %dma_wait3A_350 = arith.constant 0 : i32
    %dma_wait3A_351 = tpu.memref_slice %arg7[%dma_wait3A_349, %dma_wait3A_350] : memref<8x72xi32, #tpu.memory_space<vmem>> -> memref<1x72xi32, #tpu.memory_space<vmem>>
    %dma_wait3A_352 = tpu.memref_squeeze %dma_wait3A_351 : memref<1x72xi32, #tpu.memory_space<vmem>> -> memref<72xi32, #tpu.memory_space<vmem>>
    %dma_wait3A_353 = arith.constant 0 : i32
    %dma_wait3A_354 = arith.constant 0 : i32
    %dma_wait3A_355 = tpu.memref_slice %arg3[%add3A, %dma_wait3A_353, %dma_wait3A_354] : memref<32x139x72xi32, #tpu.memory_space<hbm>> -> memref<1x139x72xi32, #tpu.memory_space<hbm>>
    %dma_wait3A_356 = tpu.memref_squeeze %dma_wait3A_355 : memref<1x139x72xi32, #tpu.memory_space<hbm>> -> memref<139x72xi32, #tpu.memory_space<hbm>>
    %dma_wait3A_357 = arith.constant 0 : i32
    %dma_wait3A_358 = tpu.memref_slice %dma_wait3A_356[%dma_wait3A_348, %dma_wait3A_357] : memref<139x72xi32, #tpu.memory_space<hbm>> -> memref<1x72xi32, #tpu.memory_space<hbm>>
    %dma_wait3A_359 = tpu.memref_squeeze %dma_wait3A_358 : memref<1x72xi32, #tpu.memory_space<hbm>> -> memref<72xi32, #tpu.memory_space<hbm>>
    %dma_wait3A_360 = arith.constant 0 : i32
    %dma_wait3A_361 = tpu.memref_slice %arg7[%dma_wait3A_349, %dma_wait3A_360] : memref<8x72xi32, #tpu.memory_space<vmem>> -> memref<1x72xi32, #tpu.memory_space<vmem>>
    %dma_wait3A_362 = tpu.memref_squeeze %dma_wait3A_361 : memref<1x72xi32, #tpu.memory_space<vmem>> -> memref<72xi32, #tpu.memory_space<vmem>>
    %dma_wait3A_363 = arith.constant 0 : i32
    %dma_wait3A_364 = arith.constant 0 : i32
    %dma_wait3A_365 = tpu.memref_slice %arg3[%add3A, %dma_wait3A_363, %dma_wait3A_364] : memref<32x139x72xi32, #tpu.memory_space<hbm>> -> memref<1x139x72xi32, #tpu.memory_space<hbm>>
    %dma_wait3A_366 = tpu.memref_squeeze %dma_wait3A_365 : memref<1x139x72xi32, #tpu.memory_space<hbm>> -> memref<139x72xi32, #tpu.memory_space<hbm>>
    %dma_wait3A_367 = arith.constant 0 : i32
    %dma_wait3A_368 = tpu.memref_slice %dma_wait3A_366[%dma_wait3A_348, %dma_wait3A_367] : memref<139x72xi32, #tpu.memory_space<hbm>> -> memref<1x72xi32, #tpu.memory_space<hbm>>
    %dma_wait3A_369 = tpu.memref_squeeze %dma_wait3A_368 : memref<1x72xi32, #tpu.memory_space<hbm>> -> memref<72xi32, #tpu.memory_space<hbm>>
    tpu.wait_dma2 semaphore(%arg11 : memref<!tpu.dma_semaphore, #tpu.memory_space<semaphore_mem>>) src(%dma_wait3A_369 : memref<72xi32, #tpu.memory_space<hbm>>) dst(%dma_wait3A_362 : memref<72xi32, #tpu.memory_space<vmem>>)
    %dma_wait3A_370 = arith.constant 1 : i32
    %dma_wait3A_371 = arith.constant 1 : i32
    %dma_wait3A_372 = arith.constant 0 : i32
    %dma_wait3A_373 = tpu.memref_slice %arg8[%dma_wait3A_371, %dma_wait3A_372] : memref<8x72xi32, #tpu.memory_space<vmem>> -> memref<1x72xi32, #tpu.memory_space<vmem>>
    %dma_wait3A_374 = tpu.memref_squeeze %dma_wait3A_373 : memref<1x72xi32, #tpu.memory_space<vmem>> -> memref<72xi32, #tpu.memory_space<vmem>>
    %dma_wait3A_375 = arith.constant 0 : i32
    %dma_wait3A_376 = arith.constant 0 : i32
    %dma_wait3A_377 = tpu.memref_slice %arg4[%add3A, %dma_wait3A_375, %dma_wait3A_376] : memref<32x139x72xi32, #tpu.memory_space<hbm>> -> memref<1x139x72xi32, #tpu.memory_space<hbm>>
    %dma_wait3A_378 = tpu.memref_squeeze %dma_wait3A_377 : memref<1x139x72xi32, #tpu.memory_space<hbm>> -> memref<139x72xi32, #tpu.memory_space<hbm>>
    %dma_wait3A_379 = arith.constant 0 : i32
    %dma_wait3A_380 = tpu.memref_slice %dma_wait3A_378[%dma_wait3A_370, %dma_wait3A_379] : memref<139x72xi32, #tpu.memory_space<hbm>> -> memref<1x72xi32, #tpu.memory_space<hbm>>
    %dma_wait3A_381 = tpu.memref_squeeze %dma_wait3A_380 : memref<1x72xi32, #tpu.memory_space<hbm>> -> memref<72xi32, #tpu.memory_space<hbm>>
    %dma_wait3A_382 = arith.constant 0 : i32
    %dma_wait3A_383 = tpu.memref_slice %arg8[%dma_wait3A_371, %dma_wait3A_382] : memref<8x72xi32, #tpu.memory_space<vmem>> -> memref<1x72xi32, #tpu.memory_space<vmem>>
    %dma_wait3A_384 = tpu.memref_squeeze %dma_wait3A_383 : memref<1x72xi32, #tpu.memory_space<vmem>> -> memref<72xi32, #tpu.memory_space<vmem>>
    %dma_wait3A_385 = arith.constant 0 : i32
    %dma_wait3A_386 = arith.constant 0 : i32
    %dma_wait3A_387 = tpu.memref_slice %arg4[%add3A, %dma_wait3A_385, %dma_wait3A_386] : memref<32x139x72xi32, #tpu.memory_space<hbm>> -> memref<1x139x72xi32, #tpu.memory_space<hbm>>
    %dma_wait3A_388 = tpu.memref_squeeze %dma_wait3A_387 : memref<1x139x72xi32, #tpu.memory_space<hbm>> -> memref<139x72xi32, #tpu.memory_space<hbm>>
    %dma_wait3A_389 = arith.constant 0 : i32
    %dma_wait3A_390 = tpu.memref_slice %dma_wait3A_388[%dma_wait3A_370, %dma_wait3A_389] : memref<139x72xi32, #tpu.memory_space<hbm>> -> memref<1x72xi32, #tpu.memory_space<hbm>>
    %dma_wait3A_391 = tpu.memref_squeeze %dma_wait3A_390 : memref<1x72xi32, #tpu.memory_space<hbm>> -> memref<72xi32, #tpu.memory_space<hbm>>
    tpu.wait_dma2 semaphore(%arg11 : memref<!tpu.dma_semaphore, #tpu.memory_space<semaphore_mem>>) src(%dma_wait3A_391 : memref<72xi32, #tpu.memory_space<hbm>>) dst(%dma_wait3A_384 : memref<72xi32, #tpu.memory_space<vmem>>)
    %dma_start3A_392 = arith.constant 1 : i32
    %dma_start3A_393 = arith.constant 1 : i32
    %dma_start3A_394 = arith.constant 0 : i32
    %dma_start3A_395 = arith.constant 0 : i32
    %dma_start3A_396 = tpu.memref_slice %arg9[%dma_start3A_393, %dma_start3A_394, %dma_start3A_395] : memref<5x72x128xf32, #tpu.memory_space<vmem>> -> memref<1x72x128xf32, #tpu.memory_space<vmem>>
    %dma_start3A_397 = tpu.memref_squeeze %dma_start3A_396 : memref<1x72x128xf32, #tpu.memory_space<vmem>> -> memref<72x128xf32, #tpu.memory_space<vmem>>
    %dma_start3A_398 = arith.constant 0 : i32
    %dma_start3A_399 = tpu.memref_slice %arg7[%dma_start3A_392, %dma_start3A_398] : memref<8x72xi32, #tpu.memory_space<vmem>> -> memref<1x72xi32, #tpu.memory_space<vmem>>
    %dma_start3A_400 = tpu.memref_squeeze %dma_start3A_399 : memref<1x72xi32, #tpu.memory_space<vmem>> -> memref<72xi32, #tpu.memory_space<vmem>>
    %dma_start3A_401 = arith.constant 0 : i32
    %dma_start3A_402 = arith.constant 0 : i32
    %dma_start3A_403 = tpu.memref_slice %arg2[%dma_start3A_401, %dma_start3A_402] : memref<10112x128xf32, #tpu.memory_space<hbm>> -> memref<10112x128xf32, #tpu.memory_space<hbm>>
    tpu.enqueue_indirect_dma source(%dma_start3A_403 : memref<10112x128xf32, #tpu.memory_space<hbm>>) target(%dma_start3A_397 : memref<72x128xf32, #tpu.memory_space<vmem>>) offsets(%dma_start3A_400 : memref<72xi32, #tpu.memory_space<vmem>>) semaphore(%arg12 : memref<!tpu.dma_semaphore, #tpu.memory_space<semaphore_mem>>)
    %dma_wait3A_404 = arith.constant 2 : i32
    %dma_wait3A_405 = arith.constant 2 : i32
    %dma_wait3A_406 = arith.constant 0 : i32
    %dma_wait3A_407 = tpu.memref_slice %arg7[%dma_wait3A_405, %dma_wait3A_406] : memref<8x72xi32, #tpu.memory_space<vmem>> -> memref<1x72xi32, #tpu.memory_space<vmem>>
    %dma_wait3A_408 = tpu.memref_squeeze %dma_wait3A_407 : memref<1x72xi32, #tpu.memory_space<vmem>> -> memref<72xi32, #tpu.memory_space<vmem>>
    %dma_wait3A_409 = arith.constant 0 : i32
    %dma_wait3A_410 = arith.constant 0 : i32
    %dma_wait3A_411 = tpu.memref_slice %arg3[%add3A, %dma_wait3A_409, %dma_wait3A_410] : memref<32x139x72xi32, #tpu.memory_space<hbm>> -> memref<1x139x72xi32, #tpu.memory_space<hbm>>
    %dma_wait3A_412 = tpu.memref_squeeze %dma_wait3A_411 : memref<1x139x72xi32, #tpu.memory_space<hbm>> -> memref<139x72xi32, #tpu.memory_space<hbm>>
    %dma_wait3A_413 = arith.constant 0 : i32
    %dma_wait3A_414 = tpu.memref_slice %dma_wait3A_412[%dma_wait3A_404, %dma_wait3A_413] : memref<139x72xi32, #tpu.memory_space<hbm>> -> memref<1x72xi32, #tpu.memory_space<hbm>>
    %dma_wait3A_415 = tpu.memref_squeeze %dma_wait3A_414 : memref<1x72xi32, #tpu.memory_space<hbm>> -> memref<72xi32, #tpu.memory_space<hbm>>
    %dma_wait3A_416 = arith.constant 0 : i32
    %dma_wait3A_417 = tpu.memref_slice %arg7[%dma_wait3A_405, %dma_wait3A_416] : memref<8x72xi32, #tpu.memory_space<vmem>> -> memref<1x72xi32, #tpu.memory_space<vmem>>
    %dma_wait3A_418 = tpu.memref_squeeze %dma_wait3A_417 : memref<1x72xi32, #tpu.memory_space<vmem>> -> memref<72xi32, #tpu.memory_space<vmem>>
    %dma_wait3A_419 = arith.constant 0 : i32
    %dma_wait3A_420 = arith.constant 0 : i32
    %dma_wait3A_421 = tpu.memref_slice %arg3[%add3A, %dma_wait3A_419, %dma_wait3A_420] : memref<32x139x72xi32, #tpu.memory_space<hbm>> -> memref<1x139x72xi32, #tpu.memory_space<hbm>>
    %dma_wait3A_422 = tpu.memref_squeeze %dma_wait3A_421 : memref<1x139x72xi32, #tpu.memory_space<hbm>> -> memref<139x72xi32, #tpu.memory_space<hbm>>
    %dma_wait3A_423 = arith.constant 0 : i32
    %dma_wait3A_424 = tpu.memref_slice %dma_wait3A_422[%dma_wait3A_404, %dma_wait3A_423] : memref<139x72xi32, #tpu.memory_space<hbm>> -> memref<1x72xi32, #tpu.memory_space<hbm>>
    %dma_wait3A_425 = tpu.memref_squeeze %dma_wait3A_424 : memref<1x72xi32, #tpu.memory_space<hbm>> -> memref<72xi32, #tpu.memory_space<hbm>>
    tpu.wait_dma2 semaphore(%arg11 : memref<!tpu.dma_semaphore, #tpu.memory_space<semaphore_mem>>) src(%dma_wait3A_425 : memref<72xi32, #tpu.memory_space<hbm>>) dst(%dma_wait3A_418 : memref<72xi32, #tpu.memory_space<vmem>>)
    %dma_wait3A_426 = arith.constant 2 : i32
    %dma_wait3A_427 = arith.constant 2 : i32
    %dma_wait3A_428 = arith.constant 0 : i32
    %dma_wait3A_429 = tpu.memref_slice %arg8[%dma_wait3A_427, %dma_wait3A_428] : memref<8x72xi32, #tpu.memory_space<vmem>> -> memref<1x72xi32, #tpu.memory_space<vmem>>
    %dma_wait3A_430 = tpu.memref_squeeze %dma_wait3A_429 : memref<1x72xi32, #tpu.memory_space<vmem>> -> memref<72xi32, #tpu.memory_space<vmem>>
    %dma_wait3A_431 = arith.constant 0 : i32
    %dma_wait3A_432 = arith.constant 0 : i32
    %dma_wait3A_433 = tpu.memref_slice %arg4[%add3A, %dma_wait3A_431, %dma_wait3A_432] : memref<32x139x72xi32, #tpu.memory_space<hbm>> -> memref<1x139x72xi32, #tpu.memory_space<hbm>>
    %dma_wait3A_434 = tpu.memref_squeeze %dma_wait3A_433 : memref<1x139x72xi32, #tpu.memory_space<hbm>> -> memref<139x72xi32, #tpu.memory_space<hbm>>
    %dma_wait3A_435 = arith.constant 0 : i32
    %dma_wait3A_436 = tpu.memref_slice %dma_wait3A_434[%dma_wait3A_426, %dma_wait3A_435] : memref<139x72xi32, #tpu.memory_space<hbm>> -> memref<1x72xi32, #tpu.memory_space<hbm>>
    %dma_wait3A_437 = tpu.memref_squeeze %dma_wait3A_436 : memref<1x72xi32, #tpu.memory_space<hbm>> -> memref<72xi32, #tpu.memory_space<hbm>>
    %dma_wait3A_438 = arith.constant 0 : i32
    %dma_wait3A_439 = tpu.memref_slice %arg8[%dma_wait3A_427, %dma_wait3A_438] : memref<8x72xi32, #tpu.memory_space<vmem>> -> memref<1x72xi32, #tpu.memory_space<vmem>>
    %dma_wait3A_440 = tpu.memref_squeeze %dma_wait3A_439 : memref<1x72xi32, #tpu.memory_space<vmem>> -> memref<72xi32, #tpu.memory_space<vmem>>
    %dma_wait3A_441 = arith.constant 0 : i32
    %dma_wait3A_442 = arith.constant 0 : i32
    %dma_wait3A_443 = tpu.memref_slice %arg4[%add3A, %dma_wait3A_441, %dma_wait3A_442] : memref<32x139x72xi32, #tpu.memory_space<hbm>> -> memref<1x139x72xi32, #tpu.memory_space<hbm>>
    %dma_wait3A_444 = tpu.memref_squeeze %dma_wait3A_443 : memref<1x139x72xi32, #tpu.memory_space<hbm>> -> memref<139x72xi32, #tpu.memory_space<hbm>>
    %dma_wait3A_445 = arith.constant 0 : i32
    %dma_wait3A_446 = tpu.memref_slice %dma_wait3A_444[%dma_wait3A_426, %dma_wait3A_445] : memref<139x72xi32, #tpu.memory_space<hbm>> -> memref<1x72xi32, #tpu.memory_space<hbm>>
    %dma_wait3A_447 = tpu.memref_squeeze %dma_wait3A_446 : memref<1x72xi32, #tpu.memory_space<hbm>> -> memref<72xi32, #tpu.memory_space<hbm>>
    tpu.wait_dma2 semaphore(%arg11 : memref<!tpu.dma_semaphore, #tpu.memory_space<semaphore_mem>>) src(%dma_wait3A_447 : memref<72xi32, #tpu.memory_space<hbm>>) dst(%dma_wait3A_440 : memref<72xi32, #tpu.memory_space<vmem>>)
    %dma_start3A_448 = arith.constant 2 : i32
    %dma_start3A_449 = arith.constant 2 : i32
    %dma_start3A_450 = arith.constant 0 : i32
    %dma_start3A_451 = arith.constant 0 : i32
    %dma_start3A_452 = tpu.memref_slice %arg9[%dma_start3A_449, %dma_start3A_450, %dma_start3A_451] : memref<5x72x128xf32, #tpu.memory_space<vmem>> -> memref<1x72x128xf32, #tpu.memory_space<vmem>>
    %dma_start3A_453 = tpu.memref_squeeze %dma_start3A_452 : memref<1x72x128xf32, #tpu.memory_space<vmem>> -> memref<72x128xf32, #tpu.memory_space<vmem>>
    %dma_start3A_454 = arith.constant 0 : i32
    %dma_start3A_455 = tpu.memref_slice %arg7[%dma_start3A_448, %dma_start3A_454] : memref<8x72xi32, #tpu.memory_space<vmem>> -> memref<1x72xi32, #tpu.memory_space<vmem>>
    %dma_start3A_456 = tpu.memref_squeeze %dma_start3A_455 : memref<1x72xi32, #tpu.memory_space<vmem>> -> memref<72xi32, #tpu.memory_space<vmem>>
    %dma_start3A_457 = arith.constant 0 : i32
    %dma_start3A_458 = arith.constant 0 : i32
    %dma_start3A_459 = tpu.memref_slice %arg2[%dma_start3A_457, %dma_start3A_458] : memref<10112x128xf32, #tpu.memory_space<hbm>> -> memref<10112x128xf32, #tpu.memory_space<hbm>>
    tpu.enqueue_indirect_dma source(%dma_start3A_459 : memref<10112x128xf32, #tpu.memory_space<hbm>>) target(%dma_start3A_453 : memref<72x128xf32, #tpu.memory_space<vmem>>) offsets(%dma_start3A_456 : memref<72xi32, #tpu.memory_space<vmem>>) semaphore(%arg12 : memref<!tpu.dma_semaphore, #tpu.memory_space<semaphore_mem>>)
    %dma_wait3A_460 = arith.constant 3 : i32
    %dma_wait3A_461 = arith.constant 3 : i32
    %dma_wait3A_462 = arith.constant 0 : i32
    %dma_wait3A_463 = tpu.memref_slice %arg7[%dma_wait3A_461, %dma_wait3A_462] : memref<8x72xi32, #tpu.memory_space<vmem>> -> memref<1x72xi32, #tpu.memory_space<vmem>>
    %dma_wait3A_464 = tpu.memref_squeeze %dma_wait3A_463 : memref<1x72xi32, #tpu.memory_space<vmem>> -> memref<72xi32, #tpu.memory_space<vmem>>
    %dma_wait3A_465 = arith.constant 0 : i32
    %dma_wait3A_466 = arith.constant 0 : i32
    %dma_wait3A_467 = tpu.memref_slice %arg3[%add3A, %dma_wait3A_465, %dma_wait3A_466] : memref<32x139x72xi32, #tpu.memory_space<hbm>> -> memref<1x139x72xi32, #tpu.memory_space<hbm>>
    %dma_wait3A_468 = tpu.memref_squeeze %dma_wait3A_467 : memref<1x139x72xi32, #tpu.memory_space<hbm>> -> memref<139x72xi32, #tpu.memory_space<hbm>>
    %dma_wait3A_469 = arith.constant 0 : i32
    %dma_wait3A_470 = tpu.memref_slice %dma_wait3A_468[%dma_wait3A_460, %dma_wait3A_469] : memref<139x72xi32, #tpu.memory_space<hbm>> -> memref<1x72xi32, #tpu.memory_space<hbm>>
    %dma_wait3A_471 = tpu.memref_squeeze %dma_wait3A_470 : memref<1x72xi32, #tpu.memory_space<hbm>> -> memref<72xi32, #tpu.memory_space<hbm>>
    %dma_wait3A_472 = arith.constant 0 : i32
    %dma_wait3A_473 = tpu.memref_slice %arg7[%dma_wait3A_461, %dma_wait3A_472] : memref<8x72xi32, #tpu.memory_space<vmem>> -> memref<1x72xi32, #tpu.memory_space<vmem>>
    %dma_wait3A_474 = tpu.memref_squeeze %dma_wait3A_473 : memref<1x72xi32, #tpu.memory_space<vmem>> -> memref<72xi32, #tpu.memory_space<vmem>>
    %dma_wait3A_475 = arith.constant 0 : i32
    %dma_wait3A_476 = arith.constant 0 : i32
    %dma_wait3A_477 = tpu.memref_slice %arg3[%add3A, %dma_wait3A_475, %dma_wait3A_476] : memref<32x139x72xi32, #tpu.memory_space<hbm>> -> memref<1x139x72xi32, #tpu.memory_space<hbm>>
    %dma_wait3A_478 = tpu.memref_squeeze %dma_wait3A_477 : memref<1x139x72xi32, #tpu.memory_space<hbm>> -> memref<139x72xi32, #tpu.memory_space<hbm>>
    %dma_wait3A_479 = arith.constant 0 : i32
    %dma_wait3A_480 = tpu.memref_slice %dma_wait3A_478[%dma_wait3A_460, %dma_wait3A_479] : memref<139x72xi32, #tpu.memory_space<hbm>> -> memref<1x72xi32, #tpu.memory_space<hbm>>
    %dma_wait3A_481 = tpu.memref_squeeze %dma_wait3A_480 : memref<1x72xi32, #tpu.memory_space<hbm>> -> memref<72xi32, #tpu.memory_space<hbm>>
    tpu.wait_dma2 semaphore(%arg11 : memref<!tpu.dma_semaphore, #tpu.memory_space<semaphore_mem>>) src(%dma_wait3A_481 : memref<72xi32, #tpu.memory_space<hbm>>) dst(%dma_wait3A_474 : memref<72xi32, #tpu.memory_space<vmem>>)
    %dma_wait3A_482 = arith.constant 3 : i32
    %dma_wait3A_483 = arith.constant 3 : i32
    %dma_wait3A_484 = arith.constant 0 : i32
    %dma_wait3A_485 = tpu.memref_slice %arg8[%dma_wait3A_483, %dma_wait3A_484] : memref<8x72xi32, #tpu.memory_space<vmem>> -> memref<1x72xi32, #tpu.memory_space<vmem>>
    %dma_wait3A_486 = tpu.memref_squeeze %dma_wait3A_485 : memref<1x72xi32, #tpu.memory_space<vmem>> -> memref<72xi32, #tpu.memory_space<vmem>>
    %dma_wait3A_487 = arith.constant 0 : i32
    %dma_wait3A_488 = arith.constant 0 : i32
    %dma_wait3A_489 = tpu.memref_slice %arg4[%add3A, %dma_wait3A_487, %dma_wait3A_488] : memref<32x139x72xi32, #tpu.memory_space<hbm>> -> memref<1x139x72xi32, #tpu.memory_space<hbm>>
    %dma_wait3A_490 = tpu.memref_squeeze %dma_wait3A_489 : memref<1x139x72xi32, #tpu.memory_space<hbm>> -> memref<139x72xi32, #tpu.memory_space<hbm>>
    %dma_wait3A_491 = arith.constant 0 : i32
    %dma_wait3A_492 = tpu.memref_slice %dma_wait3A_490[%dma_wait3A_482, %dma_wait3A_491] : memref<139x72xi32, #tpu.memory_space<hbm>> -> memref<1x72xi32, #tpu.memory_space<hbm>>
    %dma_wait3A_493 = tpu.memref_squeeze %dma_wait3A_492 : memref<1x72xi32, #tpu.memory_space<hbm>> -> memref<72xi32, #tpu.memory_space<hbm>>
    %dma_wait3A_494 = arith.constant 0 : i32
    %dma_wait3A_495 = tpu.memref_slice %arg8[%dma_wait3A_483, %dma_wait3A_494] : memref<8x72xi32, #tpu.memory_space<vmem>> -> memref<1x72xi32, #tpu.memory_space<vmem>>
    %dma_wait3A_496 = tpu.memref_squeeze %dma_wait3A_495 : memref<1x72xi32, #tpu.memory_space<vmem>> -> memref<72xi32, #tpu.memory_space<vmem>>
    %dma_wait3A_497 = arith.constant 0 : i32
    %dma_wait3A_498 = arith.constant 0 : i32
    %dma_wait3A_499 = tpu.memref_slice %arg4[%add3A, %dma_wait3A_497, %dma_wait3A_498] : memref<32x139x72xi32, #tpu.memory_space<hbm>> -> memref<1x139x72xi32, #tpu.memory_space<hbm>>
    %dma_wait3A_500 = tpu.memref_squeeze %dma_wait3A_499 : memref<1x139x72xi32, #tpu.memory_space<hbm>> -> memref<139x72xi32, #tpu.memory_space<hbm>>
    %dma_wait3A_501 = arith.constant 0 : i32
    %dma_wait3A_502 = tpu.memref_slice %dma_wait3A_500[%dma_wait3A_482, %dma_wait3A_501] : memref<139x72xi32, #tpu.memory_space<hbm>> -> memref<1x72xi32, #tpu.memory_space<hbm>>
    %dma_wait3A_503 = tpu.memref_squeeze %dma_wait3A_502 : memref<1x72xi32, #tpu.memory_space<hbm>> -> memref<72xi32, #tpu.memory_space<hbm>>
    tpu.wait_dma2 semaphore(%arg11 : memref<!tpu.dma_semaphore, #tpu.memory_space<semaphore_mem>>) src(%dma_wait3A_503 : memref<72xi32, #tpu.memory_space<hbm>>) dst(%dma_wait3A_496 : memref<72xi32, #tpu.memory_space<vmem>>)
    %dma_start3A_504 = arith.constant 3 : i32
    %dma_start3A_505 = arith.constant 3 : i32
    %dma_start3A_506 = arith.constant 0 : i32
    %dma_start3A_507 = arith.constant 0 : i32
    %dma_start3A_508 = tpu.memref_slice %arg9[%dma_start3A_505, %dma_start3A_506, %dma_start3A_507] : memref<5x72x128xf32, #tpu.memory_space<vmem>> -> memref<1x72x128xf32, #tpu.memory_space<vmem>>
    %dma_start3A_509 = tpu.memref_squeeze %dma_start3A_508 : memref<1x72x128xf32, #tpu.memory_space<vmem>> -> memref<72x128xf32, #tpu.memory_space<vmem>>
    %dma_start3A_510 = arith.constant 0 : i32
    %dma_start3A_511 = tpu.memref_slice %arg7[%dma_start3A_504, %dma_start3A_510] : memref<8x72xi32, #tpu.memory_space<vmem>> -> memref<1x72xi32, #tpu.memory_space<vmem>>
    %dma_start3A_512 = tpu.memref_squeeze %dma_start3A_511 : memref<1x72xi32, #tpu.memory_space<vmem>> -> memref<72xi32, #tpu.memory_space<vmem>>
    %dma_start3A_513 = arith.constant 0 : i32
    %dma_start3A_514 = arith.constant 0 : i32
    %dma_start3A_515 = tpu.memref_slice %arg2[%dma_start3A_513, %dma_start3A_514] : memref<10112x128xf32, #tpu.memory_space<hbm>> -> memref<10112x128xf32, #tpu.memory_space<hbm>>
    tpu.enqueue_indirect_dma source(%dma_start3A_515 : memref<10112x128xf32, #tpu.memory_space<hbm>>) target(%dma_start3A_509 : memref<72x128xf32, #tpu.memory_space<vmem>>) offsets(%dma_start3A_512 : memref<72xi32, #tpu.memory_space<vmem>>) semaphore(%arg12 : memref<!tpu.dma_semaphore, #tpu.memory_space<semaphore_mem>>)
    %scan3A = arith.constant 0 : i32
    %scan3A_516 = arith.constant 0 : i32
    %scan3A_517 = arith.constant 139 : i32
    %scan3A_518 = arith.addi %scan3A_516, %scan3A_517 : i32
    %scan3A_519 = arith.constant 1 : i32
    scf.for %scan3A_537 = %scan3A_516 to %scan3A_518 step %scan3A_519  : i32 {
      %rem3A_538 = arith.constant 8 : i32
      %rem3A_539 = arith.remsi %scan3A_537, %rem3A_538 : i32
      %rem3A_540 = arith.constant 5 : i32
      %rem3A_541 = arith.remsi %scan3A_537, %rem3A_540 : i32
      %dma_wait3A_542 = arith.constant 0 : i32
      %dma_wait3A_543 = arith.constant 0 : i32
      %dma_wait3A_544 = tpu.memref_slice %arg9[%rem3A_541, %dma_wait3A_542, %dma_wait3A_543] : memref<5x72x128xf32, #tpu.memory_space<vmem>> -> memref<1x72x128xf32, #tpu.memory_space<vmem>>
      %dma_wait3A_545 = tpu.memref_squeeze %dma_wait3A_544 : memref<1x72x128xf32, #tpu.memory_space<vmem>> -> memref<72x128xf32, #tpu.memory_space<vmem>>
      %dma_wait3A_546 = arith.constant 0 : i32
      %dma_wait3A_547 = tpu.memref_slice %arg7[%rem3A_539, %dma_wait3A_546] : memref<8x72xi32, #tpu.memory_space<vmem>> -> memref<1x72xi32, #tpu.memory_space<vmem>>
      %dma_wait3A_548 = tpu.memref_squeeze %dma_wait3A_547 : memref<1x72xi32, #tpu.memory_space<vmem>> -> memref<72xi32, #tpu.memory_space<vmem>>
      %dma_wait3A_549 = arith.constant 0 : i32
      %dma_wait3A_550 = arith.constant 0 : i32
      %dma_wait3A_551 = tpu.memref_slice %arg2[%dma_wait3A_549, %dma_wait3A_550] : memref<10112x128xf32, #tpu.memory_space<hbm>> -> memref<10112x128xf32, #tpu.memory_space<hbm>>
      tpu.wait_indirect_dma semaphore(%arg12 : memref<!tpu.dma_semaphore, #tpu.memory_space<semaphore_mem>>) src(%dma_wait3A_551 : memref<10112x128xf32, #tpu.memory_space<hbm>>) dst(%dma_wait3A_545 : memref<72x128xf32, #tpu.memory_space<vmem>>)
      %dma_start3A_552 = arith.constant 0 : i32
      %dma_start3A_553 = arith.constant 0 : i32
      %dma_start3A_554 = tpu.memref_slice %arg9[%rem3A_541, %dma_start3A_552, %dma_start3A_553] : memref<5x72x128xf32, #tpu.memory_space<vmem>> -> memref<1x72x128xf32, #tpu.memory_space<vmem>>
      %dma_start3A_555 = tpu.memref_squeeze %dma_start3A_554 : memref<1x72x128xf32, #tpu.memory_space<vmem>> -> memref<72x128xf32, #tpu.memory_space<vmem>>
      %dma_start3A_556 = arith.constant 0 : i32
      %dma_start3A_557 = tpu.memref_slice %arg8[%rem3A_539, %dma_start3A_556] : memref<8x72xi32, #tpu.memory_space<vmem>> -> memref<1x72xi32, #tpu.memory_space<vmem>>
      %dma_start3A_558 = tpu.memref_squeeze %dma_start3A_557 : memref<1x72xi32, #tpu.memory_space<vmem>> -> memref<72xi32, #tpu.memory_space<vmem>>
      %dma_start3A_559 = arith.constant 0 : i32
      %dma_start3A_560 = arith.constant 0 : i32
      %dma_start3A_561 = tpu.memref_slice %arg10[%dma_start3A_559, %dma_start3A_560] : memref<10112x128xf32, #tpu.memory_space<vmem_shared>> -> memref<10112x128xf32, #tpu.memory_space<vmem_shared>>
      tpu.enqueue_indirect_dma source(%dma_start3A_555 : memref<72x128xf32, #tpu.memory_space<vmem>>) target(%dma_start3A_561 : memref<10112x128xf32, #tpu.memory_space<vmem_shared>>) offsets(%dma_start3A_558 : memref<72xi32, #tpu.memory_space<vmem>>) semaphore(%arg13 : memref<!tpu.dma_semaphore, #tpu.memory_space<semaphore_mem>>) {add = true}
      %add3A_562 = arith.constant 6 : i32
      %add3A_563 = arith.addi %scan3A_537, %add3A_562 : i32
      %lt3A = arith.constant 139 : i32
      %lt3A_564 = arith.cmpi slt, %add3A_563, %lt3A : i32
      %convert_element_type3A = arith.extui %lt3A_564 : i1 to i32
      %cond3A = arith.constant 0 : i32
      %cond3A_565 = arith.cmpi ne, %convert_element_type3A, %cond3A : i32
      scf.if %cond3A_565 {
        %add3A_578 = arith.constant 6 : i32
        %add3A_579 = arith.addi %scan3A_537, %add3A_578 : i32
        %add3A_580 = arith.constant 6 : i32
        %add3A_581 = arith.addi %scan3A_537, %add3A_580 : i32
        %rem3A_582 = arith.constant 8 : i32
        %rem3A_583 = arith.remsi %add3A_581, %rem3A_582 : i32
        %dma_start3A_584 = arith.constant 0 : i32
        %dma_start3A_585 = tpu.memref_slice %arg7[%rem3A_583, %dma_start3A_584] : memref<8x72xi32, #tpu.memory_space<vmem>> -> memref<1x72xi32, #tpu.memory_space<vmem>>
        %dma_start3A_586 = tpu.memref_squeeze %dma_start3A_585 : memref<1x72xi32, #tpu.memory_space<vmem>> -> memref<72xi32, #tpu.memory_space<vmem>>
        %dma_start3A_587 = arith.constant 0 : i32
        %dma_start3A_588 = arith.constant 0 : i32
        %dma_start3A_589 = tpu.memref_slice %arg3[%add3A, %dma_start3A_587, %dma_start3A_588] : memref<32x139x72xi32, #tpu.memory_space<hbm>> -> memref<1x139x72xi32, #tpu.memory_space<hbm>>
        %dma_start3A_590 = tpu.memref_squeeze %dma_start3A_589 : memref<1x139x72xi32, #tpu.memory_space<hbm>> -> memref<139x72xi32, #tpu.memory_space<hbm>>
        %dma_start3A_591 = arith.constant 0 : i32
        %dma_start3A_592 = tpu.memref_slice %dma_start3A_590[%add3A_579, %dma_start3A_591] : memref<139x72xi32, #tpu.memory_space<hbm>> -> memref<1x72xi32, #tpu.memory_space<hbm>>
        %dma_start3A_593 = tpu.memref_squeeze %dma_start3A_592 : memref<1x72xi32, #tpu.memory_space<hbm>> -> memref<72xi32, #tpu.memory_space<hbm>>
        %dma_start3A_594 = arith.constant 0 : i32
        %dma_start3A_595 = tpu.memref_slice %arg7[%rem3A_583, %dma_start3A_594] : memref<8x72xi32, #tpu.memory_space<vmem>> -> memref<1x72xi32, #tpu.memory_space<vmem>>
        %dma_start3A_596 = tpu.memref_squeeze %dma_start3A_595 : memref<1x72xi32, #tpu.memory_space<vmem>> -> memref<72xi32, #tpu.memory_space<vmem>>
        %dma_start3A_597 = arith.constant 0 : i32
        %dma_start3A_598 = arith.constant 0 : i32
        %dma_start3A_599 = tpu.memref_slice %arg3[%add3A, %dma_start3A_597, %dma_start3A_598] : memref<32x139x72xi32, #tpu.memory_space<hbm>> -> memref<1x139x72xi32, #tpu.memory_space<hbm>>
        %dma_start3A_600 = tpu.memref_squeeze %dma_start3A_599 : memref<1x139x72xi32, #tpu.memory_space<hbm>> -> memref<139x72xi32, #tpu.memory_space<hbm>>
        %dma_start3A_601 = arith.constant 0 : i32
        %dma_start3A_602 = tpu.memref_slice %dma_start3A_600[%add3A_579, %dma_start3A_601] : memref<139x72xi32, #tpu.memory_space<hbm>> -> memref<1x72xi32, #tpu.memory_space<hbm>>
        %dma_start3A_603 = tpu.memref_squeeze %dma_start3A_602 : memref<1x72xi32, #tpu.memory_space<hbm>> -> memref<72xi32, #tpu.memory_space<hbm>>
        tpu.enqueue_dma source(%dma_start3A_603 : memref<72xi32, #tpu.memory_space<hbm>>) target(%dma_start3A_596 : memref<72xi32, #tpu.memory_space<vmem>>) target_semaphore(%arg11 : memref<!tpu.dma_semaphore, #tpu.memory_space<semaphore_mem>>)
        %dma_start3A_604 = arith.constant 0 : i32
        %dma_start3A_605 = tpu.memref_slice %arg8[%rem3A_583, %dma_start3A_604] : memref<8x72xi32, #tpu.memory_space<vmem>> -> memref<1x72xi32, #tpu.memory_space<vmem>>
        %dma_start3A_606 = tpu.memref_squeeze %dma_start3A_605 : memref<1x72xi32, #tpu.memory_space<vmem>> -> memref<72xi32, #tpu.memory_space<vmem>>
        %dma_start3A_607 = arith.constant 0 : i32
        %dma_start3A_608 = arith.constant 0 : i32
        %dma_start3A_609 = tpu.memref_slice %arg4[%add3A, %dma_start3A_607, %dma_start3A_608] : memref<32x139x72xi32, #tpu.memory_space<hbm>> -> memref<1x139x72xi32, #tpu.memory_space<hbm>>
        %dma_start3A_610 = tpu.memref_squeeze %dma_start3A_609 : memref<1x139x72xi32, #tpu.memory_space<hbm>> -> memref<139x72xi32, #tpu.memory_space<hbm>>
        %dma_start3A_611 = arith.constant 0 : i32
        %dma_start3A_612 = tpu.memref_slice %dma_start3A_610[%add3A_579, %dma_start3A_611] : memref<139x72xi32, #tpu.memory_space<hbm>> -> memref<1x72xi32, #tpu.memory_space<hbm>>
        %dma_start3A_613 = tpu.memref_squeeze %dma_start3A_612 : memref<1x72xi32, #tpu.memory_space<hbm>> -> memref<72xi32, #tpu.memory_space<hbm>>
        %dma_start3A_614 = arith.constant 0 : i32
        %dma_start3A_615 = tpu.memref_slice %arg8[%rem3A_583, %dma_start3A_614] : memref<8x72xi32, #tpu.memory_space<vmem>> -> memref<1x72xi32, #tpu.memory_space<vmem>>
        %dma_start3A_616 = tpu.memref_squeeze %dma_start3A_615 : memref<1x72xi32, #tpu.memory_space<vmem>> -> memref<72xi32, #tpu.memory_space<vmem>>
        %dma_start3A_617 = arith.constant 0 : i32
        %dma_start3A_618 = arith.constant 0 : i32
        %dma_start3A_619 = tpu.memref_slice %arg4[%add3A, %dma_start3A_617, %dma_start3A_618] : memref<32x139x72xi32, #tpu.memory_space<hbm>> -> memref<1x139x72xi32, #tpu.memory_space<hbm>>
        %dma_start3A_620 = tpu.memref_squeeze %dma_start3A_619 : memref<1x139x72xi32, #tpu.memory_space<hbm>> -> memref<139x72xi32, #tpu.memory_space<hbm>>
        %dma_start3A_621 = arith.constant 0 : i32
        %dma_start3A_622 = tpu.memref_slice %dma_start3A_620[%add3A_579, %dma_start3A_621] : memref<139x72xi32, #tpu.memory_space<hbm>> -> memref<1x72xi32, #tpu.memory_space<hbm>>
        %dma_start3A_623 = tpu.memref_squeeze %dma_start3A_622 : memref<1x72xi32, #tpu.memory_space<hbm>> -> memref<72xi32, #tpu.memory_space<hbm>>
        tpu.enqueue_dma source(%dma_start3A_623 : memref<72xi32, #tpu.memory_space<hbm>>) target(%dma_start3A_616 : memref<72xi32, #tpu.memory_space<vmem>>) target_semaphore(%arg11 : memref<!tpu.dma_semaphore, #tpu.memory_space<semaphore_mem>>)
      } else {
      }
      %ge3A = arith.constant 1 : i32
      %ge3A_566 = arith.cmpi sge, %scan3A_537, %ge3A : i32
      %convert_element_type3A_567 = arith.extui %ge3A_566 : i1 to i32
      %cond3A_568 = arith.constant 0 : i32
      %cond3A_569 = arith.cmpi ne, %convert_element_type3A_567, %cond3A_568 : i32
      scf.if %cond3A_569 {
        %sub3A_578 = arith.constant 1 : i32
        %sub3A_579 = arith.subi %scan3A_537, %sub3A_578 : i32
        %rem3A_580 = arith.constant 8 : i32
        %rem3A_581 = arith.remsi %sub3A_579, %rem3A_580 : i32
        %sub3A_582 = arith.constant 1 : i32
        %sub3A_583 = arith.subi %scan3A_537, %sub3A_582 : i32
        %rem3A_584 = arith.constant 5 : i32
        %rem3A_585 = arith.remsi %sub3A_583, %rem3A_584 : i32
        %dma_wait3A_586 = arith.constant 0 : i32
        %dma_wait3A_587 = arith.constant 0 : i32
        %dma_wait3A_588 = tpu.memref_slice %arg9[%rem3A_585, %dma_wait3A_586, %dma_wait3A_587] : memref<5x72x128xf32, #tpu.memory_space<vmem>> -> memref<1x72x128xf32, #tpu.memory_space<vmem>>
        %dma_wait3A_589 = tpu.memref_squeeze %dma_wait3A_588 : memref<1x72x128xf32, #tpu.memory_space<vmem>> -> memref<72x128xf32, #tpu.memory_space<vmem>>
        %dma_wait3A_590 = arith.constant 0 : i32
        %dma_wait3A_591 = tpu.memref_slice %arg8[%rem3A_581, %dma_wait3A_590] : memref<8x72xi32, #tpu.memory_space<vmem>> -> memref<1x72xi32, #tpu.memory_space<vmem>>
        %dma_wait3A_592 = tpu.memref_squeeze %dma_wait3A_591 : memref<1x72xi32, #tpu.memory_space<vmem>> -> memref<72xi32, #tpu.memory_space<vmem>>
        %dma_wait3A_593 = arith.constant 0 : i32
        %dma_wait3A_594 = arith.constant 0 : i32
        %dma_wait3A_595 = tpu.memref_slice %arg10[%dma_wait3A_593, %dma_wait3A_594] : memref<10112x128xf32, #tpu.memory_space<vmem_shared>> -> memref<10112x128xf32, #tpu.memory_space<vmem_shared>>
        tpu.wait_indirect_dma semaphore(%arg13 : memref<!tpu.dma_semaphore, #tpu.memory_space<semaphore_mem>>) src(%dma_wait3A_589 : memref<72x128xf32, #tpu.memory_space<vmem>>) dst(%dma_wait3A_595 : memref<10112x128xf32, #tpu.memory_space<vmem_shared>>)
      } else {
      }
      %add3A_570 = arith.constant 5 : i32
      %add3A_571 = arith.addi %scan3A_537, %add3A_570 : i32
      %sub3A = arith.constant 1 : i32
      %sub3A_572 = arith.subi %add3A_571, %sub3A : i32
      %lt3A_573 = arith.constant 139 : i32
      %lt3A_574 = arith.cmpi slt, %sub3A_572, %lt3A_573 : i32
      %convert_element_type3A_575 = arith.extui %lt3A_574 : i1 to i32
      %cond3A_576 = arith.constant 0 : i32
      %cond3A_577 = arith.cmpi ne, %convert_element_type3A_575, %cond3A_576 : i32
      scf.if %cond3A_577 {
        %add3A_578 = arith.constant 5 : i32
        %add3A_579 = arith.addi %scan3A_537, %add3A_578 : i32
        %sub3A_580 = arith.constant 1 : i32
        %sub3A_581 = arith.subi %add3A_579, %sub3A_580 : i32
        %rem3A_582 = arith.constant 8 : i32
        %rem3A_583 = arith.remsi %sub3A_581, %rem3A_582 : i32
        %add3A_584 = arith.constant 5 : i32
        %add3A_585 = arith.addi %scan3A_537, %add3A_584 : i32
        %sub3A_586 = arith.constant 1 : i32
        %sub3A_587 = arith.subi %add3A_585, %sub3A_586 : i32
        %dma_wait3A_588 = arith.constant 0 : i32
        %dma_wait3A_589 = tpu.memref_slice %arg7[%rem3A_583, %dma_wait3A_588] : memref<8x72xi32, #tpu.memory_space<vmem>> -> memref<1x72xi32, #tpu.memory_space<vmem>>
        %dma_wait3A_590 = tpu.memref_squeeze %dma_wait3A_589 : memref<1x72xi32, #tpu.memory_space<vmem>> -> memref<72xi32, #tpu.memory_space<vmem>>
        %dma_wait3A_591 = arith.constant 0 : i32
        %dma_wait3A_592 = arith.constant 0 : i32
        %dma_wait3A_593 = tpu.memref_slice %arg3[%add3A, %dma_wait3A_591, %dma_wait3A_592] : memref<32x139x72xi32, #tpu.memory_space<hbm>> -> memref<1x139x72xi32, #tpu.memory_space<hbm>>
        %dma_wait3A_594 = tpu.memref_squeeze %dma_wait3A_593 : memref<1x139x72xi32, #tpu.memory_space<hbm>> -> memref<139x72xi32, #tpu.memory_space<hbm>>
        %dma_wait3A_595 = arith.constant 0 : i32
        %dma_wait3A_596 = tpu.memref_slice %dma_wait3A_594[%sub3A_587, %dma_wait3A_595] : memref<139x72xi32, #tpu.memory_space<hbm>> -> memref<1x72xi32, #tpu.memory_space<hbm>>
        %dma_wait3A_597 = tpu.memref_squeeze %dma_wait3A_596 : memref<1x72xi32, #tpu.memory_space<hbm>> -> memref<72xi32, #tpu.memory_space<hbm>>
        %dma_wait3A_598 = arith.constant 0 : i32
        %dma_wait3A_599 = tpu.memref_slice %arg7[%rem3A_583, %dma_wait3A_598] : memref<8x72xi32, #tpu.memory_space<vmem>> -> memref<1x72xi32, #tpu.memory_space<vmem>>
        %dma_wait3A_600 = tpu.memref_squeeze %dma_wait3A_599 : memref<1x72xi32, #tpu.memory_space<vmem>> -> memref<72xi32, #tpu.memory_space<vmem>>
        %dma_wait3A_601 = arith.constant 0 : i32
        %dma_wait3A_602 = arith.constant 0 : i32
        %dma_wait3A_603 = tpu.memref_slice %arg3[%add3A, %dma_wait3A_601, %dma_wait3A_602] : memref<32x139x72xi32, #tpu.memory_space<hbm>> -> memref<1x139x72xi32, #tpu.memory_space<hbm>>
        %dma_wait3A_604 = tpu.memref_squeeze %dma_wait3A_603 : memref<1x139x72xi32, #tpu.memory_space<hbm>> -> memref<139x72xi32, #tpu.memory_space<hbm>>
        %dma_wait3A_605 = arith.constant 0 : i32
        %dma_wait3A_606 = tpu.memref_slice %dma_wait3A_604[%sub3A_587, %dma_wait3A_605] : memref<139x72xi32, #tpu.memory_space<hbm>> -> memref<1x72xi32, #tpu.memory_space<hbm>>
        %dma_wait3A_607 = tpu.memref_squeeze %dma_wait3A_606 : memref<1x72xi32, #tpu.memory_space<hbm>> -> memref<72xi32, #tpu.memory_space<hbm>>
        tpu.wait_dma2 semaphore(%arg11 : memref<!tpu.dma_semaphore, #tpu.memory_space<semaphore_mem>>) src(%dma_wait3A_607 : memref<72xi32, #tpu.memory_space<hbm>>) dst(%dma_wait3A_600 : memref<72xi32, #tpu.memory_space<vmem>>)
        %dma_wait3A_608 = arith.constant 0 : i32
        %dma_wait3A_609 = tpu.memref_slice %arg8[%rem3A_583, %dma_wait3A_608] : memref<8x72xi32, #tpu.memory_space<vmem>> -> memref<1x72xi32, #tpu.memory_space<vmem>>
        %dma_wait3A_610 = tpu.memref_squeeze %dma_wait3A_609 : memref<1x72xi32, #tpu.memory_space<vmem>> -> memref<72xi32, #tpu.memory_space<vmem>>
        %dma_wait3A_611 = arith.constant 0 : i32
        %dma_wait3A_612 = arith.constant 0 : i32
        %dma_wait3A_613 = tpu.memref_slice %arg4[%add3A, %dma_wait3A_611, %dma_wait3A_612] : memref<32x139x72xi32, #tpu.memory_space<hbm>> -> memref<1x139x72xi32, #tpu.memory_space<hbm>>
        %dma_wait3A_614 = tpu.memref_squeeze %dma_wait3A_613 : memref<1x139x72xi32, #tpu.memory_space<hbm>> -> memref<139x72xi32, #tpu.memory_space<hbm>>
        %dma_wait3A_615 = arith.constant 0 : i32
        %dma_wait3A_616 = tpu.memref_slice %dma_wait3A_614[%sub3A_587, %dma_wait3A_615] : memref<139x72xi32, #tpu.memory_space<hbm>> -> memref<1x72xi32, #tpu.memory_space<hbm>>
        %dma_wait3A_617 = tpu.memref_squeeze %dma_wait3A_616 : memref<1x72xi32, #tpu.memory_space<hbm>> -> memref<72xi32, #tpu.memory_space<hbm>>
        %dma_wait3A_618 = arith.constant 0 : i32
        %dma_wait3A_619 = tpu.memref_slice %arg8[%rem3A_583, %dma_wait3A_618] : memref<8x72xi32, #tpu.memory_space<vmem>> -> memref<1x72xi32, #tpu.memory_space<vmem>>
        %dma_wait3A_620 = tpu.memref_squeeze %dma_wait3A_619 : memref<1x72xi32, #tpu.memory_space<vmem>> -> memref<72xi32, #tpu.memory_space<vmem>>
        %dma_wait3A_621 = arith.constant 0 : i32
        %dma_wait3A_622 = arith.constant 0 : i32
        %dma_wait3A_623 = tpu.memref_slice %arg4[%add3A, %dma_wait3A_621, %dma_wait3A_622] : memref<32x139x72xi32, #tpu.memory_space<hbm>> -> memref<1x139x72xi32, #tpu.memory_space<hbm>>
        %dma_wait3A_624 = tpu.memref_squeeze %dma_wait3A_623 : memref<1x139x72xi32, #tpu.memory_space<hbm>> -> memref<139x72xi32, #tpu.memory_space<hbm>>
        %dma_wait3A_625 = arith.constant 0 : i32
        %dma_wait3A_626 = tpu.memref_slice %dma_wait3A_624[%sub3A_587, %dma_wait3A_625] : memref<139x72xi32, #tpu.memory_space<hbm>> -> memref<1x72xi32, #tpu.memory_space<hbm>>
        %dma_wait3A_627 = tpu.memref_squeeze %dma_wait3A_626 : memref<1x72xi32, #tpu.memory_space<hbm>> -> memref<72xi32, #tpu.memory_space<hbm>>
        tpu.wait_dma2 semaphore(%arg11 : memref<!tpu.dma_semaphore, #tpu.memory_space<semaphore_mem>>) src(%dma_wait3A_627 : memref<72xi32, #tpu.memory_space<hbm>>) dst(%dma_wait3A_620 : memref<72xi32, #tpu.memory_space<vmem>>)
        %add3A_628 = arith.constant 5 : i32
        %add3A_629 = arith.addi %scan3A_537, %add3A_628 : i32
        %sub3A_630 = arith.constant 1 : i32
        %sub3A_631 = arith.subi %add3A_629, %sub3A_630 : i32
        %rem3A_632 = arith.constant 5 : i32
        %rem3A_633 = arith.remsi %sub3A_631, %rem3A_632 : i32
        %dma_start3A_634 = arith.constant 0 : i32
        %dma_start3A_635 = arith.constant 0 : i32
        %dma_start3A_636 = tpu.memref_slice %arg9[%rem3A_633, %dma_start3A_634, %dma_start3A_635] : memref<5x72x128xf32, #tpu.memory_space<vmem>> -> memref<1x72x128xf32, #tpu.memory_space<vmem>>
        %dma_start3A_637 = tpu.memref_squeeze %dma_start3A_636 : memref<1x72x128xf32, #tpu.memory_space<vmem>> -> memref<72x128xf32, #tpu.memory_space<vmem>>
        %dma_start3A_638 = arith.constant 0 : i32
        %dma_start3A_639 = tpu.memref_slice %arg7[%rem3A_583, %dma_start3A_638] : memref<8x72xi32, #tpu.memory_space<vmem>> -> memref<1x72xi32, #tpu.memory_space<vmem>>
        %dma_start3A_640 = tpu.memref_squeeze %dma_start3A_639 : memref<1x72xi32, #tpu.memory_space<vmem>> -> memref<72xi32, #tpu.memory_space<vmem>>
        %dma_start3A_641 = arith.constant 0 : i32
        %dma_start3A_642 = arith.constant 0 : i32
        %dma_start3A_643 = tpu.memref_slice %arg2[%dma_start3A_641, %dma_start3A_642] : memref<10112x128xf32, #tpu.memory_space<hbm>> -> memref<10112x128xf32, #tpu.memory_space<hbm>>
        tpu.enqueue_indirect_dma source(%dma_start3A_643 : memref<10112x128xf32, #tpu.memory_space<hbm>>) target(%dma_start3A_637 : memref<72x128xf32, #tpu.memory_space<vmem>>) offsets(%dma_start3A_640 : memref<72xi32, #tpu.memory_space<vmem>>) semaphore(%arg12 : memref<!tpu.dma_semaphore, #tpu.memory_space<semaphore_mem>>)
      } else {
      }
    }
    %scan3A_520 = arith.constant 139 : i32
    %rem3A = arith.constant 138 : i32
    %rem3A_521 = arith.constant 8 : i32
    %rem3A_522 = arith.remsi %rem3A, %rem3A_521 : i32
    %rem3A_523 = arith.constant 138 : i32
    %rem3A_524 = arith.constant 5 : i32
    %rem3A_525 = arith.remsi %rem3A_523, %rem3A_524 : i32
    %dma_wait3A_526 = arith.constant 0 : i32
    %dma_wait3A_527 = arith.constant 0 : i32
    %dma_wait3A_528 = tpu.memref_slice %arg9[%rem3A_525, %dma_wait3A_526, %dma_wait3A_527] : memref<5x72x128xf32, #tpu.memory_space<vmem>> -> memref<1x72x128xf32, #tpu.memory_space<vmem>>
    %dma_wait3A_529 = tpu.memref_squeeze %dma_wait3A_528 : memref<1x72x128xf32, #tpu.memory_space<vmem>> -> memref<72x128xf32, #tpu.memory_space<vmem>>
    %dma_wait3A_530 = arith.constant 0 : i32
    %dma_wait3A_531 = tpu.memref_slice %arg8[%rem3A_522, %dma_wait3A_530] : memref<8x72xi32, #tpu.memory_space<vmem>> -> memref<1x72xi32, #tpu.memory_space<vmem>>
    %dma_wait3A_532 = tpu.memref_squeeze %dma_wait3A_531 : memref<1x72xi32, #tpu.memory_space<vmem>> -> memref<72xi32, #tpu.memory_space<vmem>>
    %dma_wait3A_533 = arith.constant 0 : i32
    %dma_wait3A_534 = arith.constant 0 : i32
    %dma_wait3A_535 = tpu.memref_slice %arg10[%dma_wait3A_533, %dma_wait3A_534] : memref<10112x128xf32, #tpu.memory_space<vmem_shared>> -> memref<10112x128xf32, #tpu.memory_space<vmem_shared>>
    tpu.wait_indirect_dma semaphore(%arg13 : memref<!tpu.dma_semaphore, #tpu.memory_space<semaphore_mem>>) src(%dma_wait3A_529 : memref<72x128xf32, #tpu.memory_space<vmem>>) dst(%dma_wait3A_535 : memref<10112x128xf32, #tpu.memory_space<vmem_shared>>)
    %barrier3A_536 = arith.constant 0 : index
    tpu.barrier barrier_id(%barrier3A_536)
    "tpu.region"() ({
      %run_scoped3A_537 = tpu.sem_alloc : memref<!tpu.dma_semaphore, #tpu.memory_space<semaphore_mem>>
      %dma_start3A_538 = arith.constant 0 : i32
      %dma_start3A_539 = arith.constant 0 : i32
      %dma_start3A_540 = tpu.memref_slice %arg6[%arg0, %dma_start3A_538, %dma_start3A_539] : memref<2x10112x128xf32, #tpu.memory_space<hbm>> -> memref<1x10112x128xf32, #tpu.memory_space<hbm>>
      %dma_start3A_541 = tpu.memref_squeeze %dma_start3A_540 : memref<1x10112x128xf32, #tpu.memory_space<hbm>> -> memref<10112x128xf32, #tpu.memory_space<hbm>>
      %dma_start3A_542 = arith.constant 0 : i32
      %dma_start3A_543 = tpu.memref_slice %dma_start3A_541[%mul3A_2, %dma_start3A_542] : memref<10112x128xf32, #tpu.memory_space<hbm>> -> memref<632x128xf32, #tpu.memory_space<hbm>>
      %dma_start3A_544 = arith.constant 0 : i32
      %dma_start3A_545 = tpu.memref_slice %arg10[%mul3A_2, %dma_start3A_544] : memref<10112x128xf32, #tpu.memory_space<vmem_shared>> -> memref<632x128xf32, #tpu.memory_space<vmem_shared>>
      tpu.enqueue_dma source(%dma_start3A_545 : memref<632x128xf32, #tpu.memory_space<vmem_shared>>) target(%dma_start3A_543 : memref<632x128xf32, #tpu.memory_space<hbm>>) target_semaphore(%run_scoped3A_537 : memref<!tpu.dma_semaphore, #tpu.memory_space<semaphore_mem>>)
      %dma_wait3A_546 = arith.constant 0 : i32
      %dma_wait3A_547 = arith.constant 0 : i32
      %dma_wait3A_548 = tpu.memref_slice %arg6[%arg0, %dma_wait3A_546, %dma_wait3A_547] : memref<2x10112x128xf32, #tpu.memory_space<hbm>> -> memref<1x10112x128xf32, #tpu.memory_space<hbm>>
      %dma_wait3A_549 = tpu.memref_squeeze %dma_wait3A_548 : memref<1x10112x128xf32, #tpu.memory_space<hbm>> -> memref<10112x128xf32, #tpu.memory_space<hbm>>
      %dma_wait3A_550 = arith.constant 0 : i32
      %dma_wait3A_551 = tpu.memref_slice %dma_wait3A_549[%mul3A_2, %dma_wait3A_550] : memref<10112x128xf32, #tpu.memory_space<hbm>> -> memref<632x128xf32, #tpu.memory_space<hbm>>
      %dma_wait3A_552 = arith.constant 0 : i32
      %dma_wait3A_553 = tpu.memref_slice %arg10[%mul3A_2, %dma_wait3A_552] : memref<10112x128xf32, #tpu.memory_space<vmem_shared>> -> memref<632x128xf32, #tpu.memory_space<vmem_shared>>
      tpu.wait_dma2 semaphore(%run_scoped3A_537 : memref<!tpu.dma_semaphore, #tpu.memory_space<semaphore_mem>>) src(%dma_wait3A_553 : memref<632x128xf32, #tpu.memory_space<vmem_shared>>) dst(%dma_wait3A_551 : memref<632x128xf32, #tpu.memory_space<hbm>>)
      tpu.yield
    }) : () -> ()
    return
  }
}

#map = affine_map<(d0, d1) -> (0, 0, 0)>
#map1 = affine_map<(d0, d1) -> (0, 0)>
module attributes {stable_mosaic.version = 14 : i64} {
  func.func @_cnt_body(%arg0: i32, %arg1: i32, %arg2: memref<32x139x72xi32, #tpu.memory_space<hbm>>, %arg3: memref<144x16xf32, #tpu.memory_space<hbm>>, %arg4: memref<2x10112x16xf32, #tpu.memory_space<hbm>>, %arg5: memref<139x72xi32, #tpu.memory_space<vmem>>, %arg6: memref<72x16xf32, #tpu.memory_space<vmem>>, %arg7: memref<10112x16xf32, #tpu.memory_space<vmem_shared>>, %arg8: memref<!tpu.dma_semaphore, #tpu.memory_space<semaphore_mem>>) attributes {dimension_semantics = [#tpu.dimension_semantics<core_parallel>, #tpu.dimension_semantics<subcore_parallel>], iteration_bounds = array<i64: 2, 16>, scalar_prefetch = 0 : i64, scratch_operands = 4 : i64, tpu.core_type = #tpu.core_type<sc_vector_subcore>, window_params = [{transform_indices = #map}, {transform_indices = #map1}, {transform_indices = #map}]} {
    %mul3A = arith.constant 16 : i32
    %mul3A_0 = arith.muli %arg0, %mul3A : i32
    %add3A = arith.addi %mul3A_0, %arg1 : i32
    "tpu.region"() ({
      %run_scoped3A = tpu.sem_alloc : memref<!tpu.dma_semaphore, #tpu.memory_space<semaphore_mem>>
      %dma_start3A = arith.constant 0 : i32
      %dma_start3A_27 = arith.constant 0 : i32
      %dma_start3A_28 = tpu.memref_slice %arg2[%add3A, %dma_start3A, %dma_start3A_27] : memref<32x139x72xi32, #tpu.memory_space<hbm>> -> memref<1x139x72xi32, #tpu.memory_space<hbm>>
      %dma_start3A_29 = tpu.memref_squeeze %dma_start3A_28 : memref<1x139x72xi32, #tpu.memory_space<hbm>> -> memref<139x72xi32, #tpu.memory_space<hbm>>
      %dma_start3A_30 = arith.constant 0 : i32
      %dma_start3A_31 = arith.constant 0 : i32
      %dma_start3A_32 = tpu.memref_slice %arg2[%add3A, %dma_start3A_30, %dma_start3A_31] : memref<32x139x72xi32, #tpu.memory_space<hbm>> -> memref<1x139x72xi32, #tpu.memory_space<hbm>>
      %dma_start3A_33 = tpu.memref_squeeze %dma_start3A_32 : memref<1x139x72xi32, #tpu.memory_space<hbm>> -> memref<139x72xi32, #tpu.memory_space<hbm>>
      tpu.enqueue_dma source(%dma_start3A_33 : memref<139x72xi32, #tpu.memory_space<hbm>>) target(%arg5 : memref<139x72xi32, #tpu.memory_space<vmem>>) target_semaphore(%run_scoped3A : memref<!tpu.dma_semaphore, #tpu.memory_space<semaphore_mem>>)
      %dma_wait3A = arith.constant 0 : i32
      %dma_wait3A_34 = arith.constant 0 : i32
      %dma_wait3A_35 = tpu.memref_slice %arg2[%add3A, %dma_wait3A, %dma_wait3A_34] : memref<32x139x72xi32, #tpu.memory_space<hbm>> -> memref<1x139x72xi32, #tpu.memory_space<hbm>>
      %dma_wait3A_36 = tpu.memref_squeeze %dma_wait3A_35 : memref<1x139x72xi32, #tpu.memory_space<hbm>> -> memref<139x72xi32, #tpu.memory_space<hbm>>
      %dma_wait3A_37 = arith.constant 0 : i32
      %dma_wait3A_38 = arith.constant 0 : i32
      %dma_wait3A_39 = tpu.memref_slice %arg2[%add3A, %dma_wait3A_37, %dma_wait3A_38] : memref<32x139x72xi32, #tpu.memory_space<hbm>> -> memref<1x139x72xi32, #tpu.memory_space<hbm>>
      %dma_wait3A_40 = tpu.memref_squeeze %dma_wait3A_39 : memref<1x139x72xi32, #tpu.memory_space<hbm>> -> memref<139x72xi32, #tpu.memory_space<hbm>>
      tpu.wait_dma2 semaphore(%run_scoped3A : memref<!tpu.dma_semaphore, #tpu.memory_space<semaphore_mem>>) src(%dma_wait3A_40 : memref<139x72xi32, #tpu.memory_space<hbm>>) dst(%arg5 : memref<139x72xi32, #tpu.memory_space<vmem>>)
      tpu.yield
    }) : () -> ()
    "tpu.region"() ({
      %run_scoped3A = tpu.sem_alloc : memref<!tpu.dma_semaphore, #tpu.memory_space<semaphore_mem>>
      %dma_start3A = arith.constant 0 : i32
      %dma_start3A_27 = arith.constant 0 : i32
      %dma_start3A_28 = tpu.memref_slice %arg3[%dma_start3A, %dma_start3A_27] : memref<144x16xf32, #tpu.memory_space<hbm>> -> memref<72x16xf32, #tpu.memory_space<hbm>>
      %dma_start3A_29 = arith.constant 0 : i32
      %dma_start3A_30 = arith.constant 0 : i32
      %dma_start3A_31 = tpu.memref_slice %arg3[%dma_start3A_29, %dma_start3A_30] : memref<144x16xf32, #tpu.memory_space<hbm>> -> memref<72x16xf32, #tpu.memory_space<hbm>>
      tpu.enqueue_dma source(%dma_start3A_31 : memref<72x16xf32, #tpu.memory_space<hbm>>) target(%arg6 : memref<72x16xf32, #tpu.memory_space<vmem>>) target_semaphore(%run_scoped3A : memref<!tpu.dma_semaphore, #tpu.memory_space<semaphore_mem>>)
      %dma_wait3A = arith.constant 0 : i32
      %dma_wait3A_32 = arith.constant 0 : i32
      %dma_wait3A_33 = tpu.memref_slice %arg3[%dma_wait3A, %dma_wait3A_32] : memref<144x16xf32, #tpu.memory_space<hbm>> -> memref<72x16xf32, #tpu.memory_space<hbm>>
      %dma_wait3A_34 = arith.constant 0 : i32
      %dma_wait3A_35 = arith.constant 0 : i32
      %dma_wait3A_36 = tpu.memref_slice %arg3[%dma_wait3A_34, %dma_wait3A_35] : memref<144x16xf32, #tpu.memory_space<hbm>> -> memref<72x16xf32, #tpu.memory_space<hbm>>
      tpu.wait_dma2 semaphore(%run_scoped3A : memref<!tpu.dma_semaphore, #tpu.memory_space<semaphore_mem>>) src(%dma_wait3A_36 : memref<72x16xf32, #tpu.memory_space<hbm>>) dst(%arg6 : memref<72x16xf32, #tpu.memory_space<vmem>>)
      tpu.yield
    }) : () -> ()
    %mul3A_1 = arith.constant 632 : i32
    %mul3A_2 = arith.muli %arg1, %mul3A_1 : i32
    %add3A_3 = arith.constant 0 : i32
    %add3A_4 = arith.addi %mul3A_2, %add3A_3 : i32
    "tpu.region"() ({
      %run_scoped3A = tpu.sem_alloc : memref<!tpu.dma_semaphore, #tpu.memory_space<semaphore_mem>>
      %dma_start3A = arith.constant 0 : i32
      %dma_start3A_27 = tpu.memref_slice %arg7[%add3A_4, %dma_start3A] : memref<10112x16xf32, #tpu.memory_space<vmem_shared>> -> memref<72x16xf32, #tpu.memory_space<vmem_shared>>
      %dma_start3A_28 = arith.constant 0 : i32
      %dma_start3A_29 = tpu.memref_slice %arg7[%add3A_4, %dma_start3A_28] : memref<10112x16xf32, #tpu.memory_space<vmem_shared>> -> memref<72x16xf32, #tpu.memory_space<vmem_shared>>
      tpu.enqueue_dma source(%arg6 : memref<72x16xf32, #tpu.memory_space<vmem>>) target(%dma_start3A_29 : memref<72x16xf32, #tpu.memory_space<vmem_shared>>) target_semaphore(%run_scoped3A : memref<!tpu.dma_semaphore, #tpu.memory_space<semaphore_mem>>)
      %dma_wait3A = arith.constant 0 : i32
      %dma_wait3A_30 = tpu.memref_slice %arg7[%add3A_4, %dma_wait3A] : memref<10112x16xf32, #tpu.memory_space<vmem_shared>> -> memref<72x16xf32, #tpu.memory_space<vmem_shared>>
      %dma_wait3A_31 = arith.constant 0 : i32
      %dma_wait3A_32 = tpu.memref_slice %arg7[%add3A_4, %dma_wait3A_31] : memref<10112x16xf32, #tpu.memory_space<vmem_shared>> -> memref<72x16xf32, #tpu.memory_space<vmem_shared>>
      tpu.wait_dma2 semaphore(%run_scoped3A : memref<!tpu.dma_semaphore, #tpu.memory_space<semaphore_mem>>) src(%arg6 : memref<72x16xf32, #tpu.memory_space<vmem>>) dst(%dma_wait3A_32 : memref<72x16xf32, #tpu.memory_space<vmem_shared>>)
      tpu.yield
    }) : () -> ()
    %add3A_5 = arith.constant 72 : i32
    %add3A_6 = arith.addi %mul3A_2, %add3A_5 : i32
    "tpu.region"() ({
      %run_scoped3A = tpu.sem_alloc : memref<!tpu.dma_semaphore, #tpu.memory_space<semaphore_mem>>
      %dma_start3A = arith.constant 0 : i32
      %dma_start3A_27 = tpu.memref_slice %arg7[%add3A_6, %dma_start3A] : memref<10112x16xf32, #tpu.memory_space<vmem_shared>> -> memref<72x16xf32, #tpu.memory_space<vmem_shared>>
      %dma_start3A_28 = arith.constant 0 : i32
      %dma_start3A_29 = tpu.memref_slice %arg7[%add3A_6, %dma_start3A_28] : memref<10112x16xf32, #tpu.memory_space<vmem_shared>> -> memref<72x16xf32, #tpu.memory_space<vmem_shared>>
      tpu.enqueue_dma source(%arg6 : memref<72x16xf32, #tpu.memory_space<vmem>>) target(%dma_start3A_29 : memref<72x16xf32, #tpu.memory_space<vmem_shared>>) target_semaphore(%run_scoped3A : memref<!tpu.dma_semaphore, #tpu.memory_space<semaphore_mem>>)
      %dma_wait3A = arith.constant 0 : i32
      %dma_wait3A_30 = tpu.memref_slice %arg7[%add3A_6, %dma_wait3A] : memref<10112x16xf32, #tpu.memory_space<vmem_shared>> -> memref<72x16xf32, #tpu.memory_space<vmem_shared>>
      %dma_wait3A_31 = arith.constant 0 : i32
      %dma_wait3A_32 = tpu.memref_slice %arg7[%add3A_6, %dma_wait3A_31] : memref<10112x16xf32, #tpu.memory_space<vmem_shared>> -> memref<72x16xf32, #tpu.memory_space<vmem_shared>>
      tpu.wait_dma2 semaphore(%run_scoped3A : memref<!tpu.dma_semaphore, #tpu.memory_space<semaphore_mem>>) src(%arg6 : memref<72x16xf32, #tpu.memory_space<vmem>>) dst(%dma_wait3A_32 : memref<72x16xf32, #tpu.memory_space<vmem_shared>>)
      tpu.yield
    }) : () -> ()
    %add3A_7 = arith.constant 144 : i32
    %add3A_8 = arith.addi %mul3A_2, %add3A_7 : i32
    "tpu.region"() ({
      %run_scoped3A = tpu.sem_alloc : memref<!tpu.dma_semaphore, #tpu.memory_space<semaphore_mem>>
      %dma_start3A = arith.constant 0 : i32
      %dma_start3A_27 = tpu.memref_slice %arg7[%add3A_8, %dma_start3A] : memref<10112x16xf32, #tpu.memory_space<vmem_shared>> -> memref<72x16xf32, #tpu.memory_space<vmem_shared>>
      %dma_start3A_28 = arith.constant 0 : i32
      %dma_start3A_29 = tpu.memref_slice %arg7[%add3A_8, %dma_start3A_28] : memref<10112x16xf32, #tpu.memory_space<vmem_shared>> -> memref<72x16xf32, #tpu.memory_space<vmem_shared>>
      tpu.enqueue_dma source(%arg6 : memref<72x16xf32, #tpu.memory_space<vmem>>) target(%dma_start3A_29 : memref<72x16xf32, #tpu.memory_space<vmem_shared>>) target_semaphore(%run_scoped3A : memref<!tpu.dma_semaphore, #tpu.memory_space<semaphore_mem>>)
      %dma_wait3A = arith.constant 0 : i32
      %dma_wait3A_30 = tpu.memref_slice %arg7[%add3A_8, %dma_wait3A] : memref<10112x16xf32, #tpu.memory_space<vmem_shared>> -> memref<72x16xf32, #tpu.memory_space<vmem_shared>>
      %dma_wait3A_31 = arith.constant 0 : i32
      %dma_wait3A_32 = tpu.memref_slice %arg7[%add3A_8, %dma_wait3A_31] : memref<10112x16xf32, #tpu.memory_space<vmem_shared>> -> memref<72x16xf32, #tpu.memory_space<vmem_shared>>
      tpu.wait_dma2 semaphore(%run_scoped3A : memref<!tpu.dma_semaphore, #tpu.memory_space<semaphore_mem>>) src(%arg6 : memref<72x16xf32, #tpu.memory_space<vmem>>) dst(%dma_wait3A_32 : memref<72x16xf32, #tpu.memory_space<vmem_shared>>)
      tpu.yield
    }) : () -> ()
    %add3A_9 = arith.constant 216 : i32
    %add3A_10 = arith.addi %mul3A_2, %add3A_9 : i32
    "tpu.region"() ({
      %run_scoped3A = tpu.sem_alloc : memref<!tpu.dma_semaphore, #tpu.memory_space<semaphore_mem>>
      %dma_start3A = arith.constant 0 : i32
      %dma_start3A_27 = tpu.memref_slice %arg7[%add3A_10, %dma_start3A] : memref<10112x16xf32, #tpu.memory_space<vmem_shared>> -> memref<72x16xf32, #tpu.memory_space<vmem_shared>>
      %dma_start3A_28 = arith.constant 0 : i32
      %dma_start3A_29 = tpu.memref_slice %arg7[%add3A_10, %dma_start3A_28] : memref<10112x16xf32, #tpu.memory_space<vmem_shared>> -> memref<72x16xf32, #tpu.memory_space<vmem_shared>>
      tpu.enqueue_dma source(%arg6 : memref<72x16xf32, #tpu.memory_space<vmem>>) target(%dma_start3A_29 : memref<72x16xf32, #tpu.memory_space<vmem_shared>>) target_semaphore(%run_scoped3A : memref<!tpu.dma_semaphore, #tpu.memory_space<semaphore_mem>>)
      %dma_wait3A = arith.constant 0 : i32
      %dma_wait3A_30 = tpu.memref_slice %arg7[%add3A_10, %dma_wait3A] : memref<10112x16xf32, #tpu.memory_space<vmem_shared>> -> memref<72x16xf32, #tpu.memory_space<vmem_shared>>
      %dma_wait3A_31 = arith.constant 0 : i32
      %dma_wait3A_32 = tpu.memref_slice %arg7[%add3A_10, %dma_wait3A_31] : memref<10112x16xf32, #tpu.memory_space<vmem_shared>> -> memref<72x16xf32, #tpu.memory_space<vmem_shared>>
      tpu.wait_dma2 semaphore(%run_scoped3A : memref<!tpu.dma_semaphore, #tpu.memory_space<semaphore_mem>>) src(%arg6 : memref<72x16xf32, #tpu.memory_space<vmem>>) dst(%dma_wait3A_32 : memref<72x16xf32, #tpu.memory_space<vmem_shared>>)
      tpu.yield
    }) : () -> ()
    %add3A_11 = arith.constant 288 : i32
    %add3A_12 = arith.addi %mul3A_2, %add3A_11 : i32
    "tpu.region"() ({
      %run_scoped3A = tpu.sem_alloc : memref<!tpu.dma_semaphore, #tpu.memory_space<semaphore_mem>>
      %dma_start3A = arith.constant 0 : i32
      %dma_start3A_27 = tpu.memref_slice %arg7[%add3A_12, %dma_start3A] : memref<10112x16xf32, #tpu.memory_space<vmem_shared>> -> memref<72x16xf32, #tpu.memory_space<vmem_shared>>
      %dma_start3A_28 = arith.constant 0 : i32
      %dma_start3A_29 = tpu.memref_slice %arg7[%add3A_12, %dma_start3A_28] : memref<10112x16xf32, #tpu.memory_space<vmem_shared>> -> memref<72x16xf32, #tpu.memory_space<vmem_shared>>
      tpu.enqueue_dma source(%arg6 : memref<72x16xf32, #tpu.memory_space<vmem>>) target(%dma_start3A_29 : memref<72x16xf32, #tpu.memory_space<vmem_shared>>) target_semaphore(%run_scoped3A : memref<!tpu.dma_semaphore, #tpu.memory_space<semaphore_mem>>)
      %dma_wait3A = arith.constant 0 : i32
      %dma_wait3A_30 = tpu.memref_slice %arg7[%add3A_12, %dma_wait3A] : memref<10112x16xf32, #tpu.memory_space<vmem_shared>> -> memref<72x16xf32, #tpu.memory_space<vmem_shared>>
      %dma_wait3A_31 = arith.constant 0 : i32
      %dma_wait3A_32 = tpu.memref_slice %arg7[%add3A_12, %dma_wait3A_31] : memref<10112x16xf32, #tpu.memory_space<vmem_shared>> -> memref<72x16xf32, #tpu.memory_space<vmem_shared>>
      tpu.wait_dma2 semaphore(%run_scoped3A : memref<!tpu.dma_semaphore, #tpu.memory_space<semaphore_mem>>) src(%arg6 : memref<72x16xf32, #tpu.memory_space<vmem>>) dst(%dma_wait3A_32 : memref<72x16xf32, #tpu.memory_space<vmem_shared>>)
      tpu.yield
    }) : () -> ()
    %add3A_13 = arith.constant 360 : i32
    %add3A_14 = arith.addi %mul3A_2, %add3A_13 : i32
    "tpu.region"() ({
      %run_scoped3A = tpu.sem_alloc : memref<!tpu.dma_semaphore, #tpu.memory_space<semaphore_mem>>
      %dma_start3A = arith.constant 0 : i32
      %dma_start3A_27 = tpu.memref_slice %arg7[%add3A_14, %dma_start3A] : memref<10112x16xf32, #tpu.memory_space<vmem_shared>> -> memref<72x16xf32, #tpu.memory_space<vmem_shared>>
      %dma_start3A_28 = arith.constant 0 : i32
      %dma_start3A_29 = tpu.memref_slice %arg7[%add3A_14, %dma_start3A_28] : memref<10112x16xf32, #tpu.memory_space<vmem_shared>> -> memref<72x16xf32, #tpu.memory_space<vmem_shared>>
      tpu.enqueue_dma source(%arg6 : memref<72x16xf32, #tpu.memory_space<vmem>>) target(%dma_start3A_29 : memref<72x16xf32, #tpu.memory_space<vmem_shared>>) target_semaphore(%run_scoped3A : memref<!tpu.dma_semaphore, #tpu.memory_space<semaphore_mem>>)
      %dma_wait3A = arith.constant 0 : i32
      %dma_wait3A_30 = tpu.memref_slice %arg7[%add3A_14, %dma_wait3A] : memref<10112x16xf32, #tpu.memory_space<vmem_shared>> -> memref<72x16xf32, #tpu.memory_space<vmem_shared>>
      %dma_wait3A_31 = arith.constant 0 : i32
      %dma_wait3A_32 = tpu.memref_slice %arg7[%add3A_14, %dma_wait3A_31] : memref<10112x16xf32, #tpu.memory_space<vmem_shared>> -> memref<72x16xf32, #tpu.memory_space<vmem_shared>>
      tpu.wait_dma2 semaphore(%run_scoped3A : memref<!tpu.dma_semaphore, #tpu.memory_space<semaphore_mem>>) src(%arg6 : memref<72x16xf32, #tpu.memory_space<vmem>>) dst(%dma_wait3A_32 : memref<72x16xf32, #tpu.memory_space<vmem_shared>>)
      tpu.yield
    }) : () -> ()
    %add3A_15 = arith.constant 432 : i32
    %add3A_16 = arith.addi %mul3A_2, %add3A_15 : i32
    "tpu.region"() ({
      %run_scoped3A = tpu.sem_alloc : memref<!tpu.dma_semaphore, #tpu.memory_space<semaphore_mem>>
      %dma_start3A = arith.constant 0 : i32
      %dma_start3A_27 = tpu.memref_slice %arg7[%add3A_16, %dma_start3A] : memref<10112x16xf32, #tpu.memory_space<vmem_shared>> -> memref<72x16xf32, #tpu.memory_space<vmem_shared>>
      %dma_start3A_28 = arith.constant 0 : i32
      %dma_start3A_29 = tpu.memref_slice %arg7[%add3A_16, %dma_start3A_28] : memref<10112x16xf32, #tpu.memory_space<vmem_shared>> -> memref<72x16xf32, #tpu.memory_space<vmem_shared>>
      tpu.enqueue_dma source(%arg6 : memref<72x16xf32, #tpu.memory_space<vmem>>) target(%dma_start3A_29 : memref<72x16xf32, #tpu.memory_space<vmem_shared>>) target_semaphore(%run_scoped3A : memref<!tpu.dma_semaphore, #tpu.memory_space<semaphore_mem>>)
      %dma_wait3A = arith.constant 0 : i32
      %dma_wait3A_30 = tpu.memref_slice %arg7[%add3A_16, %dma_wait3A] : memref<10112x16xf32, #tpu.memory_space<vmem_shared>> -> memref<72x16xf32, #tpu.memory_space<vmem_shared>>
      %dma_wait3A_31 = arith.constant 0 : i32
      %dma_wait3A_32 = tpu.memref_slice %arg7[%add3A_16, %dma_wait3A_31] : memref<10112x16xf32, #tpu.memory_space<vmem_shared>> -> memref<72x16xf32, #tpu.memory_space<vmem_shared>>
      tpu.wait_dma2 semaphore(%run_scoped3A : memref<!tpu.dma_semaphore, #tpu.memory_space<semaphore_mem>>) src(%arg6 : memref<72x16xf32, #tpu.memory_space<vmem>>) dst(%dma_wait3A_32 : memref<72x16xf32, #tpu.memory_space<vmem_shared>>)
      tpu.yield
    }) : () -> ()
    %add3A_17 = arith.constant 504 : i32
    %add3A_18 = arith.addi %mul3A_2, %add3A_17 : i32
    "tpu.region"() ({
      %run_scoped3A = tpu.sem_alloc : memref<!tpu.dma_semaphore, #tpu.memory_space<semaphore_mem>>
      %dma_start3A = arith.constant 0 : i32
      %dma_start3A_27 = tpu.memref_slice %arg7[%add3A_18, %dma_start3A] : memref<10112x16xf32, #tpu.memory_space<vmem_shared>> -> memref<72x16xf32, #tpu.memory_space<vmem_shared>>
      %dma_start3A_28 = arith.constant 0 : i32
      %dma_start3A_29 = tpu.memref_slice %arg7[%add3A_18, %dma_start3A_28] : memref<10112x16xf32, #tpu.memory_space<vmem_shared>> -> memref<72x16xf32, #tpu.memory_space<vmem_shared>>
      tpu.enqueue_dma source(%arg6 : memref<72x16xf32, #tpu.memory_space<vmem>>) target(%dma_start3A_29 : memref<72x16xf32, #tpu.memory_space<vmem_shared>>) target_semaphore(%run_scoped3A : memref<!tpu.dma_semaphore, #tpu.memory_space<semaphore_mem>>)
      %dma_wait3A = arith.constant 0 : i32
      %dma_wait3A_30 = tpu.memref_slice %arg7[%add3A_18, %dma_wait3A] : memref<10112x16xf32, #tpu.memory_space<vmem_shared>> -> memref<72x16xf32, #tpu.memory_space<vmem_shared>>
      %dma_wait3A_31 = arith.constant 0 : i32
      %dma_wait3A_32 = tpu.memref_slice %arg7[%add3A_18, %dma_wait3A_31] : memref<10112x16xf32, #tpu.memory_space<vmem_shared>> -> memref<72x16xf32, #tpu.memory_space<vmem_shared>>
      tpu.wait_dma2 semaphore(%run_scoped3A : memref<!tpu.dma_semaphore, #tpu.memory_space<semaphore_mem>>) src(%arg6 : memref<72x16xf32, #tpu.memory_space<vmem>>) dst(%dma_wait3A_32 : memref<72x16xf32, #tpu.memory_space<vmem_shared>>)
      tpu.yield
    }) : () -> ()
    %add3A_19 = arith.constant 576 : i32
    %add3A_20 = arith.addi %mul3A_2, %add3A_19 : i32
    "tpu.region"() ({
      %run_scoped3A = tpu.sem_alloc : memref<!tpu.dma_semaphore, #tpu.memory_space<semaphore_mem>>
      %dma_start3A = arith.constant 0 : i32
      %dma_start3A_27 = arith.constant 0 : i32
      %dma_start3A_28 = tpu.memref_slice %arg6[%dma_start3A, %dma_start3A_27] : memref<72x16xf32, #tpu.memory_space<vmem>> -> memref<56x16xf32, #tpu.memory_space<vmem>>
      %dma_start3A_29 = arith.constant 0 : i32
      %dma_start3A_30 = tpu.memref_slice %arg7[%add3A_20, %dma_start3A_29] : memref<10112x16xf32, #tpu.memory_space<vmem_shared>> -> memref<56x16xf32, #tpu.memory_space<vmem_shared>>
      %dma_start3A_31 = arith.constant 0 : i32
      %dma_start3A_32 = tpu.memref_slice %arg7[%add3A_20, %dma_start3A_31] : memref<10112x16xf32, #tpu.memory_space<vmem_shared>> -> memref<56x16xf32, #tpu.memory_space<vmem_shared>>
      %dma_start3A_33 = arith.constant 0 : i32
      %dma_start3A_34 = arith.constant 0 : i32
      %dma_start3A_35 = tpu.memref_slice %arg6[%dma_start3A_33, %dma_start3A_34] : memref<72x16xf32, #tpu.memory_space<vmem>> -> memref<56x16xf32, #tpu.memory_space<vmem>>
      tpu.enqueue_dma source(%dma_start3A_35 : memref<56x16xf32, #tpu.memory_space<vmem>>) target(%dma_start3A_32 : memref<56x16xf32, #tpu.memory_space<vmem_shared>>) target_semaphore(%run_scoped3A : memref<!tpu.dma_semaphore, #tpu.memory_space<semaphore_mem>>)
      %dma_wait3A = arith.constant 0 : i32
      %dma_wait3A_36 = arith.constant 0 : i32
      %dma_wait3A_37 = tpu.memref_slice %arg6[%dma_wait3A, %dma_wait3A_36] : memref<72x16xf32, #tpu.memory_space<vmem>> -> memref<56x16xf32, #tpu.memory_space<vmem>>
      %dma_wait3A_38 = arith.constant 0 : i32
      %dma_wait3A_39 = tpu.memref_slice %arg7[%add3A_20, %dma_wait3A_38] : memref<10112x16xf32, #tpu.memory_space<vmem_shared>> -> memref<56x16xf32, #tpu.memory_space<vmem_shared>>
      %dma_wait3A_40 = arith.constant 0 : i32
      %dma_wait3A_41 = tpu.memref_slice %arg7[%add3A_20, %dma_wait3A_40] : memref<10112x16xf32, #tpu.memory_space<vmem_shared>> -> memref<56x16xf32, #tpu.memory_space<vmem_shared>>
      %dma_wait3A_42 = arith.constant 0 : i32
      %dma_wait3A_43 = arith.constant 0 : i32
      %dma_wait3A_44 = tpu.memref_slice %arg6[%dma_wait3A_42, %dma_wait3A_43] : memref<72x16xf32, #tpu.memory_space<vmem>> -> memref<56x16xf32, #tpu.memory_space<vmem>>
      tpu.wait_dma2 semaphore(%run_scoped3A : memref<!tpu.dma_semaphore, #tpu.memory_space<semaphore_mem>>) src(%dma_wait3A_44 : memref<56x16xf32, #tpu.memory_space<vmem>>) dst(%dma_wait3A_41 : memref<56x16xf32, #tpu.memory_space<vmem_shared>>)
      tpu.yield
    }) : () -> ()
    %barrier3A = arith.constant 0 : index
    tpu.barrier barrier_id(%barrier3A)
    "tpu.region"() ({
      %run_scoped3A = tpu.sem_alloc : memref<!tpu.dma_semaphore, #tpu.memory_space<semaphore_mem>>
      %dma_start3A = arith.constant 72 : i32
      %dma_start3A_27 = arith.constant 0 : i32
      %dma_start3A_28 = tpu.memref_slice %arg3[%dma_start3A, %dma_start3A_27] : memref<144x16xf32, #tpu.memory_space<hbm>> -> memref<72x16xf32, #tpu.memory_space<hbm>>
      %dma_start3A_29 = arith.constant 72 : i32
      %dma_start3A_30 = arith.constant 0 : i32
      %dma_start3A_31 = tpu.memref_slice %arg3[%dma_start3A_29, %dma_start3A_30] : memref<144x16xf32, #tpu.memory_space<hbm>> -> memref<72x16xf32, #tpu.memory_space<hbm>>
      tpu.enqueue_dma source(%dma_start3A_31 : memref<72x16xf32, #tpu.memory_space<hbm>>) target(%arg6 : memref<72x16xf32, #tpu.memory_space<vmem>>) target_semaphore(%run_scoped3A : memref<!tpu.dma_semaphore, #tpu.memory_space<semaphore_mem>>)
      %dma_wait3A = arith.constant 72 : i32
      %dma_wait3A_32 = arith.constant 0 : i32
      %dma_wait3A_33 = tpu.memref_slice %arg3[%dma_wait3A, %dma_wait3A_32] : memref<144x16xf32, #tpu.memory_space<hbm>> -> memref<72x16xf32, #tpu.memory_space<hbm>>
      %dma_wait3A_34 = arith.constant 72 : i32
      %dma_wait3A_35 = arith.constant 0 : i32
      %dma_wait3A_36 = tpu.memref_slice %arg3[%dma_wait3A_34, %dma_wait3A_35] : memref<144x16xf32, #tpu.memory_space<hbm>> -> memref<72x16xf32, #tpu.memory_space<hbm>>
      tpu.wait_dma2 semaphore(%run_scoped3A : memref<!tpu.dma_semaphore, #tpu.memory_space<semaphore_mem>>) src(%dma_wait3A_36 : memref<72x16xf32, #tpu.memory_space<hbm>>) dst(%arg6 : memref<72x16xf32, #tpu.memory_space<vmem>>)
      tpu.yield
    }) : () -> ()
    %scan3A = arith.constant 0 : i32
    %scan3A_21 = arith.constant 0 : i32
    %scan3A_22 = arith.constant 139 : i32
    %scan3A_23 = arith.addi %scan3A_21, %scan3A_22 : i32
    %scan3A_24 = arith.constant 1 : i32
    scf.for %scan3A_27 = %scan3A_21 to %scan3A_23 step %scan3A_24  : i32 {
      "tpu.region"() ({
        %run_scoped3A = tpu.sem_alloc : memref<!tpu.dma_semaphore, #tpu.memory_space<semaphore_mem>>
        %dma_start3A = arith.constant 0 : i32
        %dma_start3A_28 = tpu.memref_slice %arg5[%scan3A_27, %dma_start3A] : memref<139x72xi32, #tpu.memory_space<vmem>> -> memref<1x72xi32, #tpu.memory_space<vmem>>
        %dma_start3A_29 = tpu.memref_squeeze %dma_start3A_28 : memref<1x72xi32, #tpu.memory_space<vmem>> -> memref<72xi32, #tpu.memory_space<vmem>>
        %dma_start3A_30 = arith.constant 0 : i32
        %dma_start3A_31 = arith.constant 0 : i32
        %dma_start3A_32 = tpu.memref_slice %arg7[%dma_start3A_30, %dma_start3A_31] : memref<10112x16xf32, #tpu.memory_space<vmem_shared>> -> memref<10112x16xf32, #tpu.memory_space<vmem_shared>>
        tpu.enqueue_indirect_dma source(%arg6 : memref<72x16xf32, #tpu.memory_space<vmem>>) target(%dma_start3A_32 : memref<10112x16xf32, #tpu.memory_space<vmem_shared>>) offsets(%dma_start3A_29 : memref<72xi32, #tpu.memory_space<vmem>>) semaphore(%run_scoped3A : memref<!tpu.dma_semaphore, #tpu.memory_space<semaphore_mem>>) {add = true}
        %dma_wait3A = arith.constant 0 : i32
        %dma_wait3A_33 = tpu.memref_slice %arg5[%scan3A_27, %dma_wait3A] : memref<139x72xi32, #tpu.memory_space<vmem>> -> memref<1x72xi32, #tpu.memory_space<vmem>>
        %dma_wait3A_34 = tpu.memref_squeeze %dma_wait3A_33 : memref<1x72xi32, #tpu.memory_space<vmem>> -> memref<72xi32, #tpu.memory_space<vmem>>
        %dma_wait3A_35 = arith.constant 0 : i32
        %dma_wait3A_36 = arith.constant 0 : i32
        %dma_wait3A_37 = tpu.memref_slice %arg7[%dma_wait3A_35, %dma_wait3A_36] : memref<10112x16xf32, #tpu.memory_space<vmem_shared>> -> memref<10112x16xf32, #tpu.memory_space<vmem_shared>>
        tpu.wait_indirect_dma semaphore(%run_scoped3A : memref<!tpu.dma_semaphore, #tpu.memory_space<semaphore_mem>>) src(%arg6 : memref<72x16xf32, #tpu.memory_space<vmem>>) dst(%dma_wait3A_37 : memref<10112x16xf32, #tpu.memory_space<vmem_shared>>)
        tpu.yield
      }) : () -> ()
    }
    %scan3A_25 = arith.constant 139 : i32
    %barrier3A_26 = arith.constant 0 : index
    tpu.barrier barrier_id(%barrier3A_26)
    "tpu.region"() ({
      %run_scoped3A = tpu.sem_alloc : memref<!tpu.dma_semaphore, #tpu.memory_space<semaphore_mem>>
      %dma_start3A = arith.constant 0 : i32
      %dma_start3A_27 = arith.constant 0 : i32
      %dma_start3A_28 = tpu.memref_slice %arg4[%arg0, %dma_start3A, %dma_start3A_27] : memref<2x10112x16xf32, #tpu.memory_space<hbm>> -> memref<1x10112x16xf32, #tpu.memory_space<hbm>>
      %dma_start3A_29 = tpu.memref_squeeze %dma_start3A_28 : memref<1x10112x16xf32, #tpu.memory_space<hbm>> -> memref<10112x16xf32, #tpu.memory_space<hbm>>
      %dma_start3A_30 = arith.constant 0 : i32
      %dma_start3A_31 = tpu.memref_slice %dma_start3A_29[%mul3A_2, %dma_start3A_30] : memref<10112x16xf32, #tpu.memory_space<hbm>> -> memref<632x16xf32, #tpu.memory_space<hbm>>
      %dma_start3A_32 = arith.constant 0 : i32
      %dma_start3A_33 = tpu.memref_slice %arg7[%mul3A_2, %dma_start3A_32] : memref<10112x16xf32, #tpu.memory_space<vmem_shared>> -> memref<632x16xf32, #tpu.memory_space<vmem_shared>>
      tpu.enqueue_dma source(%dma_start3A_33 : memref<632x16xf32, #tpu.memory_space<vmem_shared>>) target(%dma_start3A_31 : memref<632x16xf32, #tpu.memory_space<hbm>>) target_semaphore(%run_scoped3A : memref<!tpu.dma_semaphore, #tpu.memory_space<semaphore_mem>>)
      %dma_wait3A = arith.constant 0 : i32
      %dma_wait3A_34 = arith.constant 0 : i32
      %dma_wait3A_35 = tpu.memref_slice %arg4[%arg0, %dma_wait3A, %dma_wait3A_34] : memref<2x10112x16xf32, #tpu.memory_space<hbm>> -> memref<1x10112x16xf32, #tpu.memory_space<hbm>>
      %dma_wait3A_36 = tpu.memref_squeeze %dma_wait3A_35 : memref<1x10112x16xf32, #tpu.memory_space<hbm>> -> memref<10112x16xf32, #tpu.memory_space<hbm>>
      %dma_wait3A_37 = arith.constant 0 : i32
      %dma_wait3A_38 = tpu.memref_slice %dma_wait3A_36[%mul3A_2, %dma_wait3A_37] : memref<10112x16xf32, #tpu.memory_space<hbm>> -> memref<632x16xf32, #tpu.memory_space<hbm>>
      %dma_wait3A_39 = arith.constant 0 : i32
      %dma_wait3A_40 = tpu.memref_slice %arg7[%mul3A_2, %dma_wait3A_39] : memref<10112x16xf32, #tpu.memory_space<vmem_shared>> -> memref<632x16xf32, #tpu.memory_space<vmem_shared>>
      tpu.wait_dma2 semaphore(%run_scoped3A : memref<!tpu.dma_semaphore, #tpu.memory_space<semaphore_mem>>) src(%dma_wait3A_40 : memref<632x16xf32, #tpu.memory_space<vmem_shared>>) dst(%dma_wait3A_38 : memref<632x16xf32, #tpu.memory_space<hbm>>)
      tpu.yield
    }) : () -> ()
    return
  }
}

#map = affine_map<(d0, d1) -> (0, 0)>
#map1 = affine_map<(d0, d1) -> (0, 0, 0)>
module attributes {stable_mosaic.version = 14 : i64} {
  func.func @_agg_body(%arg0: i32, %arg1: i32, %arg2: memref<10112x128xf32, #tpu.memory_space<hbm>>, %arg3: memref<32x139x72xi32, #tpu.memory_space<hbm>>, %arg4: memref<32x139x72xi32, #tpu.memory_space<hbm>>, %arg5: memref<72x128xf32, #tpu.memory_space<hbm>>, %arg6: memref<2x10112x128xf32, #tpu.memory_space<hbm>>, %arg7: memref<8x72xi32, #tpu.memory_space<vmem>>, %arg8: memref<8x72xi32, #tpu.memory_space<vmem>>, %arg9: memref<5x72x128xf32, #tpu.memory_space<vmem>>, %arg10: memref<10112x128xf32, #tpu.memory_space<vmem_shared>>, %arg11: memref<!tpu.dma_semaphore, #tpu.memory_space<semaphore_mem>>, %arg12: memref<!tpu.dma_semaphore, #tpu.memory_space<semaphore_mem>>, %arg13: memref<!tpu.dma_semaphore, #tpu.memory_space<semaphore_mem>>) attributes {dimension_semantics = [#tpu.dimension_semantics<core_parallel>, #tpu.dimension_semantics<subcore_parallel>], iteration_bounds = array<i64: 2, 16>, scalar_prefetch = 0 : i64, scratch_operands = 7 : i64, tpu.core_type = #tpu.core_type<sc_vector_subcore>, window_params = [{transform_indices = #map}, {transform_indices = #map1}, {transform_indices = #map1}, {transform_indices = #map}, {transform_indices = #map1}]} {
    %mul3A = arith.constant 16 : i32
    %mul3A_0 = arith.muli %arg0, %mul3A : i32
    %add3A = arith.addi %mul3A_0, %arg1 : i32
    %run_scoped3A = arith.constant 0 : i32
    "tpu.region"() ({
      %run_scoped3A_537 = tpu.sem_alloc : memref<!tpu.dma_semaphore, #tpu.memory_space<semaphore_mem>>
      %dma_start3A_538 = arith.constant 0 : i32
      %dma_start3A_539 = arith.constant 0 : i32
      %dma_start3A_540 = tpu.memref_slice %arg9[%run_scoped3A, %dma_start3A_538, %dma_start3A_539] : memref<5x72x128xf32, #tpu.memory_space<vmem>> -> memref<1x72x128xf32, #tpu.memory_space<vmem>>
      %dma_start3A_541 = tpu.memref_squeeze %dma_start3A_540 : memref<1x72x128xf32, #tpu.memory_space<vmem>> -> memref<72x128xf32, #tpu.memory_space<vmem>>
      %dma_start3A_542 = arith.constant 0 : i32
      %dma_start3A_543 = arith.constant 0 : i32
      %dma_start3A_544 = tpu.memref_slice %arg9[%run_scoped3A, %dma_start3A_542, %dma_start3A_543] : memref<5x72x128xf32, #tpu.memory_space<vmem>> -> memref<1x72x128xf32, #tpu.memory_space<vmem>>
      %dma_start3A_545 = tpu.memref_squeeze %dma_start3A_544 : memref<1x72x128xf32, #tpu.memory_space<vmem>> -> memref<72x128xf32, #tpu.memory_space<vmem>>
      tpu.enqueue_dma source(%arg5 : memref<72x128xf32, #tpu.memory_space<hbm>>) target(%dma_start3A_545 : memref<72x128xf32, #tpu.memory_space<vmem>>) target_semaphore(%run_scoped3A_537 : memref<!tpu.dma_semaphore, #tpu.memory_space<semaphore_mem>>)
      %dma_wait3A_546 = arith.constant 0 : i32
      %dma_wait3A_547 = arith.constant 0 : i32
      %dma_wait3A_548 = tpu.memref_slice %arg9[%run_scoped3A, %dma_wait3A_546, %dma_wait3A_547] : memref<5x72x128xf32, #tpu.memory_space<vmem>> -> memref<1x72x128xf32, #tpu.memory_space<vmem>>
      %dma_wait3A_549 = tpu.memref_squeeze %dma_wait3A_548 : memref<1x72x128xf32, #tpu.memory_space<vmem>> -> memref<72x128xf32, #tpu.memory_space<vmem>>
      %dma_wait3A_550 = arith.constant 0 : i32
      %dma_wait3A_551 = arith.constant 0 : i32
      %dma_wait3A_552 = tpu.memref_slice %arg9[%run_scoped3A, %dma_wait3A_550, %dma_wait3A_551] : memref<5x72x128xf32, #tpu.memory_space<vmem>> -> memref<1x72x128xf32, #tpu.memory_space<vmem>>
      %dma_wait3A_553 = tpu.memref_squeeze %dma_wait3A_552 : memref<1x72x128xf32, #tpu.memory_space<vmem>> -> memref<72x128xf32, #tpu.memory_space<vmem>>
      tpu.wait_dma2 semaphore(%run_scoped3A_537 : memref<!tpu.dma_semaphore, #tpu.memory_space<semaphore_mem>>) src(%arg5 : memref<72x128xf32, #tpu.memory_space<hbm>>) dst(%dma_wait3A_553 : memref<72x128xf32, #tpu.memory_space<vmem>>)
      tpu.yield
    }) : () -> ()
    %mul3A_1 = arith.constant 632 : i32
    %mul3A_2 = arith.muli %arg1, %mul3A_1 : i32
    %add3A_3 = arith.constant 0 : i32
    %add3A_4 = arith.addi %mul3A_2, %add3A_3 : i32
    %run_scoped3A_5 = arith.constant 0 : i32
    "tpu.region"() ({
      %run_scoped3A_537 = tpu.sem_alloc : memref<!tpu.dma_semaphore, #tpu.memory_space<semaphore_mem>>
      %dma_start3A_538 = arith.constant 0 : i32
      %dma_start3A_539 = arith.constant 0 : i32
      %dma_start3A_540 = tpu.memref_slice %arg9[%run_scoped3A_5, %dma_start3A_538, %dma_start3A_539] : memref<5x72x128xf32, #tpu.memory_space<vmem>> -> memref<1x72x128xf32, #tpu.memory_space<vmem>>
      %dma_start3A_541 = tpu.memref_squeeze %dma_start3A_540 : memref<1x72x128xf32, #tpu.memory_space<vmem>> -> memref<72x128xf32, #tpu.memory_space<vmem>>
      %dma_start3A_542 = arith.constant 0 : i32
      %dma_start3A_543 = tpu.memref_slice %arg10[%add3A_4, %dma_start3A_542] : memref<10112x128xf32, #tpu.memory_space<vmem_shared>> -> memref<72x128xf32, #tpu.memory_space<vmem_shared>>
      %dma_start3A_544 = arith.constant 0 : i32
      %dma_start3A_545 = tpu.memref_slice %arg10[%add3A_4, %dma_start3A_544] : memref<10112x128xf32, #tpu.memory_space<vmem_shared>> -> memref<72x128xf32, #tpu.memory_space<vmem_shared>>
      %dma_start3A_546 = arith.constant 0 : i32
      %dma_start3A_547 = arith.constant 0 : i32
      %dma_start3A_548 = tpu.memref_slice %arg9[%run_scoped3A_5, %dma_start3A_546, %dma_start3A_547] : memref<5x72x128xf32, #tpu.memory_space<vmem>> -> memref<1x72x128xf32, #tpu.memory_space<vmem>>
      %dma_start3A_549 = tpu.memref_squeeze %dma_start3A_548 : memref<1x72x128xf32, #tpu.memory_space<vmem>> -> memref<72x128xf32, #tpu.memory_space<vmem>>
      tpu.enqueue_dma source(%dma_start3A_549 : memref<72x128xf32, #tpu.memory_space<vmem>>) target(%dma_start3A_545 : memref<72x128xf32, #tpu.memory_space<vmem_shared>>) target_semaphore(%run_scoped3A_537 : memref<!tpu.dma_semaphore, #tpu.memory_space<semaphore_mem>>)
      %dma_wait3A_550 = arith.constant 0 : i32
      %dma_wait3A_551 = arith.constant 0 : i32
      %dma_wait3A_552 = tpu.memref_slice %arg9[%run_scoped3A_5, %dma_wait3A_550, %dma_wait3A_551] : memref<5x72x128xf32, #tpu.memory_space<vmem>> -> memref<1x72x128xf32, #tpu.memory_space<vmem>>
      %dma_wait3A_553 = tpu.memref_squeeze %dma_wait3A_552 : memref<1x72x128xf32, #tpu.memory_space<vmem>> -> memref<72x128xf32, #tpu.memory_space<vmem>>
      %dma_wait3A_554 = arith.constant 0 : i32
      %dma_wait3A_555 = tpu.memref_slice %arg10[%add3A_4, %dma_wait3A_554] : memref<10112x128xf32, #tpu.memory_space<vmem_shared>> -> memref<72x128xf32, #tpu.memory_space<vmem_shared>>
      %dma_wait3A_556 = arith.constant 0 : i32
      %dma_wait3A_557 = tpu.memref_slice %arg10[%add3A_4, %dma_wait3A_556] : memref<10112x128xf32, #tpu.memory_space<vmem_shared>> -> memref<72x128xf32, #tpu.memory_space<vmem_shared>>
      %dma_wait3A_558 = arith.constant 0 : i32
      %dma_wait3A_559 = arith.constant 0 : i32
      %dma_wait3A_560 = tpu.memref_slice %arg9[%run_scoped3A_5, %dma_wait3A_558, %dma_wait3A_559] : memref<5x72x128xf32, #tpu.memory_space<vmem>> -> memref<1x72x128xf32, #tpu.memory_space<vmem>>
      %dma_wait3A_561 = tpu.memref_squeeze %dma_wait3A_560 : memref<1x72x128xf32, #tpu.memory_space<vmem>> -> memref<72x128xf32, #tpu.memory_space<vmem>>
      tpu.wait_dma2 semaphore(%run_scoped3A_537 : memref<!tpu.dma_semaphore, #tpu.memory_space<semaphore_mem>>) src(%dma_wait3A_561 : memref<72x128xf32, #tpu.memory_space<vmem>>) dst(%dma_wait3A_557 : memref<72x128xf32, #tpu.memory_space<vmem_shared>>)
      tpu.yield
    }) : () -> ()
    %add3A_6 = arith.constant 72 : i32
    %add3A_7 = arith.addi %mul3A_2, %add3A_6 : i32
    %run_scoped3A_8 = arith.constant 0 : i32
    "tpu.region"() ({
      %run_scoped3A_537 = tpu.sem_alloc : memref<!tpu.dma_semaphore, #tpu.memory_space<semaphore_mem>>
      %dma_start3A_538 = arith.constant 0 : i32
      %dma_start3A_539 = arith.constant 0 : i32
      %dma_start3A_540 = tpu.memref_slice %arg9[%run_scoped3A_8, %dma_start3A_538, %dma_start3A_539] : memref<5x72x128xf32, #tpu.memory_space<vmem>> -> memref<1x72x128xf32, #tpu.memory_space<vmem>>
      %dma_start3A_541 = tpu.memref_squeeze %dma_start3A_540 : memref<1x72x128xf32, #tpu.memory_space<vmem>> -> memref<72x128xf32, #tpu.memory_space<vmem>>
      %dma_start3A_542 = arith.constant 0 : i32
      %dma_start3A_543 = tpu.memref_slice %arg10[%add3A_7, %dma_start3A_542] : memref<10112x128xf32, #tpu.memory_space<vmem_shared>> -> memref<72x128xf32, #tpu.memory_space<vmem_shared>>
      %dma_start3A_544 = arith.constant 0 : i32
      %dma_start3A_545 = tpu.memref_slice %arg10[%add3A_7, %dma_start3A_544] : memref<10112x128xf32, #tpu.memory_space<vmem_shared>> -> memref<72x128xf32, #tpu.memory_space<vmem_shared>>
      %dma_start3A_546 = arith.constant 0 : i32
      %dma_start3A_547 = arith.constant 0 : i32
      %dma_start3A_548 = tpu.memref_slice %arg9[%run_scoped3A_8, %dma_start3A_546, %dma_start3A_547] : memref<5x72x128xf32, #tpu.memory_space<vmem>> -> memref<1x72x128xf32, #tpu.memory_space<vmem>>
      %dma_start3A_549 = tpu.memref_squeeze %dma_start3A_548 : memref<1x72x128xf32, #tpu.memory_space<vmem>> -> memref<72x128xf32, #tpu.memory_space<vmem>>
      tpu.enqueue_dma source(%dma_start3A_549 : memref<72x128xf32, #tpu.memory_space<vmem>>) target(%dma_start3A_545 : memref<72x128xf32, #tpu.memory_space<vmem_shared>>) target_semaphore(%run_scoped3A_537 : memref<!tpu.dma_semaphore, #tpu.memory_space<semaphore_mem>>)
      %dma_wait3A_550 = arith.constant 0 : i32
      %dma_wait3A_551 = arith.constant 0 : i32
      %dma_wait3A_552 = tpu.memref_slice %arg9[%run_scoped3A_8, %dma_wait3A_550, %dma_wait3A_551] : memref<5x72x128xf32, #tpu.memory_space<vmem>> -> memref<1x72x128xf32, #tpu.memory_space<vmem>>
      %dma_wait3A_553 = tpu.memref_squeeze %dma_wait3A_552 : memref<1x72x128xf32, #tpu.memory_space<vmem>> -> memref<72x128xf32, #tpu.memory_space<vmem>>
      %dma_wait3A_554 = arith.constant 0 : i32
      %dma_wait3A_555 = tpu.memref_slice %arg10[%add3A_7, %dma_wait3A_554] : memref<10112x128xf32, #tpu.memory_space<vmem_shared>> -> memref<72x128xf32, #tpu.memory_space<vmem_shared>>
      %dma_wait3A_556 = arith.constant 0 : i32
      %dma_wait3A_557 = tpu.memref_slice %arg10[%add3A_7, %dma_wait3A_556] : memref<10112x128xf32, #tpu.memory_space<vmem_shared>> -> memref<72x128xf32, #tpu.memory_space<vmem_shared>>
      %dma_wait3A_558 = arith.constant 0 : i32
      %dma_wait3A_559 = arith.constant 0 : i32
      %dma_wait3A_560 = tpu.memref_slice %arg9[%run_scoped3A_8, %dma_wait3A_558, %dma_wait3A_559] : memref<5x72x128xf32, #tpu.memory_space<vmem>> -> memref<1x72x128xf32, #tpu.memory_space<vmem>>
      %dma_wait3A_561 = tpu.memref_squeeze %dma_wait3A_560 : memref<1x72x128xf32, #tpu.memory_space<vmem>> -> memref<72x128xf32, #tpu.memory_space<vmem>>
      tpu.wait_dma2 semaphore(%run_scoped3A_537 : memref<!tpu.dma_semaphore, #tpu.memory_space<semaphore_mem>>) src(%dma_wait3A_561 : memref<72x128xf32, #tpu.memory_space<vmem>>) dst(%dma_wait3A_557 : memref<72x128xf32, #tpu.memory_space<vmem_shared>>)
      tpu.yield
    }) : () -> ()
    %add3A_9 = arith.constant 144 : i32
    %add3A_10 = arith.addi %mul3A_2, %add3A_9 : i32
    %run_scoped3A_11 = arith.constant 0 : i32
    "tpu.region"() ({
      %run_scoped3A_537 = tpu.sem_alloc : memref<!tpu.dma_semaphore, #tpu.memory_space<semaphore_mem>>
      %dma_start3A_538 = arith.constant 0 : i32
      %dma_start3A_539 = arith.constant 0 : i32
      %dma_start3A_540 = tpu.memref_slice %arg9[%run_scoped3A_11, %dma_start3A_538, %dma_start3A_539] : memref<5x72x128xf32, #tpu.memory_space<vmem>> -> memref<1x72x128xf32, #tpu.memory_space<vmem>>
      %dma_start3A_541 = tpu.memref_squeeze %dma_start3A_540 : memref<1x72x128xf32, #tpu.memory_space<vmem>> -> memref<72x128xf32, #tpu.memory_space<vmem>>
      %dma_start3A_542 = arith.constant 0 : i32
      %dma_start3A_543 = tpu.memref_slice %arg10[%add3A_10, %dma_start3A_542] : memref<10112x128xf32, #tpu.memory_space<vmem_shared>> -> memref<72x128xf32, #tpu.memory_space<vmem_shared>>
      %dma_start3A_544 = arith.constant 0 : i32
      %dma_start3A_545 = tpu.memref_slice %arg10[%add3A_10, %dma_start3A_544] : memref<10112x128xf32, #tpu.memory_space<vmem_shared>> -> memref<72x128xf32, #tpu.memory_space<vmem_shared>>
      %dma_start3A_546 = arith.constant 0 : i32
      %dma_start3A_547 = arith.constant 0 : i32
      %dma_start3A_548 = tpu.memref_slice %arg9[%run_scoped3A_11, %dma_start3A_546, %dma_start3A_547] : memref<5x72x128xf32, #tpu.memory_space<vmem>> -> memref<1x72x128xf32, #tpu.memory_space<vmem>>
      %dma_start3A_549 = tpu.memref_squeeze %dma_start3A_548 : memref<1x72x128xf32, #tpu.memory_space<vmem>> -> memref<72x128xf32, #tpu.memory_space<vmem>>
      tpu.enqueue_dma source(%dma_start3A_549 : memref<72x128xf32, #tpu.memory_space<vmem>>) target(%dma_start3A_545 : memref<72x128xf32, #tpu.memory_space<vmem_shared>>) target_semaphore(%run_scoped3A_537 : memref<!tpu.dma_semaphore, #tpu.memory_space<semaphore_mem>>)
      %dma_wait3A_550 = arith.constant 0 : i32
      %dma_wait3A_551 = arith.constant 0 : i32
      %dma_wait3A_552 = tpu.memref_slice %arg9[%run_scoped3A_11, %dma_wait3A_550, %dma_wait3A_551] : memref<5x72x128xf32, #tpu.memory_space<vmem>> -> memref<1x72x128xf32, #tpu.memory_space<vmem>>
      %dma_wait3A_553 = tpu.memref_squeeze %dma_wait3A_552 : memref<1x72x128xf32, #tpu.memory_space<vmem>> -> memref<72x128xf32, #tpu.memory_space<vmem>>
      %dma_wait3A_554 = arith.constant 0 : i32
      %dma_wait3A_555 = tpu.memref_slice %arg10[%add3A_10, %dma_wait3A_554] : memref<10112x128xf32, #tpu.memory_space<vmem_shared>> -> memref<72x128xf32, #tpu.memory_space<vmem_shared>>
      %dma_wait3A_556 = arith.constant 0 : i32
      %dma_wait3A_557 = tpu.memref_slice %arg10[%add3A_10, %dma_wait3A_556] : memref<10112x128xf32, #tpu.memory_space<vmem_shared>> -> memref<72x128xf32, #tpu.memory_space<vmem_shared>>
      %dma_wait3A_558 = arith.constant 0 : i32
      %dma_wait3A_559 = arith.constant 0 : i32
      %dma_wait3A_560 = tpu.memref_slice %arg9[%run_scoped3A_11, %dma_wait3A_558, %dma_wait3A_559] : memref<5x72x128xf32, #tpu.memory_space<vmem>> -> memref<1x72x128xf32, #tpu.memory_space<vmem>>
      %dma_wait3A_561 = tpu.memref_squeeze %dma_wait3A_560 : memref<1x72x128xf32, #tpu.memory_space<vmem>> -> memref<72x128xf32, #tpu.memory_space<vmem>>
      tpu.wait_dma2 semaphore(%run_scoped3A_537 : memref<!tpu.dma_semaphore, #tpu.memory_space<semaphore_mem>>) src(%dma_wait3A_561 : memref<72x128xf32, #tpu.memory_space<vmem>>) dst(%dma_wait3A_557 : memref<72x128xf32, #tpu.memory_space<vmem_shared>>)
      tpu.yield
    }) : () -> ()
    %add3A_12 = arith.constant 216 : i32
    %add3A_13 = arith.addi %mul3A_2, %add3A_12 : i32
    %run_scoped3A_14 = arith.constant 0 : i32
    "tpu.region"() ({
      %run_scoped3A_537 = tpu.sem_alloc : memref<!tpu.dma_semaphore, #tpu.memory_space<semaphore_mem>>
      %dma_start3A_538 = arith.constant 0 : i32
      %dma_start3A_539 = arith.constant 0 : i32
      %dma_start3A_540 = tpu.memref_slice %arg9[%run_scoped3A_14, %dma_start3A_538, %dma_start3A_539] : memref<5x72x128xf32, #tpu.memory_space<vmem>> -> memref<1x72x128xf32, #tpu.memory_space<vmem>>
      %dma_start3A_541 = tpu.memref_squeeze %dma_start3A_540 : memref<1x72x128xf32, #tpu.memory_space<vmem>> -> memref<72x128xf32, #tpu.memory_space<vmem>>
      %dma_start3A_542 = arith.constant 0 : i32
      %dma_start3A_543 = tpu.memref_slice %arg10[%add3A_13, %dma_start3A_542] : memref<10112x128xf32, #tpu.memory_space<vmem_shared>> -> memref<72x128xf32, #tpu.memory_space<vmem_shared>>
      %dma_start3A_544 = arith.constant 0 : i32
      %dma_start3A_545 = tpu.memref_slice %arg10[%add3A_13, %dma_start3A_544] : memref<10112x128xf32, #tpu.memory_space<vmem_shared>> -> memref<72x128xf32, #tpu.memory_space<vmem_shared>>
      %dma_start3A_546 = arith.constant 0 : i32
      %dma_start3A_547 = arith.constant 0 : i32
      %dma_start3A_548 = tpu.memref_slice %arg9[%run_scoped3A_14, %dma_start3A_546, %dma_start3A_547] : memref<5x72x128xf32, #tpu.memory_space<vmem>> -> memref<1x72x128xf32, #tpu.memory_space<vmem>>
      %dma_start3A_549 = tpu.memref_squeeze %dma_start3A_548 : memref<1x72x128xf32, #tpu.memory_space<vmem>> -> memref<72x128xf32, #tpu.memory_space<vmem>>
      tpu.enqueue_dma source(%dma_start3A_549 : memref<72x128xf32, #tpu.memory_space<vmem>>) target(%dma_start3A_545 : memref<72x128xf32, #tpu.memory_space<vmem_shared>>) target_semaphore(%run_scoped3A_537 : memref<!tpu.dma_semaphore, #tpu.memory_space<semaphore_mem>>)
      %dma_wait3A_550 = arith.constant 0 : i32
      %dma_wait3A_551 = arith.constant 0 : i32
      %dma_wait3A_552 = tpu.memref_slice %arg9[%run_scoped3A_14, %dma_wait3A_550, %dma_wait3A_551] : memref<5x72x128xf32, #tpu.memory_space<vmem>> -> memref<1x72x128xf32, #tpu.memory_space<vmem>>
      %dma_wait3A_553 = tpu.memref_squeeze %dma_wait3A_552 : memref<1x72x128xf32, #tpu.memory_space<vmem>> -> memref<72x128xf32, #tpu.memory_space<vmem>>
      %dma_wait3A_554 = arith.constant 0 : i32
      %dma_wait3A_555 = tpu.memref_slice %arg10[%add3A_13, %dma_wait3A_554] : memref<10112x128xf32, #tpu.memory_space<vmem_shared>> -> memref<72x128xf32, #tpu.memory_space<vmem_shared>>
      %dma_wait3A_556 = arith.constant 0 : i32
      %dma_wait3A_557 = tpu.memref_slice %arg10[%add3A_13, %dma_wait3A_556] : memref<10112x128xf32, #tpu.memory_space<vmem_shared>> -> memref<72x128xf32, #tpu.memory_space<vmem_shared>>
      %dma_wait3A_558 = arith.constant 0 : i32
      %dma_wait3A_559 = arith.constant 0 : i32
      %dma_wait3A_560 = tpu.memref_slice %arg9[%run_scoped3A_14, %dma_wait3A_558, %dma_wait3A_559] : memref<5x72x128xf32, #tpu.memory_space<vmem>> -> memref<1x72x128xf32, #tpu.memory_space<vmem>>
      %dma_wait3A_561 = tpu.memref_squeeze %dma_wait3A_560 : memref<1x72x128xf32, #tpu.memory_space<vmem>> -> memref<72x128xf32, #tpu.memory_space<vmem>>
      tpu.wait_dma2 semaphore(%run_scoped3A_537 : memref<!tpu.dma_semaphore, #tpu.memory_space<semaphore_mem>>) src(%dma_wait3A_561 : memref<72x128xf32, #tpu.memory_space<vmem>>) dst(%dma_wait3A_557 : memref<72x128xf32, #tpu.memory_space<vmem_shared>>)
      tpu.yield
    }) : () -> ()
    %add3A_15 = arith.constant 288 : i32
    %add3A_16 = arith.addi %mul3A_2, %add3A_15 : i32
    %run_scoped3A_17 = arith.constant 0 : i32
    "tpu.region"() ({
      %run_scoped3A_537 = tpu.sem_alloc : memref<!tpu.dma_semaphore, #tpu.memory_space<semaphore_mem>>
      %dma_start3A_538 = arith.constant 0 : i32
      %dma_start3A_539 = arith.constant 0 : i32
      %dma_start3A_540 = tpu.memref_slice %arg9[%run_scoped3A_17, %dma_start3A_538, %dma_start3A_539] : memref<5x72x128xf32, #tpu.memory_space<vmem>> -> memref<1x72x128xf32, #tpu.memory_space<vmem>>
      %dma_start3A_541 = tpu.memref_squeeze %dma_start3A_540 : memref<1x72x128xf32, #tpu.memory_space<vmem>> -> memref<72x128xf32, #tpu.memory_space<vmem>>
      %dma_start3A_542 = arith.constant 0 : i32
      %dma_start3A_543 = tpu.memref_slice %arg10[%add3A_16, %dma_start3A_542] : memref<10112x128xf32, #tpu.memory_space<vmem_shared>> -> memref<72x128xf32, #tpu.memory_space<vmem_shared>>
      %dma_start3A_544 = arith.constant 0 : i32
      %dma_start3A_545 = tpu.memref_slice %arg10[%add3A_16, %dma_start3A_544] : memref<10112x128xf32, #tpu.memory_space<vmem_shared>> -> memref<72x128xf32, #tpu.memory_space<vmem_shared>>
      %dma_start3A_546 = arith.constant 0 : i32
      %dma_start3A_547 = arith.constant 0 : i32
      %dma_start3A_548 = tpu.memref_slice %arg9[%run_scoped3A_17, %dma_start3A_546, %dma_start3A_547] : memref<5x72x128xf32, #tpu.memory_space<vmem>> -> memref<1x72x128xf32, #tpu.memory_space<vmem>>
      %dma_start3A_549 = tpu.memref_squeeze %dma_start3A_548 : memref<1x72x128xf32, #tpu.memory_space<vmem>> -> memref<72x128xf32, #tpu.memory_space<vmem>>
      tpu.enqueue_dma source(%dma_start3A_549 : memref<72x128xf32, #tpu.memory_space<vmem>>) target(%dma_start3A_545 : memref<72x128xf32, #tpu.memory_space<vmem_shared>>) target_semaphore(%run_scoped3A_537 : memref<!tpu.dma_semaphore, #tpu.memory_space<semaphore_mem>>)
      %dma_wait3A_550 = arith.constant 0 : i32
      %dma_wait3A_551 = arith.constant 0 : i32
      %dma_wait3A_552 = tpu.memref_slice %arg9[%run_scoped3A_17, %dma_wait3A_550, %dma_wait3A_551] : memref<5x72x128xf32, #tpu.memory_space<vmem>> -> memref<1x72x128xf32, #tpu.memory_space<vmem>>
      %dma_wait3A_553 = tpu.memref_squeeze %dma_wait3A_552 : memref<1x72x128xf32, #tpu.memory_space<vmem>> -> memref<72x128xf32, #tpu.memory_space<vmem>>
      %dma_wait3A_554 = arith.constant 0 : i32
      %dma_wait3A_555 = tpu.memref_slice %arg10[%add3A_16, %dma_wait3A_554] : memref<10112x128xf32, #tpu.memory_space<vmem_shared>> -> memref<72x128xf32, #tpu.memory_space<vmem_shared>>
      %dma_wait3A_556 = arith.constant 0 : i32
      %dma_wait3A_557 = tpu.memref_slice %arg10[%add3A_16, %dma_wait3A_556] : memref<10112x128xf32, #tpu.memory_space<vmem_shared>> -> memref<72x128xf32, #tpu.memory_space<vmem_shared>>
      %dma_wait3A_558 = arith.constant 0 : i32
      %dma_wait3A_559 = arith.constant 0 : i32
      %dma_wait3A_560 = tpu.memref_slice %arg9[%run_scoped3A_17, %dma_wait3A_558, %dma_wait3A_559] : memref<5x72x128xf32, #tpu.memory_space<vmem>> -> memref<1x72x128xf32, #tpu.memory_space<vmem>>
      %dma_wait3A_561 = tpu.memref_squeeze %dma_wait3A_560 : memref<1x72x128xf32, #tpu.memory_space<vmem>> -> memref<72x128xf32, #tpu.memory_space<vmem>>
      tpu.wait_dma2 semaphore(%run_scoped3A_537 : memref<!tpu.dma_semaphore, #tpu.memory_space<semaphore_mem>>) src(%dma_wait3A_561 : memref<72x128xf32, #tpu.memory_space<vmem>>) dst(%dma_wait3A_557 : memref<72x128xf32, #tpu.memory_space<vmem_shared>>)
      tpu.yield
    }) : () -> ()
    %add3A_18 = arith.constant 360 : i32
    %add3A_19 = arith.addi %mul3A_2, %add3A_18 : i32
    %run_scoped3A_20 = arith.constant 0 : i32
    "tpu.region"() ({
      %run_scoped3A_537 = tpu.sem_alloc : memref<!tpu.dma_semaphore, #tpu.memory_space<semaphore_mem>>
      %dma_start3A_538 = arith.constant 0 : i32
      %dma_start3A_539 = arith.constant 0 : i32
      %dma_start3A_540 = tpu.memref_slice %arg9[%run_scoped3A_20, %dma_start3A_538, %dma_start3A_539] : memref<5x72x128xf32, #tpu.memory_space<vmem>> -> memref<1x72x128xf32, #tpu.memory_space<vmem>>
      %dma_start3A_541 = tpu.memref_squeeze %dma_start3A_540 : memref<1x72x128xf32, #tpu.memory_space<vmem>> -> memref<72x128xf32, #tpu.memory_space<vmem>>
      %dma_start3A_542 = arith.constant 0 : i32
      %dma_start3A_543 = tpu.memref_slice %arg10[%add3A_19, %dma_start3A_542] : memref<10112x128xf32, #tpu.memory_space<vmem_shared>> -> memref<72x128xf32, #tpu.memory_space<vmem_shared>>
      %dma_start3A_544 = arith.constant 0 : i32
      %dma_start3A_545 = tpu.memref_slice %arg10[%add3A_19, %dma_start3A_544] : memref<10112x128xf32, #tpu.memory_space<vmem_shared>> -> memref<72x128xf32, #tpu.memory_space<vmem_shared>>
      %dma_start3A_546 = arith.constant 0 : i32
      %dma_start3A_547 = arith.constant 0 : i32
      %dma_start3A_548 = tpu.memref_slice %arg9[%run_scoped3A_20, %dma_start3A_546, %dma_start3A_547] : memref<5x72x128xf32, #tpu.memory_space<vmem>> -> memref<1x72x128xf32, #tpu.memory_space<vmem>>
      %dma_start3A_549 = tpu.memref_squeeze %dma_start3A_548 : memref<1x72x128xf32, #tpu.memory_space<vmem>> -> memref<72x128xf32, #tpu.memory_space<vmem>>
      tpu.enqueue_dma source(%dma_start3A_549 : memref<72x128xf32, #tpu.memory_space<vmem>>) target(%dma_start3A_545 : memref<72x128xf32, #tpu.memory_space<vmem_shared>>) target_semaphore(%run_scoped3A_537 : memref<!tpu.dma_semaphore, #tpu.memory_space<semaphore_mem>>)
      %dma_wait3A_550 = arith.constant 0 : i32
      %dma_wait3A_551 = arith.constant 0 : i32
      %dma_wait3A_552 = tpu.memref_slice %arg9[%run_scoped3A_20, %dma_wait3A_550, %dma_wait3A_551] : memref<5x72x128xf32, #tpu.memory_space<vmem>> -> memref<1x72x128xf32, #tpu.memory_space<vmem>>
      %dma_wait3A_553 = tpu.memref_squeeze %dma_wait3A_552 : memref<1x72x128xf32, #tpu.memory_space<vmem>> -> memref<72x128xf32, #tpu.memory_space<vmem>>
      %dma_wait3A_554 = arith.constant 0 : i32
      %dma_wait3A_555 = tpu.memref_slice %arg10[%add3A_19, %dma_wait3A_554] : memref<10112x128xf32, #tpu.memory_space<vmem_shared>> -> memref<72x128xf32, #tpu.memory_space<vmem_shared>>
      %dma_wait3A_556 = arith.constant 0 : i32
      %dma_wait3A_557 = tpu.memref_slice %arg10[%add3A_19, %dma_wait3A_556] : memref<10112x128xf32, #tpu.memory_space<vmem_shared>> -> memref<72x128xf32, #tpu.memory_space<vmem_shared>>
      %dma_wait3A_558 = arith.constant 0 : i32
      %dma_wait3A_559 = arith.constant 0 : i32
      %dma_wait3A_560 = tpu.memref_slice %arg9[%run_scoped3A_20, %dma_wait3A_558, %dma_wait3A_559] : memref<5x72x128xf32, #tpu.memory_space<vmem>> -> memref<1x72x128xf32, #tpu.memory_space<vmem>>
      %dma_wait3A_561 = tpu.memref_squeeze %dma_wait3A_560 : memref<1x72x128xf32, #tpu.memory_space<vmem>> -> memref<72x128xf32, #tpu.memory_space<vmem>>
      tpu.wait_dma2 semaphore(%run_scoped3A_537 : memref<!tpu.dma_semaphore, #tpu.memory_space<semaphore_mem>>) src(%dma_wait3A_561 : memref<72x128xf32, #tpu.memory_space<vmem>>) dst(%dma_wait3A_557 : memref<72x128xf32, #tpu.memory_space<vmem_shared>>)
      tpu.yield
    }) : () -> ()
    %add3A_21 = arith.constant 432 : i32
    %add3A_22 = arith.addi %mul3A_2, %add3A_21 : i32
    %run_scoped3A_23 = arith.constant 0 : i32
    "tpu.region"() ({
      %run_scoped3A_537 = tpu.sem_alloc : memref<!tpu.dma_semaphore, #tpu.memory_space<semaphore_mem>>
      %dma_start3A_538 = arith.constant 0 : i32
      %dma_start3A_539 = arith.constant 0 : i32
      %dma_start3A_540 = tpu.memref_slice %arg9[%run_scoped3A_23, %dma_start3A_538, %dma_start3A_539] : memref<5x72x128xf32, #tpu.memory_space<vmem>> -> memref<1x72x128xf32, #tpu.memory_space<vmem>>
      %dma_start3A_541 = tpu.memref_squeeze %dma_start3A_540 : memref<1x72x128xf32, #tpu.memory_space<vmem>> -> memref<72x128xf32, #tpu.memory_space<vmem>>
      %dma_start3A_542 = arith.constant 0 : i32
      %dma_start3A_543 = tpu.memref_slice %arg10[%add3A_22, %dma_start3A_542] : memref<10112x128xf32, #tpu.memory_space<vmem_shared>> -> memref<72x128xf32, #tpu.memory_space<vmem_shared>>
      %dma_start3A_544 = arith.constant 0 : i32
      %dma_start3A_545 = tpu.memref_slice %arg10[%add3A_22, %dma_start3A_544] : memref<10112x128xf32, #tpu.memory_space<vmem_shared>> -> memref<72x128xf32, #tpu.memory_space<vmem_shared>>
      %dma_start3A_546 = arith.constant 0 : i32
      %dma_start3A_547 = arith.constant 0 : i32
      %dma_start3A_548 = tpu.memref_slice %arg9[%run_scoped3A_23, %dma_start3A_546, %dma_start3A_547] : memref<5x72x128xf32, #tpu.memory_space<vmem>> -> memref<1x72x128xf32, #tpu.memory_space<vmem>>
      %dma_start3A_549 = tpu.memref_squeeze %dma_start3A_548 : memref<1x72x128xf32, #tpu.memory_space<vmem>> -> memref<72x128xf32, #tpu.memory_space<vmem>>
      tpu.enqueue_dma source(%dma_start3A_549 : memref<72x128xf32, #tpu.memory_space<vmem>>) target(%dma_start3A_545 : memref<72x128xf32, #tpu.memory_space<vmem_shared>>) target_semaphore(%run_scoped3A_537 : memref<!tpu.dma_semaphore, #tpu.memory_space<semaphore_mem>>)
      %dma_wait3A_550 = arith.constant 0 : i32
      %dma_wait3A_551 = arith.constant 0 : i32
      %dma_wait3A_552 = tpu.memref_slice %arg9[%run_scoped3A_23, %dma_wait3A_550, %dma_wait3A_551] : memref<5x72x128xf32, #tpu.memory_space<vmem>> -> memref<1x72x128xf32, #tpu.memory_space<vmem>>
      %dma_wait3A_553 = tpu.memref_squeeze %dma_wait3A_552 : memref<1x72x128xf32, #tpu.memory_space<vmem>> -> memref<72x128xf32, #tpu.memory_space<vmem>>
      %dma_wait3A_554 = arith.constant 0 : i32
      %dma_wait3A_555 = tpu.memref_slice %arg10[%add3A_22, %dma_wait3A_554] : memref<10112x128xf32, #tpu.memory_space<vmem_shared>> -> memref<72x128xf32, #tpu.memory_space<vmem_shared>>
      %dma_wait3A_556 = arith.constant 0 : i32
      %dma_wait3A_557 = tpu.memref_slice %arg10[%add3A_22, %dma_wait3A_556] : memref<10112x128xf32, #tpu.memory_space<vmem_shared>> -> memref<72x128xf32, #tpu.memory_space<vmem_shared>>
      %dma_wait3A_558 = arith.constant 0 : i32
      %dma_wait3A_559 = arith.constant 0 : i32
      %dma_wait3A_560 = tpu.memref_slice %arg9[%run_scoped3A_23, %dma_wait3A_558, %dma_wait3A_559] : memref<5x72x128xf32, #tpu.memory_space<vmem>> -> memref<1x72x128xf32, #tpu.memory_space<vmem>>
      %dma_wait3A_561 = tpu.memref_squeeze %dma_wait3A_560 : memref<1x72x128xf32, #tpu.memory_space<vmem>> -> memref<72x128xf32, #tpu.memory_space<vmem>>
      tpu.wait_dma2 semaphore(%run_scoped3A_537 : memref<!tpu.dma_semaphore, #tpu.memory_space<semaphore_mem>>) src(%dma_wait3A_561 : memref<72x128xf32, #tpu.memory_space<vmem>>) dst(%dma_wait3A_557 : memref<72x128xf32, #tpu.memory_space<vmem_shared>>)
      tpu.yield
    }) : () -> ()
    %add3A_24 = arith.constant 504 : i32
    %add3A_25 = arith.addi %mul3A_2, %add3A_24 : i32
    %run_scoped3A_26 = arith.constant 0 : i32
    "tpu.region"() ({
      %run_scoped3A_537 = tpu.sem_alloc : memref<!tpu.dma_semaphore, #tpu.memory_space<semaphore_mem>>
      %dma_start3A_538 = arith.constant 0 : i32
      %dma_start3A_539 = arith.constant 0 : i32
      %dma_start3A_540 = tpu.memref_slice %arg9[%run_scoped3A_26, %dma_start3A_538, %dma_start3A_539] : memref<5x72x128xf32, #tpu.memory_space<vmem>> -> memref<1x72x128xf32, #tpu.memory_space<vmem>>
      %dma_start3A_541 = tpu.memref_squeeze %dma_start3A_540 : memref<1x72x128xf32, #tpu.memory_space<vmem>> -> memref<72x128xf32, #tpu.memory_space<vmem>>
      %dma_start3A_542 = arith.constant 0 : i32
      %dma_start3A_543 = tpu.memref_slice %arg10[%add3A_25, %dma_start3A_542] : memref<10112x128xf32, #tpu.memory_space<vmem_shared>> -> memref<72x128xf32, #tpu.memory_space<vmem_shared>>
      %dma_start3A_544 = arith.constant 0 : i32
      %dma_start3A_545 = tpu.memref_slice %arg10[%add3A_25, %dma_start3A_544] : memref<10112x128xf32, #tpu.memory_space<vmem_shared>> -> memref<72x128xf32, #tpu.memory_space<vmem_shared>>
      %dma_start3A_546 = arith.constant 0 : i32
      %dma_start3A_547 = arith.constant 0 : i32
      %dma_start3A_548 = tpu.memref_slice %arg9[%run_scoped3A_26, %dma_start3A_546, %dma_start3A_547] : memref<5x72x128xf32, #tpu.memory_space<vmem>> -> memref<1x72x128xf32, #tpu.memory_space<vmem>>
      %dma_start3A_549 = tpu.memref_squeeze %dma_start3A_548 : memref<1x72x128xf32, #tpu.memory_space<vmem>> -> memref<72x128xf32, #tpu.memory_space<vmem>>
      tpu.enqueue_dma source(%dma_start3A_549 : memref<72x128xf32, #tpu.memory_space<vmem>>) target(%dma_start3A_545 : memref<72x128xf32, #tpu.memory_space<vmem_shared>>) target_semaphore(%run_scoped3A_537 : memref<!tpu.dma_semaphore, #tpu.memory_space<semaphore_mem>>)
      %dma_wait3A_550 = arith.constant 0 : i32
      %dma_wait3A_551 = arith.constant 0 : i32
      %dma_wait3A_552 = tpu.memref_slice %arg9[%run_scoped3A_26, %dma_wait3A_550, %dma_wait3A_551] : memref<5x72x128xf32, #tpu.memory_space<vmem>> -> memref<1x72x128xf32, #tpu.memory_space<vmem>>
      %dma_wait3A_553 = tpu.memref_squeeze %dma_wait3A_552 : memref<1x72x128xf32, #tpu.memory_space<vmem>> -> memref<72x128xf32, #tpu.memory_space<vmem>>
      %dma_wait3A_554 = arith.constant 0 : i32
      %dma_wait3A_555 = tpu.memref_slice %arg10[%add3A_25, %dma_wait3A_554] : memref<10112x128xf32, #tpu.memory_space<vmem_shared>> -> memref<72x128xf32, #tpu.memory_space<vmem_shared>>
      %dma_wait3A_556 = arith.constant 0 : i32
      %dma_wait3A_557 = tpu.memref_slice %arg10[%add3A_25, %dma_wait3A_556] : memref<10112x128xf32, #tpu.memory_space<vmem_shared>> -> memref<72x128xf32, #tpu.memory_space<vmem_shared>>
      %dma_wait3A_558 = arith.constant 0 : i32
      %dma_wait3A_559 = arith.constant 0 : i32
      %dma_wait3A_560 = tpu.memref_slice %arg9[%run_scoped3A_26, %dma_wait3A_558, %dma_wait3A_559] : memref<5x72x128xf32, #tpu.memory_space<vmem>> -> memref<1x72x128xf32, #tpu.memory_space<vmem>>
      %dma_wait3A_561 = tpu.memref_squeeze %dma_wait3A_560 : memref<1x72x128xf32, #tpu.memory_space<vmem>> -> memref<72x128xf32, #tpu.memory_space<vmem>>
      tpu.wait_dma2 semaphore(%run_scoped3A_537 : memref<!tpu.dma_semaphore, #tpu.memory_space<semaphore_mem>>) src(%dma_wait3A_561 : memref<72x128xf32, #tpu.memory_space<vmem>>) dst(%dma_wait3A_557 : memref<72x128xf32, #tpu.memory_space<vmem_shared>>)
      tpu.yield
    }) : () -> ()
    %add3A_27 = arith.constant 576 : i32
    %add3A_28 = arith.addi %mul3A_2, %add3A_27 : i32
    %run_scoped3A_29 = arith.constant 0 : i32
    "tpu.region"() ({
      %run_scoped3A_537 = tpu.sem_alloc : memref<!tpu.dma_semaphore, #tpu.memory_space<semaphore_mem>>
      %dma_start3A_538 = arith.constant 0 : i32
      %dma_start3A_539 = arith.constant 0 : i32
      %dma_start3A_540 = tpu.memref_slice %arg9[%run_scoped3A_29, %dma_start3A_538, %dma_start3A_539] : memref<5x72x128xf32, #tpu.memory_space<vmem>> -> memref<1x72x128xf32, #tpu.memory_space<vmem>>
      %dma_start3A_541 = tpu.memref_squeeze %dma_start3A_540 : memref<1x72x128xf32, #tpu.memory_space<vmem>> -> memref<72x128xf32, #tpu.memory_space<vmem>>
      %dma_start3A_542 = arith.constant 0 : i32
      %dma_start3A_543 = arith.constant 0 : i32
      %dma_start3A_544 = tpu.memref_slice %dma_start3A_541[%dma_start3A_542, %dma_start3A_543] : memref<72x128xf32, #tpu.memory_space<vmem>> -> memref<56x128xf32, #tpu.memory_space<vmem>>
      %dma_start3A_545 = arith.constant 0 : i32
      %dma_start3A_546 = tpu.memref_slice %arg10[%add3A_28, %dma_start3A_545] : memref<10112x128xf32, #tpu.memory_space<vmem_shared>> -> memref<56x128xf32, #tpu.memory_space<vmem_shared>>
      %dma_start3A_547 = arith.constant 0 : i32
      %dma_start3A_548 = tpu.memref_slice %arg10[%add3A_28, %dma_start3A_547] : memref<10112x128xf32, #tpu.memory_space<vmem_shared>> -> memref<56x128xf32, #tpu.memory_space<vmem_shared>>
      %dma_start3A_549 = arith.constant 0 : i32
      %dma_start3A_550 = arith.constant 0 : i32
      %dma_start3A_551 = tpu.memref_slice %arg9[%run_scoped3A_29, %dma_start3A_549, %dma_start3A_550] : memref<5x72x128xf32, #tpu.memory_space<vmem>> -> memref<1x72x128xf32, #tpu.memory_space<vmem>>
      %dma_start3A_552 = tpu.memref_squeeze %dma_start3A_551 : memref<1x72x128xf32, #tpu.memory_space<vmem>> -> memref<72x128xf32, #tpu.memory_space<vmem>>
      %dma_start3A_553 = arith.constant 0 : i32
      %dma_start3A_554 = arith.constant 0 : i32
      %dma_start3A_555 = tpu.memref_slice %dma_start3A_552[%dma_start3A_553, %dma_start3A_554] : memref<72x128xf32, #tpu.memory_space<vmem>> -> memref<56x128xf32, #tpu.memory_space<vmem>>
      tpu.enqueue_dma source(%dma_start3A_555 : memref<56x128xf32, #tpu.memory_space<vmem>>) target(%dma_start3A_548 : memref<56x128xf32, #tpu.memory_space<vmem_shared>>) target_semaphore(%run_scoped3A_537 : memref<!tpu.dma_semaphore, #tpu.memory_space<semaphore_mem>>)
      %dma_wait3A_556 = arith.constant 0 : i32
      %dma_wait3A_557 = arith.constant 0 : i32
      %dma_wait3A_558 = tpu.memref_slice %arg9[%run_scoped3A_29, %dma_wait3A_556, %dma_wait3A_557] : memref<5x72x128xf32, #tpu.memory_space<vmem>> -> memref<1x72x128xf32, #tpu.memory_space<vmem>>
      %dma_wait3A_559 = tpu.memref_squeeze %dma_wait3A_558 : memref<1x72x128xf32, #tpu.memory_space<vmem>> -> memref<72x128xf32, #tpu.memory_space<vmem>>
      %dma_wait3A_560 = arith.constant 0 : i32
      %dma_wait3A_561 = arith.constant 0 : i32
      %dma_wait3A_562 = tpu.memref_slice %dma_wait3A_559[%dma_wait3A_560, %dma_wait3A_561] : memref<72x128xf32, #tpu.memory_space<vmem>> -> memref<56x128xf32, #tpu.memory_space<vmem>>
      %dma_wait3A_563 = arith.constant 0 : i32
      %dma_wait3A_564 = tpu.memref_slice %arg10[%add3A_28, %dma_wait3A_563] : memref<10112x128xf32, #tpu.memory_space<vmem_shared>> -> memref<56x128xf32, #tpu.memory_space<vmem_shared>>
      %dma_wait3A_565 = arith.constant 0 : i32
      %dma_wait3A_566 = tpu.memref_slice %arg10[%add3A_28, %dma_wait3A_565] : memref<10112x128xf32, #tpu.memory_space<vmem_shared>> -> memref<56x128xf32, #tpu.memory_space<vmem_shared>>
      %dma_wait3A_567 = arith.constant 0 : i32
      %dma_wait3A_568 = arith.constant 0 : i32
      %dma_wait3A_569 = tpu.memref_slice %arg9[%run_scoped3A_29, %dma_wait3A_567, %dma_wait3A_568] : memref<5x72x128xf32, #tpu.memory_space<vmem>> -> memref<1x72x128xf32, #tpu.memory_space<vmem>>
      %dma_wait3A_570 = tpu.memref_squeeze %dma_wait3A_569 : memref<1x72x128xf32, #tpu.memory_space<vmem>> -> memref<72x128xf32, #tpu.memory_space<vmem>>
      %dma_wait3A_571 = arith.constant 0 : i32
      %dma_wait3A_572 = arith.constant 0 : i32
      %dma_wait3A_573 = tpu.memref_slice %dma_wait3A_570[%dma_wait3A_571, %dma_wait3A_572] : memref<72x128xf32, #tpu.memory_space<vmem>> -> memref<56x128xf32, #tpu.memory_space<vmem>>
      tpu.wait_dma2 semaphore(%run_scoped3A_537 : memref<!tpu.dma_semaphore, #tpu.memory_space<semaphore_mem>>) src(%dma_wait3A_573 : memref<56x128xf32, #tpu.memory_space<vmem>>) dst(%dma_wait3A_566 : memref<56x128xf32, #tpu.memory_space<vmem_shared>>)
      tpu.yield
    }) : () -> ()
    %barrier3A = arith.constant 0 : index
    tpu.barrier barrier_id(%barrier3A)
    %dma_start3A = arith.constant 0 : i32
    %dma_start3A_30 = arith.constant 0 : i32
    %dma_start3A_31 = arith.constant 0 : i32
    %dma_start3A_32 = tpu.memref_slice %arg7[%dma_start3A_30, %dma_start3A_31] : memref<8x72xi32, #tpu.memory_space<vmem>> -> memref<1x72xi32, #tpu.memory_space<vmem>>
    %dma_start3A_33 = tpu.memref_squeeze %dma_start3A_32 : memref<1x72xi32, #tpu.memory_space<vmem>> -> memref<72xi32, #tpu.memory_space<vmem>>
    %dma_start3A_34 = arith.constant 0 : i32
    %dma_start3A_35 = arith.constant 0 : i32
    %dma_start3A_36 = tpu.memref_slice %arg3[%add3A, %dma_start3A_34, %dma_start3A_35] : memref<32x139x72xi32, #tpu.memory_space<hbm>> -> memref<1x139x72xi32, #tpu.memory_space<hbm>>
    %dma_start3A_37 = tpu.memref_squeeze %dma_start3A_36 : memref<1x139x72xi32, #tpu.memory_space<hbm>> -> memref<139x72xi32, #tpu.memory_space<hbm>>
    %dma_start3A_38 = arith.constant 0 : i32
    %dma_start3A_39 = tpu.memref_slice %dma_start3A_37[%dma_start3A, %dma_start3A_38] : memref<139x72xi32, #tpu.memory_space<hbm>> -> memref<1x72xi32, #tpu.memory_space<hbm>>
    %dma_start3A_40 = tpu.memref_squeeze %dma_start3A_39 : memref<1x72xi32, #tpu.memory_space<hbm>> -> memref<72xi32, #tpu.memory_space<hbm>>
    %dma_start3A_41 = arith.constant 0 : i32
    %dma_start3A_42 = tpu.memref_slice %arg7[%dma_start3A_30, %dma_start3A_41] : memref<8x72xi32, #tpu.memory_space<vmem>> -> memref<1x72xi32, #tpu.memory_space<vmem>>
    %dma_start3A_43 = tpu.memref_squeeze %dma_start3A_42 : memref<1x72xi32, #tpu.memory_space<vmem>> -> memref<72xi32, #tpu.memory_space<vmem>>
    %dma_start3A_44 = arith.constant 0 : i32
    %dma_start3A_45 = arith.constant 0 : i32
    %dma_start3A_46 = tpu.memref_slice %arg3[%add3A, %dma_start3A_44, %dma_start3A_45] : memref<32x139x72xi32, #tpu.memory_space<hbm>> -> memref<1x139x72xi32, #tpu.memory_space<hbm>>
    %dma_start3A_47 = tpu.memref_squeeze %dma_start3A_46 : memref<1x139x72xi32, #tpu.memory_space<hbm>> -> memref<139x72xi32, #tpu.memory_space<hbm>>
    %dma_start3A_48 = arith.constant 0 : i32
    %dma_start3A_49 = tpu.memref_slice %dma_start3A_47[%dma_start3A, %dma_start3A_48] : memref<139x72xi32, #tpu.memory_space<hbm>> -> memref<1x72xi32, #tpu.memory_space<hbm>>
    %dma_start3A_50 = tpu.memref_squeeze %dma_start3A_49 : memref<1x72xi32, #tpu.memory_space<hbm>> -> memref<72xi32, #tpu.memory_space<hbm>>
    tpu.enqueue_dma source(%dma_start3A_50 : memref<72xi32, #tpu.memory_space<hbm>>) target(%dma_start3A_43 : memref<72xi32, #tpu.memory_space<vmem>>) target_semaphore(%arg11 : memref<!tpu.dma_semaphore, #tpu.memory_space<semaphore_mem>>)
    %dma_start3A_51 = arith.constant 0 : i32
    %dma_start3A_52 = arith.constant 0 : i32
    %dma_start3A_53 = arith.constant 0 : i32
    %dma_start3A_54 = tpu.memref_slice %arg8[%dma_start3A_52, %dma_start3A_53] : memref<8x72xi32, #tpu.memory_space<vmem>> -> memref<1x72xi32, #tpu.memory_space<vmem>>
    %dma_start3A_55 = tpu.memref_squeeze %dma_start3A_54 : memref<1x72xi32, #tpu.memory_space<vmem>> -> memref<72xi32, #tpu.memory_space<vmem>>
    %dma_start3A_56 = arith.constant 0 : i32
    %dma_start3A_57 = arith.constant 0 : i32
    %dma_start3A_58 = tpu.memref_slice %arg4[%add3A, %dma_start3A_56, %dma_start3A_57] : memref<32x139x72xi32, #tpu.memory_space<hbm>> -> memref<1x139x72xi32, #tpu.memory_space<hbm>>
    %dma_start3A_59 = tpu.memref_squeeze %dma_start3A_58 : memref<1x139x72xi32, #tpu.memory_space<hbm>> -> memref<139x72xi32, #tpu.memory_space<hbm>>
    %dma_start3A_60 = arith.constant 0 : i32
    %dma_start3A_61 = tpu.memref_slice %dma_start3A_59[%dma_start3A_51, %dma_start3A_60] : memref<139x72xi32, #tpu.memory_space<hbm>> -> memref<1x72xi32, #tpu.memory_space<hbm>>
    %dma_start3A_62 = tpu.memref_squeeze %dma_start3A_61 : memref<1x72xi32, #tpu.memory_space<hbm>> -> memref<72xi32, #tpu.memory_space<hbm>>
    %dma_start3A_63 = arith.constant 0 : i32
    %dma_start3A_64 = tpu.memref_slice %arg8[%dma_start3A_52, %dma_start3A_63] : memref<8x72xi32, #tpu.memory_space<vmem>> -> memref<1x72xi32, #tpu.memory_space<vmem>>
    %dma_start3A_65 = tpu.memref_squeeze %dma_start3A_64 : memref<1x72xi32, #tpu.memory_space<vmem>> -> memref<72xi32, #tpu.memory_space<vmem>>
    %dma_start3A_66 = arith.constant 0 : i32
    %dma_start3A_67 = arith.constant 0 : i32
    %dma_start3A_68 = tpu.memref_slice %arg4[%add3A, %dma_start3A_66, %dma_start3A_67] : memref<32x139x72xi32, #tpu.memory_space<hbm>> -> memref<1x139x72xi32, #tpu.memory_space<hbm>>
    %dma_start3A_69 = tpu.memref_squeeze %dma_start3A_68 : memref<1x139x72xi32, #tpu.memory_space<hbm>> -> memref<139x72xi32, #tpu.memory_space<hbm>>
    %dma_start3A_70 = arith.constant 0 : i32
    %dma_start3A_71 = tpu.memref_slice %dma_start3A_69[%dma_start3A_51, %dma_start3A_70] : memref<139x72xi32, #tpu.memory_space<hbm>> -> memref<1x72xi32, #tpu.memory_space<hbm>>
    %dma_start3A_72 = tpu.memref_squeeze %dma_start3A_71 : memref<1x72xi32, #tpu.memory_space<hbm>> -> memref<72xi32, #tpu.memory_space<hbm>>
    tpu.enqueue_dma source(%dma_start3A_72 : memref<72xi32, #tpu.memory_space<hbm>>) target(%dma_start3A_65 : memref<72xi32, #tpu.memory_space<vmem>>) target_semaphore(%arg11 : memref<!tpu.dma_semaphore, #tpu.memory_space<semaphore_mem>>)
    %dma_start3A_73 = arith.constant 1 : i32
    %dma_start3A_74 = arith.constant 1 : i32
    %dma_start3A_75 = arith.constant 0 : i32
    %dma_start3A_76 = tpu.memref_slice %arg7[%dma_start3A_74, %dma_start3A_75] : memref<8x72xi32, #tpu.memory_space<vmem>> -> memref<1x72xi32, #tpu.memory_space<vmem>>
    %dma_start3A_77 = tpu.memref_squeeze %dma_start3A_76 : memref<1x72xi32, #tpu.memory_space<vmem>> -> memref<72xi32, #tpu.memory_space<vmem>>
    %dma_start3A_78 = arith.constant 0 : i32
    %dma_start3A_79 = arith.constant 0 : i32
    %dma_start3A_80 = tpu.memref_slice %arg3[%add3A, %dma_start3A_78, %dma_start3A_79] : memref<32x139x72xi32, #tpu.memory_space<hbm>> -> memref<1x139x72xi32, #tpu.memory_space<hbm>>
    %dma_start3A_81 = tpu.memref_squeeze %dma_start3A_80 : memref<1x139x72xi32, #tpu.memory_space<hbm>> -> memref<139x72xi32, #tpu.memory_space<hbm>>
    %dma_start3A_82 = arith.constant 0 : i32
    %dma_start3A_83 = tpu.memref_slice %dma_start3A_81[%dma_start3A_73, %dma_start3A_82] : memref<139x72xi32, #tpu.memory_space<hbm>> -> memref<1x72xi32, #tpu.memory_space<hbm>>
    %dma_start3A_84 = tpu.memref_squeeze %dma_start3A_83 : memref<1x72xi32, #tpu.memory_space<hbm>> -> memref<72xi32, #tpu.memory_space<hbm>>
    %dma_start3A_85 = arith.constant 0 : i32
    %dma_start3A_86 = tpu.memref_slice %arg7[%dma_start3A_74, %dma_start3A_85] : memref<8x72xi32, #tpu.memory_space<vmem>> -> memref<1x72xi32, #tpu.memory_space<vmem>>
    %dma_start3A_87 = tpu.memref_squeeze %dma_start3A_86 : memref<1x72xi32, #tpu.memory_space<vmem>> -> memref<72xi32, #tpu.memory_space<vmem>>
    %dma_start3A_88 = arith.constant 0 : i32
    %dma_start3A_89 = arith.constant 0 : i32
    %dma_start3A_90 = tpu.memref_slice %arg3[%add3A, %dma_start3A_88, %dma_start3A_89] : memref<32x139x72xi32, #tpu.memory_space<hbm>> -> memref<1x139x72xi32, #tpu.memory_space<hbm>>
    %dma_start3A_91 = tpu.memref_squeeze %dma_start3A_90 : memref<1x139x72xi32, #tpu.memory_space<hbm>> -> memref<139x72xi32, #tpu.memory_space<hbm>>
    %dma_start3A_92 = arith.constant 0 : i32
    %dma_start3A_93 = tpu.memref_slice %dma_start3A_91[%dma_start3A_73, %dma_start3A_92] : memref<139x72xi32, #tpu.memory_space<hbm>> -> memref<1x72xi32, #tpu.memory_space<hbm>>
    %dma_start3A_94 = tpu.memref_squeeze %dma_start3A_93 : memref<1x72xi32, #tpu.memory_space<hbm>> -> memref<72xi32, #tpu.memory_space<hbm>>
    tpu.enqueue_dma source(%dma_start3A_94 : memref<72xi32, #tpu.memory_space<hbm>>) target(%dma_start3A_87 : memref<72xi32, #tpu.memory_space<vmem>>) target_semaphore(%arg11 : memref<!tpu.dma_semaphore, #tpu.memory_space<semaphore_mem>>)
    %dma_start3A_95 = arith.constant 1 : i32
    %dma_start3A_96 = arith.constant 1 : i32
    %dma_start3A_97 = arith.constant 0 : i32
    %dma_start3A_98 = tpu.memref_slice %arg8[%dma_start3A_96, %dma_start3A_97] : memref<8x72xi32, #tpu.memory_space<vmem>> -> memref<1x72xi32, #tpu.memory_space<vmem>>
    %dma_start3A_99 = tpu.memref_squeeze %dma_start3A_98 : memref<1x72xi32, #tpu.memory_space<vmem>> -> memref<72xi32, #tpu.memory_space<vmem>>
    %dma_start3A_100 = arith.constant 0 : i32
    %dma_start3A_101 = arith.constant 0 : i32
    %dma_start3A_102 = tpu.memref_slice %arg4[%add3A, %dma_start3A_100, %dma_start3A_101] : memref<32x139x72xi32, #tpu.memory_space<hbm>> -> memref<1x139x72xi32, #tpu.memory_space<hbm>>
    %dma_start3A_103 = tpu.memref_squeeze %dma_start3A_102 : memref<1x139x72xi32, #tpu.memory_space<hbm>> -> memref<139x72xi32, #tpu.memory_space<hbm>>
    %dma_start3A_104 = arith.constant 0 : i32
    %dma_start3A_105 = tpu.memref_slice %dma_start3A_103[%dma_start3A_95, %dma_start3A_104] : memref<139x72xi32, #tpu.memory_space<hbm>> -> memref<1x72xi32, #tpu.memory_space<hbm>>
    %dma_start3A_106 = tpu.memref_squeeze %dma_start3A_105 : memref<1x72xi32, #tpu.memory_space<hbm>> -> memref<72xi32, #tpu.memory_space<hbm>>
    %dma_start3A_107 = arith.constant 0 : i32
    %dma_start3A_108 = tpu.memref_slice %arg8[%dma_start3A_96, %dma_start3A_107] : memref<8x72xi32, #tpu.memory_space<vmem>> -> memref<1x72xi32, #tpu.memory_space<vmem>>
    %dma_start3A_109 = tpu.memref_squeeze %dma_start3A_108 : memref<1x72xi32, #tpu.memory_space<vmem>> -> memref<72xi32, #tpu.memory_space<vmem>>
    %dma_start3A_110 = arith.constant 0 : i32
    %dma_start3A_111 = arith.constant 0 : i32
    %dma_start3A_112 = tpu.memref_slice %arg4[%add3A, %dma_start3A_110, %dma_start3A_111] : memref<32x139x72xi32, #tpu.memory_space<hbm>> -> memref<1x139x72xi32, #tpu.memory_space<hbm>>
    %dma_start3A_113 = tpu.memref_squeeze %dma_start3A_112 : memref<1x139x72xi32, #tpu.memory_space<hbm>> -> memref<139x72xi32, #tpu.memory_space<hbm>>
    %dma_start3A_114 = arith.constant 0 : i32
    %dma_start3A_115 = tpu.memref_slice %dma_start3A_113[%dma_start3A_95, %dma_start3A_114] : memref<139x72xi32, #tpu.memory_space<hbm>> -> memref<1x72xi32, #tpu.memory_space<hbm>>
    %dma_start3A_116 = tpu.memref_squeeze %dma_start3A_115 : memref<1x72xi32, #tpu.memory_space<hbm>> -> memref<72xi32, #tpu.memory_space<hbm>>
    tpu.enqueue_dma source(%dma_start3A_116 : memref<72xi32, #tpu.memory_space<hbm>>) target(%dma_start3A_109 : memref<72xi32, #tpu.memory_space<vmem>>) target_semaphore(%arg11 : memref<!tpu.dma_semaphore, #tpu.memory_space<semaphore_mem>>)
    %dma_start3A_117 = arith.constant 2 : i32
    %dma_start3A_118 = arith.constant 2 : i32
    %dma_start3A_119 = arith.constant 0 : i32
    %dma_start3A_120 = tpu.memref_slice %arg7[%dma_start3A_118, %dma_start3A_119] : memref<8x72xi32, #tpu.memory_space<vmem>> -> memref<1x72xi32, #tpu.memory_space<vmem>>
    %dma_start3A_121 = tpu.memref_squeeze %dma_start3A_120 : memref<1x72xi32, #tpu.memory_space<vmem>> -> memref<72xi32, #tpu.memory_space<vmem>>
    %dma_start3A_122 = arith.constant 0 : i32
    %dma_start3A_123 = arith.constant 0 : i32
    %dma_start3A_124 = tpu.memref_slice %arg3[%add3A, %dma_start3A_122, %dma_start3A_123] : memref<32x139x72xi32, #tpu.memory_space<hbm>> -> memref<1x139x72xi32, #tpu.memory_space<hbm>>
    %dma_start3A_125 = tpu.memref_squeeze %dma_start3A_124 : memref<1x139x72xi32, #tpu.memory_space<hbm>> -> memref<139x72xi32, #tpu.memory_space<hbm>>
    %dma_start3A_126 = arith.constant 0 : i32
    %dma_start3A_127 = tpu.memref_slice %dma_start3A_125[%dma_start3A_117, %dma_start3A_126] : memref<139x72xi32, #tpu.memory_space<hbm>> -> memref<1x72xi32, #tpu.memory_space<hbm>>
    %dma_start3A_128 = tpu.memref_squeeze %dma_start3A_127 : memref<1x72xi32, #tpu.memory_space<hbm>> -> memref<72xi32, #tpu.memory_space<hbm>>
    %dma_start3A_129 = arith.constant 0 : i32
    %dma_start3A_130 = tpu.memref_slice %arg7[%dma_start3A_118, %dma_start3A_129] : memref<8x72xi32, #tpu.memory_space<vmem>> -> memref<1x72xi32, #tpu.memory_space<vmem>>
    %dma_start3A_131 = tpu.memref_squeeze %dma_start3A_130 : memref<1x72xi32, #tpu.memory_space<vmem>> -> memref<72xi32, #tpu.memory_space<vmem>>
    %dma_start3A_132 = arith.constant 0 : i32
    %dma_start3A_133 = arith.constant 0 : i32
    %dma_start3A_134 = tpu.memref_slice %arg3[%add3A, %dma_start3A_132, %dma_start3A_133] : memref<32x139x72xi32, #tpu.memory_space<hbm>> -> memref<1x139x72xi32, #tpu.memory_space<hbm>>
    %dma_start3A_135 = tpu.memref_squeeze %dma_start3A_134 : memref<1x139x72xi32, #tpu.memory_space<hbm>> -> memref<139x72xi32, #tpu.memory_space<hbm>>
    %dma_start3A_136 = arith.constant 0 : i32
    %dma_start3A_137 = tpu.memref_slice %dma_start3A_135[%dma_start3A_117, %dma_start3A_136] : memref<139x72xi32, #tpu.memory_space<hbm>> -> memref<1x72xi32, #tpu.memory_space<hbm>>
    %dma_start3A_138 = tpu.memref_squeeze %dma_start3A_137 : memref<1x72xi32, #tpu.memory_space<hbm>> -> memref<72xi32, #tpu.memory_space<hbm>>
    tpu.enqueue_dma source(%dma_start3A_138 : memref<72xi32, #tpu.memory_space<hbm>>) target(%dma_start3A_131 : memref<72xi32, #tpu.memory_space<vmem>>) target_semaphore(%arg11 : memref<!tpu.dma_semaphore, #tpu.memory_space<semaphore_mem>>)
    %dma_start3A_139 = arith.constant 2 : i32
    %dma_start3A_140 = arith.constant 2 : i32
    %dma_start3A_141 = arith.constant 0 : i32
    %dma_start3A_142 = tpu.memref_slice %arg8[%dma_start3A_140, %dma_start3A_141] : memref<8x72xi32, #tpu.memory_space<vmem>> -> memref<1x72xi32, #tpu.memory_space<vmem>>
    %dma_start3A_143 = tpu.memref_squeeze %dma_start3A_142 : memref<1x72xi32, #tpu.memory_space<vmem>> -> memref<72xi32, #tpu.memory_space<vmem>>
    %dma_start3A_144 = arith.constant 0 : i32
    %dma_start3A_145 = arith.constant 0 : i32
    %dma_start3A_146 = tpu.memref_slice %arg4[%add3A, %dma_start3A_144, %dma_start3A_145] : memref<32x139x72xi32, #tpu.memory_space<hbm>> -> memref<1x139x72xi32, #tpu.memory_space<hbm>>
    %dma_start3A_147 = tpu.memref_squeeze %dma_start3A_146 : memref<1x139x72xi32, #tpu.memory_space<hbm>> -> memref<139x72xi32, #tpu.memory_space<hbm>>
    %dma_start3A_148 = arith.constant 0 : i32
    %dma_start3A_149 = tpu.memref_slice %dma_start3A_147[%dma_start3A_139, %dma_start3A_148] : memref<139x72xi32, #tpu.memory_space<hbm>> -> memref<1x72xi32, #tpu.memory_space<hbm>>
    %dma_start3A_150 = tpu.memref_squeeze %dma_start3A_149 : memref<1x72xi32, #tpu.memory_space<hbm>> -> memref<72xi32, #tpu.memory_space<hbm>>
    %dma_start3A_151 = arith.constant 0 : i32
    %dma_start3A_152 = tpu.memref_slice %arg8[%dma_start3A_140, %dma_start3A_151] : memref<8x72xi32, #tpu.memory_space<vmem>> -> memref<1x72xi32, #tpu.memory_space<vmem>>
    %dma_start3A_153 = tpu.memref_squeeze %dma_start3A_152 : memref<1x72xi32, #tpu.memory_space<vmem>> -> memref<72xi32, #tpu.memory_space<vmem>>
    %dma_start3A_154 = arith.constant 0 : i32
    %dma_start3A_155 = arith.constant 0 : i32
    %dma_start3A_156 = tpu.memref_slice %arg4[%add3A, %dma_start3A_154, %dma_start3A_155] : memref<32x139x72xi32, #tpu.memory_space<hbm>> -> memref<1x139x72xi32, #tpu.memory_space<hbm>>
    %dma_start3A_157 = tpu.memref_squeeze %dma_start3A_156 : memref<1x139x72xi32, #tpu.memory_space<hbm>> -> memref<139x72xi32, #tpu.memory_space<hbm>>
    %dma_start3A_158 = arith.constant 0 : i32
    %dma_start3A_159 = tpu.memref_slice %dma_start3A_157[%dma_start3A_139, %dma_start3A_158] : memref<139x72xi32, #tpu.memory_space<hbm>> -> memref<1x72xi32, #tpu.memory_space<hbm>>
    %dma_start3A_160 = tpu.memref_squeeze %dma_start3A_159 : memref<1x72xi32, #tpu.memory_space<hbm>> -> memref<72xi32, #tpu.memory_space<hbm>>
    tpu.enqueue_dma source(%dma_start3A_160 : memref<72xi32, #tpu.memory_space<hbm>>) target(%dma_start3A_153 : memref<72xi32, #tpu.memory_space<vmem>>) target_semaphore(%arg11 : memref<!tpu.dma_semaphore, #tpu.memory_space<semaphore_mem>>)
    %dma_start3A_161 = arith.constant 3 : i32
    %dma_start3A_162 = arith.constant 3 : i32
    %dma_start3A_163 = arith.constant 0 : i32
    %dma_start3A_164 = tpu.memref_slice %arg7[%dma_start3A_162, %dma_start3A_163] : memref<8x72xi32, #tpu.memory_space<vmem>> -> memref<1x72xi32, #tpu.memory_space<vmem>>
    %dma_start3A_165 = tpu.memref_squeeze %dma_start3A_164 : memref<1x72xi32, #tpu.memory_space<vmem>> -> memref<72xi32, #tpu.memory_space<vmem>>
    %dma_start3A_166 = arith.constant 0 : i32
    %dma_start3A_167 = arith.constant 0 : i32
    %dma_start3A_168 = tpu.memref_slice %arg3[%add3A, %dma_start3A_166, %dma_start3A_167] : memref<32x139x72xi32, #tpu.memory_space<hbm>> -> memref<1x139x72xi32, #tpu.memory_space<hbm>>
    %dma_start3A_169 = tpu.memref_squeeze %dma_start3A_168 : memref<1x139x72xi32, #tpu.memory_space<hbm>> -> memref<139x72xi32, #tpu.memory_space<hbm>>
    %dma_start3A_170 = arith.constant 0 : i32
    %dma_start3A_171 = tpu.memref_slice %dma_start3A_169[%dma_start3A_161, %dma_start3A_170] : memref<139x72xi32, #tpu.memory_space<hbm>> -> memref<1x72xi32, #tpu.memory_space<hbm>>
    %dma_start3A_172 = tpu.memref_squeeze %dma_start3A_171 : memref<1x72xi32, #tpu.memory_space<hbm>> -> memref<72xi32, #tpu.memory_space<hbm>>
    %dma_start3A_173 = arith.constant 0 : i32
    %dma_start3A_174 = tpu.memref_slice %arg7[%dma_start3A_162, %dma_start3A_173] : memref<8x72xi32, #tpu.memory_space<vmem>> -> memref<1x72xi32, #tpu.memory_space<vmem>>
    %dma_start3A_175 = tpu.memref_squeeze %dma_start3A_174 : memref<1x72xi32, #tpu.memory_space<vmem>> -> memref<72xi32, #tpu.memory_space<vmem>>
    %dma_start3A_176 = arith.constant 0 : i32
    %dma_start3A_177 = arith.constant 0 : i32
    %dma_start3A_178 = tpu.memref_slice %arg3[%add3A, %dma_start3A_176, %dma_start3A_177] : memref<32x139x72xi32, #tpu.memory_space<hbm>> -> memref<1x139x72xi32, #tpu.memory_space<hbm>>
    %dma_start3A_179 = tpu.memref_squeeze %dma_start3A_178 : memref<1x139x72xi32, #tpu.memory_space<hbm>> -> memref<139x72xi32, #tpu.memory_space<hbm>>
    %dma_start3A_180 = arith.constant 0 : i32
    %dma_start3A_181 = tpu.memref_slice %dma_start3A_179[%dma_start3A_161, %dma_start3A_180] : memref<139x72xi32, #tpu.memory_space<hbm>> -> memref<1x72xi32, #tpu.memory_space<hbm>>
    %dma_start3A_182 = tpu.memref_squeeze %dma_start3A_181 : memref<1x72xi32, #tpu.memory_space<hbm>> -> memref<72xi32, #tpu.memory_space<hbm>>
    tpu.enqueue_dma source(%dma_start3A_182 : memref<72xi32, #tpu.memory_space<hbm>>) target(%dma_start3A_175 : memref<72xi32, #tpu.memory_space<vmem>>) target_semaphore(%arg11 : memref<!tpu.dma_semaphore, #tpu.memory_space<semaphore_mem>>)
    %dma_start3A_183 = arith.constant 3 : i32
    %dma_start3A_184 = arith.constant 3 : i32
    %dma_start3A_185 = arith.constant 0 : i32
    %dma_start3A_186 = tpu.memref_slice %arg8[%dma_start3A_184, %dma_start3A_185] : memref<8x72xi32, #tpu.memory_space<vmem>> -> memref<1x72xi32, #tpu.memory_space<vmem>>
    %dma_start3A_187 = tpu.memref_squeeze %dma_start3A_186 : memref<1x72xi32, #tpu.memory_space<vmem>> -> memref<72xi32, #tpu.memory_space<vmem>>
    %dma_start3A_188 = arith.constant 0 : i32
    %dma_start3A_189 = arith.constant 0 : i32
    %dma_start3A_190 = tpu.memref_slice %arg4[%add3A, %dma_start3A_188, %dma_start3A_189] : memref<32x139x72xi32, #tpu.memory_space<hbm>> -> memref<1x139x72xi32, #tpu.memory_space<hbm>>
    %dma_start3A_191 = tpu.memref_squeeze %dma_start3A_190 : memref<1x139x72xi32, #tpu.memory_space<hbm>> -> memref<139x72xi32, #tpu.memory_space<hbm>>
    %dma_start3A_192 = arith.constant 0 : i32
    %dma_start3A_193 = tpu.memref_slice %dma_start3A_191[%dma_start3A_183, %dma_start3A_192] : memref<139x72xi32, #tpu.memory_space<hbm>> -> memref<1x72xi32, #tpu.memory_space<hbm>>
    %dma_start3A_194 = tpu.memref_squeeze %dma_start3A_193 : memref<1x72xi32, #tpu.memory_space<hbm>> -> memref<72xi32, #tpu.memory_space<hbm>>
    %dma_start3A_195 = arith.constant 0 : i32
    %dma_start3A_196 = tpu.memref_slice %arg8[%dma_start3A_184, %dma_start3A_195] : memref<8x72xi32, #tpu.memory_space<vmem>> -> memref<1x72xi32, #tpu.memory_space<vmem>>
    %dma_start3A_197 = tpu.memref_squeeze %dma_start3A_196 : memref<1x72xi32, #tpu.memory_space<vmem>> -> memref<72xi32, #tpu.memory_space<vmem>>
    %dma_start3A_198 = arith.constant 0 : i32
    %dma_start3A_199 = arith.constant 0 : i32
    %dma_start3A_200 = tpu.memref_slice %arg4[%add3A, %dma_start3A_198, %dma_start3A_199] : memref<32x139x72xi32, #tpu.memory_space<hbm>> -> memref<1x139x72xi32, #tpu.memory_space<hbm>>
    %dma_start3A_201 = tpu.memref_squeeze %dma_start3A_200 : memref<1x139x72xi32, #tpu.memory_space<hbm>> -> memref<139x72xi32, #tpu.memory_space<hbm>>
    %dma_start3A_202 = arith.constant 0 : i32
    %dma_start3A_203 = tpu.memref_slice %dma_start3A_201[%dma_start3A_183, %dma_start3A_202] : memref<139x72xi32, #tpu.memory_space<hbm>> -> memref<1x72xi32, #tpu.memory_space<hbm>>
    %dma_start3A_204 = tpu.memref_squeeze %dma_start3A_203 : memref<1x72xi32, #tpu.memory_space<hbm>> -> memref<72xi32, #tpu.memory_space<hbm>>
    tpu.enqueue_dma source(%dma_start3A_204 : memref<72xi32, #tpu.memory_space<hbm>>) target(%dma_start3A_197 : memref<72xi32, #tpu.memory_space<vmem>>) target_semaphore(%arg11 : memref<!tpu.dma_semaphore, #tpu.memory_space<semaphore_mem>>)
    %dma_start3A_205 = arith.constant 4 : i32
    %dma_start3A_206 = arith.constant 4 : i32
    %dma_start3A_207 = arith.constant 0 : i32
    %dma_start3A_208 = tpu.memref_slice %arg7[%dma_start3A_206, %dma_start3A_207] : memref<8x72xi32, #tpu.memory_space<vmem>> -> memref<1x72xi32, #tpu.memory_space<vmem>>
    %dma_start3A_209 = tpu.memref_squeeze %dma_start3A_208 : memref<1x72xi32, #tpu.memory_space<vmem>> -> memref<72xi32, #tpu.memory_space<vmem>>
    %dma_start3A_210 = arith.constant 0 : i32
    %dma_start3A_211 = arith.constant 0 : i32
    %dma_start3A_212 = tpu.memref_slice %arg3[%add3A, %dma_start3A_210, %dma_start3A_211] : memref<32x139x72xi32, #tpu.memory_space<hbm>> -> memref<1x139x72xi32, #tpu.memory_space<hbm>>
    %dma_start3A_213 = tpu.memref_squeeze %dma_start3A_212 : memref<1x139x72xi32, #tpu.memory_space<hbm>> -> memref<139x72xi32, #tpu.memory_space<hbm>>
    %dma_start3A_214 = arith.constant 0 : i32
    %dma_start3A_215 = tpu.memref_slice %dma_start3A_213[%dma_start3A_205, %dma_start3A_214] : memref<139x72xi32, #tpu.memory_space<hbm>> -> memref<1x72xi32, #tpu.memory_space<hbm>>
    %dma_start3A_216 = tpu.memref_squeeze %dma_start3A_215 : memref<1x72xi32, #tpu.memory_space<hbm>> -> memref<72xi32, #tpu.memory_space<hbm>>
    %dma_start3A_217 = arith.constant 0 : i32
    %dma_start3A_218 = tpu.memref_slice %arg7[%dma_start3A_206, %dma_start3A_217] : memref<8x72xi32, #tpu.memory_space<vmem>> -> memref<1x72xi32, #tpu.memory_space<vmem>>
    %dma_start3A_219 = tpu.memref_squeeze %dma_start3A_218 : memref<1x72xi32, #tpu.memory_space<vmem>> -> memref<72xi32, #tpu.memory_space<vmem>>
    %dma_start3A_220 = arith.constant 0 : i32
    %dma_start3A_221 = arith.constant 0 : i32
    %dma_start3A_222 = tpu.memref_slice %arg3[%add3A, %dma_start3A_220, %dma_start3A_221] : memref<32x139x72xi32, #tpu.memory_space<hbm>> -> memref<1x139x72xi32, #tpu.memory_space<hbm>>
    %dma_start3A_223 = tpu.memref_squeeze %dma_start3A_222 : memref<1x139x72xi32, #tpu.memory_space<hbm>> -> memref<139x72xi32, #tpu.memory_space<hbm>>
    %dma_start3A_224 = arith.constant 0 : i32
    %dma_start3A_225 = tpu.memref_slice %dma_start3A_223[%dma_start3A_205, %dma_start3A_224] : memref<139x72xi32, #tpu.memory_space<hbm>> -> memref<1x72xi32, #tpu.memory_space<hbm>>
    %dma_start3A_226 = tpu.memref_squeeze %dma_start3A_225 : memref<1x72xi32, #tpu.memory_space<hbm>> -> memref<72xi32, #tpu.memory_space<hbm>>
    tpu.enqueue_dma source(%dma_start3A_226 : memref<72xi32, #tpu.memory_space<hbm>>) target(%dma_start3A_219 : memref<72xi32, #tpu.memory_space<vmem>>) target_semaphore(%arg11 : memref<!tpu.dma_semaphore, #tpu.memory_space<semaphore_mem>>)
    %dma_start3A_227 = arith.constant 4 : i32
    %dma_start3A_228 = arith.constant 4 : i32
    %dma_start3A_229 = arith.constant 0 : i32
    %dma_start3A_230 = tpu.memref_slice %arg8[%dma_start3A_228, %dma_start3A_229] : memref<8x72xi32, #tpu.memory_space<vmem>> -> memref<1x72xi32, #tpu.memory_space<vmem>>
    %dma_start3A_231 = tpu.memref_squeeze %dma_start3A_230 : memref<1x72xi32, #tpu.memory_space<vmem>> -> memref<72xi32, #tpu.memory_space<vmem>>
    %dma_start3A_232 = arith.constant 0 : i32
    %dma_start3A_233 = arith.constant 0 : i32
    %dma_start3A_234 = tpu.memref_slice %arg4[%add3A, %dma_start3A_232, %dma_start3A_233] : memref<32x139x72xi32, #tpu.memory_space<hbm>> -> memref<1x139x72xi32, #tpu.memory_space<hbm>>
    %dma_start3A_235 = tpu.memref_squeeze %dma_start3A_234 : memref<1x139x72xi32, #tpu.memory_space<hbm>> -> memref<139x72xi32, #tpu.memory_space<hbm>>
    %dma_start3A_236 = arith.constant 0 : i32
    %dma_start3A_237 = tpu.memref_slice %dma_start3A_235[%dma_start3A_227, %dma_start3A_236] : memref<139x72xi32, #tpu.memory_space<hbm>> -> memref<1x72xi32, #tpu.memory_space<hbm>>
    %dma_start3A_238 = tpu.memref_squeeze %dma_start3A_237 : memref<1x72xi32, #tpu.memory_space<hbm>> -> memref<72xi32, #tpu.memory_space<hbm>>
    %dma_start3A_239 = arith.constant 0 : i32
    %dma_start3A_240 = tpu.memref_slice %arg8[%dma_start3A_228, %dma_start3A_239] : memref<8x72xi32, #tpu.memory_space<vmem>> -> memref<1x72xi32, #tpu.memory_space<vmem>>
    %dma_start3A_241 = tpu.memref_squeeze %dma_start3A_240 : memref<1x72xi32, #tpu.memory_space<vmem>> -> memref<72xi32, #tpu.memory_space<vmem>>
    %dma_start3A_242 = arith.constant 0 : i32
    %dma_start3A_243 = arith.constant 0 : i32
    %dma_start3A_244 = tpu.memref_slice %arg4[%add3A, %dma_start3A_242, %dma_start3A_243] : memref<32x139x72xi32, #tpu.memory_space<hbm>> -> memref<1x139x72xi32, #tpu.memory_space<hbm>>
    %dma_start3A_245 = tpu.memref_squeeze %dma_start3A_244 : memref<1x139x72xi32, #tpu.memory_space<hbm>> -> memref<139x72xi32, #tpu.memory_space<hbm>>
    %dma_start3A_246 = arith.constant 0 : i32
    %dma_start3A_247 = tpu.memref_slice %dma_start3A_245[%dma_start3A_227, %dma_start3A_246] : memref<139x72xi32, #tpu.memory_space<hbm>> -> memref<1x72xi32, #tpu.memory_space<hbm>>
    %dma_start3A_248 = tpu.memref_squeeze %dma_start3A_247 : memref<1x72xi32, #tpu.memory_space<hbm>> -> memref<72xi32, #tpu.memory_space<hbm>>
    tpu.enqueue_dma source(%dma_start3A_248 : memref<72xi32, #tpu.memory_space<hbm>>) target(%dma_start3A_241 : memref<72xi32, #tpu.memory_space<vmem>>) target_semaphore(%arg11 : memref<!tpu.dma_semaphore, #tpu.memory_space<semaphore_mem>>)
    %dma_start3A_249 = arith.constant 5 : i32
    %dma_start3A_250 = arith.constant 5 : i32
    %dma_start3A_251 = arith.constant 0 : i32
    %dma_start3A_252 = tpu.memref_slice %arg7[%dma_start3A_250, %dma_start3A_251] : memref<8x72xi32, #tpu.memory_space<vmem>> -> memref<1x72xi32, #tpu.memory_space<vmem>>
    %dma_start3A_253 = tpu.memref_squeeze %dma_start3A_252 : memref<1x72xi32, #tpu.memory_space<vmem>> -> memref<72xi32, #tpu.memory_space<vmem>>
    %dma_start3A_254 = arith.constant 0 : i32
    %dma_start3A_255 = arith.constant 0 : i32
    %dma_start3A_256 = tpu.memref_slice %arg3[%add3A, %dma_start3A_254, %dma_start3A_255] : memref<32x139x72xi32, #tpu.memory_space<hbm>> -> memref<1x139x72xi32, #tpu.memory_space<hbm>>
    %dma_start3A_257 = tpu.memref_squeeze %dma_start3A_256 : memref<1x139x72xi32, #tpu.memory_space<hbm>> -> memref<139x72xi32, #tpu.memory_space<hbm>>
    %dma_start3A_258 = arith.constant 0 : i32
    %dma_start3A_259 = tpu.memref_slice %dma_start3A_257[%dma_start3A_249, %dma_start3A_258] : memref<139x72xi32, #tpu.memory_space<hbm>> -> memref<1x72xi32, #tpu.memory_space<hbm>>
    %dma_start3A_260 = tpu.memref_squeeze %dma_start3A_259 : memref<1x72xi32, #tpu.memory_space<hbm>> -> memref<72xi32, #tpu.memory_space<hbm>>
    %dma_start3A_261 = arith.constant 0 : i32
    %dma_start3A_262 = tpu.memref_slice %arg7[%dma_start3A_250, %dma_start3A_261] : memref<8x72xi32, #tpu.memory_space<vmem>> -> memref<1x72xi32, #tpu.memory_space<vmem>>
    %dma_start3A_263 = tpu.memref_squeeze %dma_start3A_262 : memref<1x72xi32, #tpu.memory_space<vmem>> -> memref<72xi32, #tpu.memory_space<vmem>>
    %dma_start3A_264 = arith.constant 0 : i32
    %dma_start3A_265 = arith.constant 0 : i32
    %dma_start3A_266 = tpu.memref_slice %arg3[%add3A, %dma_start3A_264, %dma_start3A_265] : memref<32x139x72xi32, #tpu.memory_space<hbm>> -> memref<1x139x72xi32, #tpu.memory_space<hbm>>
    %dma_start3A_267 = tpu.memref_squeeze %dma_start3A_266 : memref<1x139x72xi32, #tpu.memory_space<hbm>> -> memref<139x72xi32, #tpu.memory_space<hbm>>
    %dma_start3A_268 = arith.constant 0 : i32
    %dma_start3A_269 = tpu.memref_slice %dma_start3A_267[%dma_start3A_249, %dma_start3A_268] : memref<139x72xi32, #tpu.memory_space<hbm>> -> memref<1x72xi32, #tpu.memory_space<hbm>>
    %dma_start3A_270 = tpu.memref_squeeze %dma_start3A_269 : memref<1x72xi32, #tpu.memory_space<hbm>> -> memref<72xi32, #tpu.memory_space<hbm>>
    tpu.enqueue_dma source(%dma_start3A_270 : memref<72xi32, #tpu.memory_space<hbm>>) target(%dma_start3A_263 : memref<72xi32, #tpu.memory_space<vmem>>) target_semaphore(%arg11 : memref<!tpu.dma_semaphore, #tpu.memory_space<semaphore_mem>>)
    %dma_start3A_271 = arith.constant 5 : i32
    %dma_start3A_272 = arith.constant 5 : i32
    %dma_start3A_273 = arith.constant 0 : i32
    %dma_start3A_274 = tpu.memref_slice %arg8[%dma_start3A_272, %dma_start3A_273] : memref<8x72xi32, #tpu.memory_space<vmem>> -> memref<1x72xi32, #tpu.memory_space<vmem>>
    %dma_start3A_275 = tpu.memref_squeeze %dma_start3A_274 : memref<1x72xi32, #tpu.memory_space<vmem>> -> memref<72xi32, #tpu.memory_space<vmem>>
    %dma_start3A_276 = arith.constant 0 : i32
    %dma_start3A_277 = arith.constant 0 : i32
    %dma_start3A_278 = tpu.memref_slice %arg4[%add3A, %dma_start3A_276, %dma_start3A_277] : memref<32x139x72xi32, #tpu.memory_space<hbm>> -> memref<1x139x72xi32, #tpu.memory_space<hbm>>
    %dma_start3A_279 = tpu.memref_squeeze %dma_start3A_278 : memref<1x139x72xi32, #tpu.memory_space<hbm>> -> memref<139x72xi32, #tpu.memory_space<hbm>>
    %dma_start3A_280 = arith.constant 0 : i32
    %dma_start3A_281 = tpu.memref_slice %dma_start3A_279[%dma_start3A_271, %dma_start3A_280] : memref<139x72xi32, #tpu.memory_space<hbm>> -> memref<1x72xi32, #tpu.memory_space<hbm>>
    %dma_start3A_282 = tpu.memref_squeeze %dma_start3A_281 : memref<1x72xi32, #tpu.memory_space<hbm>> -> memref<72xi32, #tpu.memory_space<hbm>>
    %dma_start3A_283 = arith.constant 0 : i32
    %dma_start3A_284 = tpu.memref_slice %arg8[%dma_start3A_272, %dma_start3A_283] : memref<8x72xi32, #tpu.memory_space<vmem>> -> memref<1x72xi32, #tpu.memory_space<vmem>>
    %dma_start3A_285 = tpu.memref_squeeze %dma_start3A_284 : memref<1x72xi32, #tpu.memory_space<vmem>> -> memref<72xi32, #tpu.memory_space<vmem>>
    %dma_start3A_286 = arith.constant 0 : i32
    %dma_start3A_287 = arith.constant 0 : i32
    %dma_start3A_288 = tpu.memref_slice %arg4[%add3A, %dma_start3A_286, %dma_start3A_287] : memref<32x139x72xi32, #tpu.memory_space<hbm>> -> memref<1x139x72xi32, #tpu.memory_space<hbm>>
    %dma_start3A_289 = tpu.memref_squeeze %dma_start3A_288 : memref<1x139x72xi32, #tpu.memory_space<hbm>> -> memref<139x72xi32, #tpu.memory_space<hbm>>
    %dma_start3A_290 = arith.constant 0 : i32
    %dma_start3A_291 = tpu.memref_slice %dma_start3A_289[%dma_start3A_271, %dma_start3A_290] : memref<139x72xi32, #tpu.memory_space<hbm>> -> memref<1x72xi32, #tpu.memory_space<hbm>>
    %dma_start3A_292 = tpu.memref_squeeze %dma_start3A_291 : memref<1x72xi32, #tpu.memory_space<hbm>> -> memref<72xi32, #tpu.memory_space<hbm>>
    tpu.enqueue_dma source(%dma_start3A_292 : memref<72xi32, #tpu.memory_space<hbm>>) target(%dma_start3A_285 : memref<72xi32, #tpu.memory_space<vmem>>) target_semaphore(%arg11 : memref<!tpu.dma_semaphore, #tpu.memory_space<semaphore_mem>>)
    %dma_wait3A = arith.constant 0 : i32
    %dma_wait3A_293 = arith.constant 0 : i32
    %dma_wait3A_294 = arith.constant 0 : i32
    %dma_wait3A_295 = tpu.memref_slice %arg7[%dma_wait3A_293, %dma_wait3A_294] : memref<8x72xi32, #tpu.memory_space<vmem>> -> memref<1x72xi32, #tpu.memory_space<vmem>>
    %dma_wait3A_296 = tpu.memref_squeeze %dma_wait3A_295 : memref<1x72xi32, #tpu.memory_space<vmem>> -> memref<72xi32, #tpu.memory_space<vmem>>
    %dma_wait3A_297 = arith.constant 0 : i32
    %dma_wait3A_298 = arith.constant 0 : i32
    %dma_wait3A_299 = tpu.memref_slice %arg3[%add3A, %dma_wait3A_297, %dma_wait3A_298] : memref<32x139x72xi32, #tpu.memory_space<hbm>> -> memref<1x139x72xi32, #tpu.memory_space<hbm>>
    %dma_wait3A_300 = tpu.memref_squeeze %dma_wait3A_299 : memref<1x139x72xi32, #tpu.memory_space<hbm>> -> memref<139x72xi32, #tpu.memory_space<hbm>>
    %dma_wait3A_301 = arith.constant 0 : i32
    %dma_wait3A_302 = tpu.memref_slice %dma_wait3A_300[%dma_wait3A, %dma_wait3A_301] : memref<139x72xi32, #tpu.memory_space<hbm>> -> memref<1x72xi32, #tpu.memory_space<hbm>>
    %dma_wait3A_303 = tpu.memref_squeeze %dma_wait3A_302 : memref<1x72xi32, #tpu.memory_space<hbm>> -> memref<72xi32, #tpu.memory_space<hbm>>
    %dma_wait3A_304 = arith.constant 0 : i32
    %dma_wait3A_305 = tpu.memref_slice %arg7[%dma_wait3A_293, %dma_wait3A_304] : memref<8x72xi32, #tpu.memory_space<vmem>> -> memref<1x72xi32, #tpu.memory_space<vmem>>
    %dma_wait3A_306 = tpu.memref_squeeze %dma_wait3A_305 : memref<1x72xi32, #tpu.memory_space<vmem>> -> memref<72xi32, #tpu.memory_space<vmem>>
    %dma_wait3A_307 = arith.constant 0 : i32
    %dma_wait3A_308 = arith.constant 0 : i32
    %dma_wait3A_309 = tpu.memref_slice %arg3[%add3A, %dma_wait3A_307, %dma_wait3A_308] : memref<32x139x72xi32, #tpu.memory_space<hbm>> -> memref<1x139x72xi32, #tpu.memory_space<hbm>>
    %dma_wait3A_310 = tpu.memref_squeeze %dma_wait3A_309 : memref<1x139x72xi32, #tpu.memory_space<hbm>> -> memref<139x72xi32, #tpu.memory_space<hbm>>
    %dma_wait3A_311 = arith.constant 0 : i32
    %dma_wait3A_312 = tpu.memref_slice %dma_wait3A_310[%dma_wait3A, %dma_wait3A_311] : memref<139x72xi32, #tpu.memory_space<hbm>> -> memref<1x72xi32, #tpu.memory_space<hbm>>
    %dma_wait3A_313 = tpu.memref_squeeze %dma_wait3A_312 : memref<1x72xi32, #tpu.memory_space<hbm>> -> memref<72xi32, #tpu.memory_space<hbm>>
    tpu.wait_dma2 semaphore(%arg11 : memref<!tpu.dma_semaphore, #tpu.memory_space<semaphore_mem>>) src(%dma_wait3A_313 : memref<72xi32, #tpu.memory_space<hbm>>) dst(%dma_wait3A_306 : memref<72xi32, #tpu.memory_space<vmem>>)
    %dma_wait3A_314 = arith.constant 0 : i32
    %dma_wait3A_315 = arith.constant 0 : i32
    %dma_wait3A_316 = arith.constant 0 : i32
    %dma_wait3A_317 = tpu.memref_slice %arg8[%dma_wait3A_315, %dma_wait3A_316] : memref<8x72xi32, #tpu.memory_space<vmem>> -> memref<1x72xi32, #tpu.memory_space<vmem>>
    %dma_wait3A_318 = tpu.memref_squeeze %dma_wait3A_317 : memref<1x72xi32, #tpu.memory_space<vmem>> -> memref<72xi32, #tpu.memory_space<vmem>>
    %dma_wait3A_319 = arith.constant 0 : i32
    %dma_wait3A_320 = arith.constant 0 : i32
    %dma_wait3A_321 = tpu.memref_slice %arg4[%add3A, %dma_wait3A_319, %dma_wait3A_320] : memref<32x139x72xi32, #tpu.memory_space<hbm>> -> memref<1x139x72xi32, #tpu.memory_space<hbm>>
    %dma_wait3A_322 = tpu.memref_squeeze %dma_wait3A_321 : memref<1x139x72xi32, #tpu.memory_space<hbm>> -> memref<139x72xi32, #tpu.memory_space<hbm>>
    %dma_wait3A_323 = arith.constant 0 : i32
    %dma_wait3A_324 = tpu.memref_slice %dma_wait3A_322[%dma_wait3A_314, %dma_wait3A_323] : memref<139x72xi32, #tpu.memory_space<hbm>> -> memref<1x72xi32, #tpu.memory_space<hbm>>
    %dma_wait3A_325 = tpu.memref_squeeze %dma_wait3A_324 : memref<1x72xi32, #tpu.memory_space<hbm>> -> memref<72xi32, #tpu.memory_space<hbm>>
    %dma_wait3A_326 = arith.constant 0 : i32
    %dma_wait3A_327 = tpu.memref_slice %arg8[%dma_wait3A_315, %dma_wait3A_326] : memref<8x72xi32, #tpu.memory_space<vmem>> -> memref<1x72xi32, #tpu.memory_space<vmem>>
    %dma_wait3A_328 = tpu.memref_squeeze %dma_wait3A_327 : memref<1x72xi32, #tpu.memory_space<vmem>> -> memref<72xi32, #tpu.memory_space<vmem>>
    %dma_wait3A_329 = arith.constant 0 : i32
    %dma_wait3A_330 = arith.constant 0 : i32
    %dma_wait3A_331 = tpu.memref_slice %arg4[%add3A, %dma_wait3A_329, %dma_wait3A_330] : memref<32x139x72xi32, #tpu.memory_space<hbm>> -> memref<1x139x72xi32, #tpu.memory_space<hbm>>
    %dma_wait3A_332 = tpu.memref_squeeze %dma_wait3A_331 : memref<1x139x72xi32, #tpu.memory_space<hbm>> -> memref<139x72xi32, #tpu.memory_space<hbm>>
    %dma_wait3A_333 = arith.constant 0 : i32
    %dma_wait3A_334 = tpu.memref_slice %dma_wait3A_332[%dma_wait3A_314, %dma_wait3A_333] : memref<139x72xi32, #tpu.memory_space<hbm>> -> memref<1x72xi32, #tpu.memory_space<hbm>>
    %dma_wait3A_335 = tpu.memref_squeeze %dma_wait3A_334 : memref<1x72xi32, #tpu.memory_space<hbm>> -> memref<72xi32, #tpu.memory_space<hbm>>
    tpu.wait_dma2 semaphore(%arg11 : memref<!tpu.dma_semaphore, #tpu.memory_space<semaphore_mem>>) src(%dma_wait3A_335 : memref<72xi32, #tpu.memory_space<hbm>>) dst(%dma_wait3A_328 : memref<72xi32, #tpu.memory_space<vmem>>)
    %dma_start3A_336 = arith.constant 0 : i32
    %dma_start3A_337 = arith.constant 0 : i32
    %dma_start3A_338 = arith.constant 0 : i32
    %dma_start3A_339 = arith.constant 0 : i32
    %dma_start3A_340 = tpu.memref_slice %arg9[%dma_start3A_337, %dma_start3A_338, %dma_start3A_339] : memref<5x72x128xf32, #tpu.memory_space<vmem>> -> memref<1x72x128xf32, #tpu.memory_space<vmem>>
    %dma_start3A_341 = tpu.memref_squeeze %dma_start3A_340 : memref<1x72x128xf32, #tpu.memory_space<vmem>> -> memref<72x128xf32, #tpu.memory_space<vmem>>
    %dma_start3A_342 = arith.constant 0 : i32
    %dma_start3A_343 = tpu.memref_slice %arg7[%dma_start3A_336, %dma_start3A_342] : memref<8x72xi32, #tpu.memory_space<vmem>> -> memref<1x72xi32, #tpu.memory_space<vmem>>
    %dma_start3A_344 = tpu.memref_squeeze %dma_start3A_343 : memref<1x72xi32, #tpu.memory_space<vmem>> -> memref<72xi32, #tpu.memory_space<vmem>>
    %dma_start3A_345 = arith.constant 0 : i32
    %dma_start3A_346 = arith.constant 0 : i32
    %dma_start3A_347 = tpu.memref_slice %arg2[%dma_start3A_345, %dma_start3A_346] : memref<10112x128xf32, #tpu.memory_space<hbm>> -> memref<10112x128xf32, #tpu.memory_space<hbm>>
    tpu.enqueue_indirect_dma source(%dma_start3A_347 : memref<10112x128xf32, #tpu.memory_space<hbm>>) target(%dma_start3A_341 : memref<72x128xf32, #tpu.memory_space<vmem>>) offsets(%dma_start3A_344 : memref<72xi32, #tpu.memory_space<vmem>>) semaphore(%arg12 : memref<!tpu.dma_semaphore, #tpu.memory_space<semaphore_mem>>)
    %dma_wait3A_348 = arith.constant 1 : i32
    %dma_wait3A_349 = arith.constant 1 : i32
    %dma_wait3A_350 = arith.constant 0 : i32
    %dma_wait3A_351 = tpu.memref_slice %arg7[%dma_wait3A_349, %dma_wait3A_350] : memref<8x72xi32, #tpu.memory_space<vmem>> -> memref<1x72xi32, #tpu.memory_space<vmem>>
    %dma_wait3A_352 = tpu.memref_squeeze %dma_wait3A_351 : memref<1x72xi32, #tpu.memory_space<vmem>> -> memref<72xi32, #tpu.memory_space<vmem>>
    %dma_wait3A_353 = arith.constant 0 : i32
    %dma_wait3A_354 = arith.constant 0 : i32
    %dma_wait3A_355 = tpu.memref_slice %arg3[%add3A, %dma_wait3A_353, %dma_wait3A_354] : memref<32x139x72xi32, #tpu.memory_space<hbm>> -> memref<1x139x72xi32, #tpu.memory_space<hbm>>
    %dma_wait3A_356 = tpu.memref_squeeze %dma_wait3A_355 : memref<1x139x72xi32, #tpu.memory_space<hbm>> -> memref<139x72xi32, #tpu.memory_space<hbm>>
    %dma_wait3A_357 = arith.constant 0 : i32
    %dma_wait3A_358 = tpu.memref_slice %dma_wait3A_356[%dma_wait3A_348, %dma_wait3A_357] : memref<139x72xi32, #tpu.memory_space<hbm>> -> memref<1x72xi32, #tpu.memory_space<hbm>>
    %dma_wait3A_359 = tpu.memref_squeeze %dma_wait3A_358 : memref<1x72xi32, #tpu.memory_space<hbm>> -> memref<72xi32, #tpu.memory_space<hbm>>
    %dma_wait3A_360 = arith.constant 0 : i32
    %dma_wait3A_361 = tpu.memref_slice %arg7[%dma_wait3A_349, %dma_wait3A_360] : memref<8x72xi32, #tpu.memory_space<vmem>> -> memref<1x72xi32, #tpu.memory_space<vmem>>
    %dma_wait3A_362 = tpu.memref_squeeze %dma_wait3A_361 : memref<1x72xi32, #tpu.memory_space<vmem>> -> memref<72xi32, #tpu.memory_space<vmem>>
    %dma_wait3A_363 = arith.constant 0 : i32
    %dma_wait3A_364 = arith.constant 0 : i32
    %dma_wait3A_365 = tpu.memref_slice %arg3[%add3A, %dma_wait3A_363, %dma_wait3A_364] : memref<32x139x72xi32, #tpu.memory_space<hbm>> -> memref<1x139x72xi32, #tpu.memory_space<hbm>>
    %dma_wait3A_366 = tpu.memref_squeeze %dma_wait3A_365 : memref<1x139x72xi32, #tpu.memory_space<hbm>> -> memref<139x72xi32, #tpu.memory_space<hbm>>
    %dma_wait3A_367 = arith.constant 0 : i32
    %dma_wait3A_368 = tpu.memref_slice %dma_wait3A_366[%dma_wait3A_348, %dma_wait3A_367] : memref<139x72xi32, #tpu.memory_space<hbm>> -> memref<1x72xi32, #tpu.memory_space<hbm>>
    %dma_wait3A_369 = tpu.memref_squeeze %dma_wait3A_368 : memref<1x72xi32, #tpu.memory_space<hbm>> -> memref<72xi32, #tpu.memory_space<hbm>>
    tpu.wait_dma2 semaphore(%arg11 : memref<!tpu.dma_semaphore, #tpu.memory_space<semaphore_mem>>) src(%dma_wait3A_369 : memref<72xi32, #tpu.memory_space<hbm>>) dst(%dma_wait3A_362 : memref<72xi32, #tpu.memory_space<vmem>>)
    %dma_wait3A_370 = arith.constant 1 : i32
    %dma_wait3A_371 = arith.constant 1 : i32
    %dma_wait3A_372 = arith.constant 0 : i32
    %dma_wait3A_373 = tpu.memref_slice %arg8[%dma_wait3A_371, %dma_wait3A_372] : memref<8x72xi32, #tpu.memory_space<vmem>> -> memref<1x72xi32, #tpu.memory_space<vmem>>
    %dma_wait3A_374 = tpu.memref_squeeze %dma_wait3A_373 : memref<1x72xi32, #tpu.memory_space<vmem>> -> memref<72xi32, #tpu.memory_space<vmem>>
    %dma_wait3A_375 = arith.constant 0 : i32
    %dma_wait3A_376 = arith.constant 0 : i32
    %dma_wait3A_377 = tpu.memref_slice %arg4[%add3A, %dma_wait3A_375, %dma_wait3A_376] : memref<32x139x72xi32, #tpu.memory_space<hbm>> -> memref<1x139x72xi32, #tpu.memory_space<hbm>>
    %dma_wait3A_378 = tpu.memref_squeeze %dma_wait3A_377 : memref<1x139x72xi32, #tpu.memory_space<hbm>> -> memref<139x72xi32, #tpu.memory_space<hbm>>
    %dma_wait3A_379 = arith.constant 0 : i32
    %dma_wait3A_380 = tpu.memref_slice %dma_wait3A_378[%dma_wait3A_370, %dma_wait3A_379] : memref<139x72xi32, #tpu.memory_space<hbm>> -> memref<1x72xi32, #tpu.memory_space<hbm>>
    %dma_wait3A_381 = tpu.memref_squeeze %dma_wait3A_380 : memref<1x72xi32, #tpu.memory_space<hbm>> -> memref<72xi32, #tpu.memory_space<hbm>>
    %dma_wait3A_382 = arith.constant 0 : i32
    %dma_wait3A_383 = tpu.memref_slice %arg8[%dma_wait3A_371, %dma_wait3A_382] : memref<8x72xi32, #tpu.memory_space<vmem>> -> memref<1x72xi32, #tpu.memory_space<vmem>>
    %dma_wait3A_384 = tpu.memref_squeeze %dma_wait3A_383 : memref<1x72xi32, #tpu.memory_space<vmem>> -> memref<72xi32, #tpu.memory_space<vmem>>
    %dma_wait3A_385 = arith.constant 0 : i32
    %dma_wait3A_386 = arith.constant 0 : i32
    %dma_wait3A_387 = tpu.memref_slice %arg4[%add3A, %dma_wait3A_385, %dma_wait3A_386] : memref<32x139x72xi32, #tpu.memory_space<hbm>> -> memref<1x139x72xi32, #tpu.memory_space<hbm>>
    %dma_wait3A_388 = tpu.memref_squeeze %dma_wait3A_387 : memref<1x139x72xi32, #tpu.memory_space<hbm>> -> memref<139x72xi32, #tpu.memory_space<hbm>>
    %dma_wait3A_389 = arith.constant 0 : i32
    %dma_wait3A_390 = tpu.memref_slice %dma_wait3A_388[%dma_wait3A_370, %dma_wait3A_389] : memref<139x72xi32, #tpu.memory_space<hbm>> -> memref<1x72xi32, #tpu.memory_space<hbm>>
    %dma_wait3A_391 = tpu.memref_squeeze %dma_wait3A_390 : memref<1x72xi32, #tpu.memory_space<hbm>> -> memref<72xi32, #tpu.memory_space<hbm>>
    tpu.wait_dma2 semaphore(%arg11 : memref<!tpu.dma_semaphore, #tpu.memory_space<semaphore_mem>>) src(%dma_wait3A_391 : memref<72xi32, #tpu.memory_space<hbm>>) dst(%dma_wait3A_384 : memref<72xi32, #tpu.memory_space<vmem>>)
    %dma_start3A_392 = arith.constant 1 : i32
    %dma_start3A_393 = arith.constant 1 : i32
    %dma_start3A_394 = arith.constant 0 : i32
    %dma_start3A_395 = arith.constant 0 : i32
    %dma_start3A_396 = tpu.memref_slice %arg9[%dma_start3A_393, %dma_start3A_394, %dma_start3A_395] : memref<5x72x128xf32, #tpu.memory_space<vmem>> -> memref<1x72x128xf32, #tpu.memory_space<vmem>>
    %dma_start3A_397 = tpu.memref_squeeze %dma_start3A_396 : memref<1x72x128xf32, #tpu.memory_space<vmem>> -> memref<72x128xf32, #tpu.memory_space<vmem>>
    %dma_start3A_398 = arith.constant 0 : i32
    %dma_start3A_399 = tpu.memref_slice %arg7[%dma_start3A_392, %dma_start3A_398] : memref<8x72xi32, #tpu.memory_space<vmem>> -> memref<1x72xi32, #tpu.memory_space<vmem>>
    %dma_start3A_400 = tpu.memref_squeeze %dma_start3A_399 : memref<1x72xi32, #tpu.memory_space<vmem>> -> memref<72xi32, #tpu.memory_space<vmem>>
    %dma_start3A_401 = arith.constant 0 : i32
    %dma_start3A_402 = arith.constant 0 : i32
    %dma_start3A_403 = tpu.memref_slice %arg2[%dma_start3A_401, %dma_start3A_402] : memref<10112x128xf32, #tpu.memory_space<hbm>> -> memref<10112x128xf32, #tpu.memory_space<hbm>>
    tpu.enqueue_indirect_dma source(%dma_start3A_403 : memref<10112x128xf32, #tpu.memory_space<hbm>>) target(%dma_start3A_397 : memref<72x128xf32, #tpu.memory_space<vmem>>) offsets(%dma_start3A_400 : memref<72xi32, #tpu.memory_space<vmem>>) semaphore(%arg12 : memref<!tpu.dma_semaphore, #tpu.memory_space<semaphore_mem>>)
    %dma_wait3A_404 = arith.constant 2 : i32
    %dma_wait3A_405 = arith.constant 2 : i32
    %dma_wait3A_406 = arith.constant 0 : i32
    %dma_wait3A_407 = tpu.memref_slice %arg7[%dma_wait3A_405, %dma_wait3A_406] : memref<8x72xi32, #tpu.memory_space<vmem>> -> memref<1x72xi32, #tpu.memory_space<vmem>>
    %dma_wait3A_408 = tpu.memref_squeeze %dma_wait3A_407 : memref<1x72xi32, #tpu.memory_space<vmem>> -> memref<72xi32, #tpu.memory_space<vmem>>
    %dma_wait3A_409 = arith.constant 0 : i32
    %dma_wait3A_410 = arith.constant 0 : i32
    %dma_wait3A_411 = tpu.memref_slice %arg3[%add3A, %dma_wait3A_409, %dma_wait3A_410] : memref<32x139x72xi32, #tpu.memory_space<hbm>> -> memref<1x139x72xi32, #tpu.memory_space<hbm>>
    %dma_wait3A_412 = tpu.memref_squeeze %dma_wait3A_411 : memref<1x139x72xi32, #tpu.memory_space<hbm>> -> memref<139x72xi32, #tpu.memory_space<hbm>>
    %dma_wait3A_413 = arith.constant 0 : i32
    %dma_wait3A_414 = tpu.memref_slice %dma_wait3A_412[%dma_wait3A_404, %dma_wait3A_413] : memref<139x72xi32, #tpu.memory_space<hbm>> -> memref<1x72xi32, #tpu.memory_space<hbm>>
    %dma_wait3A_415 = tpu.memref_squeeze %dma_wait3A_414 : memref<1x72xi32, #tpu.memory_space<hbm>> -> memref<72xi32, #tpu.memory_space<hbm>>
    %dma_wait3A_416 = arith.constant 0 : i32
    %dma_wait3A_417 = tpu.memref_slice %arg7[%dma_wait3A_405, %dma_wait3A_416] : memref<8x72xi32, #tpu.memory_space<vmem>> -> memref<1x72xi32, #tpu.memory_space<vmem>>
    %dma_wait3A_418 = tpu.memref_squeeze %dma_wait3A_417 : memref<1x72xi32, #tpu.memory_space<vmem>> -> memref<72xi32, #tpu.memory_space<vmem>>
    %dma_wait3A_419 = arith.constant 0 : i32
    %dma_wait3A_420 = arith.constant 0 : i32
    %dma_wait3A_421 = tpu.memref_slice %arg3[%add3A, %dma_wait3A_419, %dma_wait3A_420] : memref<32x139x72xi32, #tpu.memory_space<hbm>> -> memref<1x139x72xi32, #tpu.memory_space<hbm>>
    %dma_wait3A_422 = tpu.memref_squeeze %dma_wait3A_421 : memref<1x139x72xi32, #tpu.memory_space<hbm>> -> memref<139x72xi32, #tpu.memory_space<hbm>>
    %dma_wait3A_423 = arith.constant 0 : i32
    %dma_wait3A_424 = tpu.memref_slice %dma_wait3A_422[%dma_wait3A_404, %dma_wait3A_423] : memref<139x72xi32, #tpu.memory_space<hbm>> -> memref<1x72xi32, #tpu.memory_space<hbm>>
    %dma_wait3A_425 = tpu.memref_squeeze %dma_wait3A_424 : memref<1x72xi32, #tpu.memory_space<hbm>> -> memref<72xi32, #tpu.memory_space<hbm>>
    tpu.wait_dma2 semaphore(%arg11 : memref<!tpu.dma_semaphore, #tpu.memory_space<semaphore_mem>>) src(%dma_wait3A_425 : memref<72xi32, #tpu.memory_space<hbm>>) dst(%dma_wait3A_418 : memref<72xi32, #tpu.memory_space<vmem>>)
    %dma_wait3A_426 = arith.constant 2 : i32
    %dma_wait3A_427 = arith.constant 2 : i32
    %dma_wait3A_428 = arith.constant 0 : i32
    %dma_wait3A_429 = tpu.memref_slice %arg8[%dma_wait3A_427, %dma_wait3A_428] : memref<8x72xi32, #tpu.memory_space<vmem>> -> memref<1x72xi32, #tpu.memory_space<vmem>>
    %dma_wait3A_430 = tpu.memref_squeeze %dma_wait3A_429 : memref<1x72xi32, #tpu.memory_space<vmem>> -> memref<72xi32, #tpu.memory_space<vmem>>
    %dma_wait3A_431 = arith.constant 0 : i32
    %dma_wait3A_432 = arith.constant 0 : i32
    %dma_wait3A_433 = tpu.memref_slice %arg4[%add3A, %dma_wait3A_431, %dma_wait3A_432] : memref<32x139x72xi32, #tpu.memory_space<hbm>> -> memref<1x139x72xi32, #tpu.memory_space<hbm>>
    %dma_wait3A_434 = tpu.memref_squeeze %dma_wait3A_433 : memref<1x139x72xi32, #tpu.memory_space<hbm>> -> memref<139x72xi32, #tpu.memory_space<hbm>>
    %dma_wait3A_435 = arith.constant 0 : i32
    %dma_wait3A_436 = tpu.memref_slice %dma_wait3A_434[%dma_wait3A_426, %dma_wait3A_435] : memref<139x72xi32, #tpu.memory_space<hbm>> -> memref<1x72xi32, #tpu.memory_space<hbm>>
    %dma_wait3A_437 = tpu.memref_squeeze %dma_wait3A_436 : memref<1x72xi32, #tpu.memory_space<hbm>> -> memref<72xi32, #tpu.memory_space<hbm>>
    %dma_wait3A_438 = arith.constant 0 : i32
    %dma_wait3A_439 = tpu.memref_slice %arg8[%dma_wait3A_427, %dma_wait3A_438] : memref<8x72xi32, #tpu.memory_space<vmem>> -> memref<1x72xi32, #tpu.memory_space<vmem>>
    %dma_wait3A_440 = tpu.memref_squeeze %dma_wait3A_439 : memref<1x72xi32, #tpu.memory_space<vmem>> -> memref<72xi32, #tpu.memory_space<vmem>>
    %dma_wait3A_441 = arith.constant 0 : i32
    %dma_wait3A_442 = arith.constant 0 : i32
    %dma_wait3A_443 = tpu.memref_slice %arg4[%add3A, %dma_wait3A_441, %dma_wait3A_442] : memref<32x139x72xi32, #tpu.memory_space<hbm>> -> memref<1x139x72xi32, #tpu.memory_space<hbm>>
    %dma_wait3A_444 = tpu.memref_squeeze %dma_wait3A_443 : memref<1x139x72xi32, #tpu.memory_space<hbm>> -> memref<139x72xi32, #tpu.memory_space<hbm>>
    %dma_wait3A_445 = arith.constant 0 : i32
    %dma_wait3A_446 = tpu.memref_slice %dma_wait3A_444[%dma_wait3A_426, %dma_wait3A_445] : memref<139x72xi32, #tpu.memory_space<hbm>> -> memref<1x72xi32, #tpu.memory_space<hbm>>
    %dma_wait3A_447 = tpu.memref_squeeze %dma_wait3A_446 : memref<1x72xi32, #tpu.memory_space<hbm>> -> memref<72xi32, #tpu.memory_space<hbm>>
    tpu.wait_dma2 semaphore(%arg11 : memref<!tpu.dma_semaphore, #tpu.memory_space<semaphore_mem>>) src(%dma_wait3A_447 : memref<72xi32, #tpu.memory_space<hbm>>) dst(%dma_wait3A_440 : memref<72xi32, #tpu.memory_space<vmem>>)
    %dma_start3A_448 = arith.constant 2 : i32
    %dma_start3A_449 = arith.constant 2 : i32
    %dma_start3A_450 = arith.constant 0 : i32
    %dma_start3A_451 = arith.constant 0 : i32
    %dma_start3A_452 = tpu.memref_slice %arg9[%dma_start3A_449, %dma_start3A_450, %dma_start3A_451] : memref<5x72x128xf32, #tpu.memory_space<vmem>> -> memref<1x72x128xf32, #tpu.memory_space<vmem>>
    %dma_start3A_453 = tpu.memref_squeeze %dma_start3A_452 : memref<1x72x128xf32, #tpu.memory_space<vmem>> -> memref<72x128xf32, #tpu.memory_space<vmem>>
    %dma_start3A_454 = arith.constant 0 : i32
    %dma_start3A_455 = tpu.memref_slice %arg7[%dma_start3A_448, %dma_start3A_454] : memref<8x72xi32, #tpu.memory_space<vmem>> -> memref<1x72xi32, #tpu.memory_space<vmem>>
    %dma_start3A_456 = tpu.memref_squeeze %dma_start3A_455 : memref<1x72xi32, #tpu.memory_space<vmem>> -> memref<72xi32, #tpu.memory_space<vmem>>
    %dma_start3A_457 = arith.constant 0 : i32
    %dma_start3A_458 = arith.constant 0 : i32
    %dma_start3A_459 = tpu.memref_slice %arg2[%dma_start3A_457, %dma_start3A_458] : memref<10112x128xf32, #tpu.memory_space<hbm>> -> memref<10112x128xf32, #tpu.memory_space<hbm>>
    tpu.enqueue_indirect_dma source(%dma_start3A_459 : memref<10112x128xf32, #tpu.memory_space<hbm>>) target(%dma_start3A_453 : memref<72x128xf32, #tpu.memory_space<vmem>>) offsets(%dma_start3A_456 : memref<72xi32, #tpu.memory_space<vmem>>) semaphore(%arg12 : memref<!tpu.dma_semaphore, #tpu.memory_space<semaphore_mem>>)
    %dma_wait3A_460 = arith.constant 3 : i32
    %dma_wait3A_461 = arith.constant 3 : i32
    %dma_wait3A_462 = arith.constant 0 : i32
    %dma_wait3A_463 = tpu.memref_slice %arg7[%dma_wait3A_461, %dma_wait3A_462] : memref<8x72xi32, #tpu.memory_space<vmem>> -> memref<1x72xi32, #tpu.memory_space<vmem>>
    %dma_wait3A_464 = tpu.memref_squeeze %dma_wait3A_463 : memref<1x72xi32, #tpu.memory_space<vmem>> -> memref<72xi32, #tpu.memory_space<vmem>>
    %dma_wait3A_465 = arith.constant 0 : i32
    %dma_wait3A_466 = arith.constant 0 : i32
    %dma_wait3A_467 = tpu.memref_slice %arg3[%add3A, %dma_wait3A_465, %dma_wait3A_466] : memref<32x139x72xi32, #tpu.memory_space<hbm>> -> memref<1x139x72xi32, #tpu.memory_space<hbm>>
    %dma_wait3A_468 = tpu.memref_squeeze %dma_wait3A_467 : memref<1x139x72xi32, #tpu.memory_space<hbm>> -> memref<139x72xi32, #tpu.memory_space<hbm>>
    %dma_wait3A_469 = arith.constant 0 : i32
    %dma_wait3A_470 = tpu.memref_slice %dma_wait3A_468[%dma_wait3A_460, %dma_wait3A_469] : memref<139x72xi32, #tpu.memory_space<hbm>> -> memref<1x72xi32, #tpu.memory_space<hbm>>
    %dma_wait3A_471 = tpu.memref_squeeze %dma_wait3A_470 : memref<1x72xi32, #tpu.memory_space<hbm>> -> memref<72xi32, #tpu.memory_space<hbm>>
    %dma_wait3A_472 = arith.constant 0 : i32
    %dma_wait3A_473 = tpu.memref_slice %arg7[%dma_wait3A_461, %dma_wait3A_472] : memref<8x72xi32, #tpu.memory_space<vmem>> -> memref<1x72xi32, #tpu.memory_space<vmem>>
    %dma_wait3A_474 = tpu.memref_squeeze %dma_wait3A_473 : memref<1x72xi32, #tpu.memory_space<vmem>> -> memref<72xi32, #tpu.memory_space<vmem>>
    %dma_wait3A_475 = arith.constant 0 : i32
    %dma_wait3A_476 = arith.constant 0 : i32
    %dma_wait3A_477 = tpu.memref_slice %arg3[%add3A, %dma_wait3A_475, %dma_wait3A_476] : memref<32x139x72xi32, #tpu.memory_space<hbm>> -> memref<1x139x72xi32, #tpu.memory_space<hbm>>
    %dma_wait3A_478 = tpu.memref_squeeze %dma_wait3A_477 : memref<1x139x72xi32, #tpu.memory_space<hbm>> -> memref<139x72xi32, #tpu.memory_space<hbm>>
    %dma_wait3A_479 = arith.constant 0 : i32
    %dma_wait3A_480 = tpu.memref_slice %dma_wait3A_478[%dma_wait3A_460, %dma_wait3A_479] : memref<139x72xi32, #tpu.memory_space<hbm>> -> memref<1x72xi32, #tpu.memory_space<hbm>>
    %dma_wait3A_481 = tpu.memref_squeeze %dma_wait3A_480 : memref<1x72xi32, #tpu.memory_space<hbm>> -> memref<72xi32, #tpu.memory_space<hbm>>
    tpu.wait_dma2 semaphore(%arg11 : memref<!tpu.dma_semaphore, #tpu.memory_space<semaphore_mem>>) src(%dma_wait3A_481 : memref<72xi32, #tpu.memory_space<hbm>>) dst(%dma_wait3A_474 : memref<72xi32, #tpu.memory_space<vmem>>)
    %dma_wait3A_482 = arith.constant 3 : i32
    %dma_wait3A_483 = arith.constant 3 : i32
    %dma_wait3A_484 = arith.constant 0 : i32
    %dma_wait3A_485 = tpu.memref_slice %arg8[%dma_wait3A_483, %dma_wait3A_484] : memref<8x72xi32, #tpu.memory_space<vmem>> -> memref<1x72xi32, #tpu.memory_space<vmem>>
    %dma_wait3A_486 = tpu.memref_squeeze %dma_wait3A_485 : memref<1x72xi32, #tpu.memory_space<vmem>> -> memref<72xi32, #tpu.memory_space<vmem>>
    %dma_wait3A_487 = arith.constant 0 : i32
    %dma_wait3A_488 = arith.constant 0 : i32
    %dma_wait3A_489 = tpu.memref_slice %arg4[%add3A, %dma_wait3A_487, %dma_wait3A_488] : memref<32x139x72xi32, #tpu.memory_space<hbm>> -> memref<1x139x72xi32, #tpu.memory_space<hbm>>
    %dma_wait3A_490 = tpu.memref_squeeze %dma_wait3A_489 : memref<1x139x72xi32, #tpu.memory_space<hbm>> -> memref<139x72xi32, #tpu.memory_space<hbm>>
    %dma_wait3A_491 = arith.constant 0 : i32
    %dma_wait3A_492 = tpu.memref_slice %dma_wait3A_490[%dma_wait3A_482, %dma_wait3A_491] : memref<139x72xi32, #tpu.memory_space<hbm>> -> memref<1x72xi32, #tpu.memory_space<hbm>>
    %dma_wait3A_493 = tpu.memref_squeeze %dma_wait3A_492 : memref<1x72xi32, #tpu.memory_space<hbm>> -> memref<72xi32, #tpu.memory_space<hbm>>
    %dma_wait3A_494 = arith.constant 0 : i32
    %dma_wait3A_495 = tpu.memref_slice %arg8[%dma_wait3A_483, %dma_wait3A_494] : memref<8x72xi32, #tpu.memory_space<vmem>> -> memref<1x72xi32, #tpu.memory_space<vmem>>
    %dma_wait3A_496 = tpu.memref_squeeze %dma_wait3A_495 : memref<1x72xi32, #tpu.memory_space<vmem>> -> memref<72xi32, #tpu.memory_space<vmem>>
    %dma_wait3A_497 = arith.constant 0 : i32
    %dma_wait3A_498 = arith.constant 0 : i32
    %dma_wait3A_499 = tpu.memref_slice %arg4[%add3A, %dma_wait3A_497, %dma_wait3A_498] : memref<32x139x72xi32, #tpu.memory_space<hbm>> -> memref<1x139x72xi32, #tpu.memory_space<hbm>>
    %dma_wait3A_500 = tpu.memref_squeeze %dma_wait3A_499 : memref<1x139x72xi32, #tpu.memory_space<hbm>> -> memref<139x72xi32, #tpu.memory_space<hbm>>
    %dma_wait3A_501 = arith.constant 0 : i32
    %dma_wait3A_502 = tpu.memref_slice %dma_wait3A_500[%dma_wait3A_482, %dma_wait3A_501] : memref<139x72xi32, #tpu.memory_space<hbm>> -> memref<1x72xi32, #tpu.memory_space<hbm>>
    %dma_wait3A_503 = tpu.memref_squeeze %dma_wait3A_502 : memref<1x72xi32, #tpu.memory_space<hbm>> -> memref<72xi32, #tpu.memory_space<hbm>>
    tpu.wait_dma2 semaphore(%arg11 : memref<!tpu.dma_semaphore, #tpu.memory_space<semaphore_mem>>) src(%dma_wait3A_503 : memref<72xi32, #tpu.memory_space<hbm>>) dst(%dma_wait3A_496 : memref<72xi32, #tpu.memory_space<vmem>>)
    %dma_start3A_504 = arith.constant 3 : i32
    %dma_start3A_505 = arith.constant 3 : i32
    %dma_start3A_506 = arith.constant 0 : i32
    %dma_start3A_507 = arith.constant 0 : i32
    %dma_start3A_508 = tpu.memref_slice %arg9[%dma_start3A_505, %dma_start3A_506, %dma_start3A_507] : memref<5x72x128xf32, #tpu.memory_space<vmem>> -> memref<1x72x128xf32, #tpu.memory_space<vmem>>
    %dma_start3A_509 = tpu.memref_squeeze %dma_start3A_508 : memref<1x72x128xf32, #tpu.memory_space<vmem>> -> memref<72x128xf32, #tpu.memory_space<vmem>>
    %dma_start3A_510 = arith.constant 0 : i32
    %dma_start3A_511 = tpu.memref_slice %arg7[%dma_start3A_504, %dma_start3A_510] : memref<8x72xi32, #tpu.memory_space<vmem>> -> memref<1x72xi32, #tpu.memory_space<vmem>>
    %dma_start3A_512 = tpu.memref_squeeze %dma_start3A_511 : memref<1x72xi32, #tpu.memory_space<vmem>> -> memref<72xi32, #tpu.memory_space<vmem>>
    %dma_start3A_513 = arith.constant 0 : i32
    %dma_start3A_514 = arith.constant 0 : i32
    %dma_start3A_515 = tpu.memref_slice %arg2[%dma_start3A_513, %dma_start3A_514] : memref<10112x128xf32, #tpu.memory_space<hbm>> -> memref<10112x128xf32, #tpu.memory_space<hbm>>
    tpu.enqueue_indirect_dma source(%dma_start3A_515 : memref<10112x128xf32, #tpu.memory_space<hbm>>) target(%dma_start3A_509 : memref<72x128xf32, #tpu.memory_space<vmem>>) offsets(%dma_start3A_512 : memref<72xi32, #tpu.memory_space<vmem>>) semaphore(%arg12 : memref<!tpu.dma_semaphore, #tpu.memory_space<semaphore_mem>>)
    %scan3A = arith.constant 0 : i32
    %scan3A_516 = arith.constant 0 : i32
    %scan3A_517 = arith.constant 139 : i32
    %scan3A_518 = arith.addi %scan3A_516, %scan3A_517 : i32
    %scan3A_519 = arith.constant 1 : i32
    scf.for %scan3A_537 = %scan3A_516 to %scan3A_518 step %scan3A_519  : i32 {
      %rem3A_538 = arith.constant 8 : i32
      %rem3A_539 = arith.remsi %scan3A_537, %rem3A_538 : i32
      %rem3A_540 = arith.constant 5 : i32
      %rem3A_541 = arith.remsi %scan3A_537, %rem3A_540 : i32
      %dma_wait3A_542 = arith.constant 0 : i32
      %dma_wait3A_543 = arith.constant 0 : i32
      %dma_wait3A_544 = tpu.memref_slice %arg9[%rem3A_541, %dma_wait3A_542, %dma_wait3A_543] : memref<5x72x128xf32, #tpu.memory_space<vmem>> -> memref<1x72x128xf32, #tpu.memory_space<vmem>>
      %dma_wait3A_545 = tpu.memref_squeeze %dma_wait3A_544 : memref<1x72x128xf32, #tpu.memory_space<vmem>> -> memref<72x128xf32, #tpu.memory_space<vmem>>
      %dma_wait3A_546 = arith.constant 0 : i32
      %dma_wait3A_547 = tpu.memref_slice %arg7[%rem3A_539, %dma_wait3A_546] : memref<8x72xi32, #tpu.memory_space<vmem>> -> memref<1x72xi32, #tpu.memory_space<vmem>>
      %dma_wait3A_548 = tpu.memref_squeeze %dma_wait3A_547 : memref<1x72xi32, #tpu.memory_space<vmem>> -> memref<72xi32, #tpu.memory_space<vmem>>
      %dma_wait3A_549 = arith.constant 0 : i32
      %dma_wait3A_550 = arith.constant 0 : i32
      %dma_wait3A_551 = tpu.memref_slice %arg2[%dma_wait3A_549, %dma_wait3A_550] : memref<10112x128xf32, #tpu.memory_space<hbm>> -> memref<10112x128xf32, #tpu.memory_space<hbm>>
      tpu.wait_indirect_dma semaphore(%arg12 : memref<!tpu.dma_semaphore, #tpu.memory_space<semaphore_mem>>) src(%dma_wait3A_551 : memref<10112x128xf32, #tpu.memory_space<hbm>>) dst(%dma_wait3A_545 : memref<72x128xf32, #tpu.memory_space<vmem>>)
      %dma_start3A_552 = arith.constant 0 : i32
      %dma_start3A_553 = arith.constant 0 : i32
      %dma_start3A_554 = tpu.memref_slice %arg9[%rem3A_541, %dma_start3A_552, %dma_start3A_553] : memref<5x72x128xf32, #tpu.memory_space<vmem>> -> memref<1x72x128xf32, #tpu.memory_space<vmem>>
      %dma_start3A_555 = tpu.memref_squeeze %dma_start3A_554 : memref<1x72x128xf32, #tpu.memory_space<vmem>> -> memref<72x128xf32, #tpu.memory_space<vmem>>
      %dma_start3A_556 = arith.constant 0 : i32
      %dma_start3A_557 = tpu.memref_slice %arg8[%rem3A_539, %dma_start3A_556] : memref<8x72xi32, #tpu.memory_space<vmem>> -> memref<1x72xi32, #tpu.memory_space<vmem>>
      %dma_start3A_558 = tpu.memref_squeeze %dma_start3A_557 : memref<1x72xi32, #tpu.memory_space<vmem>> -> memref<72xi32, #tpu.memory_space<vmem>>
      %dma_start3A_559 = arith.constant 0 : i32
      %dma_start3A_560 = arith.constant 0 : i32
      %dma_start3A_561 = tpu.memref_slice %arg10[%dma_start3A_559, %dma_start3A_560] : memref<10112x128xf32, #tpu.memory_space<vmem_shared>> -> memref<10112x128xf32, #tpu.memory_space<vmem_shared>>
      tpu.enqueue_indirect_dma source(%dma_start3A_555 : memref<72x128xf32, #tpu.memory_space<vmem>>) target(%dma_start3A_561 : memref<10112x128xf32, #tpu.memory_space<vmem_shared>>) offsets(%dma_start3A_558 : memref<72xi32, #tpu.memory_space<vmem>>) semaphore(%arg13 : memref<!tpu.dma_semaphore, #tpu.memory_space<semaphore_mem>>) {add = true}
      %add3A_562 = arith.constant 6 : i32
      %add3A_563 = arith.addi %scan3A_537, %add3A_562 : i32
      %lt3A = arith.constant 139 : i32
      %lt3A_564 = arith.cmpi slt, %add3A_563, %lt3A : i32
      %convert_element_type3A = arith.extui %lt3A_564 : i1 to i32
      %cond3A = arith.constant 0 : i32
      %cond3A_565 = arith.cmpi ne, %convert_element_type3A, %cond3A : i32
      scf.if %cond3A_565 {
        %add3A_578 = arith.constant 6 : i32
        %add3A_579 = arith.addi %scan3A_537, %add3A_578 : i32
        %add3A_580 = arith.constant 6 : i32
        %add3A_581 = arith.addi %scan3A_537, %add3A_580 : i32
        %rem3A_582 = arith.constant 8 : i32
        %rem3A_583 = arith.remsi %add3A_581, %rem3A_582 : i32
        %dma_start3A_584 = arith.constant 0 : i32
        %dma_start3A_585 = tpu.memref_slice %arg7[%rem3A_583, %dma_start3A_584] : memref<8x72xi32, #tpu.memory_space<vmem>> -> memref<1x72xi32, #tpu.memory_space<vmem>>
        %dma_start3A_586 = tpu.memref_squeeze %dma_start3A_585 : memref<1x72xi32, #tpu.memory_space<vmem>> -> memref<72xi32, #tpu.memory_space<vmem>>
        %dma_start3A_587 = arith.constant 0 : i32
        %dma_start3A_588 = arith.constant 0 : i32
        %dma_start3A_589 = tpu.memref_slice %arg3[%add3A, %dma_start3A_587, %dma_start3A_588] : memref<32x139x72xi32, #tpu.memory_space<hbm>> -> memref<1x139x72xi32, #tpu.memory_space<hbm>>
        %dma_start3A_590 = tpu.memref_squeeze %dma_start3A_589 : memref<1x139x72xi32, #tpu.memory_space<hbm>> -> memref<139x72xi32, #tpu.memory_space<hbm>>
        %dma_start3A_591 = arith.constant 0 : i32
        %dma_start3A_592 = tpu.memref_slice %dma_start3A_590[%add3A_579, %dma_start3A_591] : memref<139x72xi32, #tpu.memory_space<hbm>> -> memref<1x72xi32, #tpu.memory_space<hbm>>
        %dma_start3A_593 = tpu.memref_squeeze %dma_start3A_592 : memref<1x72xi32, #tpu.memory_space<hbm>> -> memref<72xi32, #tpu.memory_space<hbm>>
        %dma_start3A_594 = arith.constant 0 : i32
        %dma_start3A_595 = tpu.memref_slice %arg7[%rem3A_583, %dma_start3A_594] : memref<8x72xi32, #tpu.memory_space<vmem>> -> memref<1x72xi32, #tpu.memory_space<vmem>>
        %dma_start3A_596 = tpu.memref_squeeze %dma_start3A_595 : memref<1x72xi32, #tpu.memory_space<vmem>> -> memref<72xi32, #tpu.memory_space<vmem>>
        %dma_start3A_597 = arith.constant 0 : i32
        %dma_start3A_598 = arith.constant 0 : i32
        %dma_start3A_599 = tpu.memref_slice %arg3[%add3A, %dma_start3A_597, %dma_start3A_598] : memref<32x139x72xi32, #tpu.memory_space<hbm>> -> memref<1x139x72xi32, #tpu.memory_space<hbm>>
        %dma_start3A_600 = tpu.memref_squeeze %dma_start3A_599 : memref<1x139x72xi32, #tpu.memory_space<hbm>> -> memref<139x72xi32, #tpu.memory_space<hbm>>
        %dma_start3A_601 = arith.constant 0 : i32
        %dma_start3A_602 = tpu.memref_slice %dma_start3A_600[%add3A_579, %dma_start3A_601] : memref<139x72xi32, #tpu.memory_space<hbm>> -> memref<1x72xi32, #tpu.memory_space<hbm>>
        %dma_start3A_603 = tpu.memref_squeeze %dma_start3A_602 : memref<1x72xi32, #tpu.memory_space<hbm>> -> memref<72xi32, #tpu.memory_space<hbm>>
        tpu.enqueue_dma source(%dma_start3A_603 : memref<72xi32, #tpu.memory_space<hbm>>) target(%dma_start3A_596 : memref<72xi32, #tpu.memory_space<vmem>>) target_semaphore(%arg11 : memref<!tpu.dma_semaphore, #tpu.memory_space<semaphore_mem>>)
        %dma_start3A_604 = arith.constant 0 : i32
        %dma_start3A_605 = tpu.memref_slice %arg8[%rem3A_583, %dma_start3A_604] : memref<8x72xi32, #tpu.memory_space<vmem>> -> memref<1x72xi32, #tpu.memory_space<vmem>>
        %dma_start3A_606 = tpu.memref_squeeze %dma_start3A_605 : memref<1x72xi32, #tpu.memory_space<vmem>> -> memref<72xi32, #tpu.memory_space<vmem>>
        %dma_start3A_607 = arith.constant 0 : i32
        %dma_start3A_608 = arith.constant 0 : i32
        %dma_start3A_609 = tpu.memref_slice %arg4[%add3A, %dma_start3A_607, %dma_start3A_608] : memref<32x139x72xi32, #tpu.memory_space<hbm>> -> memref<1x139x72xi32, #tpu.memory_space<hbm>>
        %dma_start3A_610 = tpu.memref_squeeze %dma_start3A_609 : memref<1x139x72xi32, #tpu.memory_space<hbm>> -> memref<139x72xi32, #tpu.memory_space<hbm>>
        %dma_start3A_611 = arith.constant 0 : i32
        %dma_start3A_612 = tpu.memref_slice %dma_start3A_610[%add3A_579, %dma_start3A_611] : memref<139x72xi32, #tpu.memory_space<hbm>> -> memref<1x72xi32, #tpu.memory_space<hbm>>
        %dma_start3A_613 = tpu.memref_squeeze %dma_start3A_612 : memref<1x72xi32, #tpu.memory_space<hbm>> -> memref<72xi32, #tpu.memory_space<hbm>>
        %dma_start3A_614 = arith.constant 0 : i32
        %dma_start3A_615 = tpu.memref_slice %arg8[%rem3A_583, %dma_start3A_614] : memref<8x72xi32, #tpu.memory_space<vmem>> -> memref<1x72xi32, #tpu.memory_space<vmem>>
        %dma_start3A_616 = tpu.memref_squeeze %dma_start3A_615 : memref<1x72xi32, #tpu.memory_space<vmem>> -> memref<72xi32, #tpu.memory_space<vmem>>
        %dma_start3A_617 = arith.constant 0 : i32
        %dma_start3A_618 = arith.constant 0 : i32
        %dma_start3A_619 = tpu.memref_slice %arg4[%add3A, %dma_start3A_617, %dma_start3A_618] : memref<32x139x72xi32, #tpu.memory_space<hbm>> -> memref<1x139x72xi32, #tpu.memory_space<hbm>>
        %dma_start3A_620 = tpu.memref_squeeze %dma_start3A_619 : memref<1x139x72xi32, #tpu.memory_space<hbm>> -> memref<139x72xi32, #tpu.memory_space<hbm>>
        %dma_start3A_621 = arith.constant 0 : i32
        %dma_start3A_622 = tpu.memref_slice %dma_start3A_620[%add3A_579, %dma_start3A_621] : memref<139x72xi32, #tpu.memory_space<hbm>> -> memref<1x72xi32, #tpu.memory_space<hbm>>
        %dma_start3A_623 = tpu.memref_squeeze %dma_start3A_622 : memref<1x72xi32, #tpu.memory_space<hbm>> -> memref<72xi32, #tpu.memory_space<hbm>>
        tpu.enqueue_dma source(%dma_start3A_623 : memref<72xi32, #tpu.memory_space<hbm>>) target(%dma_start3A_616 : memref<72xi32, #tpu.memory_space<vmem>>) target_semaphore(%arg11 : memref<!tpu.dma_semaphore, #tpu.memory_space<semaphore_mem>>)
      } else {
      }
      %ge3A = arith.constant 1 : i32
      %ge3A_566 = arith.cmpi sge, %scan3A_537, %ge3A : i32
      %convert_element_type3A_567 = arith.extui %ge3A_566 : i1 to i32
      %cond3A_568 = arith.constant 0 : i32
      %cond3A_569 = arith.cmpi ne, %convert_element_type3A_567, %cond3A_568 : i32
      scf.if %cond3A_569 {
        %sub3A_578 = arith.constant 1 : i32
        %sub3A_579 = arith.subi %scan3A_537, %sub3A_578 : i32
        %rem3A_580 = arith.constant 8 : i32
        %rem3A_581 = arith.remsi %sub3A_579, %rem3A_580 : i32
        %sub3A_582 = arith.constant 1 : i32
        %sub3A_583 = arith.subi %scan3A_537, %sub3A_582 : i32
        %rem3A_584 = arith.constant 5 : i32
        %rem3A_585 = arith.remsi %sub3A_583, %rem3A_584 : i32
        %dma_wait3A_586 = arith.constant 0 : i32
        %dma_wait3A_587 = arith.constant 0 : i32
        %dma_wait3A_588 = tpu.memref_slice %arg9[%rem3A_585, %dma_wait3A_586, %dma_wait3A_587] : memref<5x72x128xf32, #tpu.memory_space<vmem>> -> memref<1x72x128xf32, #tpu.memory_space<vmem>>
        %dma_wait3A_589 = tpu.memref_squeeze %dma_wait3A_588 : memref<1x72x128xf32, #tpu.memory_space<vmem>> -> memref<72x128xf32, #tpu.memory_space<vmem>>
        %dma_wait3A_590 = arith.constant 0 : i32
        %dma_wait3A_591 = tpu.memref_slice %arg8[%rem3A_581, %dma_wait3A_590] : memref<8x72xi32, #tpu.memory_space<vmem>> -> memref<1x72xi32, #tpu.memory_space<vmem>>
        %dma_wait3A_592 = tpu.memref_squeeze %dma_wait3A_591 : memref<1x72xi32, #tpu.memory_space<vmem>> -> memref<72xi32, #tpu.memory_space<vmem>>
        %dma_wait3A_593 = arith.constant 0 : i32
        %dma_wait3A_594 = arith.constant 0 : i32
        %dma_wait3A_595 = tpu.memref_slice %arg10[%dma_wait3A_593, %dma_wait3A_594] : memref<10112x128xf32, #tpu.memory_space<vmem_shared>> -> memref<10112x128xf32, #tpu.memory_space<vmem_shared>>
        tpu.wait_indirect_dma semaphore(%arg13 : memref<!tpu.dma_semaphore, #tpu.memory_space<semaphore_mem>>) src(%dma_wait3A_589 : memref<72x128xf32, #tpu.memory_space<vmem>>) dst(%dma_wait3A_595 : memref<10112x128xf32, #tpu.memory_space<vmem_shared>>)
      } else {
      }
      %add3A_570 = arith.constant 5 : i32
      %add3A_571 = arith.addi %scan3A_537, %add3A_570 : i32
      %sub3A = arith.constant 1 : i32
      %sub3A_572 = arith.subi %add3A_571, %sub3A : i32
      %lt3A_573 = arith.constant 139 : i32
      %lt3A_574 = arith.cmpi slt, %sub3A_572, %lt3A_573 : i32
      %convert_element_type3A_575 = arith.extui %lt3A_574 : i1 to i32
      %cond3A_576 = arith.constant 0 : i32
      %cond3A_577 = arith.cmpi ne, %convert_element_type3A_575, %cond3A_576 : i32
      scf.if %cond3A_577 {
        %add3A_578 = arith.constant 5 : i32
        %add3A_579 = arith.addi %scan3A_537, %add3A_578 : i32
        %sub3A_580 = arith.constant 1 : i32
        %sub3A_581 = arith.subi %add3A_579, %sub3A_580 : i32
        %rem3A_582 = arith.constant 8 : i32
        %rem3A_583 = arith.remsi %sub3A_581, %rem3A_582 : i32
        %add3A_584 = arith.constant 5 : i32
        %add3A_585 = arith.addi %scan3A_537, %add3A_584 : i32
        %sub3A_586 = arith.constant 1 : i32
        %sub3A_587 = arith.subi %add3A_585, %sub3A_586 : i32
        %dma_wait3A_588 = arith.constant 0 : i32
        %dma_wait3A_589 = tpu.memref_slice %arg7[%rem3A_583, %dma_wait3A_588] : memref<8x72xi32, #tpu.memory_space<vmem>> -> memref<1x72xi32, #tpu.memory_space<vmem>>
        %dma_wait3A_590 = tpu.memref_squeeze %dma_wait3A_589 : memref<1x72xi32, #tpu.memory_space<vmem>> -> memref<72xi32, #tpu.memory_space<vmem>>
        %dma_wait3A_591 = arith.constant 0 : i32
        %dma_wait3A_592 = arith.constant 0 : i32
        %dma_wait3A_593 = tpu.memref_slice %arg3[%add3A, %dma_wait3A_591, %dma_wait3A_592] : memref<32x139x72xi32, #tpu.memory_space<hbm>> -> memref<1x139x72xi32, #tpu.memory_space<hbm>>
        %dma_wait3A_594 = tpu.memref_squeeze %dma_wait3A_593 : memref<1x139x72xi32, #tpu.memory_space<hbm>> -> memref<139x72xi32, #tpu.memory_space<hbm>>
        %dma_wait3A_595 = arith.constant 0 : i32
        %dma_wait3A_596 = tpu.memref_slice %dma_wait3A_594[%sub3A_587, %dma_wait3A_595] : memref<139x72xi32, #tpu.memory_space<hbm>> -> memref<1x72xi32, #tpu.memory_space<hbm>>
        %dma_wait3A_597 = tpu.memref_squeeze %dma_wait3A_596 : memref<1x72xi32, #tpu.memory_space<hbm>> -> memref<72xi32, #tpu.memory_space<hbm>>
        %dma_wait3A_598 = arith.constant 0 : i32
        %dma_wait3A_599 = tpu.memref_slice %arg7[%rem3A_583, %dma_wait3A_598] : memref<8x72xi32, #tpu.memory_space<vmem>> -> memref<1x72xi32, #tpu.memory_space<vmem>>
        %dma_wait3A_600 = tpu.memref_squeeze %dma_wait3A_599 : memref<1x72xi32, #tpu.memory_space<vmem>> -> memref<72xi32, #tpu.memory_space<vmem>>
        %dma_wait3A_601 = arith.constant 0 : i32
        %dma_wait3A_602 = arith.constant 0 : i32
        %dma_wait3A_603 = tpu.memref_slice %arg3[%add3A, %dma_wait3A_601, %dma_wait3A_602] : memref<32x139x72xi32, #tpu.memory_space<hbm>> -> memref<1x139x72xi32, #tpu.memory_space<hbm>>
        %dma_wait3A_604 = tpu.memref_squeeze %dma_wait3A_603 : memref<1x139x72xi32, #tpu.memory_space<hbm>> -> memref<139x72xi32, #tpu.memory_space<hbm>>
        %dma_wait3A_605 = arith.constant 0 : i32
        %dma_wait3A_606 = tpu.memref_slice %dma_wait3A_604[%sub3A_587, %dma_wait3A_605] : memref<139x72xi32, #tpu.memory_space<hbm>> -> memref<1x72xi32, #tpu.memory_space<hbm>>
        %dma_wait3A_607 = tpu.memref_squeeze %dma_wait3A_606 : memref<1x72xi32, #tpu.memory_space<hbm>> -> memref<72xi32, #tpu.memory_space<hbm>>
        tpu.wait_dma2 semaphore(%arg11 : memref<!tpu.dma_semaphore, #tpu.memory_space<semaphore_mem>>) src(%dma_wait3A_607 : memref<72xi32, #tpu.memory_space<hbm>>) dst(%dma_wait3A_600 : memref<72xi32, #tpu.memory_space<vmem>>)
        %dma_wait3A_608 = arith.constant 0 : i32
        %dma_wait3A_609 = tpu.memref_slice %arg8[%rem3A_583, %dma_wait3A_608] : memref<8x72xi32, #tpu.memory_space<vmem>> -> memref<1x72xi32, #tpu.memory_space<vmem>>
        %dma_wait3A_610 = tpu.memref_squeeze %dma_wait3A_609 : memref<1x72xi32, #tpu.memory_space<vmem>> -> memref<72xi32, #tpu.memory_space<vmem>>
        %dma_wait3A_611 = arith.constant 0 : i32
        %dma_wait3A_612 = arith.constant 0 : i32
        %dma_wait3A_613 = tpu.memref_slice %arg4[%add3A, %dma_wait3A_611, %dma_wait3A_612] : memref<32x139x72xi32, #tpu.memory_space<hbm>> -> memref<1x139x72xi32, #tpu.memory_space<hbm>>
        %dma_wait3A_614 = tpu.memref_squeeze %dma_wait3A_613 : memref<1x139x72xi32, #tpu.memory_space<hbm>> -> memref<139x72xi32, #tpu.memory_space<hbm>>
        %dma_wait3A_615 = arith.constant 0 : i32
        %dma_wait3A_616 = tpu.memref_slice %dma_wait3A_614[%sub3A_587, %dma_wait3A_615] : memref<139x72xi32, #tpu.memory_space<hbm>> -> memref<1x72xi32, #tpu.memory_space<hbm>>
        %dma_wait3A_617 = tpu.memref_squeeze %dma_wait3A_616 : memref<1x72xi32, #tpu.memory_space<hbm>> -> memref<72xi32, #tpu.memory_space<hbm>>
        %dma_wait3A_618 = arith.constant 0 : i32
        %dma_wait3A_619 = tpu.memref_slice %arg8[%rem3A_583, %dma_wait3A_618] : memref<8x72xi32, #tpu.memory_space<vmem>> -> memref<1x72xi32, #tpu.memory_space<vmem>>
        %dma_wait3A_620 = tpu.memref_squeeze %dma_wait3A_619 : memref<1x72xi32, #tpu.memory_space<vmem>> -> memref<72xi32, #tpu.memory_space<vmem>>
        %dma_wait3A_621 = arith.constant 0 : i32
        %dma_wait3A_622 = arith.constant 0 : i32
        %dma_wait3A_623 = tpu.memref_slice %arg4[%add3A, %dma_wait3A_621, %dma_wait3A_622] : memref<32x139x72xi32, #tpu.memory_space<hbm>> -> memref<1x139x72xi32, #tpu.memory_space<hbm>>
        %dma_wait3A_624 = tpu.memref_squeeze %dma_wait3A_623 : memref<1x139x72xi32, #tpu.memory_space<hbm>> -> memref<139x72xi32, #tpu.memory_space<hbm>>
        %dma_wait3A_625 = arith.constant 0 : i32
        %dma_wait3A_626 = tpu.memref_slice %dma_wait3A_624[%sub3A_587, %dma_wait3A_625] : memref<139x72xi32, #tpu.memory_space<hbm>> -> memref<1x72xi32, #tpu.memory_space<hbm>>
        %dma_wait3A_627 = tpu.memref_squeeze %dma_wait3A_626 : memref<1x72xi32, #tpu.memory_space<hbm>> -> memref<72xi32, #tpu.memory_space<hbm>>
        tpu.wait_dma2 semaphore(%arg11 : memref<!tpu.dma_semaphore, #tpu.memory_space<semaphore_mem>>) src(%dma_wait3A_627 : memref<72xi32, #tpu.memory_space<hbm>>) dst(%dma_wait3A_620 : memref<72xi32, #tpu.memory_space<vmem>>)
        %add3A_628 = arith.constant 5 : i32
        %add3A_629 = arith.addi %scan3A_537, %add3A_628 : i32
        %sub3A_630 = arith.constant 1 : i32
        %sub3A_631 = arith.subi %add3A_629, %sub3A_630 : i32
        %rem3A_632 = arith.constant 5 : i32
        %rem3A_633 = arith.remsi %sub3A_631, %rem3A_632 : i32
        %dma_start3A_634 = arith.constant 0 : i32
        %dma_start3A_635 = arith.constant 0 : i32
        %dma_start3A_636 = tpu.memref_slice %arg9[%rem3A_633, %dma_start3A_634, %dma_start3A_635] : memref<5x72x128xf32, #tpu.memory_space<vmem>> -> memref<1x72x128xf32, #tpu.memory_space<vmem>>
        %dma_start3A_637 = tpu.memref_squeeze %dma_start3A_636 : memref<1x72x128xf32, #tpu.memory_space<vmem>> -> memref<72x128xf32, #tpu.memory_space<vmem>>
        %dma_start3A_638 = arith.constant 0 : i32
        %dma_start3A_639 = tpu.memref_slice %arg7[%rem3A_583, %dma_start3A_638] : memref<8x72xi32, #tpu.memory_space<vmem>> -> memref<1x72xi32, #tpu.memory_space<vmem>>
        %dma_start3A_640 = tpu.memref_squeeze %dma_start3A_639 : memref<1x72xi32, #tpu.memory_space<vmem>> -> memref<72xi32, #tpu.memory_space<vmem>>
        %dma_start3A_641 = arith.constant 0 : i32
        %dma_start3A_642 = arith.constant 0 : i32
        %dma_start3A_643 = tpu.memref_slice %arg2[%dma_start3A_641, %dma_start3A_642] : memref<10112x128xf32, #tpu.memory_space<hbm>> -> memref<10112x128xf32, #tpu.memory_space<hbm>>
        tpu.enqueue_indirect_dma source(%dma_start3A_643 : memref<10112x128xf32, #tpu.memory_space<hbm>>) target(%dma_start3A_637 : memref<72x128xf32, #tpu.memory_space<vmem>>) offsets(%dma_start3A_640 : memref<72xi32, #tpu.memory_space<vmem>>) semaphore(%arg12 : memref<!tpu.dma_semaphore, #tpu.memory_space<semaphore_mem>>)
      } else {
      }
    }
    %scan3A_520 = arith.constant 139 : i32
    %rem3A = arith.constant 138 : i32
    %rem3A_521 = arith.constant 8 : i32
    %rem3A_522 = arith.remsi %rem3A, %rem3A_521 : i32
    %rem3A_523 = arith.constant 138 : i32
    %rem3A_524 = arith.constant 5 : i32
    %rem3A_525 = arith.remsi %rem3A_523, %rem3A_524 : i32
    %dma_wait3A_526 = arith.constant 0 : i32
    %dma_wait3A_527 = arith.constant 0 : i32
    %dma_wait3A_528 = tpu.memref_slice %arg9[%rem3A_525, %dma_wait3A_526, %dma_wait3A_527] : memref<5x72x128xf32, #tpu.memory_space<vmem>> -> memref<1x72x128xf32, #tpu.memory_space<vmem>>
    %dma_wait3A_529 = tpu.memref_squeeze %dma_wait3A_528 : memref<1x72x128xf32, #tpu.memory_space<vmem>> -> memref<72x128xf32, #tpu.memory_space<vmem>>
    %dma_wait3A_530 = arith.constant 0 : i32
    %dma_wait3A_531 = tpu.memref_slice %arg8[%rem3A_522, %dma_wait3A_530] : memref<8x72xi32, #tpu.memory_space<vmem>> -> memref<1x72xi32, #tpu.memory_space<vmem>>
    %dma_wait3A_532 = tpu.memref_squeeze %dma_wait3A_531 : memref<1x72xi32, #tpu.memory_space<vmem>> -> memref<72xi32, #tpu.memory_space<vmem>>
    %dma_wait3A_533 = arith.constant 0 : i32
    %dma_wait3A_534 = arith.constant 0 : i32
    %dma_wait3A_535 = tpu.memref_slice %arg10[%dma_wait3A_533, %dma_wait3A_534] : memref<10112x128xf32, #tpu.memory_space<vmem_shared>> -> memref<10112x128xf32, #tpu.memory_space<vmem_shared>>
    tpu.wait_indirect_dma semaphore(%arg13 : memref<!tpu.dma_semaphore, #tpu.memory_space<semaphore_mem>>) src(%dma_wait3A_529 : memref<72x128xf32, #tpu.memory_space<vmem>>) dst(%dma_wait3A_535 : memref<10112x128xf32, #tpu.memory_space<vmem_shared>>)
    %barrier3A_536 = arith.constant 0 : index
    tpu.barrier barrier_id(%barrier3A_536)
    "tpu.region"() ({
      %run_scoped3A_537 = tpu.sem_alloc : memref<!tpu.dma_semaphore, #tpu.memory_space<semaphore_mem>>
      %dma_start3A_538 = arith.constant 0 : i32
      %dma_start3A_539 = arith.constant 0 : i32
      %dma_start3A_540 = tpu.memref_slice %arg6[%arg0, %dma_start3A_538, %dma_start3A_539] : memref<2x10112x128xf32, #tpu.memory_space<hbm>> -> memref<1x10112x128xf32, #tpu.memory_space<hbm>>
      %dma_start3A_541 = tpu.memref_squeeze %dma_start3A_540 : memref<1x10112x128xf32, #tpu.memory_space<hbm>> -> memref<10112x128xf32, #tpu.memory_space<hbm>>
      %dma_start3A_542 = arith.constant 0 : i32
      %dma_start3A_543 = tpu.memref_slice %dma_start3A_541[%mul3A_2, %dma_start3A_542] : memref<10112x128xf32, #tpu.memory_space<hbm>> -> memref<632x128xf32, #tpu.memory_space<hbm>>
      %dma_start3A_544 = arith.constant 0 : i32
      %dma_start3A_545 = tpu.memref_slice %arg10[%mul3A_2, %dma_start3A_544] : memref<10112x128xf32, #tpu.memory_space<vmem_shared>> -> memref<632x128xf32, #tpu.memory_space<vmem_shared>>
      tpu.enqueue_dma source(%dma_start3A_545 : memref<632x128xf32, #tpu.memory_space<vmem_shared>>) target(%dma_start3A_543 : memref<632x128xf32, #tpu.memory_space<hbm>>) target_semaphore(%run_scoped3A_537 : memref<!tpu.dma_semaphore, #tpu.memory_space<semaphore_mem>>)
      %dma_wait3A_546 = arith.constant 0 : i32
      %dma_wait3A_547 = arith.constant 0 : i32
      %dma_wait3A_548 = tpu.memref_slice %arg6[%arg0, %dma_wait3A_546, %dma_wait3A_547] : memref<2x10112x128xf32, #tpu.memory_space<hbm>> -> memref<1x10112x128xf32, #tpu.memory_space<hbm>>
      %dma_wait3A_549 = tpu.memref_squeeze %dma_wait3A_548 : memref<1x10112x128xf32, #tpu.memory_space<hbm>> -> memref<10112x128xf32, #tpu.memory_space<hbm>>
      %dma_wait3A_550 = arith.constant 0 : i32
      %dma_wait3A_551 = tpu.memref_slice %dma_wait3A_549[%mul3A_2, %dma_wait3A_550] : memref<10112x128xf32, #tpu.memory_space<hbm>> -> memref<632x128xf32, #tpu.memory_space<hbm>>
      %dma_wait3A_552 = arith.constant 0 : i32
      %dma_wait3A_553 = tpu.memref_slice %arg10[%mul3A_2, %dma_wait3A_552] : memref<10112x128xf32, #tpu.memory_space<vmem_shared>> -> memref<632x128xf32, #tpu.memory_space<vmem_shared>>
      tpu.wait_dma2 semaphore(%run_scoped3A_537 : memref<!tpu.dma_semaphore, #tpu.memory_space<semaphore_mem>>) src(%dma_wait3A_553 : memref<632x128xf32, #tpu.memory_space<vmem_shared>>) dst(%dma_wait3A_551 : memref<632x128xf32, #tpu.memory_space<hbm>>)
      tpu.yield
    }) : () -> ()
    return
  }
}

module attributes {stable_mosaic.version = 14 : i64} {
  func.func @_dense_body(%arg0: i32, %arg1: memref<2x1264x128xf32, #tpu.memory_space<vmem>>, %arg2: memref<2x1264x16xf32, #tpu.memory_space<vmem>>, %arg3: memref<1264x128xf32, #tpu.memory_space<vmem>>, %arg4: memref<128x128xf32, #tpu.memory_space<vmem>>, %arg5: memref<128x128xf32, #tpu.memory_space<vmem>>, %arg6: memref<1x128xf32, #tpu.memory_space<vmem>>, %arg7: memref<1264x128xf32, #tpu.memory_space<vmem>>) attributes {dimension_semantics = [#tpu.dimension_semantics<arbitrary>], iteration_bounds = array<i64: 8>, scalar_prefetch = 0 : i64, scratch_operands = 0 : i64, tpu.core_type = #tpu.core_type<tc>, window_params = [{transform_indices = @transform_0, window_bounds = array<i64: 2, 1264, 128>}, {transform_indices = @transform_1, window_bounds = array<i64: 2, 1264, 16>}, {transform_indices = @transform_2, window_bounds = array<i64: 1264, 128>}, {pipeline_mode = #tpu.pipeline_mode<synchronous>, transform_indices = @transform_3, window_bounds = array<i64: 128, 128>}, {pipeline_mode = #tpu.pipeline_mode<synchronous>, transform_indices = @transform_4, window_bounds = array<i64: 128, 128>}, {pipeline_mode = #tpu.pipeline_mode<synchronous>, transform_indices = @transform_5, window_bounds = array<i64: 1, 128>}, {transform_indices = @transform_6, window_bounds = array<i64: 1264, 128>}]} {
    %get3A = arith.constant 0 : index
    %get3A_0 = arith.constant 0 : index
    %get3A_1 = arith.constant 0 : index
    %get3A_2 = vector.load %arg1[%get3A, %get3A_0, %get3A_1] : memref<2x1264x128xf32, #tpu.memory_space<vmem>>, vector<1x1264x128xf32>
    %get3A_3 = vector.shape_cast %get3A_2 : vector<1x1264x128xf32> to vector<1264x128xf32>
    %get3A_4 = arith.constant 1 : index
    %get3A_5 = arith.constant 0 : index
    %get3A_6 = arith.constant 0 : index
    %get3A_7 = vector.load %arg1[%get3A_4, %get3A_5, %get3A_6] : memref<2x1264x128xf32, #tpu.memory_space<vmem>>, vector<1x1264x128xf32>
    %get3A_8 = vector.shape_cast %get3A_7 : vector<1x1264x128xf32> to vector<1264x128xf32>
    %add3A = arith.addf %get3A_3, %get3A_8 : vector<1264x128xf32>
    %get3A_9 = arith.constant 0 : index
    %get3A_10 = arith.constant 0 : index
    %get3A_11 = arith.constant 0 : index
    %get3A_12 = vector.load %arg2[%get3A_9, %get3A_10, %get3A_11] : memref<2x1264x16xf32, #tpu.memory_space<vmem>>, vector<1x1264x1xf32>
    %get3A_13 = vector.shape_cast %get3A_12 : vector<1x1264x1xf32> to vector<1264x1xf32>
    %get3A_14 = arith.constant 1 : index
    %get3A_15 = arith.constant 0 : index
    %get3A_16 = arith.constant 0 : index
    %get3A_17 = vector.load %arg2[%get3A_14, %get3A_15, %get3A_16] : memref<2x1264x16xf32, #tpu.memory_space<vmem>>, vector<1x1264x1xf32>
    %get3A_18 = vector.shape_cast %get3A_17 : vector<1x1264x1xf32> to vector<1264x1xf32>
    %add3A_19 = arith.addf %get3A_13, %get3A_18 : vector<1264x1xf32>
    %max3A = arith.constant 1.000000e+00 : f32
    %max3A_20 = vector.broadcast %max3A : f32 to vector<1264x1xf32>
    %max3A_21 = arith.maximumf %add3A_19, %max3A_20 : vector<1264x1xf32>
    %div3A = vector.broadcast %max3A_21 : vector<1264x1xf32> to vector<1264x128xf32>
    %div3A_22 = arith.divf %add3A, %div3A : vector<1264x128xf32>
    %get3A_23 = arith.constant 0 : index
    %get3A_24 = arith.constant 0 : index
    %get3A_25 = vector.load %arg4[%get3A_23, %get3A_24] : memref<128x128xf32, #tpu.memory_space<vmem>>, vector<128x128xf32>
    %dot_general3A = arith.constant dense<0.000000e+00> : vector<1264x128xf32>
    %dot_general3A_26 = tpu.matmul %div3A_22, %get3A_25, %dot_general3A {dimension_numbers = #tpu.dot_dimension_numbers<[1], [0], [0], [1], [0, 0, 1, 1], [], []>, transpose_lhs_hint = false} : vector<1264x128xf32>, vector<128x128xf32>, vector<1264x128xf32> -> vector<1264x128xf32>
    %get3A_27 = arith.constant 0 : index
    %get3A_28 = arith.constant 0 : index
    %get3A_29 = vector.load %arg3[%get3A_27, %get3A_28] : memref<1264x128xf32, #tpu.memory_space<vmem>>, vector<1264x128xf32>
    %get3A_30 = arith.constant 0 : index
    %get3A_31 = arith.constant 0 : index
    %get3A_32 = vector.load %arg5[%get3A_30, %get3A_31] : memref<128x128xf32, #tpu.memory_space<vmem>>, vector<128x128xf32>
    %dot_general3A_33 = arith.constant dense<0.000000e+00> : vector<1264x128xf32>
    %dot_general3A_34 = tpu.matmul %get3A_29, %get3A_32, %dot_general3A_33 {dimension_numbers = #tpu.dot_dimension_numbers<[1], [0], [0], [1], [0, 0, 1, 1], [], []>, transpose_lhs_hint = false} : vector<1264x128xf32>, vector<128x128xf32>, vector<1264x128xf32> -> vector<1264x128xf32>
    %add3A_35 = arith.addf %dot_general3A_26, %dot_general3A_34 : vector<1264x128xf32>
    %get3A_36 = arith.constant 0 : index
    %get3A_37 = arith.constant 0 : index
    %get3A_38 = vector.load %arg6[%get3A_36, %get3A_37] : memref<1x128xf32, #tpu.memory_space<vmem>>, vector<1x128xf32>
    %add3A_39 = vector.broadcast %get3A_38 : vector<1x128xf32> to vector<1264x128xf32>
    %add3A_40 = arith.addf %add3A_35, %add3A_39 : vector<1264x128xf32>
    %swap3A = arith.constant 0 : index
    %swap3A_41 = arith.constant 0 : index
    %swap3A_42 = vector.load %arg7[%swap3A, %swap3A_41] : memref<1264x128xf32, #tpu.memory_space<vmem>>, vector<1264x128xf32>
    tpu.vector_store %arg7[%swap3A, %swap3A_41], %add3A_40 {strides = array<i32>} : memref<1264x128xf32, #tpu.memory_space<vmem>>, vector<1264x128xf32>,
    return
  }
  func.func @transform_0(%arg0: i32) -> (i32, i32, i32) {
    %c0_i32 = arith.constant 0 : i32
    %c0_i32_0 = arith.constant 0 : i32
    %c0_i32_1 = arith.constant 0 : i32
    return %c0_i32, %arg0, %c0_i32_0 : i32, i32, i32
  }
  func.func @transform_1(%arg0: i32) -> (i32, i32, i32) {
    %c0_i32 = arith.constant 0 : i32
    %c0_i32_0 = arith.constant 0 : i32
    %c0_i32_1 = arith.constant 0 : i32
    return %c0_i32, %arg0, %c0_i32_0 : i32, i32, i32
  }
  func.func @transform_2(%arg0: i32) -> (i32, i32) {
    %c0_i32 = arith.constant 0 : i32
    %c0_i32_0 = arith.constant 0 : i32
    return %arg0, %c0_i32 : i32, i32
  }
  func.func @transform_3(%arg0: i32) -> (i32, i32) {
    %c0_i32 = arith.constant 0 : i32
    %c0_i32_0 = arith.constant 0 : i32
    %c0_i32_1 = arith.constant 0 : i32
    return %c0_i32, %c0_i32_0 : i32, i32
  }
  func.func @transform_4(%arg0: i32) -> (i32, i32) {
    %c0_i32 = arith.constant 0 : i32
    %c0_i32_0 = arith.constant 0 : i32
    %c0_i32_1 = arith.constant 0 : i32
    return %c0_i32, %c0_i32_0 : i32, i32
  }
  func.func @transform_5(%arg0: i32) -> (i32, i32) {
    %c0_i32 = arith.constant 0 : i32
    %c0_i32_0 = arith.constant 0 : i32
    %c0_i32_1 = arith.constant 0 : i32
    return %c0_i32, %c0_i32_0 : i32, i32
  }
  func.func @transform_6(%arg0: i32) -> (i32, i32) {
    %c0_i32 = arith.constant 0 : i32
    %c0_i32_0 = arith.constant 0 : i32
    return %arg0, %c0_i32 : i32, i32
  }
}

module attributes {stable_mosaic.version = 14 : i64} {
  func.func @_dense_body(%arg0: i32, %arg1: memref<2x1264x128xf32, #tpu.memory_space<vmem>>, %arg2: memref<2x1264x16xf32, #tpu.memory_space<vmem>>, %arg3: memref<1264x128xf32, #tpu.memory_space<vmem>>, %arg4: memref<128x128xf32, #tpu.memory_space<vmem>>, %arg5: memref<128x128xf32, #tpu.memory_space<vmem>>, %arg6: memref<1x128xf32, #tpu.memory_space<vmem>>, %arg7: memref<1264x128xf32, #tpu.memory_space<vmem>>) attributes {dimension_semantics = [#tpu.dimension_semantics<arbitrary>], iteration_bounds = array<i64: 8>, scalar_prefetch = 0 : i64, scratch_operands = 0 : i64, tpu.core_type = #tpu.core_type<tc>, window_params = [{transform_indices = @transform_0, window_bounds = array<i64: 2, 1264, 128>}, {transform_indices = @transform_1, window_bounds = array<i64: 2, 1264, 16>}, {transform_indices = @transform_2, window_bounds = array<i64: 1264, 128>}, {pipeline_mode = #tpu.pipeline_mode<synchronous>, transform_indices = @transform_3, window_bounds = array<i64: 128, 128>}, {pipeline_mode = #tpu.pipeline_mode<synchronous>, transform_indices = @transform_4, window_bounds = array<i64: 128, 128>}, {pipeline_mode = #tpu.pipeline_mode<synchronous>, transform_indices = @transform_5, window_bounds = array<i64: 1, 128>}, {transform_indices = @transform_6, window_bounds = array<i64: 1264, 128>}]} {
    %get3A = arith.constant 0 : index
    %get3A_0 = arith.constant 0 : index
    %get3A_1 = arith.constant 0 : index
    %get3A_2 = vector.load %arg1[%get3A, %get3A_0, %get3A_1] : memref<2x1264x128xf32, #tpu.memory_space<vmem>>, vector<1x1264x128xf32>
    %get3A_3 = vector.shape_cast %get3A_2 : vector<1x1264x128xf32> to vector<1264x128xf32>
    %get3A_4 = arith.constant 1 : index
    %get3A_5 = arith.constant 0 : index
    %get3A_6 = arith.constant 0 : index
    %get3A_7 = vector.load %arg1[%get3A_4, %get3A_5, %get3A_6] : memref<2x1264x128xf32, #tpu.memory_space<vmem>>, vector<1x1264x128xf32>
    %get3A_8 = vector.shape_cast %get3A_7 : vector<1x1264x128xf32> to vector<1264x128xf32>
    %add3A = arith.addf %get3A_3, %get3A_8 : vector<1264x128xf32>
    %get3A_9 = arith.constant 0 : index
    %get3A_10 = arith.constant 0 : index
    %get3A_11 = arith.constant 0 : index
    %get3A_12 = vector.load %arg2[%get3A_9, %get3A_10, %get3A_11] : memref<2x1264x16xf32, #tpu.memory_space<vmem>>, vector<1x1264x1xf32>
    %get3A_13 = vector.shape_cast %get3A_12 : vector<1x1264x1xf32> to vector<1264x1xf32>
    %get3A_14 = arith.constant 1 : index
    %get3A_15 = arith.constant 0 : index
    %get3A_16 = arith.constant 0 : index
    %get3A_17 = vector.load %arg2[%get3A_14, %get3A_15, %get3A_16] : memref<2x1264x16xf32, #tpu.memory_space<vmem>>, vector<1x1264x1xf32>
    %get3A_18 = vector.shape_cast %get3A_17 : vector<1x1264x1xf32> to vector<1264x1xf32>
    %add3A_19 = arith.addf %get3A_13, %get3A_18 : vector<1264x1xf32>
    %max3A = arith.constant 1.000000e+00 : f32
    %max3A_20 = vector.broadcast %max3A : f32 to vector<1264x1xf32>
    %max3A_21 = arith.maximumf %add3A_19, %max3A_20 : vector<1264x1xf32>
    %div3A = vector.broadcast %max3A_21 : vector<1264x1xf32> to vector<1264x128xf32>
    %div3A_22 = arith.divf %add3A, %div3A : vector<1264x128xf32>
    %get3A_23 = arith.constant 0 : index
    %get3A_24 = arith.constant 0 : index
    %get3A_25 = vector.load %arg4[%get3A_23, %get3A_24] : memref<128x128xf32, #tpu.memory_space<vmem>>, vector<128x128xf32>
    %dot_general3A = arith.constant dense<0.000000e+00> : vector<1264x128xf32>
    %dot_general3A_26 = tpu.matmul %div3A_22, %get3A_25, %dot_general3A {dimension_numbers = #tpu.dot_dimension_numbers<[1], [0], [0], [1], [0, 0, 1, 1], [], []>, transpose_lhs_hint = false} : vector<1264x128xf32>, vector<128x128xf32>, vector<1264x128xf32> -> vector<1264x128xf32>
    %get3A_27 = arith.constant 0 : index
    %get3A_28 = arith.constant 0 : index
    %get3A_29 = vector.load %arg3[%get3A_27, %get3A_28] : memref<1264x128xf32, #tpu.memory_space<vmem>>, vector<1264x128xf32>
    %get3A_30 = arith.constant 0 : index
    %get3A_31 = arith.constant 0 : index
    %get3A_32 = vector.load %arg5[%get3A_30, %get3A_31] : memref<128x128xf32, #tpu.memory_space<vmem>>, vector<128x128xf32>
    %dot_general3A_33 = arith.constant dense<0.000000e+00> : vector<1264x128xf32>
    %dot_general3A_34 = tpu.matmul %get3A_29, %get3A_32, %dot_general3A_33 {dimension_numbers = #tpu.dot_dimension_numbers<[1], [0], [0], [1], [0, 0, 1, 1], [], []>, transpose_lhs_hint = false} : vector<1264x128xf32>, vector<128x128xf32>, vector<1264x128xf32> -> vector<1264x128xf32>
    %add3A_35 = arith.addf %dot_general3A_26, %dot_general3A_34 : vector<1264x128xf32>
    %get3A_36 = arith.constant 0 : index
    %get3A_37 = arith.constant 0 : index
    %get3A_38 = vector.load %arg6[%get3A_36, %get3A_37] : memref<1x128xf32, #tpu.memory_space<vmem>>, vector<1x128xf32>
    %add3A_39 = vector.broadcast %get3A_38 : vector<1x128xf32> to vector<1264x128xf32>
    %add3A_40 = arith.addf %add3A_35, %add3A_39 : vector<1264x128xf32>
    %max3A_41 = arith.constant 0.000000e+00 : f32
    %max3A_42 = vector.broadcast %max3A_41 : f32 to vector<1264x128xf32>
    %max3A_43 = arith.maximumf %add3A_40, %max3A_42 : vector<1264x128xf32>
    %swap3A = arith.constant 0 : index
    %swap3A_44 = arith.constant 0 : index
    %swap3A_45 = vector.load %arg7[%swap3A, %swap3A_44] : memref<1264x128xf32, #tpu.memory_space<vmem>>, vector<1264x128xf32>
    tpu.vector_store %arg7[%swap3A, %swap3A_44], %max3A_43 {strides = array<i32>} : memref<1264x128xf32, #tpu.memory_space<vmem>>, vector<1264x128xf32>,
    return
  }
  func.func @transform_0(%arg0: i32) -> (i32, i32, i32) {
    %c0_i32 = arith.constant 0 : i32
    %c0_i32_0 = arith.constant 0 : i32
    %c0_i32_1 = arith.constant 0 : i32
    return %c0_i32, %arg0, %c0_i32_0 : i32, i32, i32
  }
  func.func @transform_1(%arg0: i32) -> (i32, i32, i32) {
    %c0_i32 = arith.constant 0 : i32
    %c0_i32_0 = arith.constant 0 : i32
    %c0_i32_1 = arith.constant 0 : i32
    return %c0_i32, %arg0, %c0_i32_0 : i32, i32, i32
  }
  func.func @transform_2(%arg0: i32) -> (i32, i32) {
    %c0_i32 = arith.constant 0 : i32
    %c0_i32_0 = arith.constant 0 : i32
    return %arg0, %c0_i32 : i32, i32
  }
  func.func @transform_3(%arg0: i32) -> (i32, i32) {
    %c0_i32 = arith.constant 0 : i32
    %c0_i32_0 = arith.constant 0 : i32
    %c0_i32_1 = arith.constant 0 : i32
    return %c0_i32, %c0_i32_0 : i32, i32
  }
  func.func @transform_4(%arg0: i32) -> (i32, i32) {
    %c0_i32 = arith.constant 0 : i32
    %c0_i32_0 = arith.constant 0 : i32
    %c0_i32_1 = arith.constant 0 : i32
    return %c0_i32, %c0_i32_0 : i32, i32
  }
  func.func @transform_5(%arg0: i32) -> (i32, i32) {
    %c0_i32 = arith.constant 0 : i32
    %c0_i32_0 = arith.constant 0 : i32
    %c0_i32_1 = arith.constant 0 : i32
    return %c0_i32, %c0_i32_0 : i32, i32
  }
  func.func @transform_6(%arg0: i32) -> (i32, i32) {
    %c0_i32 = arith.constant 0 : i32
    %c0_i32_0 = arith.constant 0 : i32
    return %arg0, %c0_i32 : i32, i32
  }
}

</mosaic_0001>

<sc_bundles>
// kernel: kernel.12.cloned.1.call-start
scs
__scs_entry_jumppad:
0x0: {  	(pc) =	sbr.rel $0x88, $3  }
0x1: {  	(tag) =	ssettag $0x0;
	lr =	simm.s32 $0x1  }
0x2: {  	[smem:$0x3F96] =	sst lr;
	_ =	strace $0xD0000000  }
0x3: {  	_ = 	snop  }
0x4: {  	_ = 	snop  }
0x5: {  	_ = 	snop  }
0x6: {  	_ = 	snop  }
0x7: {  	_ = 	snop  }
__scs_overlays_trampoline_lowered:
0x8: {  	[smem:$0x3FA5] =	sst s0  }
0x9: {  	[smem:$0x3FA6] =	sst s1  }
0xa: {  	[smem:$0x3FA7] =	sst s2  }
0xb: {  	[smem:$0x3FA8] =	sst s3  }
0xc: {  	[smem:$0x3FA9] =	sst s4  }
0xd: {  	[smem:$0x3FAA] =	sst s5  }
0xe: {  	[smem:$0x3FAB] =	sst s6  }
0xf: {  	[smem:$0x3FAC] =	sst s7  }
0x10: {  	[smem:$0x3FAD] =	sst s8  }
0x11: {  	[smem:$0x3FAE] =	sst s9;
	s0 =	simm.s32 @!p0 $0x0  }
0x12: {  	s1 =	sld [smem:$0x3F94];
	s0 =	simm.s32 @p0 $0x1  }
0x13: {  	[smem:$0x3FAF] =	sst s0;
	s0 =	simm.s32 @!p1 $0x0  }
0x14: {  	s2 =	sld [smem:$0x3F93];
	s0 =	simm.s32 @p1 $0x1  }
0x15: {  	[smem:$0x3FB0] =	sst s0;
	s0 =	simm.s32 @!p2 $0x0  }
0x16: {  	s3 =	sld [smem:$0x3FDB];
	s0 =	simm.s32 @p2 $0x1  }
0x17: {  	s4 =	simm.s32 $0x1BF5;
	[smem:$0x3FB2] =	sst s0  }
0x18: {  	s0 =	sld [smem:$0x3F95];
	_ =	swait.ge [sflag:s4], $0x0  }
0x19: {  	s7 =	sld [smem:$0x3F96]  }
0x1a: {  	s8 =	sadd.s32 $0xFFFFE003, lr  }
0x1b: {  	s9 =	sadd.s32 $0xFFFFFEF7, lr;
	s5 =	simm.s32 $0xFFFFFFFF;
	p2 =	slt.u32 s8, $0xFFFFF086  }
0x1c: {  	p1 =	slt.u32 s9, $0xF7A;
	s5 =	simm.s32 @!p2 $0x0  }
0x1d: {  	s5 =	simm.s32 @p1 $0x1;
	p0 =	seq.s32 s7, s2  }
0x1e: {  	s7 =	smul.u32 @!p0 $0xF7A, s2;
	p2 =	seq.s32 @!p0 s5, $0x0  }
0x1f: {  	s9 =	smul.u32 $0xF7A, s1;
	s8 =	simm.s32 @!p0 $0x1BF5;
	p2 =	por !p2, p0  }
0x20: {  	[sflag:s8] =	ssyncset.s32 @!p0 $0xFFFFF086;
	s6 =	sadd.s32 @!p0 s3, s7;
	s7 =	simm.s32 @!p0 $0x108  }
0x21: {  	s3 =	sadd.s32 s3, s9;
	s6 =	sadd.s32 @!p0 $0x88, s6;
	s7 =	simm.s32 @p2 $0x1082  }
0x22: {  	[simem:s7], [sflag:s8] =	dma.local @!p0 [hbm:s6], $0xF7A  }
0x23: {  	s9 =	sor.u32 $0xD0000000, s2;
	s6 =	simm.s32 $0x108;
	_ =	swait.ge @!p0 [sflag:s8], $0x0  }
0x24: {  	s3 =	sadd.s32 $0x88, s3;
	s6 =	simm.s32 @!p1 $0x1082;
	[sflag:s4] =	ssyncset.s32 $0xFFFFF086  }
0x25: {  	[simem:s6], [sflag:s4] =	dma.local [hbm:s3], $0xF7A  }
0x26: {  	[smem:$0x3F96] =	sst s1;
	(tag) =	ssettag s2;
	_ =	strace s9  }
0x27: {  	s1 =	sld [smem:$0x3FA6]  }
0x28: {  	s2 =	sld [smem:$0x3FA7]  }
0x29: {  	s4 =	sld [smem:$0x3FA9]  }
0x2a: {  	p0 =	seq.s32 s5, $0x0;
	s5 =	sld [smem:$0x3FAA]  }
0x2b: {  	s6 =	sld [smem:$0x3FAB]  }
0x2c: {  	s7 =	sld [smem:$0x3FAC]  }
0x2d: {  	s3 =	simm.s32 $0x108;
	s8 =	sld [smem:$0x3FAD]  }
0x2e: {  	s3 =	simm.s32 @!p0 $0x1082;
	s9 =	sld [smem:$0x3FAE]  }
0x2f: {  	lr =	sadd.s32 s0, s3;
	s0 =	sld [smem:$0x3FA5]  }
0x30: {  	s3 =	sld [smem:$0x3FA8]  }
0x31: {  	[smem:$0x3FB1] =	sst s10  }
0x32: {  	s10 =	sld [smem:$0x3FAF];
	_ =	sdelay $0x3  }
0x33: {  	p0 =	seq.s32 s10, $0x1;
	s10 =	sld [smem:$0x3FB1];
	_ =	sdelay $0x3  }
0x34: {  	[smem:$0x3FB1] =	sst s10  }
0x35: {  	s10 =	sld [smem:$0x3FB0];
	_ =	sdelay $0x3  }
0x36: {  	p1 =	seq.s32 s10, $0x1;
	s10 =	sld [smem:$0x3FB1];
	_ =	sdelay $0x3  }
0x37: {  	[smem:$0x3FB1] =	sst s10  }
0x38: {  	s10 =	sld [smem:$0x3FB2]  }
0x39: {  	_ = 	snop;
	(pc) =	sbr.ind lr, $3  }
0x3a: {  	_ = 	snop  }
0x3b: {  	_ = 	snop  }
0x3c: {  	p2 =	seq.s32 s10, $0x1;
	s10 =	sld [smem:$0x3FB1]  }
0x3d: {  	_ =	shalt  }
0x3e: {  	_ =	shalt  }
0x3f: {  	_ =	shalt  }
0x40: {  	_ =	shalt  }
0x41: {  	_ =	shalt  }
0x42: {  	_ =	shalt  }
0x43: {  	_ =	shalt  }
0x44: {  	_ =	shalt  }
0x45: {  	_ =	shalt  }
0x46: {  	_ =	shalt  }
0x47: {  	_ =	shalt  }
0x48: {  	_ =	shalt  }
0x49: {  	_ =	shalt  }
0x4a: {  	_ =	shalt  }
0x4b: {  	_ =	shalt  }
0x4c: {  	_ =	shalt  }
0x4d: {  	_ =	shalt  }
0x4e: {  	_ =	shalt  }
0x4f: {  	_ =	shalt  }
0x50: {  	_ =	shalt  }
0x51: {  	_ =	shalt  }
0x52: {  	_ =	shalt  }
0x53: {  	_ =	shalt  }
0x54: {  	_ =	shalt  }
0x55: {  	_ =	shalt  }
0x56: {  	_ =	shalt  }
0x57: {  	_ =	shalt  }
0x58: {  	_ =	shalt  }
0x59: {  	_ =	shalt  }
0x5a: {  	_ =	shalt  }
0x5b: {  	_ =	shalt  }
0x5c: {  	_ =	shalt  }
0x5d: {  	_ =	shalt  }
0x5e: {  	_ =	shalt  }
0x5f: {  	_ =	shalt  }
0x60: {  	_ =	shalt  }
0x61: {  	_ =	shalt  }
0x62: {  	_ =	shalt  }
0x63: {  	_ =	shalt  }
0x64: {  	_ =	shalt  }
0x65: {  	_ =	shalt  }
0x66: {  	_ =	shalt  }
0x67: {  	_ =	shalt  }
0x68: {  	_ =	shalt  }
0x69: {  	_ =	shalt  }
0x6a: {  	_ =	shalt  }
0x6b: {  	_ =	shalt  }
0x6c: {  	_ =	shalt  }
0x6d: {  	_ =	shalt  }
0x6e: {  	_ =	shalt  }
0x6f: {  	_ =	shalt  }
0x70: {  	_ =	shalt  }
0x71: {  	_ =	shalt  }
0x72: {  	_ =	shalt  }
0x73: {  	_ =	shalt  }
0x74: {  	_ =	shalt  }
0x75: {  	_ =	shalt  }
0x76: {  	_ =	shalt  }
0x77: {  	_ =	shalt  }
0x78: {  	_ =	shalt  }
0x79: {  	_ =	shalt  }
0x7a: {  	_ =	shalt  }
0x7b: {  	_ =	shalt  }
0x7c: {  	_ =	shalt  }
0x7d: {  	_ =	shalt  }
0x7e: {  	_ =	shalt  }
0x7f: {  	_ =	shalt  }
0x80: {  	_ =	shalt  }
0x81: {  	_ =	shalt  }
0x82: {  	_ =	shalt  }
0x83: {  	_ =	shalt  }
0x84: {  	_ =	shalt  }
0x85: {  	_ =	shalt  }
0x86: {  	_ =	shalt  }
0x87: {  	_ =	shalt  }
.Lfunc_end0:
.L_simem_size_0:
called_computation.1_lowered:
.L_overlay_start_0:
0x88: {  	s2 =	sld [smem:$0x3FD9]  }
0x89: {  	s3 =	sld [smem:$0x3FFE];
	_ =	sdelay $0x1  }
0x8a: {  	s1 =	srdreg.scid  }
0x8b: {  	s0 =	sand.u32 $0x1, s1  }
0x8c: {  	s17 =	sshll.u32 s0, $0xA;
	s2 =	sadd.s32 s3, s2  }
0x8d: {  	s2 =	sadd.s32 s2, s17  }
0x8e: {  	[smem:$0x3FBD] =	sst s2  }
0x8f: {  	_ = 	snop  }
0x90: {  	s2 =	sld [smem:$0x3FD0];
	(tm) =	ssettm $0x1  }
0x91: {  	s18 =	sld [smem:$0x3FFB];
	_ =	sdelay $0x3  }
0x92: {  	_ =	strace s18  }
0x93: {  	s3 =	sld [smem:$0x3FFC];
	_ =	sdelay $0x3  }
0x94: {  	_ =	strace s3  }
0x95: {  	s3 =	sld [smem:$0x3FFD];
	_ =	sdelay $0x3  }
0x96: {  	_ =	strace s3  }
0x97: {  	_ =	strace $0x8FFFFFFF  }
0x98: {  	s19 =	sld [smem:$0x3FDB];
	_ =	sdelay $0x1  }
0x99: {  	s4 =	simm.s32 $_scs_section_size  }
0x9a: {  	s5 =	simm.s32 $_size__tile_overlayer_lowered;
	s6 =	simm.s32 $_tile_overlayer_lowered  }
0x9b: {  	s22 =	simm.s32 $0x1BFF;
	s21 =	sshll.u32 s6, $0x1;
	s3 =	sadd.s32 s4, s19  }
0x9c: {  	s7 =	simm.s32 $0x0;
	s20 =	sshll.u32 s5, $0x1;
	s5 =	sadd.s32 s21, s3  }
0x9d: {  	[timem:s7], [sflag:s22] =	dma.local [hbm:s5], s20  }
0x9e: {  	_ =	swait.ge [sflag:s22], s20  }
0x9f: {  	s4 =	ssub.s32 $0x0, s20;
	[sflag:s22] =	ssyncset.done $0x0  }
0xa0: {  	[sflag:s22] =	ssyncadd.s32 s4;
	_ =	sdelay $0x1  }
0xa1: {  	s23 =	simm.s32 $0x1B8B  }
0xa2: {  	_ =	swait.ge [sflag:s23], $0x1  }
0xa3: {  	[sflag:s23] =	ssyncset.done $0x0  }
0xa4: {  	s25 =	simm.s32 $0x1B8E;
	s24 =	sld [smem:$0x3FFE];
	[sflag:s23] =	ssyncadd.s32 $0xFFFFFFFF  }
0xa5: {  	s26 =	simm.s32 $execute0_lowered;
	[smem:$0x3FD2] =	sst s25  }
0xa6: {  	s5 =	sshll.u32 s26, $0x1;
	_ =	strace $0x80000046;
	[dreg:$0x1] =	wrdreg $0xFFFFFFFF  }
0xa7: {  	s28 =	simm.s32 $_size_execute0_lowered;
	s3 =	sadd.s32 s3, s5;
	[dreg:$0x0] =	wrdreg $0x0  }
0xa8: {  	s5 =	sshll.u32 s28, $0x1;
	[dreg:$0x2] =	wrdreg s3  }
0xa9: {  	[dreg:$0x3] =	wrdreg s5  }
0xaa: {  	[dreg:$0x4] =	wrdreg $0xC0  }
0xab: {  	_ =	task [dreg:s7], $0x5FFFF  }
0xac: {  	[dreg:$0x1] =	wrdreg $0xFFFFFFFF  }
0xad: {  	[dreg:$0x0] =	wrdreg $0x60  }
0xae: {  	[dreg:$0x2] =	wrdreg s24  }
0xaf: {  	[dreg:$0x3] =	wrdreg s2  }
0xb0: {  	[dreg:$0x4] =	wrdreg $0xBC000  }
0xb1: {  	[dreg:$0x5] =	wrdreg $0xA  }
0xb2: {  	_ =	task.clear_ibuf [dreg:s7], $0x6FFFF;
	_ =	strace $0x90000046  }
0xb3: {  	s29 =	simm.s32 $0xA;
	_ =	strace $0x80000048  }
0xb4: {  	_ =	swait.ge [sflag:s29], $0x1  }
0xb5: {  	[sflag:s29] =	ssyncadd.s32 $0xFFFFFFFF  }
0xb6: {  	_ =	strace $0x90000048  }
0xb7: {  	_ =	sfence  }
0xb8: {  	s30 =	sld [smem:$0x0];
	_ =	sdelay $0x2  }
0xb9: {  	s31 =	sshll.u32 s1, $0xD;
	s1 =	sshrl.u32 s1, $0x2  }
0xba: {  	s3 =	sand.u32 $0x4000, s31;
	s1 =	sadd.s32 s1, s30  }
0xbb: {  	s0 =	sor.u32 s3, s0;
	s1 =	sshll.u32 s1, $0x11  }
0xbc: {  	s0 =	sor.u32 s1, s0  }
0xbd: {  	s0 =	sadd.s32 $0x8F2B, s0  }
0xbe: {  	[sflag:s0] =	ssyncadd.remote.s32 $0x1  }
0xbf: {  	_ =	sfence.sel $0xFFFF  }
0xc0: {  	[dreg:$0x0] =	wrdreg $0xFFFFFFFF;
	(pc) =	sbr.abs _section_cstart, $3  }
0xc1: {  	[dreg:$0x1] =	wrdreg $0xFFFFFFFF  }
0xc2: {  	_ =	task.clear_ibuf [dreg:s7], $0x2FFFF;
	_ =	strace $0x9FFFFFFF  }
0xc3: {  	(tm) =	ssettm $0x7FFFFFFF  }
tec
execute0_lowered:
.L_overlay_start_1:
0x0: {  	(tag) =	ssettag $0x1  }
0x1: {  	s0 =	srdreg.scid;
	s1 =	rddreg [dreg:$0x0]  }
0x2: {  	s5 =	rddreg [dreg:$0x1];
	s11 =	stileid.u32  }
0x3: {  	s2 =	rddreg [dreg:$0x2];
	s20 =	simm.s32 $0x80;
	s28 =	simm.s32 $0x180  }
0x4: {  	s18 =	simm.s32 $0x1;
	s31 =	simm.s32 $0x2;
	s6 =	smul.u32 $0x4F000, s11  }
0x5: {  	s0 =	sand.u32 $0x1, s0;
	s10 =	sadd.s32 $0x3D200, s1;
	s30 =	smul.u32 $0x2780, s11  }
0x6: {  	s3 =	sshll.u32 s0, $0x4;
	s9 =	smul.u32 $0x27800, s0;
	s0 =	ssub.s32 $0x2, s0  }
0x7: {  	s4 =	sor.u32 s11, s3;
	s3 =	simm.s32 $0x0;
	s6 =	sshrl.u32 s6, $0x2  }
0x8: {  	s22 =	sshrl.u32 s0, $0x1;
	s7 =	smul.u32 $0x900, s4;
	[smem:$0x7FF] =	sst s3  }
0x9: {  	s4 =	sadd.s32 $0x15A00, s1;
	s6 =	sadd.s32 s6, s2;
	s0 =	ssub.s32 s0, s22  }
0xa: {  	s22 =	simm.s32 $0x48;
	_ =	strace $0x80000047;
	[dreg:$0x4] =	wrdreg s10  }
0xb: {  	s23 =	sadd.s32 $0x2400, s6;
	s24 =	sadd.s32 $0x4800, s6;
	s25 =	sadd.s32 $0x6C00, s6  }
0xc: {  	s26 =	sadd.s32 $0x9000, s6;
	s29 =	sadd.s32 $0xB400, s6;
	[dreg:$0x5] =	wrdreg s23  }
0xd: {  	s12 =	sadd.s32 $0xD800, s6;
	s13 =	sadd.s32 $0xFC00, s6;
	[dreg:$0x6] =	wrdreg s24  }
0xe: {  	s14 =	sadd.s32 $0x12000, s6;
	s17 =	smax.u32 s0, $0x1;
	[dreg:$0x7] =	wrdreg s25  }
0xf: {  	s0 =	simm.s32 $0x4;
	s8 =	sadd.s32 s7, s1;
	[dreg:$0x8] =	wrdreg s26  }
0x10: {  	s1 =	sadd.s32 s9, s1;
	[dreg:$0x9] =	wrdreg s29;
	s15 =	sadd.s32 s5, s7  }
0x11: {  	s25 =	simm.s32 $0x100;
	s26 =	simm.s32 $0x0;
	s16 =	sadd.s32 $0x3A00, s8  }
0x12: {  	s1 =	sadd.s32 $0x3D800, s1;
	s19 =	sadd.s32 $0x10, s15;
	s23 =	sadd.s32 $0x20, s15  }
0x13: {  	s21 =	sadd.s32 $0x10, s16;
	s24 =	sadd.s32 s30, s1;
	s1 =	simm.s32 $0x3  }
.LBB2_1:
0x14: {  	s29 =	simm.s32 $0x800;
	s5 =	rddreg [dreg:$0x4]  }
0x15: {  	[tilespmem:s29], [sflag:$0x4] =	stream.linear.gather [hbm4b:s5+s3], $0x2400, $0x38;
	[tilespmem:$0x1F800] =	vst v63  }
0x16: {  	_ =	swait.ge [sflag:s0], $0x2400  }
0x17: {  	[sflag:s0] =	ssyncset.done $0x0  }
0x18: {  	[sflag:s0] =	ssyncadd.s32 $0xFFFFDC00  }
0x19: {  	[spmem:s6] =	stream.linear.scatter [tilespmem:s29], [sflag:$0x4], $0x2400, $0x38;
	[tilespmem:$0x1F800] =	vst v63  }
0x1a: {  	_ =	swait.ge [sflag:s0], $0x2400  }
0x1b: {  	[sflag:s0] =	ssyncset.done $0x0  }
0x1c: {  	s9 =	rddreg [dreg:$0x5];
	[sflag:s0] =	ssyncadd.s32 $0xFFFFDC00  }
0x1d: {  	[spmem:s9] =	stream.linear.scatter [tilespmem:s29], [sflag:$0x4], $0x2400, $0x38;
	[tilespmem:$0x1F800] =	vst v63  }
0x1e: {  	_ =	swait.ge [sflag:s0], $0x2400  }
0x1f: {  	[sflag:s0] =	ssyncset.done $0x0  }
0x20: {  	s10 =	rddreg [dreg:$0x6];
	[sflag:s0] =	ssyncadd.s32 $0xFFFFDC00  }
0x21: {  	[spmem:s10] =	stream.linear.scatter [tilespmem:s29], [sflag:$0x4], $0x2400, $0x38;
	[tilespmem:$0x1F800] =	vst v63  }
0x22: {  	_ =	swait.ge [sflag:s0], $0x2400  }
0x23: {  	[sflag:s0] =	ssyncset.done $0x0  }
0x24: {  	s11 =	rddreg [dreg:$0x7];
	[sflag:s0] =	ssyncadd.s32 $0xFFFFDC00  }
0x25: {  	[spmem:s11] =	stream.linear.scatter [tilespmem:s29], [sflag:$0x4], $0x2400, $0x38;
	[tilespmem:$0x1F800] =	vst v63  }
0x26: {  	_ =	swait.ge [sflag:s0], $0x2400  }
0x27: {  	[sflag:s0] =	ssyncset.done $0x0  }
0x28: {  	s7 =	rddreg [dreg:$0x8];
	[sflag:s0] =	ssyncadd.s32 $0xFFFFDC00  }
0x29: {  	[spmem:s7] =	stream.linear.scatter [tilespmem:s29], [sflag:$0x4], $0x2400, $0x38;
	[tilespmem:$0x1F800] =	vst v63  }
0x2a: {  	_ =	swait.ge [sflag:s0], $0x2400  }
0x2b: {  	[sflag:s0] =	ssyncset.done $0x0  }
0x2c: {  	s8 =	rddreg [dreg:$0x9];
	[sflag:s0] =	ssyncadd.s32 $0xFFFFDC00  }
0x2d: {  	[spmem:s8] =	stream.linear.scatter [tilespmem:s29], [sflag:$0x4], $0x2400, $0x38;
	[tilespmem:$0x1F800] =	vst v63  }
0x2e: {  	_ =	swait.ge [sflag:s0], $0x2400  }
0x2f: {  	[sflag:s0] =	ssyncset.done $0x0  }
0x30: {  	[sflag:s0] =	ssyncadd.s32 $0xFFFFDC00  }
0x31: {  	[spmem:s12] =	stream.linear.scatter [tilespmem:s29], [sflag:$0x4], $0x2400, $0x38;
	[tilespmem:$0x1F800] =	vst v63  }
0x32: {  	_ =	swait.ge [sflag:s0], $0x2400  }
0x33: {  	[sflag:s0] =	ssyncset.done $0x0  }
0x34: {  	[sflag:s0] =	ssyncadd.s32 $0xFFFFDC00  }
0x35: {  	[spmem:s13] =	stream.linear.scatter [tilespmem:s29], [sflag:$0x4], $0x2400, $0x38;
	[tilespmem:$0x1F800] =	vst v63  }
0x36: {  	_ =	swait.ge [sflag:s0], $0x2400  }
0x37: {  	[sflag:s0] =	ssyncset.done $0x0  }
0x38: {  	[sflag:s0] =	ssyncadd.s32 $0xFFFFDC00  }
0x39: {  	[spmem:s14] =	stream.linear.scatter [tilespmem:s29], [sflag:$0x4], $0x1C00, $0x38;
	[tilespmem:$0x1F800] =	vst v63  }
0x3a: {  	_ =	swait.ge [sflag:s0], $0x1C00  }
0x3b: {  	[sflag:s0] =	ssyncset.done $0x0  }
0x3c: {  	[sflag:s0] =	ssyncadd.s32 $0xFFFFE400  }
0x3d: {  	[bflag:$0x0] =	sbarrier.arrive $0xFFFF  }
0x3e: {  	[tilespmem:s3], [sflag:$0x1] =	stream.linear.gather [hbm4b:s15+s3], $0x80, $0x38;
	[tilespmem:$0x1F800] =	vst v63  }
0x3f: {  	s9 =	simm.s32 $0x400  }
0x40: {  	[tilespmem:s9], [sflag:$0x1] =	stream.linear.gather [hbm4b:s16+s3], $0x80, $0x38;
	[tilespmem:$0x1F800] =	vst v63  }
0x41: {  	_ = 	snop  }
0x42: {  	[tilespmem:s20], [sflag:$0x1] =	stream.linear.gather [hbm4b:s19+s3], $0x80, $0x38;
	[tilespmem:$0x1F800] =	vst v63  }
0x43: {  	s10 =	simm.s32 $0x480  }
0x44: {  	[tilespmem:s10], [sflag:$0x1] =	stream.linear.gather [hbm4b:s21+s3], $0x80, $0x38;
	[tilespmem:$0x1F800] =	vst v63  }
0x45: {  	_ = 	snop  }
0x46: {  	[tilespmem:s25], [sflag:$0x1] =	stream.linear.gather [hbm4b:s23+s3], $0x80, $0x38;
	[tilespmem:$0x1F800] =	vst v63  }
0x47: {  	s11 =	sadd.s32 $0x20, s16;
	s7 =	simm.s32 $0x500  }
0x48: {  	[tilespmem:s7], [sflag:$0x1] =	stream.linear.gather [hbm4b:s11+s3], $0x80, $0x38;
	[tilespmem:$0x1F800] =	vst v63  }
0x49: {  	s7 =	sadd.s32 $0x30, s15  }
0x4a: {  	[tilespmem:s28], [sflag:$0x1] =	stream.linear.gather [hbm4b:s7+s3], $0x80, $0x38;
	[tilespmem:$0x1F800] =	vst v63  }
0x4b: {  	s8 =	sadd.s32 $0x30, s16;
	s9 =	simm.s32 $0x580  }
0x4c: {  	[tilespmem:s9], [sflag:$0x1] =	stream.linear.gather [hbm4b:s8+s3], $0x80, $0x38;
	[tilespmem:$0x1F800] =	vst v63  }
0x4d: {  	s10 =	sadd.s32 $0x40, s15;
	s11 =	simm.s32 $0x200  }
0x4e: {  	[tilespmem:s11], [sflag:$0x1] =	stream.linear.gather [hbm4b:s10+s3], $0x80, $0x38;
	[tilespmem:$0x1F800] =	vst v63  }
0x4f: {  	s8 =	sadd.s32 $0x40, s16;
	s9 =	simm.s32 $0x600  }
0x50: {  	[tilespmem:s9], [sflag:$0x1] =	stream.linear.gather [hbm4b:s8+s3], $0x80, $0x38;
	[tilespmem:$0x1F800] =	vst v63  }
0x51: {  	s10 =	sadd.s32 $0x50, s15;
	s11 =	simm.s32 $0x280  }
0x52: {  	[tilespmem:s11], [sflag:$0x1] =	stream.linear.gather [hbm4b:s10+s3], $0x80, $0x38;
	[tilespmem:$0x1F800] =	vst v63  }
0x53: {  	s7 =	sadd.s32 $0x50, s16;
	s8 =	simm.s32 $0x680  }
0x54: {  	[tilespmem:s8], [sflag:$0x1] =	stream.linear.gather [hbm4b:s7+s3], $0x80, $0x38;
	[tilespmem:$0x1F800] =	vst v63  }
0x55: {  	_ =	swait.ge [sflag:s18], $0x80  }
0x56: {  	[sflag:s18] =	ssyncset.done $0x0  }
0x57: {  	[sflag:s18] =	ssyncadd.s32 $0xFFFFFF80  }
0x58: {  	_ =	swait.ge [sflag:s18], $0x80  }
0x59: {  	[sflag:s18] =	ssyncset.done $0x0  }
0x5a: {  	[sflag:s18] =	ssyncadd.s32 $0xFFFFFF80  }
0x5b: {  	[tilespmem:s29], [sflag:$0x2] =	stream.indirect.gather [hbm4b:s4+s22], $0x80, s3, s22, $0xb8;
	[tilespmem:$0x1F800] =	vst v63  }
0x5c: {  	_ =	swait.ge [sflag:s18], $0x80  }
0x5d: {  	[sflag:s18] =	ssyncset.done $0x0  }
0x5e: {  	[sflag:s18] =	ssyncadd.s32 $0xFFFFFF80  }
0x5f: {  	_ =	swait.ge [sflag:s18], $0x80  }
0x60: {  	[sflag:s18] =	ssyncset.done $0x0  }
0x61: {  	s9 =	simm.s32 $0x2C00;
	[sflag:s18] =	ssyncadd.s32 $0xFFFFFF80  }
0x62: {  	[tilespmem:s9], [sflag:$0x2] =	stream.indirect.gather [hbm4b:s4+s22], $0x80, s20, s22, $0xb8;
	[tilespmem:$0x1F800] =	vst v63  }
0x63: {  	_ =	swait.ge [sflag:s18], $0x80  }
0x64: {  	[sflag:s18] =	ssyncset.done $0x0  }
0x65: {  	[sflag:s18] =	ssyncadd.s32 $0xFFFFFF80  }
0x66: {  	_ =	swait.ge [sflag:s18], $0x80  }
0x67: {  	[sflag:s18] =	ssyncset.done $0x0  }
0x68: {  	s10 =	simm.s32 $0x5000;
	[sflag:s18] =	ssyncadd.s32 $0xFFFFFF80  }
0x69: {  	[tilespmem:s10], [sflag:$0x2] =	stream.indirect.gather [hbm4b:s4+s22], $0x80, s25, s22, $0xb8;
	[tilespmem:$0x1F800] =	vst v63  }
0x6a: {  	_ =	swait.ge [sflag:s18], $0x80  }
0x6b: {  	[sflag:s18] =	ssyncset.done $0x0  }
0x6c: {  	[sflag:s18] =	ssyncadd.s32 $0xFFFFFF80  }
0x6d: {  	s30 =	sadd.s32 $0x60, s15;
	_ =	swait.ge [sflag:s18], $0x80  }
0x6e: {  	s5 =	sadd.s32 $0x60, s16;
	s11 =	simm.s32 $0x7400;
	[sflag:s18] =	ssyncset.done $0x0  }
0x6f: {  	s7 =	simm.s32 $0x300;
	s8 =	simm.s32 $0x4;
	[sflag:s18] =	ssyncadd.s32 $0xFFFFFF80  }
0x70: {  	[tilespmem:s11], [sflag:$0x2] =	stream.indirect.gather [hbm4b:s4+s22], $0x80, s28, s22, $0xb8;
	[tilespmem:$0x1F800] =	vst v63  }
.LBB2_2:
0x71: {  	s9 =	sadd.s32 $0xFFFFFFFC, s8  }
0x72: {  	s10 =	smul.u32 $0xCD, s9;
	_ =	sdelay $0x1  }
0x73: {  	s10 =	sshrl.u32 s10, $0xA  }
0x74: {  	s10 =	sand.u32 $0x3F, s10  }
0x75: {  	s10 =	smul.u32 $0x5, s10;
	_ =	sdelay $0x1  }
0x76: {  	s10 =	ssub.s32 s9, s10  }
0x77: {  	s10 =	sand.u32 $0xFF, s10  }
0x78: {  	s11 =	sadd.s32 $0xFFFFF800, s29;
	_ =	swait.ge [sflag:s31], $0x2400;
	s10 =	smul.u32 $0x9000, s10  }
0x79: {  	s11 =	sand.u32 $0xE00, s11;
	[sflag:s31] =	ssyncset.done $0x0  }
0x7a: {  	p0 =	sgt.u32 s9, $0x84;
	s11 =	sshrl.u32 s11, $0x2;
	s10 =	sshrl.u32 s10, $0x2  }
0x7b: {  	[sflag:s31] =	ssyncadd.s32 $0xFFFFDC00;
	s11 =	sor.u32 $0x400, s11;
	s10 =	sadd.s32 $0x800, s10  }
0x7c: {  	[spmem:s2] =	stream.indirect.scatter.add.f32 [tilespmem:s10], [sflag:$0x3], $0x80, s11, s22, $0xb8;
	[tilespmem:$0x1F800] =	vst v63  }
0x7d: {  	s10 =	sand.u32 @!p0 $0x380, s7;
	s11 =	simm.s32 @!p0 $0x0  }
0x7e: {  	[tilespmem:s10], [sflag:$0x1] =	stream.linear.gather @!p0 [hbm4b:s30+s11], $0x80, $0x38;
	[tilespmem:$0x1F800] =	vst v63  }
0x7f: {  	p1 =	seq.s32 @!p0 s8, $0x4;
	s10 =	sor.u32 @!p0 $0x400, s10  }
0x80: {  	[tilespmem:s10], [sflag:$0x1] =	stream.linear.gather @!p0 [hbm4b:s5+s11], $0x80, $0x38;
	[tilespmem:$0x1F800] =	vst v63  }
0x81: {  	p0 =	por p0, !p1  }
0x82: {  	p1 =	sgt.u32 @p0 s9, $0x86  }
0x83: {  	p1 =	por !p0, !p1  }
0x84: {  	s9 =	smul.u32 @p1 $0xCD, s8;
	_ =	sdelay $0x1  }
0x85: {  	s9 =	sshrl.u32 @p1 s9, $0xA  }
0x86: {  	s10 =	simm.s32 @p0 $0x3;
	s9 =	sand.u32 @p1 $0x3F, s9  }
0x87: {  	_ =	swait.ge @p0 [sflag:s10], $0x2400;
	s9 =	smul.u32 @p1 $0x5, s9  }
0x88: {  	[sflag:s10] =	ssyncset.done @p0 $0x0  }
0x89: {  	s7 =	sadd.s32 $0x80, s7;
	[sflag:s10] =	ssyncadd.s32 @p0 $0xFFFFDC00;
	s9 =	ssub.s32 @p1 s8, s9  }
0x8a: {  	_ =	swait.ge @p1 [sflag:s18], $0x80;
	s8 =	sadd.s32 $0x1, s8;
	s9 =	sand.u32 @p1 $0xFF, s9  }
0x8b: {  	[sflag:s18] =	ssyncset.done @p1 $0x0;
	p0 =	sne.s32 s8, $0x8F;
	s9 =	smul.u32 @p1 $0x9000, s9  }
.Ltmp0:
0x8c: {  	s30 =	sadd.s32 $0x10, s30;
	[sflag:s18] =	ssyncadd.s32 @p1 $0xFFFFFF80;
	(pc) =	sbr.rel @p0 .LBB2_2-.Ltmp0, $4  }
0x8d: {  	s5 =	sadd.s32 $0x10, s5;
	s10 =	sand.u32 @p1 $0xE00, s29;
	_ =	swait.ge @p1 [sflag:s18], $0x80  }
0x8e: {  	s29 =	sadd.s32 $0x200, s29;
	[sflag:s18] =	ssyncset.done @p1 $0x0;
	s9 =	sshrl.u32 @p1 s9, $0x2  }
0x8f: {  	s10 =	sshrl.u32 @p1 s10, $0x2;
	[sflag:s18] =	ssyncadd.s32 @p1 $0xFFFFFF80;
	s9 =	sadd.s32 @p1 $0x800, s9  }
0x90: {  	[tilespmem:s9], [sflag:$0x2] =	stream.indirect.gather @p1 [hbm4b:s4+s22], $0x80, s10, s22, $0xb8;
	[tilespmem:$0x1F800] =	vst v63  }
0x91: {  	_ =	swait.ge [sflag:s1], $0x2400;
	s5 =	stileid.u32  }
0x92: {  	s7 =	sshrl.u32 s6, $0x3;
	s26 =	sadd.s32 $0x1, s26;
	[sflag:s1] =	ssyncset.done $0x0  }
0x93: {  	s5 =	sshll.u32 s5, $0x6;
	p0 =	sne.s32 s26, s17;
	[sflag:s1] =	ssyncadd.s32 $0xFFFFDC00  }
.Ltmp1:
0x94: {  	s5 =	sor.u32 $0x1C04, s5;
	[bflag:$0x0] =	sbarrier.arrive $0xFFFF;
	(pc) =	sbr.rel @p0 .LBB2_1-.Ltmp1, $4  }
0x95: {  	[hbm:s24], [sflag:s5] =	dma.local [spmem:s7], $0x2780  }
0x96: {  	_ =	swait.ge [sflag:s0], $0x2780  }
0x97: {  	[sflag:s0] =	ssyncset.done $0x0  }
0x98: {  	[sflag:s0] =	ssyncadd.s32 $0xFFFFD880  }
0x99: {  	_ =	sfence.sel $0x180000  }
0x9a: {  	[bflag:$0x0] =	sbarrier.arrive $0xFFFF  }
0x9b: {  	_ =	strace $0x90000047  }
0x9c: {  	s0 =	stileid.u32;
	[bflag:$0x2] =	sbarrier.arrive $0xFFFF  }
0x9d: {  	p0 =	sne.s32 s0, $0x0;
	s0 =	rddreg [dreg:$0x3]  }
0x9e: {  	s0 =	sadd.s32 @!p0 $0x100000, s0  }
0x9f: {  	[sflag:s0] =	ssyncadd.tile.s32 @!p0 $0x1;
	_ =	shalt  }
.Lfunc_end2:
_tile_overlayer_lowered:
.L_overlay_start_2:
0xa0: {  	(tag) =	ssettag $0x2  }
0xa1: {  	s0 =	rddreg [dreg:$0x0];
	s2 =	stileid.u32  }
0xa2: {  	s1 =	rddreg [dreg:$0x1];
	p0 =	sne.s32 s2, $0x0  }
0xa3: {  	s3 =	rddreg [dreg:$0x2];
	[bflag:$0x3] =	sbarrier.arrive $0xFFFF;
	s2 =	simm.s32 @!p0 $0x1C04  }
0xa4: {  	[timem:s3], [sflag:s2] =	dma.local @!p0 [hbm:s0], s1  }
0xa5: {  	s0 =	simm.s32 @!p0 $0x4  }
0xa6: {  	_ =	swait.ge @!p0 [sflag:s0], s1  }
0xa7: {  	s1 =	ssub.s32 @!p0 $0x0, s1;
	[sflag:s0] =	ssyncset.done @!p0 $0x0  }
0xa8: {  	[sflag:s0] =	ssyncadd.s32 @!p0 s1  }
0xa9: {  	[bflag:$0x3] =	sbarrier.arrive $0xFFFF  }
0xaa: {  	_ =	shalt  }

// kernel: kernel.15.cloned.1.call-start
scs
__scs_entry_jumppad:
0x0: {  	(pc) =	sbr.rel $0x88, $3  }
0x1: {  	(tag) =	ssettag $0x0;
	lr =	simm.s32 $0x1  }
0x2: {  	[smem:$0x3F96] =	sst lr;
	_ =	strace $0xD0000000  }
0x3: {  	_ = 	snop  }
0x4: {  	_ = 	snop  }
0x5: {  	_ = 	snop  }
0x6: {  	_ = 	snop  }
0x7: {  	_ = 	snop  }
__scs_overlays_trampoline_lowered:
0x8: {  	[smem:$0x3FA5] =	sst s0  }
0x9: {  	[smem:$0x3FA6] =	sst s1  }
0xa: {  	[smem:$0x3FA7] =	sst s2  }
0xb: {  	[smem:$0x3FA8] =	sst s3  }
0xc: {  	[smem:$0x3FA9] =	sst s4  }
0xd: {  	[smem:$0x3FAA] =	sst s5  }
0xe: {  	[smem:$0x3FAB] =	sst s6  }
0xf: {  	[smem:$0x3FAC] =	sst s7  }
0x10: {  	[smem:$0x3FAD] =	sst s8  }
0x11: {  	[smem:$0x3FAE] =	sst s9;
	s0 =	simm.s32 @!p0 $0x0  }
0x12: {  	s1 =	sld [smem:$0x3F94];
	s0 =	simm.s32 @p0 $0x1  }
0x13: {  	[smem:$0x3FAF] =	sst s0;
	s0 =	simm.s32 @!p1 $0x0  }
0x14: {  	s2 =	sld [smem:$0x3F93];
	s0 =	simm.s32 @p1 $0x1  }
0x15: {  	[smem:$0x3FB0] =	sst s0;
	s0 =	simm.s32 @!p2 $0x0  }
0x16: {  	s3 =	sld [smem:$0x3FDB];
	s0 =	simm.s32 @p2 $0x1  }
0x17: {  	s4 =	simm.s32 $0x1BF5;
	[smem:$0x3FB2] =	sst s0  }
0x18: {  	s0 =	sld [smem:$0x3F95];
	_ =	swait.ge [sflag:s4], $0x0  }
0x19: {  	s7 =	sld [smem:$0x3F96]  }
0x1a: {  	s8 =	sadd.s32 $0xFFFFE003, lr  }
0x1b: {  	s9 =	sadd.s32 $0xFFFFFEF7, lr;
	s5 =	simm.s32 $0xFFFFFFFF;
	p2 =	slt.u32 s8, $0xFFFFF086  }
0x1c: {  	p1 =	slt.u32 s9, $0xF7A;
	s5 =	simm.s32 @!p2 $0x0  }
0x1d: {  	s5 =	simm.s32 @p1 $0x1;
	p0 =	seq.s32 s7, s2  }
0x1e: {  	s7 =	smul.u32 @!p0 $0xF7A, s2;
	p2 =	seq.s32 @!p0 s5, $0x0  }
0x1f: {  	s9 =	smul.u32 $0xF7A, s1;
	s8 =	simm.s32 @!p0 $0x1BF5;
	p2 =	por !p2, p0  }
0x20: {  	[sflag:s8] =	ssyncset.s32 @!p0 $0xFFFFF086;
	s6 =	sadd.s32 @!p0 s3, s7;
	s7 =	simm.s32 @!p0 $0x108  }
0x21: {  	s3 =	sadd.s32 s3, s9;
	s6 =	sadd.s32 @!p0 $0x88, s6;
	s7 =	simm.s32 @p2 $0x1082  }
0x22: {  	[simem:s7], [sflag:s8] =	dma.local @!p0 [hbm:s6], $0xF7A  }
0x23: {  	s9 =	sor.u32 $0xD0000000, s2;
	s6 =	simm.s32 $0x108;
	_ =	swait.ge @!p0 [sflag:s8], $0x0  }
0x24: {  	s3 =	sadd.s32 $0x88, s3;
	s6 =	simm.s32 @!p1 $0x1082;
	[sflag:s4] =	ssyncset.s32 $0xFFFFF086  }
0x25: {  	[simem:s6], [sflag:s4] =	dma.local [hbm:s3], $0xF7A  }
0x26: {  	[smem:$0x3F96] =	sst s1;
	(tag) =	ssettag s2;
	_ =	strace s9  }
0x27: {  	s1 =	sld [smem:$0x3FA6]  }
0x28: {  	s2 =	sld [smem:$0x3FA7]  }
0x29: {  	s4 =	sld [smem:$0x3FA9]  }
0x2a: {  	p0 =	seq.s32 s5, $0x0;
	s5 =	sld [smem:$0x3FAA]  }
0x2b: {  	s6 =	sld [smem:$0x3FAB]  }
0x2c: {  	s7 =	sld [smem:$0x3FAC]  }
0x2d: {  	s3 =	simm.s32 $0x108;
	s8 =	sld [smem:$0x3FAD]  }
0x2e: {  	s3 =	simm.s32 @!p0 $0x1082;
	s9 =	sld [smem:$0x3FAE]  }
0x2f: {  	lr =	sadd.s32 s0, s3;
	s0 =	sld [smem:$0x3FA5]  }
0x30: {  	s3 =	sld [smem:$0x3FA8]  }
0x31: {  	[smem:$0x3FB1] =	sst s10  }
0x32: {  	s10 =	sld [smem:$0x3FAF];
	_ =	sdelay $0x3  }
0x33: {  	p0 =	seq.s32 s10, $0x1;
	s10 =	sld [smem:$0x3FB1];
	_ =	sdelay $0x3  }
0x34: {  	[smem:$0x3FB1] =	sst s10  }
0x35: {  	s10 =	sld [smem:$0x3FB0];
	_ =	sdelay $0x3  }
0x36: {  	p1 =	seq.s32 s10, $0x1;
	s10 =	sld [smem:$0x3FB1];
	_ =	sdelay $0x3  }
0x37: {  	[smem:$0x3FB1] =	sst s10  }
0x38: {  	s10 =	sld [smem:$0x3FB2]  }
0x39: {  	_ = 	snop;
	(pc) =	sbr.ind lr, $3  }
0x3a: {  	_ = 	snop  }
0x3b: {  	_ = 	snop  }
0x3c: {  	p2 =	seq.s32 s10, $0x1;
	s10 =	sld [smem:$0x3FB1]  }
0x3d: {  	_ =	shalt  }
0x3e: {  	_ =	shalt  }
0x3f: {  	_ =	shalt  }
0x40: {  	_ =	shalt  }
0x41: {  	_ =	shalt  }
0x42: {  	_ =	shalt  }
0x43: {  	_ =	shalt  }
0x44: {  	_ =	shalt  }
0x45: {  	_ =	shalt  }
0x46: {  	_ =	shalt  }
0x47: {  	_ =	shalt  }
0x48: {  	_ =	shalt  }
0x49: {  	_ =	shalt  }
0x4a: {  	_ =	shalt  }
0x4b: {  	_ =	shalt  }
0x4c: {  	_ =	shalt  }
0x4d: {  	_ =	shalt  }
0x4e: {  	_ =	shalt  }
0x4f: {  	_ =	shalt  }
0x50: {  	_ =	shalt  }
0x51: {  	_ =	shalt  }
0x52: {  	_ =	shalt  }
0x53: {  	_ =	shalt  }
0x54: {  	_ =	shalt  }
0x55: {  	_ =	shalt  }
0x56: {  	_ =	shalt  }
0x57: {  	_ =	shalt  }
0x58: {  	_ =	shalt  }
0x59: {  	_ =	shalt  }
0x5a: {  	_ =	shalt  }
0x5b: {  	_ =	shalt  }
0x5c: {  	_ =	shalt  }
0x5d: {  	_ =	shalt  }
0x5e: {  	_ =	shalt  }
0x5f: {  	_ =	shalt  }
0x60: {  	_ =	shalt  }
0x61: {  	_ =	shalt  }
0x62: {  	_ =	shalt  }
0x63: {  	_ =	shalt  }
0x64: {  	_ =	shalt  }
0x65: {  	_ =	shalt  }
0x66: {  	_ =	shalt  }
0x67: {  	_ =	shalt  }
0x68: {  	_ =	shalt  }
0x69: {  	_ =	shalt  }
0x6a: {  	_ =	shalt  }
0x6b: {  	_ =	shalt  }
0x6c: {  	_ =	shalt  }
0x6d: {  	_ =	shalt  }
0x6e: {  	_ =	shalt  }
0x6f: {  	_ =	shalt  }
0x70: {  	_ =	shalt  }
0x71: {  	_ =	shalt  }
0x72: {  	_ =	shalt  }
0x73: {  	_ =	shalt  }
0x74: {  	_ =	shalt  }
0x75: {  	_ =	shalt  }
0x76: {  	_ =	shalt  }
0x77: {  	_ =	shalt  }
0x78: {  	_ =	shalt  }
0x79: {  	_ =	shalt  }
0x7a: {  	_ =	shalt  }
0x7b: {  	_ =	shalt  }
0x7c: {  	_ =	shalt  }
0x7d: {  	_ =	shalt  }
0x7e: {  	_ =	shalt  }
0x7f: {  	_ =	shalt  }
0x80: {  	_ =	shalt  }
0x81: {  	_ =	shalt  }
0x82: {  	_ =	shalt  }
0x83: {  	_ =	shalt  }
0x84: {  	_ =	shalt  }
0x85: {  	_ =	shalt  }
0x86: {  	_ =	shalt  }
0x87: {  	_ =	shalt  }
.Lfunc_end0:
.L_simem_size_0:
called_computation.2_lowered:
.L_overlay_start_0:
0x88: {  	s2 =	sld [smem:$0x3FD9]  }
0x89: {  	s3 =	sld [smem:$0x3FFE];
	_ =	sdelay $0x1  }
0x8a: {  	s1 =	srdreg.scid  }
0x8b: {  	s0 =	sand.u32 $0x1, s1  }
0x8c: {  	s17 =	sshll.u32 s0, $0xA;
	s2 =	sadd.s32 s3, s2  }
0x8d: {  	s2 =	sadd.s32 s2, s17  }
0x8e: {  	[smem:$0x3FBD] =	sst s2  }
0x8f: {  	_ = 	snop  }
0x90: {  	s2 =	sld [smem:$0x3FD0];
	(tm) =	ssettm $0x1  }
0x91: {  	s18 =	sld [smem:$0x3FFB];
	_ =	sdelay $0x3  }
0x92: {  	_ =	strace s18  }
0x93: {  	s3 =	sld [smem:$0x3FFC];
	_ =	sdelay $0x3  }
0x94: {  	_ =	strace s3  }
0x95: {  	s3 =	sld [smem:$0x3FFD];
	_ =	sdelay $0x3  }
0x96: {  	_ =	strace s3  }
0x97: {  	_ =	strace $0x8FFFFFFF  }
0x98: {  	s19 =	sld [smem:$0x3FDB];
	_ =	sdelay $0x1  }
0x99: {  	s4 =	simm.s32 $_scs_section_size  }
0x9a: {  	s5 =	simm.s32 $_size__tile_overlayer_lowered;
	s6 =	simm.s32 $_tile_overlayer_lowered  }
0x9b: {  	s22 =	simm.s32 $0x1BFF;
	s21 =	sshll.u32 s6, $0x1;
	s3 =	sadd.s32 s4, s19  }
0x9c: {  	s7 =	simm.s32 $0x0;
	s20 =	sshll.u32 s5, $0x1;
	s5 =	sadd.s32 s21, s3  }
0x9d: {  	[timem:s7], [sflag:s22] =	dma.local [hbm:s5], s20  }
0x9e: {  	_ =	swait.ge [sflag:s22], s20  }
0x9f: {  	s4 =	ssub.s32 $0x0, s20;
	[sflag:s22] =	ssyncset.done $0x0  }
0xa0: {  	[sflag:s22] =	ssyncadd.s32 s4;
	_ =	sdelay $0x1  }
0xa1: {  	s23 =	simm.s32 $0x1B8B  }
0xa2: {  	_ =	swait.ge [sflag:s23], $0x1  }
0xa3: {  	[sflag:s23] =	ssyncset.done $0x0  }
0xa4: {  	s25 =	simm.s32 $0x1B8E;
	s24 =	sld [smem:$0x3FFE];
	[sflag:s23] =	ssyncadd.s32 $0xFFFFFFFF  }
0xa5: {  	s26 =	simm.s32 $execute0_lowered;
	[smem:$0x3FD2] =	sst s25  }
0xa6: {  	s5 =	sshll.u32 s26, $0x1;
	_ =	strace $0x8000004C;
	[dreg:$0x1] =	wrdreg $0xFFFFFFFF  }
0xa7: {  	s28 =	simm.s32 $_size_execute0_lowered;
	s3 =	sadd.s32 s3, s5;
	[dreg:$0x0] =	wrdreg $0x0  }
0xa8: {  	s5 =	sshll.u32 s28, $0x1;
	[dreg:$0x2] =	wrdreg s3  }
0xa9: {  	[dreg:$0x3] =	wrdreg s5  }
0xaa: {  	[dreg:$0x4] =	wrdreg $0xC0  }
0xab: {  	_ =	task [dreg:s7], $0x5FFFF  }
0xac: {  	[dreg:$0x1] =	wrdreg $0xFFFFFFFF  }
0xad: {  	[dreg:$0x0] =	wrdreg $0x60  }
0xae: {  	[dreg:$0x2] =	wrdreg s24  }
0xaf: {  	[dreg:$0x3] =	wrdreg s2  }
0xb0: {  	[dreg:$0x4] =	wrdreg $0xBC000  }
0xb1: {  	[dreg:$0x5] =	wrdreg $0x9  }
0xb2: {  	_ =	task.clear_ibuf [dreg:s7], $0x6FFFF;
	_ =	strace $0x9000004C  }
0xb3: {  	s29 =	simm.s32 $0x9;
	_ =	strace $0x8000004E  }
0xb4: {  	_ =	swait.ge [sflag:s29], $0x1  }
0xb5: {  	[sflag:s29] =	ssyncadd.s32 $0xFFFFFFFF  }
0xb6: {  	_ =	strace $0x9000004E  }
0xb7: {  	_ =	sfence  }
0xb8: {  	s30 =	sld [smem:$0x0];
	_ =	sdelay $0x2  }
0xb9: {  	s31 =	sshll.u32 s1, $0xD;
	s1 =	sshrl.u32 s1, $0x2  }
0xba: {  	s3 =	sand.u32 $0x4000, s31;
	s1 =	sadd.s32 s1, s30  }
0xbb: {  	s0 =	sor.u32 s3, s0;
	s1 =	sshll.u32 s1, $0x11  }
0xbc: {  	s0 =	sor.u32 s1, s0  }
0xbd: {  	s0 =	sadd.s32 $0x8F2B, s0  }
0xbe: {  	[sflag:s0] =	ssyncadd.remote.s32 $0x1  }
0xbf: {  	_ =	sfence.sel $0xFFFF  }
0xc0: {  	[dreg:$0x0] =	wrdreg $0xFFFFFFFF;
	(pc) =	sbr.abs _section_cstart, $3  }
0xc1: {  	[dreg:$0x1] =	wrdreg $0xFFFFFFFF  }
0xc2: {  	_ =	task.clear_ibuf [dreg:s7], $0x2FFFF;
	_ =	strace $0x9FFFFFFF  }
0xc3: {  	(tm) =	ssettm $0x7FFFFFFF  }
tec
execute0_lowered:
.L_overlay_start_1:
0x0: {  	(tag) =	ssettag $0x1  }
0x1: {  	s0 =	srdreg.scid;
	s1 =	rddreg [dreg:$0x0]  }
0x2: {  	s5 =	rddreg [dreg:$0x1];
	s11 =	stileid.u32  }
0x3: {  	s2 =	rddreg [dreg:$0x2];
	s20 =	simm.s32 $0x80;
	s28 =	simm.s32 $0x180  }
0x4: {  	s18 =	simm.s32 $0x1;
	s31 =	simm.s32 $0x2;
	s6 =	smul.u32 $0x4F000, s11  }
0x5: {  	s0 =	sand.u32 $0x1, s0;
	s10 =	sadd.s32 $0x3D200, s1;
	s30 =	smul.u32 $0x2780, s11  }
0x6: {  	s3 =	sshll.u32 s0, $0x4;
	s9 =	smul.u32 $0x27800, s0;
	s0 =	ssub.s32 $0x2, s0  }
0x7: {  	s4 =	sor.u32 s11, s3;
	s3 =	simm.s32 $0x0;
	s6 =	sshrl.u32 s6, $0x2  }
0x8: {  	s22 =	sshrl.u32 s0, $0x1;
	s7 =	smul.u32 $0x900, s4;
	[smem:$0x7FF] =	sst s3  }
0x9: {  	s4 =	sadd.s32 $0x15A00, s1;
	s6 =	sadd.s32 s6, s2;
	s0 =	ssub.s32 s0, s22  }
0xa: {  	s22 =	simm.s32 $0x48;
	_ =	strace $0x8000004D;
	[dreg:$0x4] =	wrdreg s10  }
0xb: {  	s23 =	sadd.s32 $0x2400, s6;
	s24 =	sadd.s32 $0x4800, s6;
	s25 =	sadd.s32 $0x6C00, s6  }
0xc: {  	s26 =	sadd.s32 $0x9000, s6;
	s29 =	sadd.s32 $0xB400, s6;
	[dreg:$0x5] =	wrdreg s23  }
0xd: {  	s12 =	sadd.s32 $0xD800, s6;
	s13 =	sadd.s32 $0xFC00, s6;
	[dreg:$0x6] =	wrdreg s24  }
0xe: {  	s14 =	sadd.s32 $0x12000, s6;
	s17 =	smax.u32 s0, $0x1;
	[dreg:$0x7] =	wrdreg s25  }
0xf: {  	s0 =	simm.s32 $0x4;
	s8 =	sadd.s32 s7, s1;
	[dreg:$0x8] =	wrdreg s26  }
0x10: {  	s1 =	sadd.s32 s9, s1;
	[dreg:$0x9] =	wrdreg s29;
	s15 =	sadd.s32 s5, s7  }
0x11: {  	s25 =	simm.s32 $0x100;
	s26 =	simm.s32 $0x0;
	s16 =	sadd.s32 $0x3A00, s8  }
0x12: {  	s1 =	sadd.s32 $0x3D800, s1;
	s19 =	sadd.s32 $0x10, s15;
	s23 =	sadd.s32 $0x20, s15  }
0x13: {  	s21 =	sadd.s32 $0x10, s16;
	s24 =	sadd.s32 s30, s1;
	s1 =	simm.s32 $0x3  }
.LBB2_1:
0x14: {  	s29 =	simm.s32 $0x800;
	s5 =	rddreg [dreg:$0x4]  }
0x15: {  	[tilespmem:s29], [sflag:$0x4] =	stream.linear.gather [hbm4b:s5+s3], $0x2400, $0x38;
	[tilespmem:$0x1F800] =	vst v63  }
0x16: {  	_ =	swait.ge [sflag:s0], $0x2400  }
0x17: {  	[sflag:s0] =	ssyncset.done $0x0  }
0x18: {  	[sflag:s0] =	ssyncadd.s32 $0xFFFFDC00  }
0x19: {  	[spmem:s6] =	stream.linear.scatter [tilespmem:s29], [sflag:$0x4], $0x2400, $0x38;
	[tilespmem:$0x1F800] =	vst v63  }
0x1a: {  	_ =	swait.ge [sflag:s0], $0x2400  }
0x1b: {  	[sflag:s0] =	ssyncset.done $0x0  }
0x1c: {  	s9 =	rddreg [dreg:$0x5];
	[sflag:s0] =	ssyncadd.s32 $0xFFFFDC00  }
0x1d: {  	[spmem:s9] =	stream.linear.scatter [tilespmem:s29], [sflag:$0x4], $0x2400, $0x38;
	[tilespmem:$0x1F800] =	vst v63  }
0x1e: {  	_ =	swait.ge [sflag:s0], $0x2400  }
0x1f: {  	[sflag:s0] =	ssyncset.done $0x0  }
0x20: {  	s10 =	rddreg [dreg:$0x6];
	[sflag:s0] =	ssyncadd.s32 $0xFFFFDC00  }
0x21: {  	[spmem:s10] =	stream.linear.scatter [tilespmem:s29], [sflag:$0x4], $0x2400, $0x38;
	[tilespmem:$0x1F800] =	vst v63  }
0x22: {  	_ =	swait.ge [sflag:s0], $0x2400  }
0x23: {  	[sflag:s0] =	ssyncset.done $0x0  }
0x24: {  	s11 =	rddreg [dreg:$0x7];
	[sflag:s0] =	ssyncadd.s32 $0xFFFFDC00  }
0x25: {  	[spmem:s11] =	stream.linear.scatter [tilespmem:s29], [sflag:$0x4], $0x2400, $0x38;
	[tilespmem:$0x1F800] =	vst v63  }
0x26: {  	_ =	swait.ge [sflag:s0], $0x2400  }
0x27: {  	[sflag:s0] =	ssyncset.done $0x0  }
0x28: {  	s7 =	rddreg [dreg:$0x8];
	[sflag:s0] =	ssyncadd.s32 $0xFFFFDC00  }
0x29: {  	[spmem:s7] =	stream.linear.scatter [tilespmem:s29], [sflag:$0x4], $0x2400, $0x38;
	[tilespmem:$0x1F800] =	vst v63  }
0x2a: {  	_ =	swait.ge [sflag:s0], $0x2400  }
0x2b: {  	[sflag:s0] =	ssyncset.done $0x0  }
0x2c: {  	s8 =	rddreg [dreg:$0x9];
	[sflag:s0] =	ssyncadd.s32 $0xFFFFDC00  }
0x2d: {  	[spmem:s8] =	stream.linear.scatter [tilespmem:s29], [sflag:$0x4], $0x2400, $0x38;
	[tilespmem:$0x1F800] =	vst v63  }
0x2e: {  	_ =	swait.ge [sflag:s0], $0x2400  }
0x2f: {  	[sflag:s0] =	ssyncset.done $0x0  }
0x30: {  	[sflag:s0] =	ssyncadd.s32 $0xFFFFDC00  }
0x31: {  	[spmem:s12] =	stream.linear.scatter [tilespmem:s29], [sflag:$0x4], $0x2400, $0x38;
	[tilespmem:$0x1F800] =	vst v63  }
0x32: {  	_ =	swait.ge [sflag:s0], $0x2400  }
0x33: {  	[sflag:s0] =	ssyncset.done $0x0  }
0x34: {  	[sflag:s0] =	ssyncadd.s32 $0xFFFFDC00  }
0x35: {  	[spmem:s13] =	stream.linear.scatter [tilespmem:s29], [sflag:$0x4], $0x2400, $0x38;
	[tilespmem:$0x1F800] =	vst v63  }
0x36: {  	_ =	swait.ge [sflag:s0], $0x2400  }
0x37: {  	[sflag:s0] =	ssyncset.done $0x0  }
0x38: {  	[sflag:s0] =	ssyncadd.s32 $0xFFFFDC00  }
0x39: {  	[spmem:s14] =	stream.linear.scatter [tilespmem:s29], [sflag:$0x4], $0x1C00, $0x38;
	[tilespmem:$0x1F800] =	vst v63  }
0x3a: {  	_ =	swait.ge [sflag:s0], $0x1C00  }
0x3b: {  	[sflag:s0] =	ssyncset.done $0x0  }
0x3c: {  	[sflag:s0] =	ssyncadd.s32 $0xFFFFE400  }
0x3d: {  	[bflag:$0x0] =	sbarrier.arrive $0xFFFF  }
0x3e: {  	[tilespmem:s3], [sflag:$0x1] =	stream.linear.gather [hbm4b:s15+s3], $0x80, $0x38;
	[tilespmem:$0x1F800] =	vst v63  }
0x3f: {  	s9 =	simm.s32 $0x400  }
0x40: {  	[tilespmem:s9], [sflag:$0x1] =	stream.linear.gather [hbm4b:s16+s3], $0x80, $0x38;
	[tilespmem:$0x1F800] =	vst v63  }
0x41: {  	_ = 	snop  }
0x42: {  	[tilespmem:s20], [sflag:$0x1] =	stream.linear.gather [hbm4b:s19+s3], $0x80, $0x38;
	[tilespmem:$0x1F800] =	vst v63  }
0x43: {  	s10 =	simm.s32 $0x480  }
0x44: {  	[tilespmem:s10], [sflag:$0x1] =	stream.linear.gather [hbm4b:s21+s3], $0x80, $0x38;
	[tilespmem:$0x1F800] =	vst v63  }
0x45: {  	_ = 	snop  }
0x46: {  	[tilespmem:s25], [sflag:$0x1] =	stream.linear.gather [hbm4b:s23+s3], $0x80, $0x38;
	[tilespmem:$0x1F800] =	vst v63  }
0x47: {  	s11 =	sadd.s32 $0x20, s16;
	s7 =	simm.s32 $0x500  }
0x48: {  	[tilespmem:s7], [sflag:$0x1] =	stream.linear.gather [hbm4b:s11+s3], $0x80, $0x38;
	[tilespmem:$0x1F800] =	vst v63  }
0x49: {  	s7 =	sadd.s32 $0x30, s15  }
0x4a: {  	[tilespmem:s28], [sflag:$0x1] =	stream.linear.gather [hbm4b:s7+s3], $0x80, $0x38;
	[tilespmem:$0x1F800] =	vst v63  }
0x4b: {  	s8 =	sadd.s32 $0x30, s16;
	s9 =	simm.s32 $0x580  }
0x4c: {  	[tilespmem:s9], [sflag:$0x1] =	stream.linear.gather [hbm4b:s8+s3], $0x80, $0x38;
	[tilespmem:$0x1F800] =	vst v63  }
0x4d: {  	s10 =	sadd.s32 $0x40, s15;
	s11 =	simm.s32 $0x200  }
0x4e: {  	[tilespmem:s11], [sflag:$0x1] =	stream.linear.gather [hbm4b:s10+s3], $0x80, $0x38;
	[tilespmem:$0x1F800] =	vst v63  }
0x4f: {  	s8 =	sadd.s32 $0x40, s16;
	s9 =	simm.s32 $0x600  }
0x50: {  	[tilespmem:s9], [sflag:$0x1] =	stream.linear.gather [hbm4b:s8+s3], $0x80, $0x38;
	[tilespmem:$0x1F800] =	vst v63  }
0x51: {  	s10 =	sadd.s32 $0x50, s15;
	s11 =	simm.s32 $0x280  }
0x52: {  	[tilespmem:s11], [sflag:$0x1] =	stream.linear.gather [hbm4b:s10+s3], $0x80, $0x38;
	[tilespmem:$0x1F800] =	vst v63  }
0x53: {  	s7 =	sadd.s32 $0x50, s16;
	s8 =	simm.s32 $0x680  }
0x54: {  	[tilespmem:s8], [sflag:$0x1] =	stream.linear.gather [hbm4b:s7+s3], $0x80, $0x38;
	[tilespmem:$0x1F800] =	vst v63  }
0x55: {  	_ =	swait.ge [sflag:s18], $0x80  }
0x56: {  	[sflag:s18] =	ssyncset.done $0x0  }
0x57: {  	[sflag:s18] =	ssyncadd.s32 $0xFFFFFF80  }
0x58: {  	_ =	swait.ge [sflag:s18], $0x80  }
0x59: {  	[sflag:s18] =	ssyncset.done $0x0  }
0x5a: {  	[sflag:s18] =	ssyncadd.s32 $0xFFFFFF80  }
0x5b: {  	[tilespmem:s29], [sflag:$0x2] =	stream.indirect.gather [hbm4b:s4+s22], $0x80, s3, s22, $0xb8;
	[tilespmem:$0x1F800] =	vst v63  }
0x5c: {  	_ =	swait.ge [sflag:s18], $0x80  }
0x5d: {  	[sflag:s18] =	ssyncset.done $0x0  }
0x5e: {  	[sflag:s18] =	ssyncadd.s32 $0xFFFFFF80  }
0x5f: {  	_ =	swait.ge [sflag:s18], $0x80  }
0x60: {  	[sflag:s18] =	ssyncset.done $0x0  }
0x61: {  	s9 =	simm.s32 $0x2C00;
	[sflag:s18] =	ssyncadd.s32 $0xFFFFFF80  }
0x62: {  	[tilespmem:s9], [sflag:$0x2] =	stream.indirect.gather [hbm4b:s4+s22], $0x80, s20, s22, $0xb8;
	[tilespmem:$0x1F800] =	vst v63  }
0x63: {  	_ =	swait.ge [sflag:s18], $0x80  }
0x64: {  	[sflag:s18] =	ssyncset.done $0x0  }
0x65: {  	[sflag:s18] =	ssyncadd.s32 $0xFFFFFF80  }
0x66: {  	_ =	swait.ge [sflag:s18], $0x80  }
0x67: {  	[sflag:s18] =	ssyncset.done $0x0  }
0x68: {  	s10 =	simm.s32 $0x5000;
	[sflag:s18] =	ssyncadd.s32 $0xFFFFFF80  }
0x69: {  	[tilespmem:s10], [sflag:$0x2] =	stream.indirect.gather [hbm4b:s4+s22], $0x80, s25, s22, $0xb8;
	[tilespmem:$0x1F800] =	vst v63  }
0x6a: {  	_ =	swait.ge [sflag:s18], $0x80  }
0x6b: {  	[sflag:s18] =	ssyncset.done $0x0  }
0x6c: {  	[sflag:s18] =	ssyncadd.s32 $0xFFFFFF80  }
0x6d: {  	s30 =	sadd.s32 $0x60, s15;
	_ =	swait.ge [sflag:s18], $0x80  }
0x6e: {  	s5 =	sadd.s32 $0x60, s16;
	s11 =	simm.s32 $0x7400;
	[sflag:s18] =	ssyncset.done $0x0  }
0x6f: {  	s7 =	simm.s32 $0x300;
	s8 =	simm.s32 $0x4;
	[sflag:s18] =	ssyncadd.s32 $0xFFFFFF80  }
0x70: {  	[tilespmem:s11], [sflag:$0x2] =	stream.indirect.gather [hbm4b:s4+s22], $0x80, s28, s22, $0xb8;
	[tilespmem:$0x1F800] =	vst v63  }
.LBB2_2:
0x71: {  	s9 =	sadd.s32 $0xFFFFFFFC, s8  }
0x72: {  	s10 =	smul.u32 $0xCD, s9;
	_ =	sdelay $0x1  }
0x73: {  	s10 =	sshrl.u32 s10, $0xA  }
0x74: {  	s10 =	sand.u32 $0x3F, s10  }
0x75: {  	s10 =	smul.u32 $0x5, s10;
	_ =	sdelay $0x1  }
0x76: {  	s10 =	ssub.s32 s9, s10  }
0x77: {  	s10 =	sand.u32 $0xFF, s10  }
0x78: {  	s11 =	sadd.s32 $0xFFFFF800, s29;
	_ =	swait.ge [sflag:s31], $0x2400;
	s10 =	smul.u32 $0x9000, s10  }
0x79: {  	s11 =	sand.u32 $0xE00, s11;
	[sflag:s31] =	ssyncset.done $0x0  }
0x7a: {  	p0 =	sgt.u32 s9, $0x84;
	s11 =	sshrl.u32 s11, $0x2;
	s10 =	sshrl.u32 s10, $0x2  }
0x7b: {  	[sflag:s31] =	ssyncadd.s32 $0xFFFFDC00;
	s11 =	sor.u32 $0x400, s11;
	s10 =	sadd.s32 $0x800, s10  }
0x7c: {  	[spmem:s2] =	stream.indirect.scatter.add.f32 [tilespmem:s10], [sflag:$0x3], $0x80, s11, s22, $0xb8;
	[tilespmem:$0x1F800] =	vst v63  }
0x7d: {  	s10 =	sand.u32 @!p0 $0x380, s7;
	s11 =	simm.s32 @!p0 $0x0  }
0x7e: {  	[tilespmem:s10], [sflag:$0x1] =	stream.linear.gather @!p0 [hbm4b:s30+s11], $0x80, $0x38;
	[tilespmem:$0x1F800] =	vst v63  }
0x7f: {  	p1 =	seq.s32 @!p0 s8, $0x4;
	s10 =	sor.u32 @!p0 $0x400, s10  }
0x80: {  	[tilespmem:s10], [sflag:$0x1] =	stream.linear.gather @!p0 [hbm4b:s5+s11], $0x80, $0x38;
	[tilespmem:$0x1F800] =	vst v63  }
0x81: {  	p0 =	por p0, !p1  }
0x82: {  	p1 =	sgt.u32 @p0 s9, $0x86  }
0x83: {  	p1 =	por !p0, !p1  }
0x84: {  	s9 =	smul.u32 @p1 $0xCD, s8;
	_ =	sdelay $0x1  }
0x85: {  	s9 =	sshrl.u32 @p1 s9, $0xA  }
0x86: {  	s10 =	simm.s32 @p0 $0x3;
	s9 =	sand.u32 @p1 $0x3F, s9  }
0x87: {  	_ =	swait.ge @p0 [sflag:s10], $0x2400;
	s9 =	smul.u32 @p1 $0x5, s9  }
0x88: {  	[sflag:s10] =	ssyncset.done @p0 $0x0  }
0x89: {  	s7 =	sadd.s32 $0x80, s7;
	[sflag:s10] =	ssyncadd.s32 @p0 $0xFFFFDC00;
	s9 =	ssub.s32 @p1 s8, s9  }
0x8a: {  	_ =	swait.ge @p1 [sflag:s18], $0x80;
	s8 =	sadd.s32 $0x1, s8;
	s9 =	sand.u32 @p1 $0xFF, s9  }
0x8b: {  	[sflag:s18] =	ssyncset.done @p1 $0x0;
	p0 =	sne.s32 s8, $0x8F;
	s9 =	smul.u32 @p1 $0x9000, s9  }
.Ltmp0:
0x8c: {  	s30 =	sadd.s32 $0x10, s30;
	[sflag:s18] =	ssyncadd.s32 @p1 $0xFFFFFF80;
	(pc) =	sbr.rel @p0 .LBB2_2-.Ltmp0, $4  }
0x8d: {  	s5 =	sadd.s32 $0x10, s5;
	s10 =	sand.u32 @p1 $0xE00, s29;
	_ =	swait.ge @p1 [sflag:s18], $0x80  }
0x8e: {  	s29 =	sadd.s32 $0x200, s29;
	[sflag:s18] =	ssyncset.done @p1 $0x0;
	s9 =	sshrl.u32 @p1 s9, $0x2  }
0x8f: {  	s10 =	sshrl.u32 @p1 s10, $0x2;
	[sflag:s18] =	ssyncadd.s32 @p1 $0xFFFFFF80;
	s9 =	sadd.s32 @p1 $0x800, s9  }
0x90: {  	[tilespmem:s9], [sflag:$0x2] =	stream.indirect.gather @p1 [hbm4b:s4+s22], $0x80, s10, s22, $0xb8;
	[tilespmem:$0x1F800] =	vst v63  }
0x91: {  	_ =	swait.ge [sflag:s1], $0x2400;
	s5 =	stileid.u32  }
0x92: {  	s7 =	sshrl.u32 s6, $0x3;
	s26 =	sadd.s32 $0x1, s26;
	[sflag:s1] =	ssyncset.done $0x0  }
0x93: {  	s5 =	sshll.u32 s5, $0x6;
	p0 =	sne.s32 s26, s17;
	[sflag:s1] =	ssyncadd.s32 $0xFFFFDC00  }
.Ltmp1:
0x94: {  	s5 =	sor.u32 $0x1C04, s5;
	[bflag:$0x0] =	sbarrier.arrive $0xFFFF;
	(pc) =	sbr.rel @p0 .LBB2_1-.Ltmp1, $4  }
0x95: {  	[hbm:s24], [sflag:s5] =	dma.local [spmem:s7], $0x2780  }
0x96: {  	_ =	swait.ge [sflag:s0], $0x2780  }
0x97: {  	[sflag:s0] =	ssyncset.done $0x0  }
0x98: {  	[sflag:s0] =	ssyncadd.s32 $0xFFFFD880  }
0x99: {  	_ =	sfence.sel $0x180000  }
0x9a: {  	[bflag:$0x0] =	sbarrier.arrive $0xFFFF  }
0x9b: {  	_ =	strace $0x9000004D  }
0x9c: {  	s0 =	stileid.u32;
	[bflag:$0x2] =	sbarrier.arrive $0xFFFF  }
0x9d: {  	p0 =	sne.s32 s0, $0x0;
	s0 =	rddreg [dreg:$0x3]  }
0x9e: {  	s0 =	sadd.s32 @!p0 $0x100000, s0  }
0x9f: {  	[sflag:s0] =	ssyncadd.tile.s32 @!p0 $0x1;
	_ =	shalt  }
.Lfunc_end2:
_tile_overlayer_lowered:
.L_overlay_start_2:
0xa0: {  	(tag) =	ssettag $0x2  }
0xa1: {  	s0 =	rddreg [dreg:$0x0];
	s2 =	stileid.u32  }
0xa2: {  	s1 =	rddreg [dreg:$0x1];
	p0 =	sne.s32 s2, $0x0  }
0xa3: {  	s3 =	rddreg [dreg:$0x2];
	[bflag:$0x3] =	sbarrier.arrive $0xFFFF;
	s2 =	simm.s32 @!p0 $0x1C04  }
0xa4: {  	[timem:s3], [sflag:s2] =	dma.local @!p0 [hbm:s0], s1  }
0xa5: {  	s0 =	simm.s32 @!p0 $0x4  }
0xa6: {  	_ =	swait.ge @!p0 [sflag:s0], s1  }
0xa7: {  	s1 =	ssub.s32 @!p0 $0x0, s1;
	[sflag:s0] =	ssyncset.done @!p0 $0x0  }
0xa8: {  	[sflag:s0] =	ssyncadd.s32 @!p0 s1  }
0xa9: {  	[bflag:$0x3] =	sbarrier.arrive $0xFFFF  }
0xaa: {  	_ =	shalt  }

// kernel: kernel.18.cloned.1.call-start
scs
__scs_entry_jumppad:
0x0: {  	(pc) =	sbr.rel $0x88, $3  }
0x1: {  	(tag) =	ssettag $0x0;
	lr =	simm.s32 $0x1  }
0x2: {  	[smem:$0x3F96] =	sst lr;
	_ =	strace $0xD0000000  }
0x3: {  	_ = 	snop  }
0x4: {  	_ = 	snop  }
0x5: {  	_ = 	snop  }
0x6: {  	_ = 	snop  }
0x7: {  	_ = 	snop  }
__scs_overlays_trampoline_lowered:
0x8: {  	[smem:$0x3FA5] =	sst s0  }
0x9: {  	[smem:$0x3FA6] =	sst s1  }
0xa: {  	[smem:$0x3FA7] =	sst s2  }
0xb: {  	[smem:$0x3FA8] =	sst s3  }
0xc: {  	[smem:$0x3FA9] =	sst s4  }
0xd: {  	[smem:$0x3FAA] =	sst s5  }
0xe: {  	[smem:$0x3FAB] =	sst s6  }
0xf: {  	[smem:$0x3FAC] =	sst s7  }
0x10: {  	[smem:$0x3FAD] =	sst s8  }
0x11: {  	[smem:$0x3FAE] =	sst s9;
	s0 =	simm.s32 @!p0 $0x0  }
0x12: {  	s1 =	sld [smem:$0x3F94];
	s0 =	simm.s32 @p0 $0x1  }
0x13: {  	[smem:$0x3FAF] =	sst s0;
	s0 =	simm.s32 @!p1 $0x0  }
0x14: {  	s2 =	sld [smem:$0x3F93];
	s0 =	simm.s32 @p1 $0x1  }
0x15: {  	[smem:$0x3FB0] =	sst s0;
	s0 =	simm.s32 @!p2 $0x0  }
0x16: {  	s3 =	sld [smem:$0x3FDB];
	s0 =	simm.s32 @p2 $0x1  }
0x17: {  	s4 =	simm.s32 $0x1BF5;
	[smem:$0x3FB2] =	sst s0  }
0x18: {  	s0 =	sld [smem:$0x3F95];
	_ =	swait.ge [sflag:s4], $0x0  }
0x19: {  	s7 =	sld [smem:$0x3F96]  }
0x1a: {  	s8 =	sadd.s32 $0xFFFFE003, lr  }
0x1b: {  	s9 =	sadd.s32 $0xFFFFFEF7, lr;
	s5 =	simm.s32 $0xFFFFFFFF;
	p2 =	slt.u32 s8, $0xFFFFF086  }
0x1c: {  	p1 =	slt.u32 s9, $0xF7A;
	s5 =	simm.s32 @!p2 $0x0  }
0x1d: {  	s5 =	simm.s32 @p1 $0x1;
	p0 =	seq.s32 s7, s2  }
0x1e: {  	s7 =	smul.u32 @!p0 $0xF7A, s2;
	p2 =	seq.s32 @!p0 s5, $0x0  }
0x1f: {  	s9 =	smul.u32 $0xF7A, s1;
	s8 =	simm.s32 @!p0 $0x1BF5;
	p2 =	por !p2, p0  }
0x20: {  	[sflag:s8] =	ssyncset.s32 @!p0 $0xFFFFF086;
	s6 =	sadd.s32 @!p0 s3, s7;
	s7 =	simm.s32 @!p0 $0x108  }
0x21: {  	s3 =	sadd.s32 s3, s9;
	s6 =	sadd.s32 @!p0 $0x88, s6;
	s7 =	simm.s32 @p2 $0x1082  }
0x22: {  	[simem:s7], [sflag:s8] =	dma.local @!p0 [hbm:s6], $0xF7A  }
0x23: {  	s9 =	sor.u32 $0xD0000000, s2;
	s6 =	simm.s32 $0x108;
	_ =	swait.ge @!p0 [sflag:s8], $0x0  }
0x24: {  	s3 =	sadd.s32 $0x88, s3;
	s6 =	simm.s32 @!p1 $0x1082;
	[sflag:s4] =	ssyncset.s32 $0xFFFFF086  }
0x25: {  	[simem:s6], [sflag:s4] =	dma.local [hbm:s3], $0xF7A  }
0x26: {  	[smem:$0x3F96] =	sst s1;
	(tag) =	ssettag s2;
	_ =	strace s9  }
0x27: {  	s1 =	sld [smem:$0x3FA6]  }
0x28: {  	s2 =	sld [smem:$0x3FA7]  }
0x29: {  	s4 =	sld [smem:$0x3FA9]  }
0x2a: {  	p0 =	seq.s32 s5, $0x0;
	s5 =	sld [smem:$0x3FAA]  }
0x2b: {  	s6 =	sld [smem:$0x3FAB]  }
0x2c: {  	s7 =	sld [smem:$0x3FAC]  }
0x2d: {  	s3 =	simm.s32 $0x108;
	s8 =	sld [smem:$0x3FAD]  }
0x2e: {  	s3 =	simm.s32 @!p0 $0x1082;
	s9 =	sld [smem:$0x3FAE]  }
0x2f: {  	lr =	sadd.s32 s0, s3;
	s0 =	sld [smem:$0x3FA5]  }
0x30: {  	s3 =	sld [smem:$0x3FA8]  }
0x31: {  	[smem:$0x3FB1] =	sst s10  }
0x32: {  	s10 =	sld [smem:$0x3FAF];
	_ =	sdelay $0x3  }
0x33: {  	p0 =	seq.s32 s10, $0x1;
	s10 =	sld [smem:$0x3FB1];
	_ =	sdelay $0x3  }
0x34: {  	[smem:$0x3FB1] =	sst s10  }
0x35: {  	s10 =	sld [smem:$0x3FB0];
	_ =	sdelay $0x3  }
0x36: {  	p1 =	seq.s32 s10, $0x1;
	s10 =	sld [smem:$0x3FB1];
	_ =	sdelay $0x3  }
0x37: {  	[smem:$0x3FB1] =	sst s10  }
0x38: {  	s10 =	sld [smem:$0x3FB2]  }
0x39: {  	_ = 	snop;
	(pc) =	sbr.ind lr, $3  }
0x3a: {  	_ = 	snop  }
0x3b: {  	_ = 	snop  }
0x3c: {  	p2 =	seq.s32 s10, $0x1;
	s10 =	sld [smem:$0x3FB1]  }
0x3d: {  	_ =	shalt  }
0x3e: {  	_ =	shalt  }
0x3f: {  	_ =	shalt  }
0x40: {  	_ =	shalt  }
0x41: {  	_ =	shalt  }
0x42: {  	_ =	shalt  }
0x43: {  	_ =	shalt  }
0x44: {  	_ =	shalt  }
0x45: {  	_ =	shalt  }
0x46: {  	_ =	shalt  }
0x47: {  	_ =	shalt  }
0x48: {  	_ =	shalt  }
0x49: {  	_ =	shalt  }
0x4a: {  	_ =	shalt  }
0x4b: {  	_ =	shalt  }
0x4c: {  	_ =	shalt  }
0x4d: {  	_ =	shalt  }
0x4e: {  	_ =	shalt  }
0x4f: {  	_ =	shalt  }
0x50: {  	_ =	shalt  }
0x51: {  	_ =	shalt  }
0x52: {  	_ =	shalt  }
0x53: {  	_ =	shalt  }
0x54: {  	_ =	shalt  }
0x55: {  	_ =	shalt  }
0x56: {  	_ =	shalt  }
0x57: {  	_ =	shalt  }
0x58: {  	_ =	shalt  }
0x59: {  	_ =	shalt  }
0x5a: {  	_ =	shalt  }
0x5b: {  	_ =	shalt  }
0x5c: {  	_ =	shalt  }
0x5d: {  	_ =	shalt  }
0x5e: {  	_ =	shalt  }
0x5f: {  	_ =	shalt  }
0x60: {  	_ =	shalt  }
0x61: {  	_ =	shalt  }
0x62: {  	_ =	shalt  }
0x63: {  	_ =	shalt  }
0x64: {  	_ =	shalt  }
0x65: {  	_ =	shalt  }
0x66: {  	_ =	shalt  }
0x67: {  	_ =	shalt  }
0x68: {  	_ =	shalt  }
0x69: {  	_ =	shalt  }
0x6a: {  	_ =	shalt  }
0x6b: {  	_ =	shalt  }
0x6c: {  	_ =	shalt  }
0x6d: {  	_ =	shalt  }
0x6e: {  	_ =	shalt  }
0x6f: {  	_ =	shalt  }
0x70: {  	_ =	shalt  }
0x71: {  	_ =	shalt  }
0x72: {  	_ =	shalt  }
0x73: {  	_ =	shalt  }
0x74: {  	_ =	shalt  }
0x75: {  	_ =	shalt  }
0x76: {  	_ =	shalt  }
0x77: {  	_ =	shalt  }
0x78: {  	_ =	shalt  }
0x79: {  	_ =	shalt  }
0x7a: {  	_ =	shalt  }
0x7b: {  	_ =	shalt  }
0x7c: {  	_ =	shalt  }
0x7d: {  	_ =	shalt  }
0x7e: {  	_ =	shalt  }
0x7f: {  	_ =	shalt  }
0x80: {  	_ =	shalt  }
0x81: {  	_ =	shalt  }
0x82: {  	_ =	shalt  }
0x83: {  	_ =	shalt  }
0x84: {  	_ =	shalt  }
0x85: {  	_ =	shalt  }
0x86: {  	_ =	shalt  }
0x87: {  	_ =	shalt  }
.Lfunc_end0:
.L_simem_size_0:
called_computation.3_lowered:
.L_overlay_start_0:
0x88: {  	s2 =	sld [smem:$0x3FD9]  }
0x89: {  	s3 =	sld [smem:$0x3FFE];
	_ =	sdelay $0x1  }
0x8a: {  	s1 =	srdreg.scid  }
0x8b: {  	s0 =	sand.u32 $0x1, s1  }
0x8c: {  	s17 =	sshll.u32 s0, $0xA;
	s2 =	sadd.s32 s3, s2  }
0x8d: {  	s2 =	sadd.s32 s2, s17  }
0x8e: {  	[smem:$0x3FBD] =	sst s2  }
0x8f: {  	_ = 	snop  }
0x90: {  	s2 =	sld [smem:$0x3FD0];
	(tm) =	ssettm $0x1  }
0x91: {  	s18 =	sld [smem:$0x3FFB];
	_ =	sdelay $0x3  }
0x92: {  	_ =	strace s18  }
0x93: {  	s3 =	sld [smem:$0x3FFC];
	_ =	sdelay $0x3  }
0x94: {  	_ =	strace s3  }
0x95: {  	s3 =	sld [smem:$0x3FFD];
	_ =	sdelay $0x3  }
0x96: {  	_ =	strace s3  }
0x97: {  	_ =	strace $0x8FFFFFFF  }
0x98: {  	s19 =	sld [smem:$0x3FDB];
	_ =	sdelay $0x1  }
0x99: {  	s4 =	simm.s32 $_scs_section_size  }
0x9a: {  	s5 =	simm.s32 $_size__tile_overlayer_lowered;
	s6 =	simm.s32 $_tile_overlayer_lowered  }
0x9b: {  	s22 =	simm.s32 $0x1BFF;
	s21 =	sshll.u32 s6, $0x1;
	s3 =	sadd.s32 s4, s19  }
0x9c: {  	s7 =	simm.s32 $0x0;
	s20 =	sshll.u32 s5, $0x1;
	s5 =	sadd.s32 s21, s3  }
0x9d: {  	[timem:s7], [sflag:s22] =	dma.local [hbm:s5], s20  }
0x9e: {  	_ =	swait.ge [sflag:s22], s20  }
0x9f: {  	s4 =	ssub.s32 $0x0, s20;
	[sflag:s22] =	ssyncset.done $0x0  }
0xa0: {  	[sflag:s22] =	ssyncadd.s32 s4;
	_ =	sdelay $0x1  }
0xa1: {  	s23 =	simm.s32 $0x1B8B  }
0xa2: {  	_ =	swait.ge [sflag:s23], $0x1  }
0xa3: {  	[sflag:s23] =	ssyncset.done $0x0  }
0xa4: {  	s25 =	simm.s32 $0x1B8E;
	s24 =	sld [smem:$0x3FFE];
	[sflag:s23] =	ssyncadd.s32 $0xFFFFFFFF  }
0xa5: {  	s26 =	simm.s32 $execute0_lowered;
	[smem:$0x3FD2] =	sst s25  }
0xa6: {  	s5 =	sshll.u32 s26, $0x1;
	_ =	strace $0x8000004F;
	[dreg:$0x1] =	wrdreg $0xFFFFFFFF  }
0xa7: {  	s28 =	simm.s32 $_size_execute0_lowered;
	s3 =	sadd.s32 s3, s5;
	[dreg:$0x0] =	wrdreg $0x0  }
0xa8: {  	s5 =	sshll.u32 s28, $0x1;
	[dreg:$0x2] =	wrdreg s3  }
0xa9: {  	[dreg:$0x3] =	wrdreg s5  }
0xaa: {  	[dreg:$0x4] =	wrdreg $0xC0  }
0xab: {  	_ =	task [dreg:s7], $0x5FFFF  }
0xac: {  	[dreg:$0x1] =	wrdreg $0xFFFFFFFF  }
0xad: {  	[dreg:$0x0] =	wrdreg $0x60  }
0xae: {  	[dreg:$0x2] =	wrdreg s24  }
0xaf: {  	[dreg:$0x3] =	wrdreg s2  }
0xb0: {  	[dreg:$0x4] =	wrdreg $0xBC000  }
0xb1: {  	[dreg:$0x5] =	wrdreg $0x9  }
0xb2: {  	_ =	task.clear_ibuf [dreg:s7], $0x6FFFF;
	_ =	strace $0x9000004F  }
0xb3: {  	s29 =	simm.s32 $0x9;
	_ =	strace $0x80000051  }
0xb4: {  	_ =	swait.ge [sflag:s29], $0x1  }
0xb5: {  	[sflag:s29] =	ssyncadd.s32 $0xFFFFFFFF  }
0xb6: {  	_ =	strace $0x90000051  }
0xb7: {  	_ =	sfence  }
0xb8: {  	s30 =	sld [smem:$0x0];
	_ =	sdelay $0x2  }
0xb9: {  	s31 =	sshll.u32 s1, $0xD;
	s1 =	sshrl.u32 s1, $0x2  }
0xba: {  	s3 =	sand.u32 $0x4000, s31;
	s1 =	sadd.s32 s1, s30  }
0xbb: {  	s0 =	sor.u32 s3, s0;
	s1 =	sshll.u32 s1, $0x11  }
0xbc: {  	s0 =	sor.u32 s1, s0  }
0xbd: {  	s0 =	sadd.s32 $0x8F2B, s0  }
0xbe: {  	[sflag:s0] =	ssyncadd.remote.s32 $0x1  }
0xbf: {  	_ =	sfence.sel $0xFFFF  }
0xc0: {  	[dreg:$0x0] =	wrdreg $0xFFFFFFFF;
	(pc) =	sbr.abs _section_cstart, $3  }
0xc1: {  	[dreg:$0x1] =	wrdreg $0xFFFFFFFF  }
0xc2: {  	_ =	task.clear_ibuf [dreg:s7], $0x2FFFF;
	_ =	strace $0x9FFFFFFF  }
0xc3: {  	(tm) =	ssettm $0x7FFFFFFF  }
tec
execute0_lowered:
.L_overlay_start_1:
0x0: {  	(tag) =	ssettag $0x1  }
0x1: {  	s0 =	srdreg.scid;
	s1 =	rddreg [dreg:$0x0]  }
0x2: {  	s5 =	rddreg [dreg:$0x1];
	s11 =	stileid.u32  }
0x3: {  	s2 =	rddreg [dreg:$0x2];
	s20 =	simm.s32 $0x80;
	s28 =	simm.s32 $0x180  }
0x4: {  	s18 =	simm.s32 $0x1;
	s31 =	simm.s32 $0x2;
	s6 =	smul.u32 $0x4F000, s11  }
0x5: {  	s0 =	sand.u32 $0x1, s0;
	s10 =	sadd.s32 $0x3D200, s1;
	s30 =	smul.u32 $0x2780, s11  }
0x6: {  	s3 =	sshll.u32 s0, $0x4;
	s9 =	smul.u32 $0x27800, s0;
	s0 =	ssub.s32 $0x2, s0  }
0x7: {  	s4 =	sor.u32 s11, s3;
	s3 =	simm.s32 $0x0;
	s6 =	sshrl.u32 s6, $0x2  }
0x8: {  	s22 =	sshrl.u32 s0, $0x1;
	s7 =	smul.u32 $0x900, s4;
	[smem:$0x7FF] =	sst s3  }
0x9: {  	s4 =	sadd.s32 $0x15A00, s1;
	s6 =	sadd.s32 s6, s2;
	s0 =	ssub.s32 s0, s22  }
0xa: {  	s22 =	simm.s32 $0x48;
	_ =	strace $0x80000050;
	[dreg:$0x4] =	wrdreg s10  }
0xb: {  	s23 =	sadd.s32 $0x2400, s6;
	s24 =	sadd.s32 $0x4800, s6;
	s25 =	sadd.s32 $0x6C00, s6  }
0xc: {  	s26 =	sadd.s32 $0x9000, s6;
	s29 =	sadd.s32 $0xB400, s6;
	[dreg:$0x5] =	wrdreg s23  }
0xd: {  	s12 =	sadd.s32 $0xD800, s6;
	s13 =	sadd.s32 $0xFC00, s6;
	[dreg:$0x6] =	wrdreg s24  }
0xe: {  	s14 =	sadd.s32 $0x12000, s6;
	s17 =	smax.u32 s0, $0x1;
	[dreg:$0x7] =	wrdreg s25  }
0xf: {  	s0 =	simm.s32 $0x4;
	s8 =	sadd.s32 s7, s1;
	[dreg:$0x8] =	wrdreg s26  }
0x10: {  	s1 =	sadd.s32 s9, s1;
	[dreg:$0x9] =	wrdreg s29;
	s15 =	sadd.s32 s5, s7  }
0x11: {  	s25 =	simm.s32 $0x100;
	s26 =	simm.s32 $0x0;
	s16 =	sadd.s32 $0x3A00, s8  }
0x12: {  	s1 =	sadd.s32 $0x3D800, s1;
	s19 =	sadd.s32 $0x10, s15;
	s23 =	sadd.s32 $0x20, s15  }
0x13: {  	s21 =	sadd.s32 $0x10, s16;
	s24 =	sadd.s32 s30, s1;
	s1 =	simm.s32 $0x3  }
.LBB2_1:
0x14: {  	s29 =	simm.s32 $0x800;
	s5 =	rddreg [dreg:$0x4]  }
0x15: {  	[tilespmem:s29], [sflag:$0x4] =	stream.linear.gather [hbm4b:s5+s3], $0x2400, $0x38;
	[tilespmem:$0x1F800] =	vst v63  }
0x16: {  	_ =	swait.ge [sflag:s0], $0x2400  }
0x17: {  	[sflag:s0] =	ssyncset.done $0x0  }
0x18: {  	[sflag:s0] =	ssyncadd.s32 $0xFFFFDC00  }
0x19: {  	[spmem:s6] =	stream.linear.scatter [tilespmem:s29], [sflag:$0x4], $0x2400, $0x38;
	[tilespmem:$0x1F800] =	vst v63  }
0x1a: {  	_ =	swait.ge [sflag:s0], $0x2400  }
0x1b: {  	[sflag:s0] =	ssyncset.done $0x0  }
0x1c: {  	s9 =	rddreg [dreg:$0x5];
	[sflag:s0] =	ssyncadd.s32 $0xFFFFDC00  }
0x1d: {  	[spmem:s9] =	stream.linear.scatter [tilespmem:s29], [sflag:$0x4], $0x2400, $0x38;
	[tilespmem:$0x1F800] =	vst v63  }
0x1e: {  	_ =	swait.ge [sflag:s0], $0x2400  }
0x1f: {  	[sflag:s0] =	ssyncset.done $0x0  }
0x20: {  	s10 =	rddreg [dreg:$0x6];
	[sflag:s0] =	ssyncadd.s32 $0xFFFFDC00  }
0x21: {  	[spmem:s10] =	stream.linear.scatter [tilespmem:s29], [sflag:$0x4], $0x2400, $0x38;
	[tilespmem:$0x1F800] =	vst v63  }
0x22: {  	_ =	swait.ge [sflag:s0], $0x2400  }
0x23: {  	[sflag:s0] =	ssyncset.done $0x0  }
0x24: {  	s11 =	rddreg [dreg:$0x7];
	[sflag:s0] =	ssyncadd.s32 $0xFFFFDC00  }
0x25: {  	[spmem:s11] =	stream.linear.scatter [tilespmem:s29], [sflag:$0x4], $0x2400, $0x38;
	[tilespmem:$0x1F800] =	vst v63  }
0x26: {  	_ =	swait.ge [sflag:s0], $0x2400  }
0x27: {  	[sflag:s0] =	ssyncset.done $0x0  }
0x28: {  	s7 =	rddreg [dreg:$0x8];
	[sflag:s0] =	ssyncadd.s32 $0xFFFFDC00  }
0x29: {  	[spmem:s7] =	stream.linear.scatter [tilespmem:s29], [sflag:$0x4], $0x2400, $0x38;
	[tilespmem:$0x1F800] =	vst v63  }
0x2a: {  	_ =	swait.ge [sflag:s0], $0x2400  }
0x2b: {  	[sflag:s0] =	ssyncset.done $0x0  }
0x2c: {  	s8 =	rddreg [dreg:$0x9];
	[sflag:s0] =	ssyncadd.s32 $0xFFFFDC00  }
0x2d: {  	[spmem:s8] =	stream.linear.scatter [tilespmem:s29], [sflag:$0x4], $0x2400, $0x38;
	[tilespmem:$0x1F800] =	vst v63  }
0x2e: {  	_ =	swait.ge [sflag:s0], $0x2400  }
0x2f: {  	[sflag:s0] =	ssyncset.done $0x0  }
0x30: {  	[sflag:s0] =	ssyncadd.s32 $0xFFFFDC00  }
0x31: {  	[spmem:s12] =	stream.linear.scatter [tilespmem:s29], [sflag:$0x4], $0x2400, $0x38;
	[tilespmem:$0x1F800] =	vst v63  }
0x32: {  	_ =	swait.ge [sflag:s0], $0x2400  }
0x33: {  	[sflag:s0] =	ssyncset.done $0x0  }
0x34: {  	[sflag:s0] =	ssyncadd.s32 $0xFFFFDC00  }
0x35: {  	[spmem:s13] =	stream.linear.scatter [tilespmem:s29], [sflag:$0x4], $0x2400, $0x38;
	[tilespmem:$0x1F800] =	vst v63  }
0x36: {  	_ =	swait.ge [sflag:s0], $0x2400  }
0x37: {  	[sflag:s0] =	ssyncset.done $0x0  }
0x38: {  	[sflag:s0] =	ssyncadd.s32 $0xFFFFDC00  }
0x39: {  	[spmem:s14] =	stream.linear.scatter [tilespmem:s29], [sflag:$0x4], $0x1C00, $0x38;
	[tilespmem:$0x1F800] =	vst v63  }
0x3a: {  	_ =	swait.ge [sflag:s0], $0x1C00  }
0x3b: {  	[sflag:s0] =	ssyncset.done $0x0  }
0x3c: {  	[sflag:s0] =	ssyncadd.s32 $0xFFFFE400  }
0x3d: {  	[bflag:$0x0] =	sbarrier.arrive $0xFFFF  }
0x3e: {  	[tilespmem:s3], [sflag:$0x1] =	stream.linear.gather [hbm4b:s15+s3], $0x80, $0x38;
	[tilespmem:$0x1F800] =	vst v63  }
0x3f: {  	s9 =	simm.s32 $0x400  }
0x40: {  	[tilespmem:s9], [sflag:$0x1] =	stream.linear.gather [hbm4b:s16+s3], $0x80, $0x38;
	[tilespmem:$0x1F800] =	vst v63  }
0x41: {  	_ = 	snop  }
0x42: {  	[tilespmem:s20], [sflag:$0x1] =	stream.linear.gather [hbm4b:s19+s3], $0x80, $0x38;
	[tilespmem:$0x1F800] =	vst v63  }
0x43: {  	s10 =	simm.s32 $0x480  }
0x44: {  	[tilespmem:s10], [sflag:$0x1] =	stream.linear.gather [hbm4b:s21+s3], $0x80, $0x38;
	[tilespmem:$0x1F800] =	vst v63  }
0x45: {  	_ = 	snop  }
0x46: {  	[tilespmem:s25], [sflag:$0x1] =	stream.linear.gather [hbm4b:s23+s3], $0x80, $0x38;
	[tilespmem:$0x1F800] =	vst v63  }
0x47: {  	s11 =	sadd.s32 $0x20, s16;
	s7 =	simm.s32 $0x500  }
0x48: {  	[tilespmem:s7], [sflag:$0x1] =	stream.linear.gather [hbm4b:s11+s3], $0x80, $0x38;
	[tilespmem:$0x1F800] =	vst v63  }
0x49: {  	s7 =	sadd.s32 $0x30, s15  }
0x4a: {  	[tilespmem:s28], [sflag:$0x1] =	stream.linear.gather [hbm4b:s7+s3], $0x80, $0x38;
	[tilespmem:$0x1F800] =	vst v63  }
0x4b: {  	s8 =	sadd.s32 $0x30, s16;
	s9 =	simm.s32 $0x580  }
0x4c: {  	[tilespmem:s9], [sflag:$0x1] =	stream.linear.gather [hbm4b:s8+s3], $0x80, $0x38;
	[tilespmem:$0x1F800] =	vst v63  }
0x4d: {  	s10 =	sadd.s32 $0x40, s15;
	s11 =	simm.s32 $0x200  }
0x4e: {  	[tilespmem:s11], [sflag:$0x1] =	stream.linear.gather [hbm4b:s10+s3], $0x80, $0x38;
	[tilespmem:$0x1F800] =	vst v63  }
0x4f: {  	s8 =	sadd.s32 $0x40, s16;
	s9 =	simm.s32 $0x600  }
0x50: {  	[tilespmem:s9], [sflag:$0x1] =	stream.linear.gather [hbm4b:s8+s3], $0x80, $0x38;
	[tilespmem:$0x1F800] =	vst v63  }
0x51: {  	s10 =	sadd.s32 $0x50, s15;
	s11 =	simm.s32 $0x280  }
0x52: {  	[tilespmem:s11], [sflag:$0x1] =	stream.linear.gather [hbm4b:s10+s3], $0x80, $0x38;
	[tilespmem:$0x1F800] =	vst v63  }
0x53: {  	s7 =	sadd.s32 $0x50, s16;
	s8 =	simm.s32 $0x680  }
0x54: {  	[tilespmem:s8], [sflag:$0x1] =	stream.linear.gather [hbm4b:s7+s3], $0x80, $0x38;
	[tilespmem:$0x1F800] =	vst v63  }
0x55: {  	_ =	swait.ge [sflag:s18], $0x80  }
0x56: {  	[sflag:s18] =	ssyncset.done $0x0  }
0x57: {  	[sflag:s18] =	ssyncadd.s32 $0xFFFFFF80  }
0x58: {  	_ =	swait.ge [sflag:s18], $0x80  }
0x59: {  	[sflag:s18] =	ssyncset.done $0x0  }
0x5a: {  	[sflag:s18] =	ssyncadd.s32 $0xFFFFFF80  }
0x5b: {  	[tilespmem:s29], [sflag:$0x2] =	stream.indirect.gather [hbm4b:s4+s22], $0x80, s3, s22, $0xb8;
	[tilespmem:$0x1F800] =	vst v63  }
0x5c: {  	_ =	swait.ge [sflag:s18], $0x80  }
0x5d: {  	[sflag:s18] =	ssyncset.done $0x0  }
0x5e: {  	[sflag:s18] =	ssyncadd.s32 $0xFFFFFF80  }
0x5f: {  	_ =	swait.ge [sflag:s18], $0x80  }
0x60: {  	[sflag:s18] =	ssyncset.done $0x0  }
0x61: {  	s9 =	simm.s32 $0x2C00;
	[sflag:s18] =	ssyncadd.s32 $0xFFFFFF80  }
0x62: {  	[tilespmem:s9], [sflag:$0x2] =	stream.indirect.gather [hbm4b:s4+s22], $0x80, s20, s22, $0xb8;
	[tilespmem:$0x1F800] =	vst v63  }
0x63: {  	_ =	swait.ge [sflag:s18], $0x80  }
0x64: {  	[sflag:s18] =	ssyncset.done $0x0  }
0x65: {  	[sflag:s18] =	ssyncadd.s32 $0xFFFFFF80  }
0x66: {  	_ =	swait.ge [sflag:s18], $0x80  }
0x67: {  	[sflag:s18] =	ssyncset.done $0x0  }
0x68: {  	s10 =	simm.s32 $0x5000;
	[sflag:s18] =	ssyncadd.s32 $0xFFFFFF80  }
0x69: {  	[tilespmem:s10], [sflag:$0x2] =	stream.indirect.gather [hbm4b:s4+s22], $0x80, s25, s22, $0xb8;
	[tilespmem:$0x1F800] =	vst v63  }
0x6a: {  	_ =	swait.ge [sflag:s18], $0x80  }
0x6b: {  	[sflag:s18] =	ssyncset.done $0x0  }
0x6c: {  	[sflag:s18] =	ssyncadd.s32 $0xFFFFFF80  }
0x6d: {  	s30 =	sadd.s32 $0x60, s15;
	_ =	swait.ge [sflag:s18], $0x80  }
0x6e: {  	s5 =	sadd.s32 $0x60, s16;
	s11 =	simm.s32 $0x7400;
	[sflag:s18] =	ssyncset.done $0x0  }
0x6f: {  	s7 =	simm.s32 $0x300;
	s8 =	simm.s32 $0x4;
	[sflag:s18] =	ssyncadd.s32 $0xFFFFFF80  }
0x70: {  	[tilespmem:s11], [sflag:$0x2] =	stream.indirect.gather [hbm4b:s4+s22], $0x80, s28, s22, $0xb8;
	[tilespmem:$0x1F800] =	vst v63  }
.LBB2_2:
0x71: {  	s9 =	sadd.s32 $0xFFFFFFFC, s8  }
0x72: {  	s10 =	smul.u32 $0xCD, s9;
	_ =	sdelay $0x1  }
0x73: {  	s10 =	sshrl.u32 s10, $0xA  }
0x74: {  	s10 =	sand.u32 $0x3F, s10  }
0x75: {  	s10 =	smul.u32 $0x5, s10;
	_ =	sdelay $0x1  }
0x76: {  	s10 =	ssub.s32 s9, s10  }
0x77: {  	s10 =	sand.u32 $0xFF, s10  }
0x78: {  	s11 =	sadd.s32 $0xFFFFF800, s29;
	_ =	swait.ge [sflag:s31], $0x2400;
	s10 =	smul.u32 $0x9000, s10  }
0x79: {  	s11 =	sand.u32 $0xE00, s11;
	[sflag:s31] =	ssyncset.done $0x0  }
0x7a: {  	p0 =	sgt.u32 s9, $0x84;
	s11 =	sshrl.u32 s11, $0x2;
	s10 =	sshrl.u32 s10, $0x2  }
0x7b: {  	[sflag:s31] =	ssyncadd.s32 $0xFFFFDC00;
	s11 =	sor.u32 $0x400, s11;
	s10 =	sadd.s32 $0x800, s10  }
0x7c: {  	[spmem:s2] =	stream.indirect.scatter.add.f32 [tilespmem:s10], [sflag:$0x3], $0x80, s11, s22, $0xb8;
	[tilespmem:$0x1F800] =	vst v63  }
0x7d: {  	s10 =	sand.u32 @!p0 $0x380, s7;
	s11 =	simm.s32 @!p0 $0x0  }
0x7e: {  	[tilespmem:s10], [sflag:$0x1] =	stream.linear.gather @!p0 [hbm4b:s30+s11], $0x80, $0x38;
	[tilespmem:$0x1F800] =	vst v63  }
0x7f: {  	p1 =	seq.s32 @!p0 s8, $0x4;
	s10 =	sor.u32 @!p0 $0x400, s10  }
0x80: {  	[tilespmem:s10], [sflag:$0x1] =	stream.linear.gather @!p0 [hbm4b:s5+s11], $0x80, $0x38;
	[tilespmem:$0x1F800] =	vst v63  }
0x81: {  	p0 =	por p0, !p1  }
0x82: {  	p1 =	sgt.u32 @p0 s9, $0x86  }
0x83: {  	p1 =	por !p0, !p1  }
0x84: {  	s9 =	smul.u32 @p1 $0xCD, s8;
	_ =	sdelay $0x1  }
0x85: {  	s9 =	sshrl.u32 @p1 s9, $0xA  }
0x86: {  	s10 =	simm.s32 @p0 $0x3;
	s9 =	sand.u32 @p1 $0x3F, s9  }
0x87: {  	_ =	swait.ge @p0 [sflag:s10], $0x2400;
	s9 =	smul.u32 @p1 $0x5, s9  }
0x88: {  	[sflag:s10] =	ssyncset.done @p0 $0x0  }
0x89: {  	s7 =	sadd.s32 $0x80, s7;
	[sflag:s10] =	ssyncadd.s32 @p0 $0xFFFFDC00;
	s9 =	ssub.s32 @p1 s8, s9  }
0x8a: {  	_ =	swait.ge @p1 [sflag:s18], $0x80;
	s8 =	sadd.s32 $0x1, s8;
	s9 =	sand.u32 @p1 $0xFF, s9  }
0x8b: {  	[sflag:s18] =	ssyncset.done @p1 $0x0;
	p0 =	sne.s32 s8, $0x8F;
	s9 =	smul.u32 @p1 $0x9000, s9  }
.Ltmp0:
0x8c: {  	s30 =	sadd.s32 $0x10, s30;
	[sflag:s18] =	ssyncadd.s32 @p1 $0xFFFFFF80;
	(pc) =	sbr.rel @p0 .LBB2_2-.Ltmp0, $4  }
0x8d: {  	s5 =	sadd.s32 $0x10, s5;
	s10 =	sand.u32 @p1 $0xE00, s29;
	_ =	swait.ge @p1 [sflag:s18], $0x80  }
0x8e: {  	s29 =	sadd.s32 $0x200, s29;
	[sflag:s18] =	ssyncset.done @p1 $0x0;
	s9 =	sshrl.u32 @p1 s9, $0x2  }
0x8f: {  	s10 =	sshrl.u32 @p1 s10, $0x2;
	[sflag:s18] =	ssyncadd.s32 @p1 $0xFFFFFF80;
	s9 =	sadd.s32 @p1 $0x800, s9  }
0x90: {  	[tilespmem:s9], [sflag:$0x2] =	stream.indirect.gather @p1 [hbm4b:s4+s22], $0x80, s10, s22, $0xb8;
	[tilespmem:$0x1F800] =	vst v63  }
0x91: {  	_ =	swait.ge [sflag:s1], $0x2400;
	s5 =	stileid.u32  }
0x92: {  	s7 =	sshrl.u32 s6, $0x3;
	s26 =	sadd.s32 $0x1, s26;
	[sflag:s1] =	ssyncset.done $0x0  }
0x93: {  	s5 =	sshll.u32 s5, $0x6;
	p0 =	sne.s32 s26, s17;
	[sflag:s1] =	ssyncadd.s32 $0xFFFFDC00  }
.Ltmp1:
0x94: {  	s5 =	sor.u32 $0x1C04, s5;
	[bflag:$0x0] =	sbarrier.arrive $0xFFFF;
	(pc) =	sbr.rel @p0 .LBB2_1-.Ltmp1, $4  }
0x95: {  	[hbm:s24], [sflag:s5] =	dma.local [spmem:s7], $0x2780  }
0x96: {  	_ =	swait.ge [sflag:s0], $0x2780  }
0x97: {  	[sflag:s0] =	ssyncset.done $0x0  }
0x98: {  	[sflag:s0] =	ssyncadd.s32 $0xFFFFD880  }
0x99: {  	_ =	sfence.sel $0x180000  }
0x9a: {  	[bflag:$0x0] =	sbarrier.arrive $0xFFFF  }
0x9b: {  	_ =	strace $0x90000050  }
0x9c: {  	s0 =	stileid.u32;
	[bflag:$0x2] =	sbarrier.arrive $0xFFFF  }
0x9d: {  	p0 =	sne.s32 s0, $0x0;
	s0 =	rddreg [dreg:$0x3]  }
0x9e: {  	s0 =	sadd.s32 @!p0 $0x100000, s0  }
0x9f: {  	[sflag:s0] =	ssyncadd.tile.s32 @!p0 $0x1;
	_ =	shalt  }
.Lfunc_end2:
_tile_overlayer_lowered:
.L_overlay_start_2:
0xa0: {  	(tag) =	ssettag $0x2  }
0xa1: {  	s0 =	rddreg [dreg:$0x0];
	s2 =	stileid.u32  }
0xa2: {  	s1 =	rddreg [dreg:$0x1];
	p0 =	sne.s32 s2, $0x0  }
0xa3: {  	s3 =	rddreg [dreg:$0x2];
	[bflag:$0x3] =	sbarrier.arrive $0xFFFF;
	s2 =	simm.s32 @!p0 $0x1C04  }
0xa4: {  	[timem:s3], [sflag:s2] =	dma.local @!p0 [hbm:s0], s1  }
0xa5: {  	s0 =	simm.s32 @!p0 $0x4  }
0xa6: {  	_ =	swait.ge @!p0 [sflag:s0], s1  }
0xa7: {  	s1 =	ssub.s32 @!p0 $0x0, s1;
	[sflag:s0] =	ssyncset.done @!p0 $0x0  }
0xa8: {  	[sflag:s0] =	ssyncadd.s32 @!p0 s1  }
0xa9: {  	[bflag:$0x3] =	sbarrier.arrive $0xFFFF  }
0xaa: {  	_ =	shalt  }

// kernel: kernel.9.cloned.1.call-start
scs
__scs_entry_jumppad:
0x0: {  	(pc) =	sbr.rel $0x88, $3  }
0x1: {  	(tag) =	ssettag $0x0;
	lr =	simm.s32 $0x1  }
0x2: {  	[smem:$0x3F96] =	sst lr;
	_ =	strace $0xD0000000  }
0x3: {  	_ = 	snop  }
0x4: {  	_ = 	snop  }
0x5: {  	_ = 	snop  }
0x6: {  	_ = 	snop  }
0x7: {  	_ = 	snop  }
__scs_overlays_trampoline_lowered:
0x8: {  	[smem:$0x3FA5] =	sst s0  }
0x9: {  	[smem:$0x3FA6] =	sst s1  }
0xa: {  	[smem:$0x3FA7] =	sst s2  }
0xb: {  	[smem:$0x3FA8] =	sst s3  }
0xc: {  	[smem:$0x3FA9] =	sst s4  }
0xd: {  	[smem:$0x3FAA] =	sst s5  }
0xe: {  	[smem:$0x3FAB] =	sst s6  }
0xf: {  	[smem:$0x3FAC] =	sst s7  }
0x10: {  	[smem:$0x3FAD] =	sst s8  }
0x11: {  	[smem:$0x3FAE] =	sst s9;
	s0 =	simm.s32 @!p0 $0x0  }
0x12: {  	s1 =	sld [smem:$0x3F94];
	s0 =	simm.s32 @p0 $0x1  }
0x13: {  	[smem:$0x3FAF] =	sst s0;
	s0 =	simm.s32 @!p1 $0x0  }
0x14: {  	s2 =	sld [smem:$0x3F93];
	s0 =	simm.s32 @p1 $0x1  }
0x15: {  	[smem:$0x3FB0] =	sst s0;
	s0 =	simm.s32 @!p2 $0x0  }
0x16: {  	s3 =	sld [smem:$0x3FDB];
	s0 =	simm.s32 @p2 $0x1  }
0x17: {  	s4 =	simm.s32 $0x1BF5;
	[smem:$0x3FB2] =	sst s0  }
0x18: {  	s0 =	sld [smem:$0x3F95];
	_ =	swait.ge [sflag:s4], $0x0  }
0x19: {  	s7 =	sld [smem:$0x3F96]  }
0x1a: {  	s8 =	sadd.s32 $0xFFFFE003, lr  }
0x1b: {  	s9 =	sadd.s32 $0xFFFFFEF7, lr;
	s5 =	simm.s32 $0xFFFFFFFF;
	p2 =	slt.u32 s8, $0xFFFFF086  }
0x1c: {  	p1 =	slt.u32 s9, $0xF7A;
	s5 =	simm.s32 @!p2 $0x0  }
0x1d: {  	s5 =	simm.s32 @p1 $0x1;
	p0 =	seq.s32 s7, s2  }
0x1e: {  	s7 =	smul.u32 @!p0 $0xF7A, s2;
	p2 =	seq.s32 @!p0 s5, $0x0  }
0x1f: {  	s9 =	smul.u32 $0xF7A, s1;
	s8 =	simm.s32 @!p0 $0x1BF5;
	p2 =	por !p2, p0  }
0x20: {  	[sflag:s8] =	ssyncset.s32 @!p0 $0xFFFFF086;
	s6 =	sadd.s32 @!p0 s3, s7;
	s7 =	simm.s32 @!p0 $0x108  }
0x21: {  	s3 =	sadd.s32 s3, s9;
	s6 =	sadd.s32 @!p0 $0x88, s6;
	s7 =	simm.s32 @p2 $0x1082  }
0x22: {  	[simem:s7], [sflag:s8] =	dma.local @!p0 [hbm:s6], $0xF7A  }
0x23: {  	s9 =	sor.u32 $0xD0000000, s2;
	s6 =	simm.s32 $0x108;
	_ =	swait.ge @!p0 [sflag:s8], $0x0  }
0x24: {  	s3 =	sadd.s32 $0x88, s3;
	s6 =	simm.s32 @!p1 $0x1082;
	[sflag:s4] =	ssyncset.s32 $0xFFFFF086  }
0x25: {  	[simem:s6], [sflag:s4] =	dma.local [hbm:s3], $0xF7A  }
0x26: {  	[smem:$0x3F96] =	sst s1;
	(tag) =	ssettag s2;
	_ =	strace s9  }
0x27: {  	s1 =	sld [smem:$0x3FA6]  }
0x28: {  	s2 =	sld [smem:$0x3FA7]  }
0x29: {  	s4 =	sld [smem:$0x3FA9]  }
0x2a: {  	p0 =	seq.s32 s5, $0x0;
	s5 =	sld [smem:$0x3FAA]  }
0x2b: {  	s6 =	sld [smem:$0x3FAB]  }
0x2c: {  	s7 =	sld [smem:$0x3FAC]  }
0x2d: {  	s3 =	simm.s32 $0x108;
	s8 =	sld [smem:$0x3FAD]  }
0x2e: {  	s3 =	simm.s32 @!p0 $0x1082;
	s9 =	sld [smem:$0x3FAE]  }
0x2f: {  	lr =	sadd.s32 s0, s3;
	s0 =	sld [smem:$0x3FA5]  }
0x30: {  	s3 =	sld [smem:$0x3FA8]  }
0x31: {  	[smem:$0x3FB1] =	sst s10  }
0x32: {  	s10 =	sld [smem:$0x3FAF];
	_ =	sdelay $0x3  }
0x33: {  	p0 =	seq.s32 s10, $0x1;
	s10 =	sld [smem:$0x3FB1];
	_ =	sdelay $0x3  }
0x34: {  	[smem:$0x3FB1] =	sst s10  }
0x35: {  	s10 =	sld [smem:$0x3FB0];
	_ =	sdelay $0x3  }
0x36: {  	p1 =	seq.s32 s10, $0x1;
	s10 =	sld [smem:$0x3FB1];
	_ =	sdelay $0x3  }
0x37: {  	[smem:$0x3FB1] =	sst s10  }
0x38: {  	s10 =	sld [smem:$0x3FB2]  }
0x39: {  	_ = 	snop;
	(pc) =	sbr.ind lr, $3  }
0x3a: {  	_ = 	snop  }
0x3b: {  	_ = 	snop  }
0x3c: {  	p2 =	seq.s32 s10, $0x1;
	s10 =	sld [smem:$0x3FB1]  }
0x3d: {  	_ =	shalt  }
0x3e: {  	_ =	shalt  }
0x3f: {  	_ =	shalt  }
0x40: {  	_ =	shalt  }
0x41: {  	_ =	shalt  }
0x42: {  	_ =	shalt  }
0x43: {  	_ =	shalt  }
0x44: {  	_ =	shalt  }
0x45: {  	_ =	shalt  }
0x46: {  	_ =	shalt  }
0x47: {  	_ =	shalt  }
0x48: {  	_ =	shalt  }
0x49: {  	_ =	shalt  }
0x4a: {  	_ =	shalt  }
0x4b: {  	_ =	shalt  }
0x4c: {  	_ =	shalt  }
0x4d: {  	_ =	shalt  }
0x4e: {  	_ =	shalt  }
0x4f: {  	_ =	shalt  }
0x50: {  	_ =	shalt  }
0x51: {  	_ =	shalt  }
0x52: {  	_ =	shalt  }
0x53: {  	_ =	shalt  }
0x54: {  	_ =	shalt  }
0x55: {  	_ =	shalt  }
0x56: {  	_ =	shalt  }
0x57: {  	_ =	shalt  }
0x58: {  	_ =	shalt  }
0x59: {  	_ =	shalt  }
0x5a: {  	_ =	shalt  }
0x5b: {  	_ =	shalt  }
0x5c: {  	_ =	shalt  }
0x5d: {  	_ =	shalt  }
0x5e: {  	_ =	shalt  }
0x5f: {  	_ =	shalt  }
0x60: {  	_ =	shalt  }
0x61: {  	_ =	shalt  }
0x62: {  	_ =	shalt  }
0x63: {  	_ =	shalt  }
0x64: {  	_ =	shalt  }
0x65: {  	_ =	shalt  }
0x66: {  	_ =	shalt  }
0x67: {  	_ =	shalt  }
0x68: {  	_ =	shalt  }
0x69: {  	_ =	shalt  }
0x6a: {  	_ =	shalt  }
0x6b: {  	_ =	shalt  }
0x6c: {  	_ =	shalt  }
0x6d: {  	_ =	shalt  }
0x6e: {  	_ =	shalt  }
0x6f: {  	_ =	shalt  }
0x70: {  	_ =	shalt  }
0x71: {  	_ =	shalt  }
0x72: {  	_ =	shalt  }
0x73: {  	_ =	shalt  }
0x74: {  	_ =	shalt  }
0x75: {  	_ =	shalt  }
0x76: {  	_ =	shalt  }
0x77: {  	_ =	shalt  }
0x78: {  	_ =	shalt  }
0x79: {  	_ =	shalt  }
0x7a: {  	_ =	shalt  }
0x7b: {  	_ =	shalt  }
0x7c: {  	_ =	shalt  }
0x7d: {  	_ =	shalt  }
0x7e: {  	_ =	shalt  }
0x7f: {  	_ =	shalt  }
0x80: {  	_ =	shalt  }
0x81: {  	_ =	shalt  }
0x82: {  	_ =	shalt  }
0x83: {  	_ =	shalt  }
0x84: {  	_ =	shalt  }
0x85: {  	_ =	shalt  }
0x86: {  	_ =	shalt  }
0x87: {  	_ =	shalt  }
.Lfunc_end0:
.L_simem_size_0:
called_computation_lowered:
.L_overlay_start_0:
0x88: {  	s2 =	sld [smem:$0x3FD9]  }
0x89: {  	s3 =	sld [smem:$0x3FFE];
	_ =	sdelay $0x1  }
0x8a: {  	s1 =	srdreg.scid  }
0x8b: {  	s0 =	sand.u32 $0x1, s1  }
0x8c: {  	s17 =	sshll.u32 s0, $0xA;
	s2 =	sadd.s32 s3, s2  }
0x8d: {  	s2 =	sadd.s32 s2, s17  }
0x8e: {  	[smem:$0x3FBD] =	sst s2  }
0x8f: {  	_ = 	snop  }
0x90: {  	(tm) =	ssettm $0x1  }
0x91: {  	s18 =	sld [smem:$0x3FFB];
	_ =	sdelay $0x3  }
0x92: {  	_ =	strace s18  }
0x93: {  	s2 =	sld [smem:$0x3FFC];
	_ =	sdelay $0x3  }
0x94: {  	_ =	strace s2  }
0x95: {  	s2 =	sld [smem:$0x3FFD];
	_ =	sdelay $0x3  }
0x96: {  	_ =	strace s2  }
0x97: {  	_ =	strace $0x8FFFFFFF  }
0x98: {  	s19 =	sld [smem:$0x3FDB];
	_ =	sdelay $0x1  }
0x99: {  	s20 =	simm.s32 $_scs_section_size  }
0x9a: {  	s4 =	simm.s32 $_size__tile_overlayer_lowered;
	s5 =	simm.s32 $_tile_overlayer_lowered  }
0x9b: {  	s6 =	simm.s32 $0x1BFF;
	s21 =	sshll.u32 s5, $0x1;
	s3 =	sadd.s32 s20, s19  }
0x9c: {  	s22 =	simm.s32 $0x0;
	s4 =	sshll.u32 s4, $0x1;
	s5 =	sadd.s32 s21, s3  }
0x9d: {  	[timem:s22], [sflag:s6] =	dma.local [hbm:s5], s4  }
0x9e: {  	_ =	swait.ge [sflag:s6], s4  }
0x9f: {  	s4 =	ssub.s32 $0x0, s4;
	[sflag:s6] =	ssyncset.done $0x0  }
0xa0: {  	[sflag:s6] =	ssyncadd.s32 s4;
	_ =	sdelay $0x1  }
0xa1: {  	s23 =	simm.s32 $0x1B8B  }
0xa2: {  	_ =	swait.ge [sflag:s23], $0x1  }
0xa3: {  	[sflag:s23] =	ssyncset.done $0x0  }
0xa4: {  	[sflag:s23] =	ssyncadd.s32 $0xFFFFFFFF  }
0xa5: {  	s4 =	sld [smem:$0x0]  }
0xa6: {  	s5 =	sand.u32 $0xFFFFFFFE, s1  }
0xa7: {  	p0 =	sne.s32 s1, s5  }
0xa8: {  	s5 =	sshll.u32 @p0 s5, $0xE  }
0xa9: {  	s5 =	sadd.s32 @p0 $0x11B8D, s5;
	s6 =	sshll.u32 @p0 s4, $0x11  }
0xaa: {  	s5 =	sor.u32 @p0 s6, s5  }
0xab: {  	[sflag:s5] =	ssyncadd.remote.s32 @p0 $0x1;
	_ =	sdelay $0x1  }
0xac: {  	s5 =	simm.s32 @p0 $0x1B8D  }
0xad: {  	_ =	swait.eq @p0 [sflag:s5], $0x1  }
0xae: {  	[sflag:s5] =	ssyncadd.s32 @p0 $0xFFFFFFFF  }
0xaf: {  	s6 =	sshll.u32 @!p0 s1, $0xE  }
0xb0: {  	s6 =	sor.u32 @!p0 $0x4000, s6;
	s5 =	simm.s32 @!p0 $0x1B8D  }
0xb1: {  	s4 =	sshll.u32 @!p0 s4, $0x11;
	s6 =	sadd.s32 @!p0 $0x11B8D, s6;
	_ =	swait.eq @!p0 [sflag:s5], $0x1  }
0xb2: {  	s4 =	sor.u32 @!p0 s4, s6;
	[sflag:s5] =	ssyncadd.s32 @!p0 $0xFFFFFFFF  }
0xb3: {  	s25 =	simm.s32 $0x1B8E;
	s24 =	sld [smem:$0x3FFE];
	[sflag:s4] =	ssyncadd.remote.s32 @!p0 $0x1  }
0xb4: {  	s26 =	simm.s32 $execute0_lowered;
	[smem:$0x3FD2] =	sst s25  }
0xb5: {  	s5 =	sshll.u32 s26, $0x1;
	_ =	strace $0x80000049;
	[dreg:$0x1] =	wrdreg $0xFFFFFFFF  }
0xb6: {  	s28 =	simm.s32 $_size_execute0_lowered;
	s3 =	sadd.s32 s3, s5;
	[dreg:$0x0] =	wrdreg $0x0  }
0xb7: {  	s5 =	sshll.u32 s28, $0x1;
	[dreg:$0x2] =	wrdreg s3  }
0xb8: {  	[dreg:$0x3] =	wrdreg s5  }
0xb9: {  	[dreg:$0x4] =	wrdreg $0xC0  }
0xba: {  	_ =	task [dreg:s22], $0x5FFFF  }
0xbb: {  	[dreg:$0x1] =	wrdreg $0xFFFFFFFF  }
0xbc: {  	[dreg:$0x0] =	wrdreg $0x60  }
0xbd: {  	[dreg:$0x2] =	wrdreg s24  }
0xbe: {  	[dreg:$0x3] =	wrdreg $0x6C000  }
0xbf: {  	[dreg:$0x4] =	wrdreg $0x9  }
0xc0: {  	_ =	task.clear_ibuf [dreg:s22], $0x5FFFF;
	_ =	strace $0x90000049  }
0xc1: {  	s29 =	simm.s32 $0x9;
	_ =	strace $0x8000004B  }
0xc2: {  	_ =	swait.ge [sflag:s29], $0x1  }
0xc3: {  	[sflag:s29] =	ssyncadd.s32 $0xFFFFFFFF  }
0xc4: {  	_ =	strace $0x9000004B  }
0xc5: {  	_ =	sfence  }
0xc6: {  	s30 =	sld [smem:$0x0];
	_ =	sdelay $0x2  }
0xc7: {  	s31 =	sshll.u32 s1, $0xD;
	s1 =	sshrl.u32 s1, $0x2  }
0xc8: {  	s4 =	sand.u32 $0x4000, s31;
	s1 =	sadd.s32 s1, s30  }
0xc9: {  	s0 =	sor.u32 s4, s0;
	s1 =	sshll.u32 s1, $0x11  }
0xca: {  	s0 =	sor.u32 s1, s0  }
0xcb: {  	s0 =	sadd.s32 $0x8F2B, s0  }
0xcc: {  	[sflag:s0] =	ssyncadd.remote.s32 $0x1  }
0xcd: {  	_ =	sfence.sel $0xFFFF  }
0xce: {  	[dreg:$0x0] =	wrdreg $0xFFFFFFFF;
	(pc) =	sbr.abs _section_cstart, $3  }
0xcf: {  	[dreg:$0x1] =	wrdreg $0xFFFFFFFF  }
0xd0: {  	_ =	task.clear_ibuf [dreg:s22], $0x2FFFF;
	_ =	strace $0x9FFFFFFF  }
0xd1: {  	(tm) =	ssettm $0x7FFFFFFF  }
tec
execute0_lowered:
.L_overlay_start_1:
0x0: {  	(tag) =	ssettag $0x1  }
0x1: {  	s0 =	srdreg.scid;
	s15 =	rddreg [dreg:$0x0]  }
0x2: {  	s2 =	rddreg [dreg:$0x1];
	s1 =	stileid.u32  }
0x3: {  	s3 =	simm.s32 $0x0;
	s18 =	simm.s32 $0x4800;
	s19 =	simm.s32 $0x48  }
0x4: {  	s4 =	sand.u32 $0x1, s0;
	s0 =	rddreg [dreg:$0x2];
	s6 =	smul.u32 $0x4F000, s1  }
0x5: {  	s23 =	simm.s32 $0x0;
	[smem:$0x7FF] =	sst s3;
	s21 =	smul.u32 $0x2780, s1  }
0x6: {  	s31 =	sshll.u32 s1, $0x6;
	s5 =	sshll.u32 s4, $0x4;
	_ =	strace $0x8000004A  }
0x7: {  	s30 =	smul.u32 $0x27800, s4;
	s8 =	ssub.s32 $0x2, s4;
	s4 =	sadd.s32 $0x8C800, s15  }
0x8: {  	s5 =	sor.u32 s1, s5;
	s9 =	sshrl.u32 s8, $0x1;
	s6 =	sshrl.u32 s6, $0x2  }
0x9: {  	s5 =	smul.u32 $0x900, s5;
	s16 =	sadd.s32 s30, s15;
	s17 =	ssub.s32 s8, s9  }
0xa: {  	s20 =	sadd.s32 $0x8D200, s16;
	s16 =	smax.u32 s17, $0x1;
	s17 =	simm.s32 $0x1  }
0xb: {  	s7 =	sadd.s32 s5, s15;
	s5 =	sadd.s32 s6, s2;
	s15 =	sadd.s32 $0x8CC80, s15  }
0xc: {  	s20 =	sadd.s32 s21, s20;
	s21 =	sor.u32 $0x1C01, s31;
	s6 =	sadd.s32 $0x3A00, s7  }
0xd: {  	s7 =	sadd.s32 $0x2400, s5;
	s8 =	sadd.s32 $0x4800, s5;
	s9 =	sadd.s32 $0x6C00, s5  }
0xe: {  	s10 =	sadd.s32 $0x9000, s5;
	s11 =	sadd.s32 $0xB400, s5;
	s12 =	sadd.s32 $0xD800, s5  }
0xf: {  	s13 =	sadd.s32 $0xFC00, s5;
	s14 =	sadd.s32 $0x12000, s5;
	s22 =	sshrl.u32 s5, $0x3  }
.LBB2_1:
0x10: {  	[tilespmem:s3], [sflag:$0x1] =	stream.linear.gather [hbm4b:s6+s3], $0x4580, $0x38;
	[tilespmem:$0x9380] =	vst v63  }
0x11: {  	_ =	swait.ge [sflag:s17], $0x4580  }
0x12: {  	[sflag:s17] =	ssyncset.done $0x0  }
0x13: {  	[sflag:s17] =	ssyncadd.s32 $0xFFFFBA80  }
0x14: {  	[tilespmem:s18], [sflag:$0x1] =	stream.linear.gather [hbm4b:s4+s3], $0x2400, $0x38;
	[tilespmem:$0x9380] =	vst v63  }
0x15: {  	_ =	swait.ge [sflag:s17], $0x2400  }
0x16: {  	[sflag:s17] =	ssyncset.done $0x0  }
0x17: {  	[sflag:s17] =	ssyncadd.s32 $0xFFFFDC00  }
0x18: {  	[spmem:s5] =	stream.linear.scatter [tilespmem:s18], [sflag:$0x1], $0x2400, $0x38;
	[tilespmem:$0x9380] =	vst v63  }
0x19: {  	_ =	swait.ge [sflag:s17], $0x2400  }
0x1a: {  	[sflag:s17] =	ssyncset.done $0x0  }
0x1b: {  	[sflag:s17] =	ssyncadd.s32 $0xFFFFDC00  }
0x1c: {  	[spmem:s7] =	stream.linear.scatter [tilespmem:s18], [sflag:$0x1], $0x2400, $0x38;
	[tilespmem:$0x9380] =	vst v63  }
0x1d: {  	_ =	swait.ge [sflag:s17], $0x2400  }
0x1e: {  	[sflag:s17] =	ssyncset.done $0x0  }
0x1f: {  	[sflag:s17] =	ssyncadd.s32 $0xFFFFDC00  }
0x20: {  	[spmem:s8] =	stream.linear.scatter [tilespmem:s18], [sflag:$0x1], $0x2400, $0x38;
	[tilespmem:$0x9380] =	vst v63  }
0x21: {  	_ =	swait.ge [sflag:s17], $0x2400  }
0x22: {  	[sflag:s17] =	ssyncset.done $0x0  }
0x23: {  	[sflag:s17] =	ssyncadd.s32 $0xFFFFDC00  }
0x24: {  	[spmem:s9] =	stream.linear.scatter [tilespmem:s18], [sflag:$0x1], $0x2400, $0x38;
	[tilespmem:$0x9380] =	vst v63  }
0x25: {  	_ =	swait.ge [sflag:s17], $0x2400  }
0x26: {  	[sflag:s17] =	ssyncset.done $0x0  }
0x27: {  	[sflag:s17] =	ssyncadd.s32 $0xFFFFDC00  }
0x28: {  	[spmem:s10] =	stream.linear.scatter [tilespmem:s18], [sflag:$0x1], $0x2400, $0x38;
	[tilespmem:$0x9380] =	vst v63  }
0x29: {  	_ =	swait.ge [sflag:s17], $0x2400  }
0x2a: {  	[sflag:s17] =	ssyncset.done $0x0  }
0x2b: {  	[sflag:s17] =	ssyncadd.s32 $0xFFFFDC00  }
0x2c: {  	[spmem:s11] =	stream.linear.scatter [tilespmem:s18], [sflag:$0x1], $0x2400, $0x38;
	[tilespmem:$0x9380] =	vst v63  }
0x2d: {  	_ =	swait.ge [sflag:s17], $0x2400  }
0x2e: {  	[sflag:s17] =	ssyncset.done $0x0  }
0x2f: {  	[sflag:s17] =	ssyncadd.s32 $0xFFFFDC00  }
0x30: {  	[spmem:s12] =	stream.linear.scatter [tilespmem:s18], [sflag:$0x1], $0x2400, $0x38;
	[tilespmem:$0x9380] =	vst v63  }
0x31: {  	_ =	swait.ge [sflag:s17], $0x2400  }
0x32: {  	[sflag:s17] =	ssyncset.done $0x0  }
0x33: {  	[sflag:s17] =	ssyncadd.s32 $0xFFFFDC00  }
0x34: {  	[spmem:s13] =	stream.linear.scatter [tilespmem:s18], [sflag:$0x1], $0x2400, $0x38;
	[tilespmem:$0x9380] =	vst v63  }
0x35: {  	_ =	swait.ge [sflag:s17], $0x2400  }
0x36: {  	[sflag:s17] =	ssyncset.done $0x0  }
0x37: {  	[sflag:s17] =	ssyncadd.s32 $0xFFFFDC00  }
0x38: {  	[spmem:s14] =	stream.linear.scatter [tilespmem:s18], [sflag:$0x1], $0x1C00, $0x38;
	[tilespmem:$0x9380] =	vst v63  }
0x39: {  	_ =	swait.ge [sflag:s17], $0x1C00  }
0x3a: {  	[sflag:s17] =	ssyncset.done $0x0  }
0x3b: {  	[sflag:s17] =	ssyncadd.s32 $0xFFFFE400  }
0x3c: {  	[bflag:$0x0] =	sbarrier.arrive $0xFFFF  }
0x3d: {  	[tilespmem:s18], [sflag:$0x1] =	stream.linear.gather [hbm4b:s15+s3], $0x2400, $0x38;
	[tilespmem:$0x9380] =	vst v63  }
0x3e: {  	_ =	swait.ge [sflag:s17], $0x2400  }
0x3f: {  	[sflag:s17] =	ssyncset.done $0x0  }
0x40: {  	s24 =	simm.s32 $0x0;
	[sflag:s17] =	ssyncadd.s32 $0xFFFFDC00  }
0x41: {  	[spmem:s2] =	stream.indirect.scatter.add.f32 [tilespmem:s18], [sflag:$0x1], $0x10, s24, s19, $0xb8;
	[tilespmem:$0x9380] =	vst v63  }
0x42: {  	_ =	swait.ge [sflag:s17], $0x480  }
0x43: {  	s24 =	simm.s32 $0x200;
	[sflag:s17] =	ssyncset.done $0x0  }
.LBB2_2:
0x44: {  	s25 =	sshra.s32 s24, $0x2;
	[sflag:s17] =	ssyncadd.s32 $0xFFFFFB80;
	p0 =	sne.s32 s24, $0x11400  }
0x45: {  	[spmem:s2] =	stream.indirect.scatter.add.f32 [tilespmem:s18], [sflag:$0x1], $0x10, s25, s19, $0xb8;
	[tilespmem:$0x9380] =	vst v63  }
.Ltmp0:
0x46: {  	_ = 	snop;
	(pc) =	sbr.rel @p0 .LBB2_2-.Ltmp0, $4  }
0x47: {  	_ = 	snop  }
0x48: {  	s24 =	sadd.s32 $0x200, s24  }
0x49: {  	_ =	swait.ge [sflag:s17], $0x480  }
0x4a: {  	[sflag:s17] =	ssyncset.done $0x0  }
0x4b: {  	s23 =	sadd.s32 $0x1, s23  }
0x4c: {  	[sflag:s17] =	ssyncadd.s32 $0xFFFFFB80;
	p0 =	sne.s32 s23, s16  }
.Ltmp1:
0x4d: {  	[bflag:$0x0] =	sbarrier.arrive $0xFFFF;
	(pc) =	sbr.rel @p0 .LBB2_1-.Ltmp1, $4  }
0x4e: {  	[hbm:s20], [sflag:s21] =	dma.local [spmem:s22], $0x2780  }
0x4f: {  	_ =	swait.ge [sflag:s17], $0x2780  }
0x50: {  	[sflag:s17] =	ssyncset.done $0x0  }
0x51: {  	[sflag:s17] =	ssyncadd.s32 $0xFFFFD880  }
0x52: {  	_ =	sfence.sel $0x180000  }
0x53: {  	[bflag:$0x0] =	sbarrier.arrive $0xFFFF  }
0x54: {  	p0 =	sne.s32 s1, $0x0;
	_ =	strace $0x9000004A  }
0x55: {  	s0 =	sadd.s32 @!p0 $0x100000, s0;
	[bflag:$0x2] =	sbarrier.arrive $0xFFFF  }
0x56: {  	[sflag:s0] =	ssyncadd.tile.s32 @!p0 $0x1;
	_ =	shalt  }
.Lfunc_end2:
_tile_overlayer_lowered:
.L_overlay_start_2:
0x57: {  	(tag) =	ssettag $0x2  }
0x58: {  	s0 =	rddreg [dreg:$0x0];
	s2 =	stileid.u32  }
0x59: {  	s1 =	rddreg [dreg:$0x1];
	p0 =	sne.s32 s2, $0x0  }
0x5a: {  	s3 =	rddreg [dreg:$0x2];
	[bflag:$0x3] =	sbarrier.arrive $0xFFFF;
	s2 =	simm.s32 @!p0 $0x1C01  }
0x5b: {  	[timem:s3], [sflag:s2] =	dma.local @!p0 [hbm:s0], s1  }
0x5c: {  	s0 =	simm.s32 @!p0 $0x1  }
0x5d: {  	_ =	swait.ge @!p0 [sflag:s0], s1  }
0x5e: {  	s1 =	ssub.s32 @!p0 $0x0, s1;
	[sflag:s0] =	ssyncset.done @!p0 $0x0  }
0x5f: {  	[sflag:s0] =	ssyncadd.s32 @!p0 s1  }
0x60: {  	[bflag:$0x3] =	sbarrier.arrive $0xFFFF  }
0x61: {  	_ =	shalt  }

</sc_bundles>
